<compile_context>
chip_gen: v7x
topology: tpu7x:2x2x1
jax: 0.10.2.dev20260603
libtpu: 0.0.44.dev20260713+nightly
codegen_flags: <defaults>
</compile_context>

<pallas_src>
import functools

import jax
import jax.numpy as jnp
from jax import lax
from jax.experimental import pallas as pl
from jax.experimental.pallas import tpu as pltpu
from jax.experimental.pallas import tpu_sc as plsc

NC, NS, L = 2, 16, 16
NW = NC * NS

N = 50000
E = 800000
NPW = 1568
N_PAD = NW * NPW
CH = 8336
E_PAD = 96 * CH
E_IN = E_PAD + CH
FLUSH = 4000
BUF = FLUSH + 32
IB = 4096
E_CAP = 804352
GC = 128
D = 64

_SC_PARAMS = pltpu.CompilerParams(needs_layout_passes=False,
                                  use_tc_tiling_on_sc=False)
_MESH = dict(core_axis_name="c", subcore_axis_name="s")


def _wid():
    return lax.axis_index("s") * NC + lax.axis_index("c")


def _filter_body(srcp_hbm, dstp_hbm, srcs_hbm, dls_hbm, cnts_hbm,
                 sin0, din0, sin1, din1, sout, dlout, cbuf,
                 ss0, sd0, ss1, sd1):
    wid = _wid()
    lo = wid * NPW

    def zinit(i, _):
        sout[pl.ds(i * 16, 16)] = jnp.zeros((16,), jnp.int32)
        return 0
    lax.fori_loop(0, BUF // 16, zinit, 0)

    def start(ci, sb, db, ss, sd):
        pltpu.async_copy(srcp_hbm.at[pl.ds(ci * CH, CH)], sb, ss)
        pltpu.async_copy(dstp_hbm.at[pl.ds(ci * CH, CH)], db, sd)

    def wait_in(sb, db, ss, sd):
        pltpu.make_async_copy(srcp_hbm.at[pl.ds(0, CH)], sb, ss).wait()
        pltpu.make_async_copy(dstp_hbm.at[pl.ds(0, CH)], db, sd).wait()

    def process(sin, din, carry):
        def step(i, carry):
            cursor, total = carry
            sv = sin[pl.ds(i * 16, 16)]
            dv = din[pl.ds(i * 16, 16)]
            dl = dv - lo
            m = (dl >= 0) & (dl < NPW)
            plsc.store_compressed(sout.at[pl.ds(cursor, 16)], sv, mask=m)
            plsc.store_compressed(dlout.at[pl.ds(cursor, 16)], dl, mask=m)
            cursor = cursor + plsc.all_reduce_population_count(m)[0]

            def do_flush(args):
                cur, tot = args
                tot8 = pl.multiple_of(tot, FLUSH)
                pltpu.sync_copy(sout.at[pl.ds(0, FLUSH)],
                                srcs_hbm.at[pl.ds(wid * E_CAP + tot8, FLUSH)])
                pltpu.sync_copy(dlout.at[pl.ds(0, FLUSH)],
                                dls_hbm.at[pl.ds(wid * E_CAP + tot8, FLUSH)])
                tv = sout[pl.ds(FLUSH, 16)]
                sout[pl.ds(0, 16)] = tv
                tv2 = dlout[pl.ds(FLUSH, 16)]
                dlout[pl.ds(0, 16)] = tv2
                return cur - FLUSH, tot + FLUSH

            return lax.cond(cursor >= FLUSH, do_flush, lambda a: a,
                            (cursor, total))

        return lax.fori_loop(0, CH // 16, step, carry)

    start(0, sin0, din0, ss0, sd0)

    def super_step(i, carry):
        wait_in(sin0, din0, ss0, sd0)
        start(2 * i + 1, sin1, din1, ss1, sd1)
        carry = process(sin0, din0, carry)
        wait_in(sin1, din1, ss1, sd1)
        start(2 * i + 2, sin0, din0, ss0, sd0)
        carry = process(sin1, din1, carry)
        return carry

    cursor, total = lax.fori_loop(0, E_PAD // (2 * CH), super_step, (0, 0))
    wait_in(sin0, din0, ss0, sd0)
    total8 = pl.multiple_of(total, FLUSH)
    pltpu.sync_copy(sout.at[pl.ds(0, BUF)],
                    srcs_hbm.at[pl.ds(wid * E_CAP + total8, BUF)])
    pltpu.sync_copy(dlout.at[pl.ds(0, BUF)],
                    dls_hbm.at[pl.ds(wid * E_CAP + total8, BUF)])
    cbuf[...] = jnp.zeros((16,), jnp.int32) + (total + cursor)
    pltpu.sync_copy(cbuf, cnts_hbm.at[pl.ds(wid * 16, 16)])


def _build_edge_lists(srcp, dstp):
    f = functools.partial(
        pl.kernel,
        mesh=plsc.VectorSubcoreMesh(**_MESH),
        out_type=(jax.ShapeDtypeStruct((NW * E_CAP,), jnp.int32),
                  jax.ShapeDtypeStruct((NW * E_CAP,), jnp.int32),
                  jax.ShapeDtypeStruct((NW * 16,), jnp.int32)),
        scratch_types=[
            pltpu.VMEM((CH,), jnp.int32),
            pltpu.VMEM((CH,), jnp.int32),
            pltpu.VMEM((CH,), jnp.int32),
            pltpu.VMEM((CH,), jnp.int32),
            pltpu.VMEM((BUF,), jnp.int32),
            pltpu.VMEM((BUF,), jnp.int32),
            pltpu.VMEM((16,), jnp.int32),
            pltpu.SemaphoreType.DMA,
            pltpu.SemaphoreType.DMA,
            pltpu.SemaphoreType.DMA,
            pltpu.SemaphoreType.DMA,
        ],
        compiler_params=_SC_PARAMS,
    )(_filter_body)
    return f(srcp, dstp)


NCHB = IB // GC


def _segmax_body(a_hbm, srcs_hbm, dls_hbm, cnts_hbm, s_hbm,
                 acc, idxv, dlv, rows, cbuf, sem):
    wid = _wid()
    neg = jnp.full((16,), -jnp.inf, jnp.float32)

    def init(i, _):
        acc[pl.ds(i * 16, 16)] = neg
        return 0
    lax.fori_loop(0, NPW * D // 16, init, 0)

    pltpu.sync_copy(cnts_hbm.at[pl.ds(wid * 16, 16)], cbuf)
    cnt = cbuf[pl.ds(0, 16)][0]
    nch = (cnt + (GC - 1)) // GC

    def chunk(c, _):
        off = wid * E_CAP + c * GC
        pltpu.sync_copy(srcs_hbm.at[pl.ds(off, GC)], idxv)
        pltpu.sync_copy(dls_hbm.at[pl.ds(off, GC)], dlv.at[pl.ds(0, GC)])
        pltpu.async_copy(a_hbm.at[idxv], rows, sem).wait()
        clen = jnp.minimum(cnt - c * GC, GC)

        def edge(e, _):
            d = dlv[pl.ds(e, 16)][0]
            o = d * D
            for fb in range(D // 16):
                sl = pl.ds(o + fb * 16, 16)
                acc[sl] = jnp.maximum(acc[sl], rows[e, pl.ds(fb * 16, 16)])
            return 0
        lax.fori_loop(0, clen, edge, 0)
        return 0

    lax.fori_loop(0, nch, chunk, 0)
    pltpu.sync_copy(acc, s_hbm.at[pl.ds(wid * NPW * D, NPW * D)])


def _segment_max(a, srcs, dls, cnts):
    f = functools.partial(
        pl.kernel,
        mesh=plsc.VectorSubcoreMesh(**_MESH),
        out_type=jax.ShapeDtypeStruct((N_PAD * D,), jnp.float32),
        scratch_types=[
            pltpu.VMEM((NPW * D,), jnp.float32),
            pltpu.VMEM((GC,), jnp.int32),
            pltpu.VMEM((GC + 16,), jnp.int32),
            pltpu.VMEM((GC, D), jnp.float32),
            pltpu.VMEM((16,), jnp.int32),
            pltpu.SemaphoreType.DMA,
        ],
        compiler_params=_SC_PARAMS,
    )(_segmax_body)
    return f(a, srcs, dls, cnts).reshape(N_PAD, D)


BLK = 512
GRID = N_PAD // BLK


def _pos_mm(p, wp):
    return (p[:, 0:1] * wp[0:1, :] + p[:, 1:2] * wp[1:2, :]
            + p[:, 2:3] * wp[2:3, :])


def _ln(h, g, b):
    mu = jnp.mean(h, axis=-1, keepdims=True)
    var = jnp.mean((h - mu) ** 2, axis=-1, keepdims=True)
    return (h - mu) * lax.rsqrt(var + 1e-5) * g + b


def _row_spec(w=D):
    return pl.BlockSpec((BLK, w), lambda i: (i, 0))


def _full_spec(shape):
    return pl.BlockSpec(shape, lambda i: tuple(0 for _ in shape))


def _tc_first_body(x_ref, pos_ref, wh_ref, wp_ref, a_ref):
    a_ref[...] = x_ref[...] * wh_ref[...] + _pos_mm(pos_ref[...], wp_ref[...])


def _tc_first(xp, posp, wh0, wp0):
    return pl.pallas_call(
        _tc_first_body,
        grid=(GRID,),
        in_specs=[_row_spec(1), _row_spec(3), _full_spec((1, D)),
                  _full_spec((3, D))],
        out_specs=_row_spec(),
        out_shape=jax.ShapeDtypeStruct((N_PAD, D), jnp.float32),
    )(xp, posp, wh0, wp0)


def _tc_mid_body(s_ref, pos_ref, wpp_ref, g_ref, b_ref, wh_ref, wp_ref,
                 emb_ref, a_ref):
    p = pos_ref[...]
    s = s_ref[...]
    bb = _pos_mm(p, wpp_ref[...])
    o = jnp.where(s != -jnp.inf, s - bb, 0.0)
    emb = jax.nn.relu(_ln(o, g_ref[...], b_ref[...]))
    emb_ref[...] = emb
    a_ref[...] = (jnp.dot(emb, wh_ref[...], preferred_element_type=jnp.float32)
                  + _pos_mm(p, wp_ref[...]))


def _tc_mid(s, posp, wp_prev, g, b, wh, wp):
    return pl.pallas_call(
        _tc_mid_body,
        grid=(GRID,),
        in_specs=[_row_spec(), _row_spec(3), _full_spec((3, D)),
                  _full_spec((1, D)), _full_spec((1, D)),
                  _full_spec((D, D)), _full_spec((3, D))],
        out_specs=(_row_spec(), _row_spec()),
        out_shape=(jax.ShapeDtypeStruct((N_PAD, D), jnp.float32),
                   jax.ShapeDtypeStruct((N_PAD, D), jnp.float32)),
    )(s, posp, wp_prev, g, b, wh, wp)


def _tc_final_body(s_ref, pos_ref, wpp_ref, g_ref, b_ref,
                   e0_ref, e1_ref, e2_ref, e3_ref,
                   w0_ref, b0_ref, w1_ref, b1_ref, w2_ref, b2_ref,
                   w3_ref, b3_ref, sc_ref, out_ref):
    s = s_ref[...]
    bb = _pos_mm(pos_ref[...], wpp_ref[...])
    o = jnp.where(s != -jnp.inf, s - bb, 0.0)
    emb4 = jax.nn.relu(_ln(o, g_ref[...], b_ref[...]))
    z = jnp.concatenate(
        [e0_ref[...], e1_ref[...], e2_ref[...], e3_ref[...], emb4], axis=-1)
    mu = jnp.mean(z, axis=-1, keepdims=True)
    var = jnp.mean((z - mu) ** 2, axis=-1, keepdims=True)
    z = (z - mu) * lax.rsqrt(var + 1e-5)
    z = jax.nn.relu(jnp.dot(z, w0_ref[...], preferred_element_type=jnp.float32)
                    + b0_ref[...])
    z = jax.nn.relu(jnp.dot(z, w1_ref[...], preferred_element_type=jnp.float32)
                    + b1_ref[...])
    z = jax.nn.relu(jnp.dot(z, w2_ref[...], preferred_element_type=jnp.float32)
                    + b2_ref[...])
    z = (jnp.dot(z, w3_ref[...], preferred_element_type=jnp.float32)
         + b3_ref[...])
    out_ref[...] = z * sc_ref[...]


def _tc_final(s4, posp, wp4, g4, b4, embs, mw, mb, scale):
    return pl.pallas_call(
        _tc_final_body,
        grid=(GRID,),
        in_specs=[_row_spec(), _row_spec(3), _full_spec((3, D)),
                  _full_spec((1, D)), _full_spec((1, D)),
                  _row_spec(), _row_spec(), _row_spec(), _row_spec(),
                  _full_spec((320, 128)), _full_spec((1, 128)),
                  _full_spec((128, 128)), _full_spec((1, 128)),
                  _full_spec((128, 64)), _full_spec((1, 64)),
                  _full_spec((64, 2)), _full_spec((1, 2)),
                  _full_spec((1, 2))],
        out_specs=_row_spec(2),
        out_shape=jax.ShapeDtypeStruct((N_PAD, 2), jnp.float32),
    )(s4, posp, wp4, g4, b4, embs[0], embs[1], embs[2], embs[3],
      mw[0], mb[0], mw[1], mb[1], mw[2], mb[2], mw[3], mb[3], scale)


def kernel(x, pos, edge_index, params):
    src = edge_index[0]
    dst = edge_index[1]
    srcp = jnp.concatenate([src, jnp.zeros((E_IN - E,), jnp.int32)])
    dstp = jnp.concatenate([dst, jnp.full((E_IN - E,), 2 * N_PAD, jnp.int32)])
    xp = jnp.pad(x, ((0, N_PAD - N), (0, 0)))
    posp = jnp.pad(pos, ((0, N_PAD - N), (0, 0)))

    srcs, dls, cnts = _build_edge_lists(srcp, dstp)

    ws = [params["w%d" % i] for i in range(5)]
    whs = [ws[0][:1]] + [w[:D] for w in ws[1:]]
    wps = [w[-3:] for w in ws]
    lgs = [params["ln_g%d" % i].reshape(1, D) for i in range(5)]
    lbs = [params["ln_b%d" % i].reshape(1, D) for i in range(5)]

    a = _tc_first(xp, posp, whs[0], wps[0])
    s = _segment_max(a, srcs, dls, cnts)
    embs = []
    for i in range(1, 5):
        emb, a = _tc_mid(s, posp, wps[i - 1], lgs[i - 1], lbs[i - 1],
                         whs[i], wps[i])
        embs.append(emb)
        s = _segment_max(a, srcs, dls, cnts)

    mw = [params["mlp_w%d" % j] for j in range(4)]
    mb = [params["mlp_b%d" % j].reshape(1, -1) for j in range(4)]
    out = _tc_final(s, posp, wps[4], lgs[4], lbs[4], embs, mw, mb,
                    params["scale"].reshape(1, 2))
    return out[:N]

# --- scband reference (transcript-rebuilt; emitter-appended) ---
"""Pipeline reference for scband-model-12472585027584 (READ-ONLY COPY).

The authoritative reference and input builder live on the scoring server;
editing this copy changes nothing except your own understanding.
"""

import jax, jax.numpy as jnp
import numpy as np

N = 50000
E = 800000

def setup_inputs(seed: int = 0):
    key = jax.random.key(seed)
    ks = jax.random.split(key, 20)
    x = jax.random.normal(ks[0], (N, 1), dtype=jnp.float32)
    pos = jax.random.normal(ks[1], (N, 3), dtype=jnp.float32)
    edge_index = jax.random.randint(ks[2], (2, E), 0, N, dtype=jnp.int32)
    def init(k, shape, fan_in):
        return jax.random.normal(k, shape, dtype=jnp.float32) * (2.0 / fan_in) ** 0.5
    params = {}
    params['w0'] = init(ks[3], (4, 64), 4)
    for i in range(4):
        params['w%d' % (i + 1)] = init(ks[4 + i], (67, 64), 67)
    for i in range(5):
        params['ln_g%d' % i] = jnp.ones((64,), jnp.float32)
        params['ln_b%d' % i] = jnp.zeros((64,), jnp.float32)
    dims = [(320, 128), (128, 128), (128, 64), (64, 2)]
    for j, (a, b) in enumerate(dims):
        params['mlp_w%d' % j] = init(ks[10 + j], (a, b), a)
        params['mlp_b%d' % j] = jnp.zeros((b,), jnp.float32)
    params['scale'] = jnp.ones((2,), jnp.float32)
    return {'x': x, 'pos': pos, 'edge_index': edge_index, 'params': params}

def _layer_norm(h, g, b):
    mu = jnp.mean(h, axis=-1, keepdims=True)
    var = jnp.mean((h - mu) ** 2, axis=-1, keepdims=True)
    return (h - mu) * jax.lax.rsqrt(var + 1e-5) * g + b

def _pointnet_conv(x, pos, src, dst, W):
    # message: linear(cat([x_j, pos_j - pos_i])), max aggregation at dst
    m = jnp.concatenate([x[src], pos[src] - pos[dst]], axis=-1) @ W
    out = jax.ops.segment_max(m, dst, num_segments=N)
    # nodes with no incoming edges get -inf from segment_max -> fill with 0 (PyG behavior)
    return jnp.where(jnp.isfinite(out), out, 0.0)

def _forward(x, pos, edge_index, params):
    src = edge_index[0]
    dst = edge_index[1]
    embeddings = []
    h = x
    for i in range(5):
        h = _pointnet_conv(h, pos, src, dst, params['w%d' % i])
        h = _layer_norm(h, params['ln_g%d' % i], params['ln_b%d' % i])
        h = jax.nn.relu(h)
        embeddings.append(h)
    z = jnp.concatenate(embeddings, axis=-1)
    mu = jnp.mean(z, axis=-1, keepdims=True)
    var = jnp.mean((z - mu) ** 2, axis=-1, keepdims=True)
    z = (z - mu) * jax.lax.rsqrt(var + 1e-5)
    for j in range(4):
        z = z @ params['mlp_w%d' % j] + params['mlp_b%d' % j]
        if j < 3:
            z = jax.nn.relu(z)
    return z * params['scale']

def reference(x, pos, edge_index, params):
    return _forward(x, pos, edge_index, params)

if __name__ == "__main__":
    import jax
    _d = setup_inputs()
    print(jax.jit(kernel)(*tuple(_d.values())))

</pallas_src>

<mosaic_0001>
#map = affine_map<(d0, d1) -> (0)>
module attributes {stable_mosaic.version = 14 : i64} {
  func.func @_filter_body(%arg0: i32, %arg1: i32, %arg2: memref<808592xi32, #tpu.memory_space<hbm>>, %arg3: memref<808592xi32, #tpu.memory_space<hbm>>, %arg4: memref<25739264xi32, #tpu.memory_space<hbm>>, %arg5: memref<25739264xi32, #tpu.memory_space<hbm>>, %arg6: memref<512xi32, #tpu.memory_space<hbm>>, %arg7: memref<8336xi32, #tpu.memory_space<vmem>>, %arg8: memref<8336xi32, #tpu.memory_space<vmem>>, %arg9: memref<8336xi32, #tpu.memory_space<vmem>>, %arg10: memref<8336xi32, #tpu.memory_space<vmem>>, %arg11: memref<4032xi32, #tpu.memory_space<vmem>>, %arg12: memref<4032xi32, #tpu.memory_space<vmem>>, %arg13: memref<16xi32, #tpu.memory_space<vmem>>, %arg14: memref<!tpu.dma_semaphore, #tpu.memory_space<semaphore_mem>>, %arg15: memref<!tpu.dma_semaphore, #tpu.memory_space<semaphore_mem>>, %arg16: memref<!tpu.dma_semaphore, #tpu.memory_space<semaphore_mem>>, %arg17: memref<!tpu.dma_semaphore, #tpu.memory_space<semaphore_mem>>) attributes {dimension_semantics = [#tpu.dimension_semantics<core_parallel>, #tpu.dimension_semantics<subcore_parallel>], iteration_bounds = array<i64: 2, 16>, scalar_prefetch = 0 : i64, scratch_operands = 11 : i64, tpu.core_type = #tpu.core_type<sc_vector_subcore>, window_params = [{transform_indices = #map}, {transform_indices = #map}, {transform_indices = #map}, {transform_indices = #map}, {transform_indices = #map}]} {
    %mul3A = arith.constant 2 : i32
    %mul3A_0 = arith.muli %arg1, %mul3A : i32
    %add3A = arith.addi %mul3A_0, %arg0 : i32
    %mul3A_1 = arith.constant 1568 : i32
    %mul3A_2 = arith.muli %add3A, %mul3A_1 : i32
    %scan3A = arith.constant 0 : i32
    %scan3A_3 = arith.constant 0 : i32
    %scan3A_4 = arith.constant 252 : i32
    %scan3A_5 = arith.addi %scan3A_3, %scan3A_4 : i32
    %scan3A_6 = arith.constant 1 : i32
    %scan3A_7 = scf.for %scan3A_44 = %scan3A_3 to %scan3A_5 step %scan3A_6 iter_args(%scan3A_45 = %scan3A) -> (i32)  : i32 {
      %broadcast_in_dim3A_46 = arith.constant 0 : i32
      %broadcast_in_dim3A_47 = vector.broadcast %broadcast_in_dim3A_46 : i32 to vector<16xi32>
      %mul3A_48 = arith.constant 16 : i32
      %mul3A_49 = arith.muli %scan3A_44, %mul3A_48 : i32
      %swap3A_50 = arith.index_cast %mul3A_49 : i32 to index
      %swap3A_51 = tpu.vector_load %arg11[%swap3A_50] {strides = array<i32>} : memref<4032xi32, #tpu.memory_space<vmem>>, vector<16xi32>,
      tpu.vector_store %arg11[%swap3A_50], %broadcast_in_dim3A_47 {strides = array<i32>} : memref<4032xi32, #tpu.memory_space<vmem>>, vector<16xi32>,
      %scan3A_52 = arith.constant 0 : i32
      scf.yield %scan3A_52 : i32
    }
    %scan3A_8 = arith.constant 252 : i32
    %dma_start3A = arith.constant 0 : i32
    %dma_start3A_9 = tpu.memref_slice %arg2[%dma_start3A] : memref<808592xi32, #tpu.memory_space<hbm>> -> memref<8336xi32, #tpu.memory_space<hbm>>
    %dma_start3A_10 = arith.constant 0 : i32
    %dma_start3A_11 = tpu.memref_slice %arg2[%dma_start3A_10] : memref<808592xi32, #tpu.memory_space<hbm>> -> memref<8336xi32, #tpu.memory_space<hbm>>
    tpu.enqueue_dma source(%dma_start3A_11 : memref<8336xi32, #tpu.memory_space<hbm>>) target(%arg7 : memref<8336xi32, #tpu.memory_space<vmem>>) target_semaphore(%arg14 : memref<!tpu.dma_semaphore, #tpu.memory_space<semaphore_mem>>)
    %dma_start3A_12 = arith.constant 0 : i32
    %dma_start3A_13 = tpu.memref_slice %arg3[%dma_start3A_12] : memref<808592xi32, #tpu.memory_space<hbm>> -> memref<8336xi32, #tpu.memory_space<hbm>>
    %dma_start3A_14 = arith.constant 0 : i32
    %dma_start3A_15 = tpu.memref_slice %arg3[%dma_start3A_14] : memref<808592xi32, #tpu.memory_space<hbm>> -> memref<8336xi32, #tpu.memory_space<hbm>>
    tpu.enqueue_dma source(%dma_start3A_15 : memref<8336xi32, #tpu.memory_space<hbm>>) target(%arg8 : memref<8336xi32, #tpu.memory_space<vmem>>) target_semaphore(%arg15 : memref<!tpu.dma_semaphore, #tpu.memory_space<semaphore_mem>>)
    %scan3A_16 = arith.constant 0 : i32
    %scan3A_17 = arith.constant 0 : i32
    %scan3A_18 = arith.constant 0 : i32
    %scan3A_19 = arith.constant 48 : i32
    %scan3A_20 = arith.addi %scan3A_18, %scan3A_19 : i32
    %scan3A_21 = arith.constant 1 : i32
    %scan3A_22:2 = scf.for %scan3A_44 = %scan3A_18 to %scan3A_20 step %scan3A_21 iter_args(%scan3A_45 = %scan3A_16, %scan3A_46 = %scan3A_17) -> (i32, i32)  : i32 {
      %dma_wait3A_47 = arith.constant 0 : i32
      %dma_wait3A_48 = tpu.memref_slice %arg2[%dma_wait3A_47] : memref<808592xi32, #tpu.memory_space<hbm>> -> memref<8336xi32, #tpu.memory_space<hbm>>
      %dma_wait3A_49 = arith.constant 0 : i32
      %dma_wait3A_50 = tpu.memref_slice %arg2[%dma_wait3A_49] : memref<808592xi32, #tpu.memory_space<hbm>> -> memref<8336xi32, #tpu.memory_space<hbm>>
      tpu.wait_dma2 semaphore(%arg14 : memref<!tpu.dma_semaphore, #tpu.memory_space<semaphore_mem>>) src(%dma_wait3A_50 : memref<8336xi32, #tpu.memory_space<hbm>>) dst(%arg7 : memref<8336xi32, #tpu.memory_space<vmem>>)
      %dma_wait3A_51 = arith.constant 0 : i32
      %dma_wait3A_52 = tpu.memref_slice %arg3[%dma_wait3A_51] : memref<808592xi32, #tpu.memory_space<hbm>> -> memref<8336xi32, #tpu.memory_space<hbm>>
      %dma_wait3A_53 = arith.constant 0 : i32
      %dma_wait3A_54 = tpu.memref_slice %arg3[%dma_wait3A_53] : memref<808592xi32, #tpu.memory_space<hbm>> -> memref<8336xi32, #tpu.memory_space<hbm>>
      tpu.wait_dma2 semaphore(%arg15 : memref<!tpu.dma_semaphore, #tpu.memory_space<semaphore_mem>>) src(%dma_wait3A_54 : memref<8336xi32, #tpu.memory_space<hbm>>) dst(%arg8 : memref<8336xi32, #tpu.memory_space<vmem>>)
      %mul3A_55 = arith.constant 2 : i32
      %mul3A_56 = arith.muli %mul3A_55, %scan3A_44 : i32
      %add3A_57 = arith.constant 1 : i32
      %add3A_58 = arith.addi %mul3A_56, %add3A_57 : i32
      %mul3A_59 = arith.constant 8336 : i32
      %mul3A_60 = arith.muli %add3A_58, %mul3A_59 : i32
      %dma_start3A_61 = tpu.memref_slice %arg2[%mul3A_60] : memref<808592xi32, #tpu.memory_space<hbm>> -> memref<8336xi32, #tpu.memory_space<hbm>>
      %dma_start3A_62 = tpu.memref_slice %arg2[%mul3A_60] : memref<808592xi32, #tpu.memory_space<hbm>> -> memref<8336xi32, #tpu.memory_space<hbm>>
      tpu.enqueue_dma source(%dma_start3A_62 : memref<8336xi32, #tpu.memory_space<hbm>>) target(%arg9 : memref<8336xi32, #tpu.memory_space<vmem>>) target_semaphore(%arg16 : memref<!tpu.dma_semaphore, #tpu.memory_space<semaphore_mem>>)
      %mul3A_63 = arith.constant 8336 : i32
      %mul3A_64 = arith.muli %add3A_58, %mul3A_63 : i32
      %dma_start3A_65 = tpu.memref_slice %arg3[%mul3A_64] : memref<808592xi32, #tpu.memory_space<hbm>> -> memref<8336xi32, #tpu.memory_space<hbm>>
      %dma_start3A_66 = tpu.memref_slice %arg3[%mul3A_64] : memref<808592xi32, #tpu.memory_space<hbm>> -> memref<8336xi32, #tpu.memory_space<hbm>>
      tpu.enqueue_dma source(%dma_start3A_66 : memref<8336xi32, #tpu.memory_space<hbm>>) target(%arg10 : memref<8336xi32, #tpu.memory_space<vmem>>) target_semaphore(%arg17 : memref<!tpu.dma_semaphore, #tpu.memory_space<semaphore_mem>>)
      %scan3A_67 = arith.constant 0 : i32
      %scan3A_68 = arith.constant 521 : i32
      %scan3A_69 = arith.addi %scan3A_67, %scan3A_68 : i32
      %scan3A_70 = arith.constant 1 : i32
      %scan3A_71:2 = scf.for %scan3A_99 = %scan3A_67 to %scan3A_69 step %scan3A_70 iter_args(%scan3A_100 = %scan3A_45, %scan3A_101 = %scan3A_46) -> (i32, i32)  : i32 {
        %mul3A_102 = arith.constant 16 : i32
        %mul3A_103 = arith.muli %scan3A_99, %mul3A_102 : i32
        %get3A = arith.index_cast %mul3A_103 : i32 to index
        %get3A_104 = tpu.vector_load %arg7[%get3A] {strides = array<i32>} : memref<8336xi32, #tpu.memory_space<vmem>>, vector<16xi32>,
        %mul3A_105 = arith.constant 16 : i32
        %mul3A_106 = arith.muli %scan3A_99, %mul3A_105 : i32
        %get3A_107 = arith.index_cast %mul3A_106 : i32 to index
        %get3A_108 = tpu.vector_load %arg8[%get3A_107] {strides = array<i32>} : memref<8336xi32, #tpu.memory_space<vmem>>, vector<16xi32>,
        %sub3A = vector.broadcast %mul3A_2 : i32 to vector<16xi32>
        %sub3A_109 = arith.subi %get3A_108, %sub3A : vector<16xi32>
        %ge3A = arith.constant 0 : i32
        %ge3A_110 = vector.broadcast %ge3A : i32 to vector<16xi32>
        %ge3A_111 = arith.cmpi sge, %sub3A_109, %ge3A_110 : vector<16xi32>
        %lt3A = arith.constant 1568 : i32
        %lt3A_112 = vector.broadcast %lt3A : i32 to vector<16xi32>
        %lt3A_113 = arith.cmpi slt, %sub3A_109, %lt3A_112 : vector<16xi32>
        %and3A = arith.andi %ge3A_111, %lt3A_113 : vector<16xi1>
        %swap3A_114 = arith.index_cast %scan3A_100 : i32 to index
        %swap3A_115 = tpu.vector_load %arg11[%swap3A_114] masked %and3A {strides = array<i32>} : memref<4032xi32, #tpu.memory_space<vmem>>, vector<16xi32>, vector<16xi1>
        tpu.vector_store %arg11[%swap3A_114], %get3A_104 masked %and3A {strides = array<i32>} : memref<4032xi32, #tpu.memory_space<vmem>>, vector<16xi32>, vector<16xi1>
        %swap3A_116 = arith.index_cast %scan3A_100 : i32 to index
        %swap3A_117 = tpu.vector_load %arg12[%swap3A_116] masked %and3A {strides = array<i32>} : memref<4032xi32, #tpu.memory_space<vmem>>, vector<16xi32>, vector<16xi1>
        tpu.vector_store %arg12[%swap3A_116], %sub3A_109 masked %and3A {strides = array<i32>} : memref<4032xi32, #tpu.memory_space<vmem>>, vector<16xi32>, vector<16xi1>
        %all_reduce_population_count3A = tpu.all_reduce %and3A {dim = 0 : i64, kind = #tpu.reduction_kind<sum>} : vector<16xi1> -> vector<16xi32>
        %slice3A = vector.extract_strided_slice %all_reduce_population_count3A {offsets = [0], sizes = [1], strides = [1]} : vector<16xi32> to vector<1xi32>
        %squeeze3A = vector.extract %slice3A[0] : i32 from vector<1xi32>
        %add3A_118 = arith.addi %scan3A_100, %squeeze3A : i32
        %ge3A_119 = arith.constant 4000 : i32
        %ge3A_120 = arith.cmpi sge, %add3A_118, %ge3A_119 : i32
        %convert_element_type3A = arith.extui %ge3A_120 : i1 to i32
        %cond3A = arith.constant 0 : i32
        %cond3A_121 = arith.cmpi ne, %convert_element_type3A, %cond3A : i32
        %cond3A_122:2 = scf.if %cond3A_121 -> (i32, i32) {
          %multiple_of3A_123 = tpu.assume_multiple %scan3A_101, 4000 : i32
          %mul3A_124 = arith.constant 804352 : i32
          %mul3A_125 = arith.muli %add3A, %mul3A_124 : i32
          %add3A_126 = arith.addi %mul3A_125, %multiple_of3A_123 : i32
          "tpu.region"() ({
            %run_scoped3A = tpu.sem_alloc : memref<!tpu.dma_semaphore, #tpu.memory_space<semaphore_mem>>
            %dma_start3A_142 = arith.constant 0 : i32
            %dma_start3A_143 = tpu.memref_slice %arg11[%dma_start3A_142] : memref<4032xi32, #tpu.memory_space<vmem>> -> memref<4000xi32, #tpu.memory_space<vmem>>
            %dma_start3A_144 = tpu.memref_slice %arg4[%add3A_126] : memref<25739264xi32, #tpu.memory_space<hbm>> -> memref<4000xi32, #tpu.memory_space<hbm>>
            %dma_start3A_145 = tpu.memref_slice %arg4[%add3A_126] : memref<25739264xi32, #tpu.memory_space<hbm>> -> memref<4000xi32, #tpu.memory_space<hbm>>
            %dma_start3A_146 = arith.constant 0 : i32
            %dma_start3A_147 = tpu.memref_slice %arg11[%dma_start3A_146] : memref<4032xi32, #tpu.memory_space<vmem>> -> memref<4000xi32, #tpu.memory_space<vmem>>
            tpu.enqueue_dma source(%dma_start3A_147 : memref<4000xi32, #tpu.memory_space<vmem>>) target(%dma_start3A_145 : memref<4000xi32, #tpu.memory_space<hbm>>) target_semaphore(%run_scoped3A : memref<!tpu.dma_semaphore, #tpu.memory_space<semaphore_mem>>)
            %dma_wait3A_148 = arith.constant 0 : i32
            %dma_wait3A_149 = tpu.memref_slice %arg11[%dma_wait3A_148] : memref<4032xi32, #tpu.memory_space<vmem>> -> memref<4000xi32, #tpu.memory_space<vmem>>
            %dma_wait3A_150 = tpu.memref_slice %arg4[%add3A_126] : memref<25739264xi32, #tpu.memory_space<hbm>> -> memref<4000xi32, #tpu.memory_space<hbm>>
            %dma_wait3A_151 = tpu.memref_slice %arg4[%add3A_126] : memref<25739264xi32, #tpu.memory_space<hbm>> -> memref<4000xi32, #tpu.memory_space<hbm>>
            %dma_wait3A_152 = arith.constant 0 : i32
            %dma_wait3A_153 = tpu.memref_slice %arg11[%dma_wait3A_152] : memref<4032xi32, #tpu.memory_space<vmem>> -> memref<4000xi32, #tpu.memory_space<vmem>>
            tpu.wait_dma2 semaphore(%run_scoped3A : memref<!tpu.dma_semaphore, #tpu.memory_space<semaphore_mem>>) src(%dma_wait3A_153 : memref<4000xi32, #tpu.memory_space<vmem>>) dst(%dma_wait3A_151 : memref<4000xi32, #tpu.memory_space<hbm>>)
            tpu.yield
          }) : () -> ()
          %mul3A_127 = arith.constant 804352 : i32
          %mul3A_128 = arith.muli %add3A, %mul3A_127 : i32
          %add3A_129 = arith.addi %mul3A_128, %multiple_of3A_123 : i32
          "tpu.region"() ({
            %run_scoped3A = tpu.sem_alloc : memref<!tpu.dma_semaphore, #tpu.memory_space<semaphore_mem>>
            %dma_start3A_142 = arith.constant 0 : i32
            %dma_start3A_143 = tpu.memref_slice %arg12[%dma_start3A_142] : memref<4032xi32, #tpu.memory_space<vmem>> -> memref<4000xi32, #tpu.memory_space<vmem>>
            %dma_start3A_144 = tpu.memref_slice %arg5[%add3A_129] : memref<25739264xi32, #tpu.memory_space<hbm>> -> memref<4000xi32, #tpu.memory_space<hbm>>
            %dma_start3A_145 = tpu.memref_slice %arg5[%add3A_129] : memref<25739264xi32, #tpu.memory_space<hbm>> -> memref<4000xi32, #tpu.memory_space<hbm>>
            %dma_start3A_146 = arith.constant 0 : i32
            %dma_start3A_147 = tpu.memref_slice %arg12[%dma_start3A_146] : memref<4032xi32, #tpu.memory_space<vmem>> -> memref<4000xi32, #tpu.memory_space<vmem>>
            tpu.enqueue_dma source(%dma_start3A_147 : memref<4000xi32, #tpu.memory_space<vmem>>) target(%dma_start3A_145 : memref<4000xi32, #tpu.memory_space<hbm>>) target_semaphore(%run_scoped3A : memref<!tpu.dma_semaphore, #tpu.memory_space<semaphore_mem>>)
            %dma_wait3A_148 = arith.constant 0 : i32
            %dma_wait3A_149 = tpu.memref_slice %arg12[%dma_wait3A_148] : memref<4032xi32, #tpu.memory_space<vmem>> -> memref<4000xi32, #tpu.memory_space<vmem>>
            %dma_wait3A_150 = tpu.memref_slice %arg5[%add3A_129] : memref<25739264xi32, #tpu.memory_space<hbm>> -> memref<4000xi32, #tpu.memory_space<hbm>>
            %dma_wait3A_151 = tpu.memref_slice %arg5[%add3A_129] : memref<25739264xi32, #tpu.memory_space<hbm>> -> memref<4000xi32, #tpu.memory_space<hbm>>
            %dma_wait3A_152 = arith.constant 0 : i32
            %dma_wait3A_153 = tpu.memref_slice %arg12[%dma_wait3A_152] : memref<4032xi32, #tpu.memory_space<vmem>> -> memref<4000xi32, #tpu.memory_space<vmem>>
            tpu.wait_dma2 semaphore(%run_scoped3A : memref<!tpu.dma_semaphore, #tpu.memory_space<semaphore_mem>>) src(%dma_wait3A_153 : memref<4000xi32, #tpu.memory_space<vmem>>) dst(%dma_wait3A_151 : memref<4000xi32, #tpu.memory_space<hbm>>)
            tpu.yield
          }) : () -> ()
          %get3A_130 = arith.constant 4000 : index
          %get3A_131 = tpu.vector_load %arg11[%get3A_130] {strides = array<i32>} : memref<4032xi32, #tpu.memory_space<vmem>>, vector<16xi32>,
          %swap3A_132 = arith.constant 0 : index
          %swap3A_133 = tpu.vector_load %arg11[%swap3A_132] {strides = array<i32>} : memref<4032xi32, #tpu.memory_space<vmem>>, vector<16xi32>,
          tpu.vector_store %arg11[%swap3A_132], %get3A_131 {strides = array<i32>} : memref<4032xi32, #tpu.memory_space<vmem>>, vector<16xi32>,
          %get3A_134 = arith.constant 4000 : index
          %get3A_135 = tpu.vector_load %arg12[%get3A_134] {strides = array<i32>} : memref<4032xi32, #tpu.memory_space<vmem>>, vector<16xi32>,
          %swap3A_136 = arith.constant 0 : index
          %swap3A_137 = tpu.vector_load %arg12[%swap3A_136] {strides = array<i32>} : memref<4032xi32, #tpu.memory_space<vmem>>, vector<16xi32>,
          tpu.vector_store %arg12[%swap3A_136], %get3A_135 {strides = array<i32>} : memref<4032xi32, #tpu.memory_space<vmem>>, vector<16xi32>,
          %sub3A_138 = arith.constant 4000 : i32
          %sub3A_139 = arith.subi %add3A_118, %sub3A_138 : i32
          %add3A_140 = arith.constant 4000 : i32
          %add3A_141 = arith.addi %scan3A_101, %add3A_140 : i32
          scf.yield %sub3A_139, %add3A_141 : i32, i32
        } else {
          scf.yield %add3A_118, %scan3A_101 : i32, i32
        }
        scf.yield %cond3A_122#0, %cond3A_122#1 : i32, i32
      }
      %scan3A_72 = arith.constant 521 : i32
      %dma_wait3A_73 = arith.constant 0 : i32
      %dma_wait3A_74 = tpu.memref_slice %arg2[%dma_wait3A_73] : memref<808592xi32, #tpu.memory_space<hbm>> -> memref<8336xi32, #tpu.memory_space<hbm>>
      %dma_wait3A_75 = arith.constant 0 : i32
      %dma_wait3A_76 = tpu.memref_slice %arg2[%dma_wait3A_75] : memref<808592xi32, #tpu.memory_space<hbm>> -> memref<8336xi32, #tpu.memory_space<hbm>>
      tpu.wait_dma2 semaphore(%arg16 : memref<!tpu.dma_semaphore, #tpu.memory_space<semaphore_mem>>) src(%dma_wait3A_76 : memref<8336xi32, #tpu.memory_space<hbm>>) dst(%arg9 : memref<8336xi32, #tpu.memory_space<vmem>>)
      %dma_wait3A_77 = arith.constant 0 : i32
      %dma_wait3A_78 = tpu.memref_slice %arg3[%dma_wait3A_77] : memref<808592xi32, #tpu.memory_space<hbm>> -> memref<8336xi32, #tpu.memory_space<hbm>>
      %dma_wait3A_79 = arith.constant 0 : i32
      %dma_wait3A_80 = tpu.memref_slice %arg3[%dma_wait3A_79] : memref<808592xi32, #tpu.memory_space<hbm>> -> memref<8336xi32, #tpu.memory_space<hbm>>
      tpu.wait_dma2 semaphore(%arg17 : memref<!tpu.dma_semaphore, #tpu.memory_space<semaphore_mem>>) src(%dma_wait3A_80 : memref<8336xi32, #tpu.memory_space<hbm>>) dst(%arg10 : memref<8336xi32, #tpu.memory_space<vmem>>)
      %mul3A_81 = arith.constant 2 : i32
      %mul3A_82 = arith.muli %mul3A_81, %scan3A_44 : i32
      %add3A_83 = arith.constant 2 : i32
      %add3A_84 = arith.addi %mul3A_82, %add3A_83 : i32
      %mul3A_85 = arith.constant 8336 : i32
      %mul3A_86 = arith.muli %add3A_84, %mul3A_85 : i32
      %dma_start3A_87 = tpu.memref_slice %arg2[%mul3A_86] : memref<808592xi32, #tpu.memory_space<hbm>> -> memref<8336xi32, #tpu.memory_space<hbm>>
      %dma_start3A_88 = tpu.memref_slice %arg2[%mul3A_86] : memref<808592xi32, #tpu.memory_space<hbm>> -> memref<8336xi32, #tpu.memory_space<hbm>>
      tpu.enqueue_dma source(%dma_start3A_88 : memref<8336xi32, #tpu.memory_space<hbm>>) target(%arg7 : memref<8336xi32, #tpu.memory_space<vmem>>) target_semaphore(%arg14 : memref<!tpu.dma_semaphore, #tpu.memory_space<semaphore_mem>>)
      %mul3A_89 = arith.constant 8336 : i32
      %mul3A_90 = arith.muli %add3A_84, %mul3A_89 : i32
      %dma_start3A_91 = tpu.memref_slice %arg3[%mul3A_90] : memref<808592xi32, #tpu.memory_space<hbm>> -> memref<8336xi32, #tpu.memory_space<hbm>>
      %dma_start3A_92 = tpu.memref_slice %arg3[%mul3A_90] : memref<808592xi32, #tpu.memory_space<hbm>> -> memref<8336xi32, #tpu.memory_space<hbm>>
      tpu.enqueue_dma source(%dma_start3A_92 : memref<8336xi32, #tpu.memory_space<hbm>>) target(%arg8 : memref<8336xi32, #tpu.memory_space<vmem>>) target_semaphore(%arg15 : memref<!tpu.dma_semaphore, #tpu.memory_space<semaphore_mem>>)
      %scan3A_93 = arith.constant 0 : i32
      %scan3A_94 = arith.constant 521 : i32
      %scan3A_95 = arith.addi %scan3A_93, %scan3A_94 : i32
      %scan3A_96 = arith.constant 1 : i32
      %scan3A_97:2 = scf.for %scan3A_99 = %scan3A_93 to %scan3A_95 step %scan3A_96 iter_args(%scan3A_100 = %scan3A_71#0, %scan3A_101 = %scan3A_71#1) -> (i32, i32)  : i32 {
        %mul3A_102 = arith.constant 16 : i32
        %mul3A_103 = arith.muli %scan3A_99, %mul3A_102 : i32
        %get3A = arith.index_cast %mul3A_103 : i32 to index
        %get3A_104 = tpu.vector_load %arg9[%get3A] {strides = array<i32>} : memref<8336xi32, #tpu.memory_space<vmem>>, vector<16xi32>,
        %mul3A_105 = arith.constant 16 : i32
        %mul3A_106 = arith.muli %scan3A_99, %mul3A_105 : i32
        %get3A_107 = arith.index_cast %mul3A_106 : i32 to index
        %get3A_108 = tpu.vector_load %arg10[%get3A_107] {strides = array<i32>} : memref<8336xi32, #tpu.memory_space<vmem>>, vector<16xi32>,
        %sub3A = vector.broadcast %mul3A_2 : i32 to vector<16xi32>
        %sub3A_109 = arith.subi %get3A_108, %sub3A : vector<16xi32>
        %ge3A = arith.constant 0 : i32
        %ge3A_110 = vector.broadcast %ge3A : i32 to vector<16xi32>
        %ge3A_111 = arith.cmpi sge, %sub3A_109, %ge3A_110 : vector<16xi32>
        %lt3A = arith.constant 1568 : i32
        %lt3A_112 = vector.broadcast %lt3A : i32 to vector<16xi32>
        %lt3A_113 = arith.cmpi slt, %sub3A_109, %lt3A_112 : vector<16xi32>
        %and3A = arith.andi %ge3A_111, %lt3A_113 : vector<16xi1>
        %swap3A_114 = arith.index_cast %scan3A_100 : i32 to index
        %swap3A_115 = tpu.vector_load %arg11[%swap3A_114] masked %and3A {strides = array<i32>} : memref<4032xi32, #tpu.memory_space<vmem>>, vector<16xi32>, vector<16xi1>
        tpu.vector_store %arg11[%swap3A_114], %get3A_104 masked %and3A {strides = array<i32>} : memref<4032xi32, #tpu.memory_space<vmem>>, vector<16xi32>, vector<16xi1>
        %swap3A_116 = arith.index_cast %scan3A_100 : i32 to index
        %swap3A_117 = tpu.vector_load %arg12[%swap3A_116] masked %and3A {strides = array<i32>} : memref<4032xi32, #tpu.memory_space<vmem>>, vector<16xi32>, vector<16xi1>
        tpu.vector_store %arg12[%swap3A_116], %sub3A_109 masked %and3A {strides = array<i32>} : memref<4032xi32, #tpu.memory_space<vmem>>, vector<16xi32>, vector<16xi1>
        %all_reduce_population_count3A = tpu.all_reduce %and3A {dim = 0 : i64, kind = #tpu.reduction_kind<sum>} : vector<16xi1> -> vector<16xi32>
        %slice3A = vector.extract_strided_slice %all_reduce_population_count3A {offsets = [0], sizes = [1], strides = [1]} : vector<16xi32> to vector<1xi32>
        %squeeze3A = vector.extract %slice3A[0] : i32 from vector<1xi32>
        %add3A_118 = arith.addi %scan3A_100, %squeeze3A : i32
        %ge3A_119 = arith.constant 4000 : i32
        %ge3A_120 = arith.cmpi sge, %add3A_118, %ge3A_119 : i32
        %convert_element_type3A = arith.extui %ge3A_120 : i1 to i32
        %cond3A = arith.constant 0 : i32
        %cond3A_121 = arith.cmpi ne, %convert_element_type3A, %cond3A : i32
        %cond3A_122:2 = scf.if %cond3A_121 -> (i32, i32) {
          %multiple_of3A_123 = tpu.assume_multiple %scan3A_101, 4000 : i32
          %mul3A_124 = arith.constant 804352 : i32
          %mul3A_125 = arith.muli %add3A, %mul3A_124 : i32
          %add3A_126 = arith.addi %mul3A_125, %multiple_of3A_123 : i32
          "tpu.region"() ({
            %run_scoped3A = tpu.sem_alloc : memref<!tpu.dma_semaphore, #tpu.memory_space<semaphore_mem>>
            %dma_start3A_142 = arith.constant 0 : i32
            %dma_start3A_143 = tpu.memref_slice %arg11[%dma_start3A_142] : memref<4032xi32, #tpu.memory_space<vmem>> -> memref<4000xi32, #tpu.memory_space<vmem>>
            %dma_start3A_144 = tpu.memref_slice %arg4[%add3A_126] : memref<25739264xi32, #tpu.memory_space<hbm>> -> memref<4000xi32, #tpu.memory_space<hbm>>
            %dma_start3A_145 = tpu.memref_slice %arg4[%add3A_126] : memref<25739264xi32, #tpu.memory_space<hbm>> -> memref<4000xi32, #tpu.memory_space<hbm>>
            %dma_start3A_146 = arith.constant 0 : i32
            %dma_start3A_147 = tpu.memref_slice %arg11[%dma_start3A_146] : memref<4032xi32, #tpu.memory_space<vmem>> -> memref<4000xi32, #tpu.memory_space<vmem>>
            tpu.enqueue_dma source(%dma_start3A_147 : memref<4000xi32, #tpu.memory_space<vmem>>) target(%dma_start3A_145 : memref<4000xi32, #tpu.memory_space<hbm>>) target_semaphore(%run_scoped3A : memref<!tpu.dma_semaphore, #tpu.memory_space<semaphore_mem>>)
            %dma_wait3A_148 = arith.constant 0 : i32
            %dma_wait3A_149 = tpu.memref_slice %arg11[%dma_wait3A_148] : memref<4032xi32, #tpu.memory_space<vmem>> -> memref<4000xi32, #tpu.memory_space<vmem>>
            %dma_wait3A_150 = tpu.memref_slice %arg4[%add3A_126] : memref<25739264xi32, #tpu.memory_space<hbm>> -> memref<4000xi32, #tpu.memory_space<hbm>>
            %dma_wait3A_151 = tpu.memref_slice %arg4[%add3A_126] : memref<25739264xi32, #tpu.memory_space<hbm>> -> memref<4000xi32, #tpu.memory_space<hbm>>
            %dma_wait3A_152 = arith.constant 0 : i32
            %dma_wait3A_153 = tpu.memref_slice %arg11[%dma_wait3A_152] : memref<4032xi32, #tpu.memory_space<vmem>> -> memref<4000xi32, #tpu.memory_space<vmem>>
            tpu.wait_dma2 semaphore(%run_scoped3A : memref<!tpu.dma_semaphore, #tpu.memory_space<semaphore_mem>>) src(%dma_wait3A_153 : memref<4000xi32, #tpu.memory_space<vmem>>) dst(%dma_wait3A_151 : memref<4000xi32, #tpu.memory_space<hbm>>)
            tpu.yield
          }) : () -> ()
          %mul3A_127 = arith.constant 804352 : i32
          %mul3A_128 = arith.muli %add3A, %mul3A_127 : i32
          %add3A_129 = arith.addi %mul3A_128, %multiple_of3A_123 : i32
          "tpu.region"() ({
            %run_scoped3A = tpu.sem_alloc : memref<!tpu.dma_semaphore, #tpu.memory_space<semaphore_mem>>
            %dma_start3A_142 = arith.constant 0 : i32
            %dma_start3A_143 = tpu.memref_slice %arg12[%dma_start3A_142] : memref<4032xi32, #tpu.memory_space<vmem>> -> memref<4000xi32, #tpu.memory_space<vmem>>
            %dma_start3A_144 = tpu.memref_slice %arg5[%add3A_129] : memref<25739264xi32, #tpu.memory_space<hbm>> -> memref<4000xi32, #tpu.memory_space<hbm>>
            %dma_start3A_145 = tpu.memref_slice %arg5[%add3A_129] : memref<25739264xi32, #tpu.memory_space<hbm>> -> memref<4000xi32, #tpu.memory_space<hbm>>
            %dma_start3A_146 = arith.constant 0 : i32
            %dma_start3A_147 = tpu.memref_slice %arg12[%dma_start3A_146] : memref<4032xi32, #tpu.memory_space<vmem>> -> memref<4000xi32, #tpu.memory_space<vmem>>
            tpu.enqueue_dma source(%dma_start3A_147 : memref<4000xi32, #tpu.memory_space<vmem>>) target(%dma_start3A_145 : memref<4000xi32, #tpu.memory_space<hbm>>) target_semaphore(%run_scoped3A : memref<!tpu.dma_semaphore, #tpu.memory_space<semaphore_mem>>)
            %dma_wait3A_148 = arith.constant 0 : i32
            %dma_wait3A_149 = tpu.memref_slice %arg12[%dma_wait3A_148] : memref<4032xi32, #tpu.memory_space<vmem>> -> memref<4000xi32, #tpu.memory_space<vmem>>
            %dma_wait3A_150 = tpu.memref_slice %arg5[%add3A_129] : memref<25739264xi32, #tpu.memory_space<hbm>> -> memref<4000xi32, #tpu.memory_space<hbm>>
            %dma_wait3A_151 = tpu.memref_slice %arg5[%add3A_129] : memref<25739264xi32, #tpu.memory_space<hbm>> -> memref<4000xi32, #tpu.memory_space<hbm>>
            %dma_wait3A_152 = arith.constant 0 : i32
            %dma_wait3A_153 = tpu.memref_slice %arg12[%dma_wait3A_152] : memref<4032xi32, #tpu.memory_space<vmem>> -> memref<4000xi32, #tpu.memory_space<vmem>>
            tpu.wait_dma2 semaphore(%run_scoped3A : memref<!tpu.dma_semaphore, #tpu.memory_space<semaphore_mem>>) src(%dma_wait3A_153 : memref<4000xi32, #tpu.memory_space<vmem>>) dst(%dma_wait3A_151 : memref<4000xi32, #tpu.memory_space<hbm>>)
            tpu.yield
          }) : () -> ()
          %get3A_130 = arith.constant 4000 : index
          %get3A_131 = tpu.vector_load %arg11[%get3A_130] {strides = array<i32>} : memref<4032xi32, #tpu.memory_space<vmem>>, vector<16xi32>,
          %swap3A_132 = arith.constant 0 : index
          %swap3A_133 = tpu.vector_load %arg11[%swap3A_132] {strides = array<i32>} : memref<4032xi32, #tpu.memory_space<vmem>>, vector<16xi32>,
          tpu.vector_store %arg11[%swap3A_132], %get3A_131 {strides = array<i32>} : memref<4032xi32, #tpu.memory_space<vmem>>, vector<16xi32>,
          %get3A_134 = arith.constant 4000 : index
          %get3A_135 = tpu.vector_load %arg12[%get3A_134] {strides = array<i32>} : memref<4032xi32, #tpu.memory_space<vmem>>, vector<16xi32>,
          %swap3A_136 = arith.constant 0 : index
          %swap3A_137 = tpu.vector_load %arg12[%swap3A_136] {strides = array<i32>} : memref<4032xi32, #tpu.memory_space<vmem>>, vector<16xi32>,
          tpu.vector_store %arg12[%swap3A_136], %get3A_135 {strides = array<i32>} : memref<4032xi32, #tpu.memory_space<vmem>>, vector<16xi32>,
          %sub3A_138 = arith.constant 4000 : i32
          %sub3A_139 = arith.subi %add3A_118, %sub3A_138 : i32
          %add3A_140 = arith.constant 4000 : i32
          %add3A_141 = arith.addi %scan3A_101, %add3A_140 : i32
          scf.yield %sub3A_139, %add3A_141 : i32, i32
        } else {
          scf.yield %add3A_118, %scan3A_101 : i32, i32
        }
        scf.yield %cond3A_122#0, %cond3A_122#1 : i32, i32
      }
      %scan3A_98 = arith.constant 521 : i32
      scf.yield %scan3A_97#0, %scan3A_97#1 : i32, i32
    }
    %scan3A_23 = arith.constant 48 : i32
    %dma_wait3A = arith.constant 0 : i32
    %dma_wait3A_24 = tpu.memref_slice %arg2[%dma_wait3A] : memref<808592xi32, #tpu.memory_space<hbm>> -> memref<8336xi32, #tpu.memory_space<hbm>>
    %dma_wait3A_25 = arith.constant 0 : i32
    %dma_wait3A_26 = tpu.memref_slice %arg2[%dma_wait3A_25] : memref<808592xi32, #tpu.memory_space<hbm>> -> memref<8336xi32, #tpu.memory_space<hbm>>
    tpu.wait_dma2 semaphore(%arg14 : memref<!tpu.dma_semaphore, #tpu.memory_space<semaphore_mem>>) src(%dma_wait3A_26 : memref<8336xi32, #tpu.memory_space<hbm>>) dst(%arg7 : memref<8336xi32, #tpu.memory_space<vmem>>)
    %dma_wait3A_27 = arith.constant 0 : i32
    %dma_wait3A_28 = tpu.memref_slice %arg3[%dma_wait3A_27] : memref<808592xi32, #tpu.memory_space<hbm>> -> memref<8336xi32, #tpu.memory_space<hbm>>
    %dma_wait3A_29 = arith.constant 0 : i32
    %dma_wait3A_30 = tpu.memref_slice %arg3[%dma_wait3A_29] : memref<808592xi32, #tpu.memory_space<hbm>> -> memref<8336xi32, #tpu.memory_space<hbm>>
    tpu.wait_dma2 semaphore(%arg15 : memref<!tpu.dma_semaphore, #tpu.memory_space<semaphore_mem>>) src(%dma_wait3A_30 : memref<8336xi32, #tpu.memory_space<hbm>>) dst(%arg8 : memref<8336xi32, #tpu.memory_space<vmem>>)
    %multiple_of3A = tpu.assume_multiple %scan3A_22#1, 4000 : i32
    %mul3A_31 = arith.constant 804352 : i32
    %mul3A_32 = arith.muli %add3A, %mul3A_31 : i32
    %add3A_33 = arith.addi %mul3A_32, %multiple_of3A : i32
    "tpu.region"() ({
      %run_scoped3A = tpu.sem_alloc : memref<!tpu.dma_semaphore, #tpu.memory_space<semaphore_mem>>
      %dma_start3A_44 = arith.constant 0 : i32
      %dma_start3A_45 = tpu.memref_slice %arg11[%dma_start3A_44] : memref<4032xi32, #tpu.memory_space<vmem>> -> memref<4032xi32, #tpu.memory_space<vmem>>
      %dma_start3A_46 = tpu.memref_slice %arg4[%add3A_33] : memref<25739264xi32, #tpu.memory_space<hbm>> -> memref<4032xi32, #tpu.memory_space<hbm>>
      %dma_start3A_47 = tpu.memref_slice %arg4[%add3A_33] : memref<25739264xi32, #tpu.memory_space<hbm>> -> memref<4032xi32, #tpu.memory_space<hbm>>
      %dma_start3A_48 = arith.constant 0 : i32
      %dma_start3A_49 = tpu.memref_slice %arg11[%dma_start3A_48] : memref<4032xi32, #tpu.memory_space<vmem>> -> memref<4032xi32, #tpu.memory_space<vmem>>
      tpu.enqueue_dma source(%dma_start3A_49 : memref<4032xi32, #tpu.memory_space<vmem>>) target(%dma_start3A_47 : memref<4032xi32, #tpu.memory_space<hbm>>) target_semaphore(%run_scoped3A : memref<!tpu.dma_semaphore, #tpu.memory_space<semaphore_mem>>)
      %dma_wait3A_50 = arith.constant 0 : i32
      %dma_wait3A_51 = tpu.memref_slice %arg11[%dma_wait3A_50] : memref<4032xi32, #tpu.memory_space<vmem>> -> memref<4032xi32, #tpu.memory_space<vmem>>
      %dma_wait3A_52 = tpu.memref_slice %arg4[%add3A_33] : memref<25739264xi32, #tpu.memory_space<hbm>> -> memref<4032xi32, #tpu.memory_space<hbm>>
      %dma_wait3A_53 = tpu.memref_slice %arg4[%add3A_33] : memref<25739264xi32, #tpu.memory_space<hbm>> -> memref<4032xi32, #tpu.memory_space<hbm>>
      %dma_wait3A_54 = arith.constant 0 : i32
      %dma_wait3A_55 = tpu.memref_slice %arg11[%dma_wait3A_54] : memref<4032xi32, #tpu.memory_space<vmem>> -> memref<4032xi32, #tpu.memory_space<vmem>>
      tpu.wait_dma2 semaphore(%run_scoped3A : memref<!tpu.dma_semaphore, #tpu.memory_space<semaphore_mem>>) src(%dma_wait3A_55 : memref<4032xi32, #tpu.memory_space<vmem>>) dst(%dma_wait3A_53 : memref<4032xi32, #tpu.memory_space<hbm>>)
      tpu.yield
    }) : () -> ()
    %mul3A_34 = arith.constant 804352 : i32
    %mul3A_35 = arith.muli %add3A, %mul3A_34 : i32
    %add3A_36 = arith.addi %mul3A_35, %multiple_of3A : i32
    "tpu.region"() ({
      %run_scoped3A = tpu.sem_alloc : memref<!tpu.dma_semaphore, #tpu.memory_space<semaphore_mem>>
      %dma_start3A_44 = arith.constant 0 : i32
      %dma_start3A_45 = tpu.memref_slice %arg12[%dma_start3A_44] : memref<4032xi32, #tpu.memory_space<vmem>> -> memref<4032xi32, #tpu.memory_space<vmem>>
      %dma_start3A_46 = tpu.memref_slice %arg5[%add3A_36] : memref<25739264xi32, #tpu.memory_space<hbm>> -> memref<4032xi32, #tpu.memory_space<hbm>>
      %dma_start3A_47 = tpu.memref_slice %arg5[%add3A_36] : memref<25739264xi32, #tpu.memory_space<hbm>> -> memref<4032xi32, #tpu.memory_space<hbm>>
      %dma_start3A_48 = arith.constant 0 : i32
      %dma_start3A_49 = tpu.memref_slice %arg12[%dma_start3A_48] : memref<4032xi32, #tpu.memory_space<vmem>> -> memref<4032xi32, #tpu.memory_space<vmem>>
      tpu.enqueue_dma source(%dma_start3A_49 : memref<4032xi32, #tpu.memory_space<vmem>>) target(%dma_start3A_47 : memref<4032xi32, #tpu.memory_space<hbm>>) target_semaphore(%run_scoped3A : memref<!tpu.dma_semaphore, #tpu.memory_space<semaphore_mem>>)
      %dma_wait3A_50 = arith.constant 0 : i32
      %dma_wait3A_51 = tpu.memref_slice %arg12[%dma_wait3A_50] : memref<4032xi32, #tpu.memory_space<vmem>> -> memref<4032xi32, #tpu.memory_space<vmem>>
      %dma_wait3A_52 = tpu.memref_slice %arg5[%add3A_36] : memref<25739264xi32, #tpu.memory_space<hbm>> -> memref<4032xi32, #tpu.memory_space<hbm>>
      %dma_wait3A_53 = tpu.memref_slice %arg5[%add3A_36] : memref<25739264xi32, #tpu.memory_space<hbm>> -> memref<4032xi32, #tpu.memory_space<hbm>>
      %dma_wait3A_54 = arith.constant 0 : i32
      %dma_wait3A_55 = tpu.memref_slice %arg12[%dma_wait3A_54] : memref<4032xi32, #tpu.memory_space<vmem>> -> memref<4032xi32, #tpu.memory_space<vmem>>
      tpu.wait_dma2 semaphore(%run_scoped3A : memref<!tpu.dma_semaphore, #tpu.memory_space<semaphore_mem>>) src(%dma_wait3A_55 : memref<4032xi32, #tpu.memory_space<vmem>>) dst(%dma_wait3A_53 : memref<4032xi32, #tpu.memory_space<hbm>>)
      tpu.yield
    }) : () -> ()
    %broadcast_in_dim3A = arith.constant 0 : i32
    %broadcast_in_dim3A_37 = vector.broadcast %broadcast_in_dim3A : i32 to vector<16xi32>
    %add3A_38 = arith.addi %scan3A_22#1, %scan3A_22#0 : i32
    %add3A_39 = vector.broadcast %add3A_38 : i32 to vector<16xi32>
    %add3A_40 = arith.addi %broadcast_in_dim3A_37, %add3A_39 : vector<16xi32>
    %swap3A = arith.constant 0 : index
    %swap3A_41 = tpu.vector_load %arg13[%swap3A] {strides = array<i32>} : memref<16xi32, #tpu.memory_space<vmem>>, vector<16xi32>,
    tpu.vector_store %arg13[%swap3A], %add3A_40 {strides = array<i32>} : memref<16xi32, #tpu.memory_space<vmem>>, vector<16xi32>,
    %mul3A_42 = arith.constant 16 : i32
    %mul3A_43 = arith.muli %add3A, %mul3A_42 : i32
    "tpu.region"() ({
      %run_scoped3A = tpu.sem_alloc : memref<!tpu.dma_semaphore, #tpu.memory_space<semaphore_mem>>
      %dma_start3A_44 = tpu.memref_slice %arg6[%mul3A_43] : memref<512xi32, #tpu.memory_space<hbm>> -> memref<16xi32, #tpu.memory_space<hbm>>
      %dma_start3A_45 = tpu.memref_slice %arg6[%mul3A_43] : memref<512xi32, #tpu.memory_space<hbm>> -> memref<16xi32, #tpu.memory_space<hbm>>
      tpu.enqueue_dma source(%arg13 : memref<16xi32, #tpu.memory_space<vmem>>) target(%dma_start3A_45 : memref<16xi32, #tpu.memory_space<hbm>>) target_semaphore(%run_scoped3A : memref<!tpu.dma_semaphore, #tpu.memory_space<semaphore_mem>>)
      %dma_wait3A_46 = tpu.memref_slice %arg6[%mul3A_43] : memref<512xi32, #tpu.memory_space<hbm>> -> memref<16xi32, #tpu.memory_space<hbm>>
      %dma_wait3A_47 = tpu.memref_slice %arg6[%mul3A_43] : memref<512xi32, #tpu.memory_space<hbm>> -> memref<16xi32, #tpu.memory_space<hbm>>
      tpu.wait_dma2 semaphore(%run_scoped3A : memref<!tpu.dma_semaphore, #tpu.memory_space<semaphore_mem>>) src(%arg13 : memref<16xi32, #tpu.memory_space<vmem>>) dst(%dma_wait3A_47 : memref<16xi32, #tpu.memory_space<hbm>>)
      tpu.yield
    }) : () -> ()
    return
  }
}

#map = affine_map<(d0, d1) -> (0, 0)>
#map1 = affine_map<(d0, d1) -> (0)>
module attributes {stable_mosaic.version = 14 : i64} {
  func.func @_segmax_body(%arg0: i32, %arg1: i32, %arg2: memref<50176x64xf32, #tpu.memory_space<hbm>>, %arg3: memref<25739264xi32, #tpu.memory_space<hbm>>, %arg4: memref<25739264xi32, #tpu.memory_space<hbm>>, %arg5: memref<512xi32, #tpu.memory_space<hbm>>, %arg6: memref<3211264xf32, #tpu.memory_space<hbm>>, %arg7: memref<100352xf32, #tpu.memory_space<vmem>>, %arg8: memref<128xi32, #tpu.memory_space<vmem>>, %arg9: memref<144xi32, #tpu.memory_space<vmem>>, %arg10: memref<128x64xf32, #tpu.memory_space<vmem>>, %arg11: memref<16xi32, #tpu.memory_space<vmem>>, %arg12: memref<!tpu.dma_semaphore, #tpu.memory_space<semaphore_mem>>) attributes {dimension_semantics = [#tpu.dimension_semantics<core_parallel>, #tpu.dimension_semantics<subcore_parallel>], iteration_bounds = array<i64: 2, 16>, scalar_prefetch = 0 : i64, scratch_operands = 6 : i64, tpu.core_type = #tpu.core_type<sc_vector_subcore>, window_params = [{transform_indices = #map}, {transform_indices = #map1}, {transform_indices = #map1}, {transform_indices = #map1}, {transform_indices = #map1}]} {
    %mul3A = arith.constant 2 : i32
    %mul3A_0 = arith.muli %arg1, %mul3A : i32
    %add3A = arith.addi %mul3A_0, %arg0 : i32
    %broadcast_in_dim3A = arith.constant 0xFF800000 : f32
    %broadcast_in_dim3A_1 = vector.broadcast %broadcast_in_dim3A : f32 to vector<16xf32>
    %scan3A = arith.constant 0 : i32
    %scan3A_2 = arith.constant 0 : i32
    %scan3A_3 = arith.constant 6272 : i32
    %scan3A_4 = arith.addi %scan3A_2, %scan3A_3 : i32
    %scan3A_5 = arith.constant 1 : i32
    %scan3A_6 = scf.for %scan3A_44 = %scan3A_2 to %scan3A_4 step %scan3A_5 iter_args(%scan3A_45 = %scan3A) -> (i32)  : i32 {
      %mul3A_46 = arith.constant 16 : i32
      %mul3A_47 = arith.muli %scan3A_44, %mul3A_46 : i32
      %swap3A = arith.index_cast %mul3A_47 : i32 to index
      %swap3A_48 = tpu.vector_load %arg7[%swap3A] {strides = array<i32>} : memref<100352xf32, #tpu.memory_space<vmem>>, vector<16xf32>,
      tpu.vector_store %arg7[%swap3A], %broadcast_in_dim3A_1 {strides = array<i32>} : memref<100352xf32, #tpu.memory_space<vmem>>, vector<16xf32>,
      %scan3A_49 = arith.constant 0 : i32
      scf.yield %scan3A_49 : i32
    }
    %scan3A_7 = arith.constant 6272 : i32
    %mul3A_8 = arith.constant 16 : i32
    %mul3A_9 = arith.muli %add3A, %mul3A_8 : i32
    "tpu.region"() ({
      %run_scoped3A = tpu.sem_alloc : memref<!tpu.dma_semaphore, #tpu.memory_space<semaphore_mem>>
      %dma_start3A = tpu.memref_slice %arg5[%mul3A_9] : memref<512xi32, #tpu.memory_space<hbm>> -> memref<16xi32, #tpu.memory_space<hbm>>
      %dma_start3A_44 = tpu.memref_slice %arg5[%mul3A_9] : memref<512xi32, #tpu.memory_space<hbm>> -> memref<16xi32, #tpu.memory_space<hbm>>
      tpu.enqueue_dma source(%dma_start3A_44 : memref<16xi32, #tpu.memory_space<hbm>>) target(%arg11 : memref<16xi32, #tpu.memory_space<vmem>>) target_semaphore(%run_scoped3A : memref<!tpu.dma_semaphore, #tpu.memory_space<semaphore_mem>>)
      %dma_wait3A = tpu.memref_slice %arg5[%mul3A_9] : memref<512xi32, #tpu.memory_space<hbm>> -> memref<16xi32, #tpu.memory_space<hbm>>
      %dma_wait3A_45 = tpu.memref_slice %arg5[%mul3A_9] : memref<512xi32, #tpu.memory_space<hbm>> -> memref<16xi32, #tpu.memory_space<hbm>>
      tpu.wait_dma2 semaphore(%run_scoped3A : memref<!tpu.dma_semaphore, #tpu.memory_space<semaphore_mem>>) src(%dma_wait3A_45 : memref<16xi32, #tpu.memory_space<hbm>>) dst(%arg11 : memref<16xi32, #tpu.memory_space<vmem>>)
      tpu.yield
    }) : () -> ()
    %get3A = arith.constant 0 : index
    %get3A_10 = tpu.vector_load %arg11[%get3A] {strides = array<i32>} : memref<16xi32, #tpu.memory_space<vmem>>, vector<16xi32>,
    %slice3A = vector.extract_strided_slice %get3A_10 {offsets = [0], sizes = [1], strides = [1]} : vector<16xi32> to vector<1xi32>
    %squeeze3A = vector.extract %slice3A[0] : i32 from vector<1xi32>
    %add3A_11 = arith.constant 127 : i32
    %add3A_12 = arith.addi %squeeze3A, %add3A_11 : i32
    %jit3A = arith.constant 128 : i32
    %div3A = arith.divsi %add3A_12, %jit3A : i32
    %sign3A = arith.constant 0 : i32
    %sign3A_13 = arith.cmpi sgt, %add3A_12, %sign3A : i32
    %sign3A_14 = arith.extui %sign3A_13 : i1 to i32
    %sign3A_15 = arith.constant 0 : i32
    %sign3A_16 = arith.cmpi slt, %add3A_12, %sign3A_15 : i32
    %sign3A_17 = arith.extui %sign3A_16 : i1 to i32
    %sign3A_18 = arith.subi %sign3A_14, %sign3A_17 : i32
    %sign3A_19 = arith.constant 0 : i32
    %sign3A_20 = arith.cmpi sgt, %jit3A, %sign3A_19 : i32
    %sign3A_21 = arith.extui %sign3A_20 : i1 to i32
    %sign3A_22 = arith.constant 0 : i32
    %sign3A_23 = arith.cmpi slt, %jit3A, %sign3A_22 : i32
    %sign3A_24 = arith.extui %sign3A_23 : i1 to i32
    %sign3A_25 = arith.subi %sign3A_21, %sign3A_24 : i32
    %ne3A = arith.cmpi ne, %sign3A_18, %sign3A_25 : i32
    %rem3A = arith.remsi %add3A_12, %jit3A : i32
    %ne3A_26 = arith.constant 0 : i32
    %ne3A_27 = arith.cmpi ne, %rem3A, %ne3A_26 : i32
    %and3A = arith.andi %ne3A, %ne3A_27 : i1
    %sub3A = arith.constant 1 : i32
    %sub3A_28 = arith.subi %div3A, %sub3A : i32
    %select_n3A = arith.select %and3A, %sub3A_28, %div3A : i32
    %while3A = arith.constant 0 : i32
    %while3A_29 = arith.constant 0 : i32
    %while3A_30 = arith.subi %select_n3A, %while3A : i32
    %while3A_31 = arith.addi %while3A, %while3A_30 : i32
    %while3A_32 = arith.constant 1 : i32
    %while3A_33 = arith.divsi %while3A_30, %while3A_32 : i32
    %while3A_34 = arith.muli %while3A_33, %while3A_32 : i32
    %while3A_35 = arith.addi %while3A, %while3A_34 : i32
    %while3A_36 = arith.constant 1 : i32
    %while3A_37 = scf.for %while3A_44 = %while3A to %while3A_35 step %while3A_36 iter_args(%while3A_45 = %while3A_29) -> (i32)  : i32 {
      %mul3A_46 = arith.constant 804352 : i32
      %mul3A_47 = arith.muli %add3A, %mul3A_46 : i32
      %mul3A_48 = arith.constant 128 : i32
      %mul3A_49 = arith.muli %while3A_44, %mul3A_48 : i32
      %add3A_50 = arith.addi %mul3A_47, %mul3A_49 : i32
      "tpu.region"() ({
        %run_scoped3A = tpu.sem_alloc : memref<!tpu.dma_semaphore, #tpu.memory_space<semaphore_mem>>
        %dma_start3A_72 = tpu.memref_slice %arg3[%add3A_50] : memref<25739264xi32, #tpu.memory_space<hbm>> -> memref<128xi32, #tpu.memory_space<hbm>>
        %dma_start3A_73 = tpu.memref_slice %arg3[%add3A_50] : memref<25739264xi32, #tpu.memory_space<hbm>> -> memref<128xi32, #tpu.memory_space<hbm>>
        tpu.enqueue_dma source(%dma_start3A_73 : memref<128xi32, #tpu.memory_space<hbm>>) target(%arg8 : memref<128xi32, #tpu.memory_space<vmem>>) target_semaphore(%run_scoped3A : memref<!tpu.dma_semaphore, #tpu.memory_space<semaphore_mem>>)
        %dma_wait3A_74 = tpu.memref_slice %arg3[%add3A_50] : memref<25739264xi32, #tpu.memory_space<hbm>> -> memref<128xi32, #tpu.memory_space<hbm>>
        %dma_wait3A_75 = tpu.memref_slice %arg3[%add3A_50] : memref<25739264xi32, #tpu.memory_space<hbm>> -> memref<128xi32, #tpu.memory_space<hbm>>
        tpu.wait_dma2 semaphore(%run_scoped3A : memref<!tpu.dma_semaphore, #tpu.memory_space<semaphore_mem>>) src(%dma_wait3A_75 : memref<128xi32, #tpu.memory_space<hbm>>) dst(%arg8 : memref<128xi32, #tpu.memory_space<vmem>>)
        tpu.yield
      }) : () -> ()
      "tpu.region"() ({
        %run_scoped3A = tpu.sem_alloc : memref<!tpu.dma_semaphore, #tpu.memory_space<semaphore_mem>>
        %dma_start3A_72 = arith.constant 0 : i32
        %dma_start3A_73 = tpu.memref_slice %arg9[%dma_start3A_72] : memref<144xi32, #tpu.memory_space<vmem>> -> memref<128xi32, #tpu.memory_space<vmem>>
        %dma_start3A_74 = tpu.memref_slice %arg4[%add3A_50] : memref<25739264xi32, #tpu.memory_space<hbm>> -> memref<128xi32, #tpu.memory_space<hbm>>
        %dma_start3A_75 = arith.constant 0 : i32
        %dma_start3A_76 = tpu.memref_slice %arg9[%dma_start3A_75] : memref<144xi32, #tpu.memory_space<vmem>> -> memref<128xi32, #tpu.memory_space<vmem>>
        %dma_start3A_77 = tpu.memref_slice %arg4[%add3A_50] : memref<25739264xi32, #tpu.memory_space<hbm>> -> memref<128xi32, #tpu.memory_space<hbm>>
        tpu.enqueue_dma source(%dma_start3A_77 : memref<128xi32, #tpu.memory_space<hbm>>) target(%dma_start3A_76 : memref<128xi32, #tpu.memory_space<vmem>>) target_semaphore(%run_scoped3A : memref<!tpu.dma_semaphore, #tpu.memory_space<semaphore_mem>>)
        %dma_wait3A_78 = arith.constant 0 : i32
        %dma_wait3A_79 = tpu.memref_slice %arg9[%dma_wait3A_78] : memref<144xi32, #tpu.memory_space<vmem>> -> memref<128xi32, #tpu.memory_space<vmem>>
        %dma_wait3A_80 = tpu.memref_slice %arg4[%add3A_50] : memref<25739264xi32, #tpu.memory_space<hbm>> -> memref<128xi32, #tpu.memory_space<hbm>>
        %dma_wait3A_81 = arith.constant 0 : i32
        %dma_wait3A_82 = tpu.memref_slice %arg9[%dma_wait3A_81] : memref<144xi32, #tpu.memory_space<vmem>> -> memref<128xi32, #tpu.memory_space<vmem>>
        %dma_wait3A_83 = tpu.memref_slice %arg4[%add3A_50] : memref<25739264xi32, #tpu.memory_space<hbm>> -> memref<128xi32, #tpu.memory_space<hbm>>
        tpu.wait_dma2 semaphore(%run_scoped3A : memref<!tpu.dma_semaphore, #tpu.memory_space<semaphore_mem>>) src(%dma_wait3A_83 : memref<128xi32, #tpu.memory_space<hbm>>) dst(%dma_wait3A_82 : memref<128xi32, #tpu.memory_space<vmem>>)
        tpu.yield
      }) : () -> ()
      %dma_start3A = arith.constant 0 : i32
      %dma_start3A_51 = arith.constant 0 : i32
      %dma_start3A_52 = tpu.memref_slice %arg2[%dma_start3A, %dma_start3A_51] : memref<50176x64xf32, #tpu.memory_space<hbm>> -> memref<50176x64xf32, #tpu.memory_space<hbm>>
      tpu.enqueue_indirect_dma source(%dma_start3A_52 : memref<50176x64xf32, #tpu.memory_space<hbm>>) target(%arg10 : memref<128x64xf32, #tpu.memory_space<vmem>>) offsets(%arg8 : memref<128xi32, #tpu.memory_space<vmem>>) semaphore(%arg12 : memref<!tpu.dma_semaphore, #tpu.memory_space<semaphore_mem>>)
      %dma_wait3A = arith.constant 0 : i32
      %dma_wait3A_53 = arith.constant 0 : i32
      %dma_wait3A_54 = tpu.memref_slice %arg2[%dma_wait3A, %dma_wait3A_53] : memref<50176x64xf32, #tpu.memory_space<hbm>> -> memref<50176x64xf32, #tpu.memory_space<hbm>>
      tpu.wait_indirect_dma semaphore(%arg12 : memref<!tpu.dma_semaphore, #tpu.memory_space<semaphore_mem>>) src(%dma_wait3A_54 : memref<50176x64xf32, #tpu.memory_space<hbm>>) dst(%arg10 : memref<128x64xf32, #tpu.memory_space<vmem>>)
      %mul3A_55 = arith.constant 128 : i32
      %mul3A_56 = arith.muli %while3A_44, %mul3A_55 : i32
      %sub3A_57 = arith.subi %squeeze3A, %mul3A_56 : i32
      %min3A = arith.constant 128 : i32
      %min3A_58 = arith.minsi %sub3A_57, %min3A : i32
      %while3A_59 = arith.constant 0 : i32
      %while3A_60 = arith.constant 0 : i32
      %while3A_61 = arith.subi %min3A_58, %while3A_59 : i32
      %while3A_62 = arith.addi %while3A_59, %while3A_61 : i32
      %while3A_63 = arith.constant 1 : i32
      %while3A_64 = arith.divsi %while3A_61, %while3A_63 : i32
      %while3A_65 = arith.muli %while3A_64, %while3A_63 : i32
      %while3A_66 = arith.addi %while3A_59, %while3A_65 : i32
      %while3A_67 = arith.constant 1 : i32
      %while3A_68 = scf.for %while3A_72 = %while3A_59 to %while3A_66 step %while3A_67 iter_args(%while3A_73 = %while3A_60) -> (i32)  : i32 {
        %get3A_74 = arith.index_cast %while3A_72 : i32 to index
        %get3A_75 = tpu.vector_load %arg9[%get3A_74] {strides = array<i32>} : memref<144xi32, #tpu.memory_space<vmem>>, vector<16xi32>,
        %slice3A_76 = vector.extract_strided_slice %get3A_75 {offsets = [0], sizes = [1], strides = [1]} : vector<16xi32> to vector<1xi32>
        %squeeze3A_77 = vector.extract %slice3A_76[0] : i32 from vector<1xi32>
        %mul3A_78 = arith.constant 64 : i32
        %mul3A_79 = arith.muli %squeeze3A_77, %mul3A_78 : i32
        %add3A_80 = arith.constant 0 : i32
        %add3A_81 = arith.addi %mul3A_79, %add3A_80 : i32
        %get3A_82 = arith.index_cast %add3A_81 : i32 to index
        %get3A_83 = tpu.vector_load %arg7[%get3A_82] {strides = array<i32>} : memref<100352xf32, #tpu.memory_space<vmem>>, vector<16xf32>,
        %get3A_84 = arith.index_cast %while3A_72 : i32 to index
        %get3A_85 = arith.constant 0 : index
        %get3A_86 = tpu.vector_load %arg10[%get3A_84, %get3A_85] {strides = array<i32>} : memref<128x64xf32, #tpu.memory_space<vmem>>, vector<16xf32>,
        %max3A = arith.maximumf %get3A_83, %get3A_86 : vector<16xf32>
        %swap3A = arith.index_cast %add3A_81 : i32 to index
        %swap3A_87 = tpu.vector_load %arg7[%swap3A] {strides = array<i32>} : memref<100352xf32, #tpu.memory_space<vmem>>, vector<16xf32>,
        tpu.vector_store %arg7[%swap3A], %max3A {strides = array<i32>} : memref<100352xf32, #tpu.memory_space<vmem>>, vector<16xf32>,
        %add3A_88 = arith.constant 16 : i32
        %add3A_89 = arith.addi %mul3A_79, %add3A_88 : i32
        %get3A_90 = arith.index_cast %add3A_89 : i32 to index
        %get3A_91 = tpu.vector_load %arg7[%get3A_90] {strides = array<i32>} : memref<100352xf32, #tpu.memory_space<vmem>>, vector<16xf32>,
        %get3A_92 = arith.index_cast %while3A_72 : i32 to index
        %get3A_93 = arith.constant 16 : index
        %get3A_94 = tpu.vector_load %arg10[%get3A_92, %get3A_93] {strides = array<i32>} : memref<128x64xf32, #tpu.memory_space<vmem>>, vector<16xf32>,
        %max3A_95 = arith.maximumf %get3A_91, %get3A_94 : vector<16xf32>
        %swap3A_96 = arith.index_cast %add3A_89 : i32 to index
        %swap3A_97 = tpu.vector_load %arg7[%swap3A_96] {strides = array<i32>} : memref<100352xf32, #tpu.memory_space<vmem>>, vector<16xf32>,
        tpu.vector_store %arg7[%swap3A_96], %max3A_95 {strides = array<i32>} : memref<100352xf32, #tpu.memory_space<vmem>>, vector<16xf32>,
        %add3A_98 = arith.constant 32 : i32
        %add3A_99 = arith.addi %mul3A_79, %add3A_98 : i32
        %get3A_100 = arith.index_cast %add3A_99 : i32 to index
        %get3A_101 = tpu.vector_load %arg7[%get3A_100] {strides = array<i32>} : memref<100352xf32, #tpu.memory_space<vmem>>, vector<16xf32>,
        %get3A_102 = arith.index_cast %while3A_72 : i32 to index
        %get3A_103 = arith.constant 32 : index
        %get3A_104 = tpu.vector_load %arg10[%get3A_102, %get3A_103] {strides = array<i32>} : memref<128x64xf32, #tpu.memory_space<vmem>>, vector<16xf32>,
        %max3A_105 = arith.maximumf %get3A_101, %get3A_104 : vector<16xf32>
        %swap3A_106 = arith.index_cast %add3A_99 : i32 to index
        %swap3A_107 = tpu.vector_load %arg7[%swap3A_106] {strides = array<i32>} : memref<100352xf32, #tpu.memory_space<vmem>>, vector<16xf32>,
        tpu.vector_store %arg7[%swap3A_106], %max3A_105 {strides = array<i32>} : memref<100352xf32, #tpu.memory_space<vmem>>, vector<16xf32>,
        %add3A_108 = arith.constant 48 : i32
        %add3A_109 = arith.addi %mul3A_79, %add3A_108 : i32
        %get3A_110 = arith.index_cast %add3A_109 : i32 to index
        %get3A_111 = tpu.vector_load %arg7[%get3A_110] {strides = array<i32>} : memref<100352xf32, #tpu.memory_space<vmem>>, vector<16xf32>,
        %get3A_112 = arith.index_cast %while3A_72 : i32 to index
        %get3A_113 = arith.constant 48 : index
        %get3A_114 = tpu.vector_load %arg10[%get3A_112, %get3A_113] {strides = array<i32>} : memref<128x64xf32, #tpu.memory_space<vmem>>, vector<16xf32>,
        %max3A_115 = arith.maximumf %get3A_111, %get3A_114 : vector<16xf32>
        %swap3A_116 = arith.index_cast %add3A_109 : i32 to index
        %swap3A_117 = tpu.vector_load %arg7[%swap3A_116] {strides = array<i32>} : memref<100352xf32, #tpu.memory_space<vmem>>, vector<16xf32>,
        tpu.vector_store %arg7[%swap3A_116], %max3A_115 {strides = array<i32>} : memref<100352xf32, #tpu.memory_space<vmem>>, vector<16xf32>,
        %while3A_118 = arith.constant 0 : i32
        scf.yield %while3A_118 : i32
      }
      %while3A_69 = arith.constant 1 : i32
      %while3A_70 = scf.for %while3A_72 = %while3A_66 to %while3A_62 step %while3A_69 iter_args(%while3A_73 = %while3A_68) -> (i32)  : i32 {
        %get3A_74 = arith.index_cast %while3A_72 : i32 to index
        %get3A_75 = tpu.vector_load %arg9[%get3A_74] {strides = array<i32>} : memref<144xi32, #tpu.memory_space<vmem>>, vector<16xi32>,
        %slice3A_76 = vector.extract_strided_slice %get3A_75 {offsets = [0], sizes = [1], strides = [1]} : vector<16xi32> to vector<1xi32>
        %squeeze3A_77 = vector.extract %slice3A_76[0] : i32 from vector<1xi32>
        %mul3A_78 = arith.constant 64 : i32
        %mul3A_79 = arith.muli %squeeze3A_77, %mul3A_78 : i32
        %add3A_80 = arith.constant 0 : i32
        %add3A_81 = arith.addi %mul3A_79, %add3A_80 : i32
        %get3A_82 = arith.index_cast %add3A_81 : i32 to index
        %get3A_83 = tpu.vector_load %arg7[%get3A_82] {strides = array<i32>} : memref<100352xf32, #tpu.memory_space<vmem>>, vector<16xf32>,
        %get3A_84 = arith.index_cast %while3A_72 : i32 to index
        %get3A_85 = arith.constant 0 : index
        %get3A_86 = tpu.vector_load %arg10[%get3A_84, %get3A_85] {strides = array<i32>} : memref<128x64xf32, #tpu.memory_space<vmem>>, vector<16xf32>,
        %max3A = arith.maximumf %get3A_83, %get3A_86 : vector<16xf32>
        %swap3A = arith.index_cast %add3A_81 : i32 to index
        %swap3A_87 = tpu.vector_load %arg7[%swap3A] {strides = array<i32>} : memref<100352xf32, #tpu.memory_space<vmem>>, vector<16xf32>,
        tpu.vector_store %arg7[%swap3A], %max3A {strides = array<i32>} : memref<100352xf32, #tpu.memory_space<vmem>>, vector<16xf32>,
        %add3A_88 = arith.constant 16 : i32
        %add3A_89 = arith.addi %mul3A_79, %add3A_88 : i32
        %get3A_90 = arith.index_cast %add3A_89 : i32 to index
        %get3A_91 = tpu.vector_load %arg7[%get3A_90] {strides = array<i32>} : memref<100352xf32, #tpu.memory_space<vmem>>, vector<16xf32>,
        %get3A_92 = arith.index_cast %while3A_72 : i32 to index
        %get3A_93 = arith.constant 16 : index
        %get3A_94 = tpu.vector_load %arg10[%get3A_92, %get3A_93] {strides = array<i32>} : memref<128x64xf32, #tpu.memory_space<vmem>>, vector<16xf32>,
        %max3A_95 = arith.maximumf %get3A_91, %get3A_94 : vector<16xf32>
        %swap3A_96 = arith.index_cast %add3A_89 : i32 to index
        %swap3A_97 = tpu.vector_load %arg7[%swap3A_96] {strides = array<i32>} : memref<100352xf32, #tpu.memory_space<vmem>>, vector<16xf32>,
        tpu.vector_store %arg7[%swap3A_96], %max3A_95 {strides = array<i32>} : memref<100352xf32, #tpu.memory_space<vmem>>, vector<16xf32>,
        %add3A_98 = arith.constant 32 : i32
        %add3A_99 = arith.addi %mul3A_79, %add3A_98 : i32
        %get3A_100 = arith.index_cast %add3A_99 : i32 to index
        %get3A_101 = tpu.vector_load %arg7[%get3A_100] {strides = array<i32>} : memref<100352xf32, #tpu.memory_space<vmem>>, vector<16xf32>,
        %get3A_102 = arith.index_cast %while3A_72 : i32 to index
        %get3A_103 = arith.constant 32 : index
        %get3A_104 = tpu.vector_load %arg10[%get3A_102, %get3A_103] {strides = array<i32>} : memref<128x64xf32, #tpu.memory_space<vmem>>, vector<16xf32>,
        %max3A_105 = arith.maximumf %get3A_101, %get3A_104 : vector<16xf32>
        %swap3A_106 = arith.index_cast %add3A_99 : i32 to index
        %swap3A_107 = tpu.vector_load %arg7[%swap3A_106] {strides = array<i32>} : memref<100352xf32, #tpu.memory_space<vmem>>, vector<16xf32>,
        tpu.vector_store %arg7[%swap3A_106], %max3A_105 {strides = array<i32>} : memref<100352xf32, #tpu.memory_space<vmem>>, vector<16xf32>,
        %add3A_108 = arith.constant 48 : i32
        %add3A_109 = arith.addi %mul3A_79, %add3A_108 : i32
        %get3A_110 = arith.index_cast %add3A_109 : i32 to index
        %get3A_111 = tpu.vector_load %arg7[%get3A_110] {strides = array<i32>} : memref<100352xf32, #tpu.memory_space<vmem>>, vector<16xf32>,
        %get3A_112 = arith.index_cast %while3A_72 : i32 to index
        %get3A_113 = arith.constant 48 : index
        %get3A_114 = tpu.vector_load %arg10[%get3A_112, %get3A_113] {strides = array<i32>} : memref<128x64xf32, #tpu.memory_space<vmem>>, vector<16xf32>,
        %max3A_115 = arith.maximumf %get3A_111, %get3A_114 : vector<16xf32>
        %swap3A_116 = arith.index_cast %add3A_109 : i32 to index
        %swap3A_117 = tpu.vector_load %arg7[%swap3A_116] {strides = array<i32>} : memref<100352xf32, #tpu.memory_space<vmem>>, vector<16xf32>,
        tpu.vector_store %arg7[%swap3A_116], %max3A_115 {strides = array<i32>} : memref<100352xf32, #tpu.memory_space<vmem>>, vector<16xf32>,
        %while3A_118 = arith.constant 0 : i32
        scf.yield %while3A_118 : i32
      }
      %while3A_71 = arith.constant 0 : i32
      scf.yield %while3A_71 : i32
    }
    %while3A_38 = arith.constant 1 : i32
    %while3A_39 = scf.for %while3A_44 = %while3A_35 to %while3A_31 step %while3A_38 iter_args(%while3A_45 = %while3A_37) -> (i32)  : i32 {
      %mul3A_46 = arith.constant 804352 : i32
      %mul3A_47 = arith.muli %add3A, %mul3A_46 : i32
      %mul3A_48 = arith.constant 128 : i32
      %mul3A_49 = arith.muli %while3A_44, %mul3A_48 : i32
      %add3A_50 = arith.addi %mul3A_47, %mul3A_49 : i32
      "tpu.region"() ({
        %run_scoped3A = tpu.sem_alloc : memref<!tpu.dma_semaphore, #tpu.memory_space<semaphore_mem>>
        %dma_start3A_72 = tpu.memref_slice %arg3[%add3A_50] : memref<25739264xi32, #tpu.memory_space<hbm>> -> memref<128xi32, #tpu.memory_space<hbm>>
        %dma_start3A_73 = tpu.memref_slice %arg3[%add3A_50] : memref<25739264xi32, #tpu.memory_space<hbm>> -> memref<128xi32, #tpu.memory_space<hbm>>
        tpu.enqueue_dma source(%dma_start3A_73 : memref<128xi32, #tpu.memory_space<hbm>>) target(%arg8 : memref<128xi32, #tpu.memory_space<vmem>>) target_semaphore(%run_scoped3A : memref<!tpu.dma_semaphore, #tpu.memory_space<semaphore_mem>>)
        %dma_wait3A_74 = tpu.memref_slice %arg3[%add3A_50] : memref<25739264xi32, #tpu.memory_space<hbm>> -> memref<128xi32, #tpu.memory_space<hbm>>
        %dma_wait3A_75 = tpu.memref_slice %arg3[%add3A_50] : memref<25739264xi32, #tpu.memory_space<hbm>> -> memref<128xi32, #tpu.memory_space<hbm>>
        tpu.wait_dma2 semaphore(%run_scoped3A : memref<!tpu.dma_semaphore, #tpu.memory_space<semaphore_mem>>) src(%dma_wait3A_75 : memref<128xi32, #tpu.memory_space<hbm>>) dst(%arg8 : memref<128xi32, #tpu.memory_space<vmem>>)
        tpu.yield
      }) : () -> ()
      "tpu.region"() ({
        %run_scoped3A = tpu.sem_alloc : memref<!tpu.dma_semaphore, #tpu.memory_space<semaphore_mem>>
        %dma_start3A_72 = arith.constant 0 : i32
        %dma_start3A_73 = tpu.memref_slice %arg9[%dma_start3A_72] : memref<144xi32, #tpu.memory_space<vmem>> -> memref<128xi32, #tpu.memory_space<vmem>>
        %dma_start3A_74 = tpu.memref_slice %arg4[%add3A_50] : memref<25739264xi32, #tpu.memory_space<hbm>> -> memref<128xi32, #tpu.memory_space<hbm>>
        %dma_start3A_75 = arith.constant 0 : i32
        %dma_start3A_76 = tpu.memref_slice %arg9[%dma_start3A_75] : memref<144xi32, #tpu.memory_space<vmem>> -> memref<128xi32, #tpu.memory_space<vmem>>
        %dma_start3A_77 = tpu.memref_slice %arg4[%add3A_50] : memref<25739264xi32, #tpu.memory_space<hbm>> -> memref<128xi32, #tpu.memory_space<hbm>>
        tpu.enqueue_dma source(%dma_start3A_77 : memref<128xi32, #tpu.memory_space<hbm>>) target(%dma_start3A_76 : memref<128xi32, #tpu.memory_space<vmem>>) target_semaphore(%run_scoped3A : memref<!tpu.dma_semaphore, #tpu.memory_space<semaphore_mem>>)
        %dma_wait3A_78 = arith.constant 0 : i32
        %dma_wait3A_79 = tpu.memref_slice %arg9[%dma_wait3A_78] : memref<144xi32, #tpu.memory_space<vmem>> -> memref<128xi32, #tpu.memory_space<vmem>>
        %dma_wait3A_80 = tpu.memref_slice %arg4[%add3A_50] : memref<25739264xi32, #tpu.memory_space<hbm>> -> memref<128xi32, #tpu.memory_space<hbm>>
        %dma_wait3A_81 = arith.constant 0 : i32
        %dma_wait3A_82 = tpu.memref_slice %arg9[%dma_wait3A_81] : memref<144xi32, #tpu.memory_space<vmem>> -> memref<128xi32, #tpu.memory_space<vmem>>
        %dma_wait3A_83 = tpu.memref_slice %arg4[%add3A_50] : memref<25739264xi32, #tpu.memory_space<hbm>> -> memref<128xi32, #tpu.memory_space<hbm>>
        tpu.wait_dma2 semaphore(%run_scoped3A : memref<!tpu.dma_semaphore, #tpu.memory_space<semaphore_mem>>) src(%dma_wait3A_83 : memref<128xi32, #tpu.memory_space<hbm>>) dst(%dma_wait3A_82 : memref<128xi32, #tpu.memory_space<vmem>>)
        tpu.yield
      }) : () -> ()
      %dma_start3A = arith.constant 0 : i32
      %dma_start3A_51 = arith.constant 0 : i32
      %dma_start3A_52 = tpu.memref_slice %arg2[%dma_start3A, %dma_start3A_51] : memref<50176x64xf32, #tpu.memory_space<hbm>> -> memref<50176x64xf32, #tpu.memory_space<hbm>>
      tpu.enqueue_indirect_dma source(%dma_start3A_52 : memref<50176x64xf32, #tpu.memory_space<hbm>>) target(%arg10 : memref<128x64xf32, #tpu.memory_space<vmem>>) offsets(%arg8 : memref<128xi32, #tpu.memory_space<vmem>>) semaphore(%arg12 : memref<!tpu.dma_semaphore, #tpu.memory_space<semaphore_mem>>)
      %dma_wait3A = arith.constant 0 : i32
      %dma_wait3A_53 = arith.constant 0 : i32
      %dma_wait3A_54 = tpu.memref_slice %arg2[%dma_wait3A, %dma_wait3A_53] : memref<50176x64xf32, #tpu.memory_space<hbm>> -> memref<50176x64xf32, #tpu.memory_space<hbm>>
      tpu.wait_indirect_dma semaphore(%arg12 : memref<!tpu.dma_semaphore, #tpu.memory_space<semaphore_mem>>) src(%dma_wait3A_54 : memref<50176x64xf32, #tpu.memory_space<hbm>>) dst(%arg10 : memref<128x64xf32, #tpu.memory_space<vmem>>)
      %mul3A_55 = arith.constant 128 : i32
      %mul3A_56 = arith.muli %while3A_44, %mul3A_55 : i32
      %sub3A_57 = arith.subi %squeeze3A, %mul3A_56 : i32
      %min3A = arith.constant 128 : i32
      %min3A_58 = arith.minsi %sub3A_57, %min3A : i32
      %while3A_59 = arith.constant 0 : i32
      %while3A_60 = arith.constant 0 : i32
      %while3A_61 = arith.subi %min3A_58, %while3A_59 : i32
      %while3A_62 = arith.addi %while3A_59, %while3A_61 : i32
      %while3A_63 = arith.constant 1 : i32
      %while3A_64 = arith.divsi %while3A_61, %while3A_63 : i32
      %while3A_65 = arith.muli %while3A_64, %while3A_63 : i32
      %while3A_66 = arith.addi %while3A_59, %while3A_65 : i32
      %while3A_67 = arith.constant 1 : i32
      %while3A_68 = scf.for %while3A_72 = %while3A_59 to %while3A_66 step %while3A_67 iter_args(%while3A_73 = %while3A_60) -> (i32)  : i32 {
        %get3A_74 = arith.index_cast %while3A_72 : i32 to index
        %get3A_75 = tpu.vector_load %arg9[%get3A_74] {strides = array<i32>} : memref<144xi32, #tpu.memory_space<vmem>>, vector<16xi32>,
        %slice3A_76 = vector.extract_strided_slice %get3A_75 {offsets = [0], sizes = [1], strides = [1]} : vector<16xi32> to vector<1xi32>
        %squeeze3A_77 = vector.extract %slice3A_76[0] : i32 from vector<1xi32>
        %mul3A_78 = arith.constant 64 : i32
        %mul3A_79 = arith.muli %squeeze3A_77, %mul3A_78 : i32
        %add3A_80 = arith.constant 0 : i32
        %add3A_81 = arith.addi %mul3A_79, %add3A_80 : i32
        %get3A_82 = arith.index_cast %add3A_81 : i32 to index
        %get3A_83 = tpu.vector_load %arg7[%get3A_82] {strides = array<i32>} : memref<100352xf32, #tpu.memory_space<vmem>>, vector<16xf32>,
        %get3A_84 = arith.index_cast %while3A_72 : i32 to index
        %get3A_85 = arith.constant 0 : index
        %get3A_86 = tpu.vector_load %arg10[%get3A_84, %get3A_85] {strides = array<i32>} : memref<128x64xf32, #tpu.memory_space<vmem>>, vector<16xf32>,
        %max3A = arith.maximumf %get3A_83, %get3A_86 : vector<16xf32>
        %swap3A = arith.index_cast %add3A_81 : i32 to index
        %swap3A_87 = tpu.vector_load %arg7[%swap3A] {strides = array<i32>} : memref<100352xf32, #tpu.memory_space<vmem>>, vector<16xf32>,
        tpu.vector_store %arg7[%swap3A], %max3A {strides = array<i32>} : memref<100352xf32, #tpu.memory_space<vmem>>, vector<16xf32>,
        %add3A_88 = arith.constant 16 : i32
        %add3A_89 = arith.addi %mul3A_79, %add3A_88 : i32
        %get3A_90 = arith.index_cast %add3A_89 : i32 to index
        %get3A_91 = tpu.vector_load %arg7[%get3A_90] {strides = array<i32>} : memref<100352xf32, #tpu.memory_space<vmem>>, vector<16xf32>,
        %get3A_92 = arith.index_cast %while3A_72 : i32 to index
        %get3A_93 = arith.constant 16 : index
        %get3A_94 = tpu.vector_load %arg10[%get3A_92, %get3A_93] {strides = array<i32>} : memref<128x64xf32, #tpu.memory_space<vmem>>, vector<16xf32>,
        %max3A_95 = arith.maximumf %get3A_91, %get3A_94 : vector<16xf32>
        %swap3A_96 = arith.index_cast %add3A_89 : i32 to index
        %swap3A_97 = tpu.vector_load %arg7[%swap3A_96] {strides = array<i32>} : memref<100352xf32, #tpu.memory_space<vmem>>, vector<16xf32>,
        tpu.vector_store %arg7[%swap3A_96], %max3A_95 {strides = array<i32>} : memref<100352xf32, #tpu.memory_space<vmem>>, vector<16xf32>,
        %add3A_98 = arith.constant 32 : i32
        %add3A_99 = arith.addi %mul3A_79, %add3A_98 : i32
        %get3A_100 = arith.index_cast %add3A_99 : i32 to index
        %get3A_101 = tpu.vector_load %arg7[%get3A_100] {strides = array<i32>} : memref<100352xf32, #tpu.memory_space<vmem>>, vector<16xf32>,
        %get3A_102 = arith.index_cast %while3A_72 : i32 to index
        %get3A_103 = arith.constant 32 : index
        %get3A_104 = tpu.vector_load %arg10[%get3A_102, %get3A_103] {strides = array<i32>} : memref<128x64xf32, #tpu.memory_space<vmem>>, vector<16xf32>,
        %max3A_105 = arith.maximumf %get3A_101, %get3A_104 : vector<16xf32>
        %swap3A_106 = arith.index_cast %add3A_99 : i32 to index
        %swap3A_107 = tpu.vector_load %arg7[%swap3A_106] {strides = array<i32>} : memref<100352xf32, #tpu.memory_space<vmem>>, vector<16xf32>,
        tpu.vector_store %arg7[%swap3A_106], %max3A_105 {strides = array<i32>} : memref<100352xf32, #tpu.memory_space<vmem>>, vector<16xf32>,
        %add3A_108 = arith.constant 48 : i32
        %add3A_109 = arith.addi %mul3A_79, %add3A_108 : i32
        %get3A_110 = arith.index_cast %add3A_109 : i32 to index
        %get3A_111 = tpu.vector_load %arg7[%get3A_110] {strides = array<i32>} : memref<100352xf32, #tpu.memory_space<vmem>>, vector<16xf32>,
        %get3A_112 = arith.index_cast %while3A_72 : i32 to index
        %get3A_113 = arith.constant 48 : index
        %get3A_114 = tpu.vector_load %arg10[%get3A_112, %get3A_113] {strides = array<i32>} : memref<128x64xf32, #tpu.memory_space<vmem>>, vector<16xf32>,
        %max3A_115 = arith.maximumf %get3A_111, %get3A_114 : vector<16xf32>
        %swap3A_116 = arith.index_cast %add3A_109 : i32 to index
        %swap3A_117 = tpu.vector_load %arg7[%swap3A_116] {strides = array<i32>} : memref<100352xf32, #tpu.memory_space<vmem>>, vector<16xf32>,
        tpu.vector_store %arg7[%swap3A_116], %max3A_115 {strides = array<i32>} : memref<100352xf32, #tpu.memory_space<vmem>>, vector<16xf32>,
        %while3A_118 = arith.constant 0 : i32
        scf.yield %while3A_118 : i32
      }
      %while3A_69 = arith.constant 1 : i32
      %while3A_70 = scf.for %while3A_72 = %while3A_66 to %while3A_62 step %while3A_69 iter_args(%while3A_73 = %while3A_68) -> (i32)  : i32 {
        %get3A_74 = arith.index_cast %while3A_72 : i32 to index
        %get3A_75 = tpu.vector_load %arg9[%get3A_74] {strides = array<i32>} : memref<144xi32, #tpu.memory_space<vmem>>, vector<16xi32>,
        %slice3A_76 = vector.extract_strided_slice %get3A_75 {offsets = [0], sizes = [1], strides = [1]} : vector<16xi32> to vector<1xi32>
        %squeeze3A_77 = vector.extract %slice3A_76[0] : i32 from vector<1xi32>
        %mul3A_78 = arith.constant 64 : i32
        %mul3A_79 = arith.muli %squeeze3A_77, %mul3A_78 : i32
        %add3A_80 = arith.constant 0 : i32
        %add3A_81 = arith.addi %mul3A_79, %add3A_80 : i32
        %get3A_82 = arith.index_cast %add3A_81 : i32 to index
        %get3A_83 = tpu.vector_load %arg7[%get3A_82] {strides = array<i32>} : memref<100352xf32, #tpu.memory_space<vmem>>, vector<16xf32>,
        %get3A_84 = arith.index_cast %while3A_72 : i32 to index
        %get3A_85 = arith.constant 0 : index
        %get3A_86 = tpu.vector_load %arg10[%get3A_84, %get3A_85] {strides = array<i32>} : memref<128x64xf32, #tpu.memory_space<vmem>>, vector<16xf32>,
        %max3A = arith.maximumf %get3A_83, %get3A_86 : vector<16xf32>
        %swap3A = arith.index_cast %add3A_81 : i32 to index
        %swap3A_87 = tpu.vector_load %arg7[%swap3A] {strides = array<i32>} : memref<100352xf32, #tpu.memory_space<vmem>>, vector<16xf32>,
        tpu.vector_store %arg7[%swap3A], %max3A {strides = array<i32>} : memref<100352xf32, #tpu.memory_space<vmem>>, vector<16xf32>,
        %add3A_88 = arith.constant 16 : i32
        %add3A_89 = arith.addi %mul3A_79, %add3A_88 : i32
        %get3A_90 = arith.index_cast %add3A_89 : i32 to index
        %get3A_91 = tpu.vector_load %arg7[%get3A_90] {strides = array<i32>} : memref<100352xf32, #tpu.memory_space<vmem>>, vector<16xf32>,
        %get3A_92 = arith.index_cast %while3A_72 : i32 to index
        %get3A_93 = arith.constant 16 : index
        %get3A_94 = tpu.vector_load %arg10[%get3A_92, %get3A_93] {strides = array<i32>} : memref<128x64xf32, #tpu.memory_space<vmem>>, vector<16xf32>,
        %max3A_95 = arith.maximumf %get3A_91, %get3A_94 : vector<16xf32>
        %swap3A_96 = arith.index_cast %add3A_89 : i32 to index
        %swap3A_97 = tpu.vector_load %arg7[%swap3A_96] {strides = array<i32>} : memref<100352xf32, #tpu.memory_space<vmem>>, vector<16xf32>,
        tpu.vector_store %arg7[%swap3A_96], %max3A_95 {strides = array<i32>} : memref<100352xf32, #tpu.memory_space<vmem>>, vector<16xf32>,
        %add3A_98 = arith.constant 32 : i32
        %add3A_99 = arith.addi %mul3A_79, %add3A_98 : i32
        %get3A_100 = arith.index_cast %add3A_99 : i32 to index
        %get3A_101 = tpu.vector_load %arg7[%get3A_100] {strides = array<i32>} : memref<100352xf32, #tpu.memory_space<vmem>>, vector<16xf32>,
        %get3A_102 = arith.index_cast %while3A_72 : i32 to index
        %get3A_103 = arith.constant 32 : index
        %get3A_104 = tpu.vector_load %arg10[%get3A_102, %get3A_103] {strides = array<i32>} : memref<128x64xf32, #tpu.memory_space<vmem>>, vector<16xf32>,
        %max3A_105 = arith.maximumf %get3A_101, %get3A_104 : vector<16xf32>
        %swap3A_106 = arith.index_cast %add3A_99 : i32 to index
        %swap3A_107 = tpu.vector_load %arg7[%swap3A_106] {strides = array<i32>} : memref<100352xf32, #tpu.memory_space<vmem>>, vector<16xf32>,
        tpu.vector_store %arg7[%swap3A_106], %max3A_105 {strides = array<i32>} : memref<100352xf32, #tpu.memory_space<vmem>>, vector<16xf32>,
        %add3A_108 = arith.constant 48 : i32
        %add3A_109 = arith.addi %mul3A_79, %add3A_108 : i32
        %get3A_110 = arith.index_cast %add3A_109 : i32 to index
        %get3A_111 = tpu.vector_load %arg7[%get3A_110] {strides = array<i32>} : memref<100352xf32, #tpu.memory_space<vmem>>, vector<16xf32>,
        %get3A_112 = arith.index_cast %while3A_72 : i32 to index
        %get3A_113 = arith.constant 48 : index
        %get3A_114 = tpu.vector_load %arg10[%get3A_112, %get3A_113] {strides = array<i32>} : memref<128x64xf32, #tpu.memory_space<vmem>>, vector<16xf32>,
        %max3A_115 = arith.maximumf %get3A_111, %get3A_114 : vector<16xf32>
        %swap3A_116 = arith.index_cast %add3A_109 : i32 to index
        %swap3A_117 = tpu.vector_load %arg7[%swap3A_116] {strides = array<i32>} : memref<100352xf32, #tpu.memory_space<vmem>>, vector<16xf32>,
        tpu.vector_store %arg7[%swap3A_116], %max3A_115 {strides = array<i32>} : memref<100352xf32, #tpu.memory_space<vmem>>, vector<16xf32>,
        %while3A_118 = arith.constant 0 : i32
        scf.yield %while3A_118 : i32
      }
      %while3A_71 = arith.constant 0 : i32
      scf.yield %while3A_71 : i32
    }
    %mul3A_40 = arith.constant 1568 : i32
    %mul3A_41 = arith.muli %add3A, %mul3A_40 : i32
    %mul3A_42 = arith.constant 64 : i32
    %mul3A_43 = arith.muli %mul3A_41, %mul3A_42 : i32
    "tpu.region"() ({
      %run_scoped3A = tpu.sem_alloc : memref<!tpu.dma_semaphore, #tpu.memory_space<semaphore_mem>>
      %dma_start3A = tpu.memref_slice %arg6[%mul3A_43] : memref<3211264xf32, #tpu.memory_space<hbm>> -> memref<100352xf32, #tpu.memory_space<hbm>>
      %dma_start3A_44 = tpu.memref_slice %arg6[%mul3A_43] : memref<3211264xf32, #tpu.memory_space<hbm>> -> memref<100352xf32, #tpu.memory_space<hbm>>
      tpu.enqueue_dma source(%arg7 : memref<100352xf32, #tpu.memory_space<vmem>>) target(%dma_start3A_44 : memref<100352xf32, #tpu.memory_space<hbm>>) target_semaphore(%run_scoped3A : memref<!tpu.dma_semaphore, #tpu.memory_space<semaphore_mem>>)
      %dma_wait3A = tpu.memref_slice %arg6[%mul3A_43] : memref<3211264xf32, #tpu.memory_space<hbm>> -> memref<100352xf32, #tpu.memory_space<hbm>>
      %dma_wait3A_45 = tpu.memref_slice %arg6[%mul3A_43] : memref<3211264xf32, #tpu.memory_space<hbm>> -> memref<100352xf32, #tpu.memory_space<hbm>>
      tpu.wait_dma2 semaphore(%run_scoped3A : memref<!tpu.dma_semaphore, #tpu.memory_space<semaphore_mem>>) src(%arg7 : memref<100352xf32, #tpu.memory_space<vmem>>) dst(%dma_wait3A_45 : memref<100352xf32, #tpu.memory_space<hbm>>)
      tpu.yield
    }) : () -> ()
    return
  }
}

#map = affine_map<(d0, d1) -> (0, 0)>
#map1 = affine_map<(d0, d1) -> (0)>
module attributes {stable_mosaic.version = 14 : i64} {
  func.func @_segmax_body(%arg0: i32, %arg1: i32, %arg2: memref<50176x64xf32, #tpu.memory_space<hbm>>, %arg3: memref<25739264xi32, #tpu.memory_space<hbm>>, %arg4: memref<25739264xi32, #tpu.memory_space<hbm>>, %arg5: memref<512xi32, #tpu.memory_space<hbm>>, %arg6: memref<3211264xf32, #tpu.memory_space<hbm>>, %arg7: memref<100352xf32, #tpu.memory_space<vmem>>, %arg8: memref<128xi32, #tpu.memory_space<vmem>>, %arg9: memref<144xi32, #tpu.memory_space<vmem>>, %arg10: memref<128x64xf32, #tpu.memory_space<vmem>>, %arg11: memref<16xi32, #tpu.memory_space<vmem>>, %arg12: memref<!tpu.dma_semaphore, #tpu.memory_space<semaphore_mem>>) attributes {dimension_semantics = [#tpu.dimension_semantics<core_parallel>, #tpu.dimension_semantics<subcore_parallel>], iteration_bounds = array<i64: 2, 16>, scalar_prefetch = 0 : i64, scratch_operands = 6 : i64, tpu.core_type = #tpu.core_type<sc_vector_subcore>, window_params = [{transform_indices = #map}, {transform_indices = #map1}, {transform_indices = #map1}, {transform_indices = #map1}, {transform_indices = #map1}]} {
    %mul3A = arith.constant 2 : i32
    %mul3A_0 = arith.muli %arg1, %mul3A : i32
    %add3A = arith.addi %mul3A_0, %arg0 : i32
    %broadcast_in_dim3A = arith.constant 0xFF800000 : f32
    %broadcast_in_dim3A_1 = vector.broadcast %broadcast_in_dim3A : f32 to vector<16xf32>
    %scan3A = arith.constant 0 : i32
    %scan3A_2 = arith.constant 0 : i32
    %scan3A_3 = arith.constant 6272 : i32
    %scan3A_4 = arith.addi %scan3A_2, %scan3A_3 : i32
    %scan3A_5 = arith.constant 1 : i32
    %scan3A_6 = scf.for %scan3A_44 = %scan3A_2 to %scan3A_4 step %scan3A_5 iter_args(%scan3A_45 = %scan3A) -> (i32)  : i32 {
      %mul3A_46 = arith.constant 16 : i32
      %mul3A_47 = arith.muli %scan3A_44, %mul3A_46 : i32
      %swap3A = arith.index_cast %mul3A_47 : i32 to index
      %swap3A_48 = tpu.vector_load %arg7[%swap3A] {strides = array<i32>} : memref<100352xf32, #tpu.memory_space<vmem>>, vector<16xf32>,
      tpu.vector_store %arg7[%swap3A], %broadcast_in_dim3A_1 {strides = array<i32>} : memref<100352xf32, #tpu.memory_space<vmem>>, vector<16xf32>,
      %scan3A_49 = arith.constant 0 : i32
      scf.yield %scan3A_49 : i32
    }
    %scan3A_7 = arith.constant 6272 : i32
    %mul3A_8 = arith.constant 16 : i32
    %mul3A_9 = arith.muli %add3A, %mul3A_8 : i32
    "tpu.region"() ({
      %run_scoped3A = tpu.sem_alloc : memref<!tpu.dma_semaphore, #tpu.memory_space<semaphore_mem>>
      %dma_start3A = tpu.memref_slice %arg5[%mul3A_9] : memref<512xi32, #tpu.memory_space<hbm>> -> memref<16xi32, #tpu.memory_space<hbm>>
      %dma_start3A_44 = tpu.memref_slice %arg5[%mul3A_9] : memref<512xi32, #tpu.memory_space<hbm>> -> memref<16xi32, #tpu.memory_space<hbm>>
      tpu.enqueue_dma source(%dma_start3A_44 : memref<16xi32, #tpu.memory_space<hbm>>) target(%arg11 : memref<16xi32, #tpu.memory_space<vmem>>) target_semaphore(%run_scoped3A : memref<!tpu.dma_semaphore, #tpu.memory_space<semaphore_mem>>)
      %dma_wait3A = tpu.memref_slice %arg5[%mul3A_9] : memref<512xi32, #tpu.memory_space<hbm>> -> memref<16xi32, #tpu.memory_space<hbm>>
      %dma_wait3A_45 = tpu.memref_slice %arg5[%mul3A_9] : memref<512xi32, #tpu.memory_space<hbm>> -> memref<16xi32, #tpu.memory_space<hbm>>
      tpu.wait_dma2 semaphore(%run_scoped3A : memref<!tpu.dma_semaphore, #tpu.memory_space<semaphore_mem>>) src(%dma_wait3A_45 : memref<16xi32, #tpu.memory_space<hbm>>) dst(%arg11 : memref<16xi32, #tpu.memory_space<vmem>>)
      tpu.yield
    }) : () -> ()
    %get3A = arith.constant 0 : index
    %get3A_10 = tpu.vector_load %arg11[%get3A] {strides = array<i32>} : memref<16xi32, #tpu.memory_space<vmem>>, vector<16xi32>,
    %slice3A = vector.extract_strided_slice %get3A_10 {offsets = [0], sizes = [1], strides = [1]} : vector<16xi32> to vector<1xi32>
    %squeeze3A = vector.extract %slice3A[0] : i32 from vector<1xi32>
    %add3A_11 = arith.constant 127 : i32
    %add3A_12 = arith.addi %squeeze3A, %add3A_11 : i32
    %jit3A = arith.constant 128 : i32
    %div3A = arith.divsi %add3A_12, %jit3A : i32
    %sign3A = arith.constant 0 : i32
    %sign3A_13 = arith.cmpi sgt, %add3A_12, %sign3A : i32
    %sign3A_14 = arith.extui %sign3A_13 : i1 to i32
    %sign3A_15 = arith.constant 0 : i32
    %sign3A_16 = arith.cmpi slt, %add3A_12, %sign3A_15 : i32
    %sign3A_17 = arith.extui %sign3A_16 : i1 to i32
    %sign3A_18 = arith.subi %sign3A_14, %sign3A_17 : i32
    %sign3A_19 = arith.constant 0 : i32
    %sign3A_20 = arith.cmpi sgt, %jit3A, %sign3A_19 : i32
    %sign3A_21 = arith.extui %sign3A_20 : i1 to i32
    %sign3A_22 = arith.constant 0 : i32
    %sign3A_23 = arith.cmpi slt, %jit3A, %sign3A_22 : i32
    %sign3A_24 = arith.extui %sign3A_23 : i1 to i32
    %sign3A_25 = arith.subi %sign3A_21, %sign3A_24 : i32
    %ne3A = arith.cmpi ne, %sign3A_18, %sign3A_25 : i32
    %rem3A = arith.remsi %add3A_12, %jit3A : i32
    %ne3A_26 = arith.constant 0 : i32
    %ne3A_27 = arith.cmpi ne, %rem3A, %ne3A_26 : i32
    %and3A = arith.andi %ne3A, %ne3A_27 : i1
    %sub3A = arith.constant 1 : i32
    %sub3A_28 = arith.subi %div3A, %sub3A : i32
    %select_n3A = arith.select %and3A, %sub3A_28, %div3A : i32
    %while3A = arith.constant 0 : i32
    %while3A_29 = arith.constant 0 : i32
    %while3A_30 = arith.subi %select_n3A, %while3A : i32
    %while3A_31 = arith.addi %while3A, %while3A_30 : i32
    %while3A_32 = arith.constant 1 : i32
    %while3A_33 = arith.divsi %while3A_30, %while3A_32 : i32
    %while3A_34 = arith.muli %while3A_33, %while3A_32 : i32
    %while3A_35 = arith.addi %while3A, %while3A_34 : i32
    %while3A_36 = arith.constant 1 : i32
    %while3A_37 = scf.for %while3A_44 = %while3A to %while3A_35 step %while3A_36 iter_args(%while3A_45 = %while3A_29) -> (i32)  : i32 {
      %mul3A_46 = arith.constant 804352 : i32
      %mul3A_47 = arith.muli %add3A, %mul3A_46 : i32
      %mul3A_48 = arith.constant 128 : i32
      %mul3A_49 = arith.muli %while3A_44, %mul3A_48 : i32
      %add3A_50 = arith.addi %mul3A_47, %mul3A_49 : i32
      "tpu.region"() ({
        %run_scoped3A = tpu.sem_alloc : memref<!tpu.dma_semaphore, #tpu.memory_space<semaphore_mem>>
        %dma_start3A_72 = tpu.memref_slice %arg3[%add3A_50] : memref<25739264xi32, #tpu.memory_space<hbm>> -> memref<128xi32, #tpu.memory_space<hbm>>
        %dma_start3A_73 = tpu.memref_slice %arg3[%add3A_50] : memref<25739264xi32, #tpu.memory_space<hbm>> -> memref<128xi32, #tpu.memory_space<hbm>>
        tpu.enqueue_dma source(%dma_start3A_73 : memref<128xi32, #tpu.memory_space<hbm>>) target(%arg8 : memref<128xi32, #tpu.memory_space<vmem>>) target_semaphore(%run_scoped3A : memref<!tpu.dma_semaphore, #tpu.memory_space<semaphore_mem>>)
        %dma_wait3A_74 = tpu.memref_slice %arg3[%add3A_50] : memref<25739264xi32, #tpu.memory_space<hbm>> -> memref<128xi32, #tpu.memory_space<hbm>>
        %dma_wait3A_75 = tpu.memref_slice %arg3[%add3A_50] : memref<25739264xi32, #tpu.memory_space<hbm>> -> memref<128xi32, #tpu.memory_space<hbm>>
        tpu.wait_dma2 semaphore(%run_scoped3A : memref<!tpu.dma_semaphore, #tpu.memory_space<semaphore_mem>>) src(%dma_wait3A_75 : memref<128xi32, #tpu.memory_space<hbm>>) dst(%arg8 : memref<128xi32, #tpu.memory_space<vmem>>)
        tpu.yield
      }) : () -> ()
      "tpu.region"() ({
        %run_scoped3A = tpu.sem_alloc : memref<!tpu.dma_semaphore, #tpu.memory_space<semaphore_mem>>
        %dma_start3A_72 = arith.constant 0 : i32
        %dma_start3A_73 = tpu.memref_slice %arg9[%dma_start3A_72] : memref<144xi32, #tpu.memory_space<vmem>> -> memref<128xi32, #tpu.memory_space<vmem>>
        %dma_start3A_74 = tpu.memref_slice %arg4[%add3A_50] : memref<25739264xi32, #tpu.memory_space<hbm>> -> memref<128xi32, #tpu.memory_space<hbm>>
        %dma_start3A_75 = arith.constant 0 : i32
        %dma_start3A_76 = tpu.memref_slice %arg9[%dma_start3A_75] : memref<144xi32, #tpu.memory_space<vmem>> -> memref<128xi32, #tpu.memory_space<vmem>>
        %dma_start3A_77 = tpu.memref_slice %arg4[%add3A_50] : memref<25739264xi32, #tpu.memory_space<hbm>> -> memref<128xi32, #tpu.memory_space<hbm>>
        tpu.enqueue_dma source(%dma_start3A_77 : memref<128xi32, #tpu.memory_space<hbm>>) target(%dma_start3A_76 : memref<128xi32, #tpu.memory_space<vmem>>) target_semaphore(%run_scoped3A : memref<!tpu.dma_semaphore, #tpu.memory_space<semaphore_mem>>)
        %dma_wait3A_78 = arith.constant 0 : i32
        %dma_wait3A_79 = tpu.memref_slice %arg9[%dma_wait3A_78] : memref<144xi32, #tpu.memory_space<vmem>> -> memref<128xi32, #tpu.memory_space<vmem>>
        %dma_wait3A_80 = tpu.memref_slice %arg4[%add3A_50] : memref<25739264xi32, #tpu.memory_space<hbm>> -> memref<128xi32, #tpu.memory_space<hbm>>
        %dma_wait3A_81 = arith.constant 0 : i32
        %dma_wait3A_82 = tpu.memref_slice %arg9[%dma_wait3A_81] : memref<144xi32, #tpu.memory_space<vmem>> -> memref<128xi32, #tpu.memory_space<vmem>>
        %dma_wait3A_83 = tpu.memref_slice %arg4[%add3A_50] : memref<25739264xi32, #tpu.memory_space<hbm>> -> memref<128xi32, #tpu.memory_space<hbm>>
        tpu.wait_dma2 semaphore(%run_scoped3A : memref<!tpu.dma_semaphore, #tpu.memory_space<semaphore_mem>>) src(%dma_wait3A_83 : memref<128xi32, #tpu.memory_space<hbm>>) dst(%dma_wait3A_82 : memref<128xi32, #tpu.memory_space<vmem>>)
        tpu.yield
      }) : () -> ()
      %dma_start3A = arith.constant 0 : i32
      %dma_start3A_51 = arith.constant 0 : i32
      %dma_start3A_52 = tpu.memref_slice %arg2[%dma_start3A, %dma_start3A_51] : memref<50176x64xf32, #tpu.memory_space<hbm>> -> memref<50176x64xf32, #tpu.memory_space<hbm>>
      tpu.enqueue_indirect_dma source(%dma_start3A_52 : memref<50176x64xf32, #tpu.memory_space<hbm>>) target(%arg10 : memref<128x64xf32, #tpu.memory_space<vmem>>) offsets(%arg8 : memref<128xi32, #tpu.memory_space<vmem>>) semaphore(%arg12 : memref<!tpu.dma_semaphore, #tpu.memory_space<semaphore_mem>>)
      %dma_wait3A = arith.constant 0 : i32
      %dma_wait3A_53 = arith.constant 0 : i32
      %dma_wait3A_54 = tpu.memref_slice %arg2[%dma_wait3A, %dma_wait3A_53] : memref<50176x64xf32, #tpu.memory_space<hbm>> -> memref<50176x64xf32, #tpu.memory_space<hbm>>
      tpu.wait_indirect_dma semaphore(%arg12 : memref<!tpu.dma_semaphore, #tpu.memory_space<semaphore_mem>>) src(%dma_wait3A_54 : memref<50176x64xf32, #tpu.memory_space<hbm>>) dst(%arg10 : memref<128x64xf32, #tpu.memory_space<vmem>>)
      %mul3A_55 = arith.constant 128 : i32
      %mul3A_56 = arith.muli %while3A_44, %mul3A_55 : i32
      %sub3A_57 = arith.subi %squeeze3A, %mul3A_56 : i32
      %min3A = arith.constant 128 : i32
      %min3A_58 = arith.minsi %sub3A_57, %min3A : i32
      %while3A_59 = arith.constant 0 : i32
      %while3A_60 = arith.constant 0 : i32
      %while3A_61 = arith.subi %min3A_58, %while3A_59 : i32
      %while3A_62 = arith.addi %while3A_59, %while3A_61 : i32
      %while3A_63 = arith.constant 1 : i32
      %while3A_64 = arith.divsi %while3A_61, %while3A_63 : i32
      %while3A_65 = arith.muli %while3A_64, %while3A_63 : i32
      %while3A_66 = arith.addi %while3A_59, %while3A_65 : i32
      %while3A_67 = arith.constant 1 : i32
      %while3A_68 = scf.for %while3A_72 = %while3A_59 to %while3A_66 step %while3A_67 iter_args(%while3A_73 = %while3A_60) -> (i32)  : i32 {
        %get3A_74 = arith.index_cast %while3A_72 : i32 to index
        %get3A_75 = tpu.vector_load %arg9[%get3A_74] {strides = array<i32>} : memref<144xi32, #tpu.memory_space<vmem>>, vector<16xi32>,
        %slice3A_76 = vector.extract_strided_slice %get3A_75 {offsets = [0], sizes = [1], strides = [1]} : vector<16xi32> to vector<1xi32>
        %squeeze3A_77 = vector.extract %slice3A_76[0] : i32 from vector<1xi32>
        %mul3A_78 = arith.constant 64 : i32
        %mul3A_79 = arith.muli %squeeze3A_77, %mul3A_78 : i32
        %add3A_80 = arith.constant 0 : i32
        %add3A_81 = arith.addi %mul3A_79, %add3A_80 : i32
        %get3A_82 = arith.index_cast %add3A_81 : i32 to index
        %get3A_83 = tpu.vector_load %arg7[%get3A_82] {strides = array<i32>} : memref<100352xf32, #tpu.memory_space<vmem>>, vector<16xf32>,
        %get3A_84 = arith.index_cast %while3A_72 : i32 to index
        %get3A_85 = arith.constant 0 : index
        %get3A_86 = tpu.vector_load %arg10[%get3A_84, %get3A_85] {strides = array<i32>} : memref<128x64xf32, #tpu.memory_space<vmem>>, vector<16xf32>,
        %max3A = arith.maximumf %get3A_83, %get3A_86 : vector<16xf32>
        %swap3A = arith.index_cast %add3A_81 : i32 to index
        %swap3A_87 = tpu.vector_load %arg7[%swap3A] {strides = array<i32>} : memref<100352xf32, #tpu.memory_space<vmem>>, vector<16xf32>,
        tpu.vector_store %arg7[%swap3A], %max3A {strides = array<i32>} : memref<100352xf32, #tpu.memory_space<vmem>>, vector<16xf32>,
        %add3A_88 = arith.constant 16 : i32
        %add3A_89 = arith.addi %mul3A_79, %add3A_88 : i32
        %get3A_90 = arith.index_cast %add3A_89 : i32 to index
        %get3A_91 = tpu.vector_load %arg7[%get3A_90] {strides = array<i32>} : memref<100352xf32, #tpu.memory_space<vmem>>, vector<16xf32>,
        %get3A_92 = arith.index_cast %while3A_72 : i32 to index
        %get3A_93 = arith.constant 16 : index
        %get3A_94 = tpu.vector_load %arg10[%get3A_92, %get3A_93] {strides = array<i32>} : memref<128x64xf32, #tpu.memory_space<vmem>>, vector<16xf32>,
        %max3A_95 = arith.maximumf %get3A_91, %get3A_94 : vector<16xf32>
        %swap3A_96 = arith.index_cast %add3A_89 : i32 to index
        %swap3A_97 = tpu.vector_load %arg7[%swap3A_96] {strides = array<i32>} : memref<100352xf32, #tpu.memory_space<vmem>>, vector<16xf32>,
        tpu.vector_store %arg7[%swap3A_96], %max3A_95 {strides = array<i32>} : memref<100352xf32, #tpu.memory_space<vmem>>, vector<16xf32>,
        %add3A_98 = arith.constant 32 : i32
        %add3A_99 = arith.addi %mul3A_79, %add3A_98 : i32
        %get3A_100 = arith.index_cast %add3A_99 : i32 to index
        %get3A_101 = tpu.vector_load %arg7[%get3A_100] {strides = array<i32>} : memref<100352xf32, #tpu.memory_space<vmem>>, vector<16xf32>,
        %get3A_102 = arith.index_cast %while3A_72 : i32 to index
        %get3A_103 = arith.constant 32 : index
        %get3A_104 = tpu.vector_load %arg10[%get3A_102, %get3A_103] {strides = array<i32>} : memref<128x64xf32, #tpu.memory_space<vmem>>, vector<16xf32>,
        %max3A_105 = arith.maximumf %get3A_101, %get3A_104 : vector<16xf32>
        %swap3A_106 = arith.index_cast %add3A_99 : i32 to index
        %swap3A_107 = tpu.vector_load %arg7[%swap3A_106] {strides = array<i32>} : memref<100352xf32, #tpu.memory_space<vmem>>, vector<16xf32>,
        tpu.vector_store %arg7[%swap3A_106], %max3A_105 {strides = array<i32>} : memref<100352xf32, #tpu.memory_space<vmem>>, vector<16xf32>,
        %add3A_108 = arith.constant 48 : i32
        %add3A_109 = arith.addi %mul3A_79, %add3A_108 : i32
        %get3A_110 = arith.index_cast %add3A_109 : i32 to index
        %get3A_111 = tpu.vector_load %arg7[%get3A_110] {strides = array<i32>} : memref<100352xf32, #tpu.memory_space<vmem>>, vector<16xf32>,
        %get3A_112 = arith.index_cast %while3A_72 : i32 to index
        %get3A_113 = arith.constant 48 : index
        %get3A_114 = tpu.vector_load %arg10[%get3A_112, %get3A_113] {strides = array<i32>} : memref<128x64xf32, #tpu.memory_space<vmem>>, vector<16xf32>,
        %max3A_115 = arith.maximumf %get3A_111, %get3A_114 : vector<16xf32>
        %swap3A_116 = arith.index_cast %add3A_109 : i32 to index
        %swap3A_117 = tpu.vector_load %arg7[%swap3A_116] {strides = array<i32>} : memref<100352xf32, #tpu.memory_space<vmem>>, vector<16xf32>,
        tpu.vector_store %arg7[%swap3A_116], %max3A_115 {strides = array<i32>} : memref<100352xf32, #tpu.memory_space<vmem>>, vector<16xf32>,
        %while3A_118 = arith.constant 0 : i32
        scf.yield %while3A_118 : i32
      }
      %while3A_69 = arith.constant 1 : i32
      %while3A_70 = scf.for %while3A_72 = %while3A_66 to %while3A_62 step %while3A_69 iter_args(%while3A_73 = %while3A_68) -> (i32)  : i32 {
        %get3A_74 = arith.index_cast %while3A_72 : i32 to index
        %get3A_75 = tpu.vector_load %arg9[%get3A_74] {strides = array<i32>} : memref<144xi32, #tpu.memory_space<vmem>>, vector<16xi32>,
        %slice3A_76 = vector.extract_strided_slice %get3A_75 {offsets = [0], sizes = [1], strides = [1]} : vector<16xi32> to vector<1xi32>
        %squeeze3A_77 = vector.extract %slice3A_76[0] : i32 from vector<1xi32>
        %mul3A_78 = arith.constant 64 : i32
        %mul3A_79 = arith.muli %squeeze3A_77, %mul3A_78 : i32
        %add3A_80 = arith.constant 0 : i32
        %add3A_81 = arith.addi %mul3A_79, %add3A_80 : i32
        %get3A_82 = arith.index_cast %add3A_81 : i32 to index
        %get3A_83 = tpu.vector_load %arg7[%get3A_82] {strides = array<i32>} : memref<100352xf32, #tpu.memory_space<vmem>>, vector<16xf32>,
        %get3A_84 = arith.index_cast %while3A_72 : i32 to index
        %get3A_85 = arith.constant 0 : index
        %get3A_86 = tpu.vector_load %arg10[%get3A_84, %get3A_85] {strides = array<i32>} : memref<128x64xf32, #tpu.memory_space<vmem>>, vector<16xf32>,
        %max3A = arith.maximumf %get3A_83, %get3A_86 : vector<16xf32>
        %swap3A = arith.index_cast %add3A_81 : i32 to index
        %swap3A_87 = tpu.vector_load %arg7[%swap3A] {strides = array<i32>} : memref<100352xf32, #tpu.memory_space<vmem>>, vector<16xf32>,
        tpu.vector_store %arg7[%swap3A], %max3A {strides = array<i32>} : memref<100352xf32, #tpu.memory_space<vmem>>, vector<16xf32>,
        %add3A_88 = arith.constant 16 : i32
        %add3A_89 = arith.addi %mul3A_79, %add3A_88 : i32
        %get3A_90 = arith.index_cast %add3A_89 : i32 to index
        %get3A_91 = tpu.vector_load %arg7[%get3A_90] {strides = array<i32>} : memref<100352xf32, #tpu.memory_space<vmem>>, vector<16xf32>,
        %get3A_92 = arith.index_cast %while3A_72 : i32 to index
        %get3A_93 = arith.constant 16 : index
        %get3A_94 = tpu.vector_load %arg10[%get3A_92, %get3A_93] {strides = array<i32>} : memref<128x64xf32, #tpu.memory_space<vmem>>, vector<16xf32>,
        %max3A_95 = arith.maximumf %get3A_91, %get3A_94 : vector<16xf32>
        %swap3A_96 = arith.index_cast %add3A_89 : i32 to index
        %swap3A_97 = tpu.vector_load %arg7[%swap3A_96] {strides = array<i32>} : memref<100352xf32, #tpu.memory_space<vmem>>, vector<16xf32>,
        tpu.vector_store %arg7[%swap3A_96], %max3A_95 {strides = array<i32>} : memref<100352xf32, #tpu.memory_space<vmem>>, vector<16xf32>,
        %add3A_98 = arith.constant 32 : i32
        %add3A_99 = arith.addi %mul3A_79, %add3A_98 : i32
        %get3A_100 = arith.index_cast %add3A_99 : i32 to index
        %get3A_101 = tpu.vector_load %arg7[%get3A_100] {strides = array<i32>} : memref<100352xf32, #tpu.memory_space<vmem>>, vector<16xf32>,
        %get3A_102 = arith.index_cast %while3A_72 : i32 to index
        %get3A_103 = arith.constant 32 : index
        %get3A_104 = tpu.vector_load %arg10[%get3A_102, %get3A_103] {strides = array<i32>} : memref<128x64xf32, #tpu.memory_space<vmem>>, vector<16xf32>,
        %max3A_105 = arith.maximumf %get3A_101, %get3A_104 : vector<16xf32>
        %swap3A_106 = arith.index_cast %add3A_99 : i32 to index
        %swap3A_107 = tpu.vector_load %arg7[%swap3A_106] {strides = array<i32>} : memref<100352xf32, #tpu.memory_space<vmem>>, vector<16xf32>,
        tpu.vector_store %arg7[%swap3A_106], %max3A_105 {strides = array<i32>} : memref<100352xf32, #tpu.memory_space<vmem>>, vector<16xf32>,
        %add3A_108 = arith.constant 48 : i32
        %add3A_109 = arith.addi %mul3A_79, %add3A_108 : i32
        %get3A_110 = arith.index_cast %add3A_109 : i32 to index
        %get3A_111 = tpu.vector_load %arg7[%get3A_110] {strides = array<i32>} : memref<100352xf32, #tpu.memory_space<vmem>>, vector<16xf32>,
        %get3A_112 = arith.index_cast %while3A_72 : i32 to index
        %get3A_113 = arith.constant 48 : index
        %get3A_114 = tpu.vector_load %arg10[%get3A_112, %get3A_113] {strides = array<i32>} : memref<128x64xf32, #tpu.memory_space<vmem>>, vector<16xf32>,
        %max3A_115 = arith.maximumf %get3A_111, %get3A_114 : vector<16xf32>
        %swap3A_116 = arith.index_cast %add3A_109 : i32 to index
        %swap3A_117 = tpu.vector_load %arg7[%swap3A_116] {strides = array<i32>} : memref<100352xf32, #tpu.memory_space<vmem>>, vector<16xf32>,
        tpu.vector_store %arg7[%swap3A_116], %max3A_115 {strides = array<i32>} : memref<100352xf32, #tpu.memory_space<vmem>>, vector<16xf32>,
        %while3A_118 = arith.constant 0 : i32
        scf.yield %while3A_118 : i32
      }
      %while3A_71 = arith.constant 0 : i32
      scf.yield %while3A_71 : i32
    }
    %while3A_38 = arith.constant 1 : i32
    %while3A_39 = scf.for %while3A_44 = %while3A_35 to %while3A_31 step %while3A_38 iter_args(%while3A_45 = %while3A_37) -> (i32)  : i32 {
      %mul3A_46 = arith.constant 804352 : i32
      %mul3A_47 = arith.muli %add3A, %mul3A_46 : i32
      %mul3A_48 = arith.constant 128 : i32
      %mul3A_49 = arith.muli %while3A_44, %mul3A_48 : i32
      %add3A_50 = arith.addi %mul3A_47, %mul3A_49 : i32
      "tpu.region"() ({
        %run_scoped3A = tpu.sem_alloc : memref<!tpu.dma_semaphore, #tpu.memory_space<semaphore_mem>>
        %dma_start3A_72 = tpu.memref_slice %arg3[%add3A_50] : memref<25739264xi32, #tpu.memory_space<hbm>> -> memref<128xi32, #tpu.memory_space<hbm>>
        %dma_start3A_73 = tpu.memref_slice %arg3[%add3A_50] : memref<25739264xi32, #tpu.memory_space<hbm>> -> memref<128xi32, #tpu.memory_space<hbm>>
        tpu.enqueue_dma source(%dma_start3A_73 : memref<128xi32, #tpu.memory_space<hbm>>) target(%arg8 : memref<128xi32, #tpu.memory_space<vmem>>) target_semaphore(%run_scoped3A : memref<!tpu.dma_semaphore, #tpu.memory_space<semaphore_mem>>)
        %dma_wait3A_74 = tpu.memref_slice %arg3[%add3A_50] : memref<25739264xi32, #tpu.memory_space<hbm>> -> memref<128xi32, #tpu.memory_space<hbm>>
        %dma_wait3A_75 = tpu.memref_slice %arg3[%add3A_50] : memref<25739264xi32, #tpu.memory_space<hbm>> -> memref<128xi32, #tpu.memory_space<hbm>>
        tpu.wait_dma2 semaphore(%run_scoped3A : memref<!tpu.dma_semaphore, #tpu.memory_space<semaphore_mem>>) src(%dma_wait3A_75 : memref<128xi32, #tpu.memory_space<hbm>>) dst(%arg8 : memref<128xi32, #tpu.memory_space<vmem>>)
        tpu.yield
      }) : () -> ()
      "tpu.region"() ({
        %run_scoped3A = tpu.sem_alloc : memref<!tpu.dma_semaphore, #tpu.memory_space<semaphore_mem>>
        %dma_start3A_72 = arith.constant 0 : i32
        %dma_start3A_73 = tpu.memref_slice %arg9[%dma_start3A_72] : memref<144xi32, #tpu.memory_space<vmem>> -> memref<128xi32, #tpu.memory_space<vmem>>
        %dma_start3A_74 = tpu.memref_slice %arg4[%add3A_50] : memref<25739264xi32, #tpu.memory_space<hbm>> -> memref<128xi32, #tpu.memory_space<hbm>>
        %dma_start3A_75 = arith.constant 0 : i32
        %dma_start3A_76 = tpu.memref_slice %arg9[%dma_start3A_75] : memref<144xi32, #tpu.memory_space<vmem>> -> memref<128xi32, #tpu.memory_space<vmem>>
        %dma_start3A_77 = tpu.memref_slice %arg4[%add3A_50] : memref<25739264xi32, #tpu.memory_space<hbm>> -> memref<128xi32, #tpu.memory_space<hbm>>
        tpu.enqueue_dma source(%dma_start3A_77 : memref<128xi32, #tpu.memory_space<hbm>>) target(%dma_start3A_76 : memref<128xi32, #tpu.memory_space<vmem>>) target_semaphore(%run_scoped3A : memref<!tpu.dma_semaphore, #tpu.memory_space<semaphore_mem>>)
        %dma_wait3A_78 = arith.constant 0 : i32
        %dma_wait3A_79 = tpu.memref_slice %arg9[%dma_wait3A_78] : memref<144xi32, #tpu.memory_space<vmem>> -> memref<128xi32, #tpu.memory_space<vmem>>
        %dma_wait3A_80 = tpu.memref_slice %arg4[%add3A_50] : memref<25739264xi32, #tpu.memory_space<hbm>> -> memref<128xi32, #tpu.memory_space<hbm>>
        %dma_wait3A_81 = arith.constant 0 : i32
        %dma_wait3A_82 = tpu.memref_slice %arg9[%dma_wait3A_81] : memref<144xi32, #tpu.memory_space<vmem>> -> memref<128xi32, #tpu.memory_space<vmem>>
        %dma_wait3A_83 = tpu.memref_slice %arg4[%add3A_50] : memref<25739264xi32, #tpu.memory_space<hbm>> -> memref<128xi32, #tpu.memory_space<hbm>>
        tpu.wait_dma2 semaphore(%run_scoped3A : memref<!tpu.dma_semaphore, #tpu.memory_space<semaphore_mem>>) src(%dma_wait3A_83 : memref<128xi32, #tpu.memory_space<hbm>>) dst(%dma_wait3A_82 : memref<128xi32, #tpu.memory_space<vmem>>)
        tpu.yield
      }) : () -> ()
      %dma_start3A = arith.constant 0 : i32
      %dma_start3A_51 = arith.constant 0 : i32
      %dma_start3A_52 = tpu.memref_slice %arg2[%dma_start3A, %dma_start3A_51] : memref<50176x64xf32, #tpu.memory_space<hbm>> -> memref<50176x64xf32, #tpu.memory_space<hbm>>
      tpu.enqueue_indirect_dma source(%dma_start3A_52 : memref<50176x64xf32, #tpu.memory_space<hbm>>) target(%arg10 : memref<128x64xf32, #tpu.memory_space<vmem>>) offsets(%arg8 : memref<128xi32, #tpu.memory_space<vmem>>) semaphore(%arg12 : memref<!tpu.dma_semaphore, #tpu.memory_space<semaphore_mem>>)
      %dma_wait3A = arith.constant 0 : i32
      %dma_wait3A_53 = arith.constant 0 : i32
      %dma_wait3A_54 = tpu.memref_slice %arg2[%dma_wait3A, %dma_wait3A_53] : memref<50176x64xf32, #tpu.memory_space<hbm>> -> memref<50176x64xf32, #tpu.memory_space<hbm>>
      tpu.wait_indirect_dma semaphore(%arg12 : memref<!tpu.dma_semaphore, #tpu.memory_space<semaphore_mem>>) src(%dma_wait3A_54 : memref<50176x64xf32, #tpu.memory_space<hbm>>) dst(%arg10 : memref<128x64xf32, #tpu.memory_space<vmem>>)
      %mul3A_55 = arith.constant 128 : i32
      %mul3A_56 = arith.muli %while3A_44, %mul3A_55 : i32
      %sub3A_57 = arith.subi %squeeze3A, %mul3A_56 : i32
      %min3A = arith.constant 128 : i32
      %min3A_58 = arith.minsi %sub3A_57, %min3A : i32
      %while3A_59 = arith.constant 0 : i32
      %while3A_60 = arith.constant 0 : i32
      %while3A_61 = arith.subi %min3A_58, %while3A_59 : i32
      %while3A_62 = arith.addi %while3A_59, %while3A_61 : i32
      %while3A_63 = arith.constant 1 : i32
      %while3A_64 = arith.divsi %while3A_61, %while3A_63 : i32
      %while3A_65 = arith.muli %while3A_64, %while3A_63 : i32
      %while3A_66 = arith.addi %while3A_59, %while3A_65 : i32
      %while3A_67 = arith.constant 1 : i32
      %while3A_68 = scf.for %while3A_72 = %while3A_59 to %while3A_66 step %while3A_67 iter_args(%while3A_73 = %while3A_60) -> (i32)  : i32 {
        %get3A_74 = arith.index_cast %while3A_72 : i32 to index
        %get3A_75 = tpu.vector_load %arg9[%get3A_74] {strides = array<i32>} : memref<144xi32, #tpu.memory_space<vmem>>, vector<16xi32>,
        %slice3A_76 = vector.extract_strided_slice %get3A_75 {offsets = [0], sizes = [1], strides = [1]} : vector<16xi32> to vector<1xi32>
        %squeeze3A_77 = vector.extract %slice3A_76[0] : i32 from vector<1xi32>
        %mul3A_78 = arith.constant 64 : i32
        %mul3A_79 = arith.muli %squeeze3A_77, %mul3A_78 : i32
        %add3A_80 = arith.constant 0 : i32
        %add3A_81 = arith.addi %mul3A_79, %add3A_80 : i32
        %get3A_82 = arith.index_cast %add3A_81 : i32 to index
        %get3A_83 = tpu.vector_load %arg7[%get3A_82] {strides = array<i32>} : memref<100352xf32, #tpu.memory_space<vmem>>, vector<16xf32>,
        %get3A_84 = arith.index_cast %while3A_72 : i32 to index
        %get3A_85 = arith.constant 0 : index
        %get3A_86 = tpu.vector_load %arg10[%get3A_84, %get3A_85] {strides = array<i32>} : memref<128x64xf32, #tpu.memory_space<vmem>>, vector<16xf32>,
        %max3A = arith.maximumf %get3A_83, %get3A_86 : vector<16xf32>
        %swap3A = arith.index_cast %add3A_81 : i32 to index
        %swap3A_87 = tpu.vector_load %arg7[%swap3A] {strides = array<i32>} : memref<100352xf32, #tpu.memory_space<vmem>>, vector<16xf32>,
        tpu.vector_store %arg7[%swap3A], %max3A {strides = array<i32>} : memref<100352xf32, #tpu.memory_space<vmem>>, vector<16xf32>,
        %add3A_88 = arith.constant 16 : i32
        %add3A_89 = arith.addi %mul3A_79, %add3A_88 : i32
        %get3A_90 = arith.index_cast %add3A_89 : i32 to index
        %get3A_91 = tpu.vector_load %arg7[%get3A_90] {strides = array<i32>} : memref<100352xf32, #tpu.memory_space<vmem>>, vector<16xf32>,
        %get3A_92 = arith.index_cast %while3A_72 : i32 to index
        %get3A_93 = arith.constant 16 : index
        %get3A_94 = tpu.vector_load %arg10[%get3A_92, %get3A_93] {strides = array<i32>} : memref<128x64xf32, #tpu.memory_space<vmem>>, vector<16xf32>,
        %max3A_95 = arith.maximumf %get3A_91, %get3A_94 : vector<16xf32>
        %swap3A_96 = arith.index_cast %add3A_89 : i32 to index
        %swap3A_97 = tpu.vector_load %arg7[%swap3A_96] {strides = array<i32>} : memref<100352xf32, #tpu.memory_space<vmem>>, vector<16xf32>,
        tpu.vector_store %arg7[%swap3A_96], %max3A_95 {strides = array<i32>} : memref<100352xf32, #tpu.memory_space<vmem>>, vector<16xf32>,
        %add3A_98 = arith.constant 32 : i32
        %add3A_99 = arith.addi %mul3A_79, %add3A_98 : i32
        %get3A_100 = arith.index_cast %add3A_99 : i32 to index
        %get3A_101 = tpu.vector_load %arg7[%get3A_100] {strides = array<i32>} : memref<100352xf32, #tpu.memory_space<vmem>>, vector<16xf32>,
        %get3A_102 = arith.index_cast %while3A_72 : i32 to index
        %get3A_103 = arith.constant 32 : index
        %get3A_104 = tpu.vector_load %arg10[%get3A_102, %get3A_103] {strides = array<i32>} : memref<128x64xf32, #tpu.memory_space<vmem>>, vector<16xf32>,
        %max3A_105 = arith.maximumf %get3A_101, %get3A_104 : vector<16xf32>
        %swap3A_106 = arith.index_cast %add3A_99 : i32 to index
        %swap3A_107 = tpu.vector_load %arg7[%swap3A_106] {strides = array<i32>} : memref<100352xf32, #tpu.memory_space<vmem>>, vector<16xf32>,
        tpu.vector_store %arg7[%swap3A_106], %max3A_105 {strides = array<i32>} : memref<100352xf32, #tpu.memory_space<vmem>>, vector<16xf32>,
        %add3A_108 = arith.constant 48 : i32
        %add3A_109 = arith.addi %mul3A_79, %add3A_108 : i32
        %get3A_110 = arith.index_cast %add3A_109 : i32 to index
        %get3A_111 = tpu.vector_load %arg7[%get3A_110] {strides = array<i32>} : memref<100352xf32, #tpu.memory_space<vmem>>, vector<16xf32>,
        %get3A_112 = arith.index_cast %while3A_72 : i32 to index
        %get3A_113 = arith.constant 48 : index
        %get3A_114 = tpu.vector_load %arg10[%get3A_112, %get3A_113] {strides = array<i32>} : memref<128x64xf32, #tpu.memory_space<vmem>>, vector<16xf32>,
        %max3A_115 = arith.maximumf %get3A_111, %get3A_114 : vector<16xf32>
        %swap3A_116 = arith.index_cast %add3A_109 : i32 to index
        %swap3A_117 = tpu.vector_load %arg7[%swap3A_116] {strides = array<i32>} : memref<100352xf32, #tpu.memory_space<vmem>>, vector<16xf32>,
        tpu.vector_store %arg7[%swap3A_116], %max3A_115 {strides = array<i32>} : memref<100352xf32, #tpu.memory_space<vmem>>, vector<16xf32>,
        %while3A_118 = arith.constant 0 : i32
        scf.yield %while3A_118 : i32
      }
      %while3A_69 = arith.constant 1 : i32
      %while3A_70 = scf.for %while3A_72 = %while3A_66 to %while3A_62 step %while3A_69 iter_args(%while3A_73 = %while3A_68) -> (i32)  : i32 {
        %get3A_74 = arith.index_cast %while3A_72 : i32 to index
        %get3A_75 = tpu.vector_load %arg9[%get3A_74] {strides = array<i32>} : memref<144xi32, #tpu.memory_space<vmem>>, vector<16xi32>,
        %slice3A_76 = vector.extract_strided_slice %get3A_75 {offsets = [0], sizes = [1], strides = [1]} : vector<16xi32> to vector<1xi32>
        %squeeze3A_77 = vector.extract %slice3A_76[0] : i32 from vector<1xi32>
        %mul3A_78 = arith.constant 64 : i32
        %mul3A_79 = arith.muli %squeeze3A_77, %mul3A_78 : i32
        %add3A_80 = arith.constant 0 : i32
        %add3A_81 = arith.addi %mul3A_79, %add3A_80 : i32
        %get3A_82 = arith.index_cast %add3A_81 : i32 to index
        %get3A_83 = tpu.vector_load %arg7[%get3A_82] {strides = array<i32>} : memref<100352xf32, #tpu.memory_space<vmem>>, vector<16xf32>,
        %get3A_84 = arith.index_cast %while3A_72 : i32 to index
        %get3A_85 = arith.constant 0 : index
        %get3A_86 = tpu.vector_load %arg10[%get3A_84, %get3A_85] {strides = array<i32>} : memref<128x64xf32, #tpu.memory_space<vmem>>, vector<16xf32>,
        %max3A = arith.maximumf %get3A_83, %get3A_86 : vector<16xf32>
        %swap3A = arith.index_cast %add3A_81 : i32 to index
        %swap3A_87 = tpu.vector_load %arg7[%swap3A] {strides = array<i32>} : memref<100352xf32, #tpu.memory_space<vmem>>, vector<16xf32>,
        tpu.vector_store %arg7[%swap3A], %max3A {strides = array<i32>} : memref<100352xf32, #tpu.memory_space<vmem>>, vector<16xf32>,
        %add3A_88 = arith.constant 16 : i32
        %add3A_89 = arith.addi %mul3A_79, %add3A_88 : i32
        %get3A_90 = arith.index_cast %add3A_89 : i32 to index
        %get3A_91 = tpu.vector_load %arg7[%get3A_90] {strides = array<i32>} : memref<100352xf32, #tpu.memory_space<vmem>>, vector<16xf32>,
        %get3A_92 = arith.index_cast %while3A_72 : i32 to index
        %get3A_93 = arith.constant 16 : index
        %get3A_94 = tpu.vector_load %arg10[%get3A_92, %get3A_93] {strides = array<i32>} : memref<128x64xf32, #tpu.memory_space<vmem>>, vector<16xf32>,
        %max3A_95 = arith.maximumf %get3A_91, %get3A_94 : vector<16xf32>
        %swap3A_96 = arith.index_cast %add3A_89 : i32 to index
        %swap3A_97 = tpu.vector_load %arg7[%swap3A_96] {strides = array<i32>} : memref<100352xf32, #tpu.memory_space<vmem>>, vector<16xf32>,
        tpu.vector_store %arg7[%swap3A_96], %max3A_95 {strides = array<i32>} : memref<100352xf32, #tpu.memory_space<vmem>>, vector<16xf32>,
        %add3A_98 = arith.constant 32 : i32
        %add3A_99 = arith.addi %mul3A_79, %add3A_98 : i32
        %get3A_100 = arith.index_cast %add3A_99 : i32 to index
        %get3A_101 = tpu.vector_load %arg7[%get3A_100] {strides = array<i32>} : memref<100352xf32, #tpu.memory_space<vmem>>, vector<16xf32>,
        %get3A_102 = arith.index_cast %while3A_72 : i32 to index
        %get3A_103 = arith.constant 32 : index
        %get3A_104 = tpu.vector_load %arg10[%get3A_102, %get3A_103] {strides = array<i32>} : memref<128x64xf32, #tpu.memory_space<vmem>>, vector<16xf32>,
        %max3A_105 = arith.maximumf %get3A_101, %get3A_104 : vector<16xf32>
        %swap3A_106 = arith.index_cast %add3A_99 : i32 to index
        %swap3A_107 = tpu.vector_load %arg7[%swap3A_106] {strides = array<i32>} : memref<100352xf32, #tpu.memory_space<vmem>>, vector<16xf32>,
        tpu.vector_store %arg7[%swap3A_106], %max3A_105 {strides = array<i32>} : memref<100352xf32, #tpu.memory_space<vmem>>, vector<16xf32>,
        %add3A_108 = arith.constant 48 : i32
        %add3A_109 = arith.addi %mul3A_79, %add3A_108 : i32
        %get3A_110 = arith.index_cast %add3A_109 : i32 to index
        %get3A_111 = tpu.vector_load %arg7[%get3A_110] {strides = array<i32>} : memref<100352xf32, #tpu.memory_space<vmem>>, vector<16xf32>,
        %get3A_112 = arith.index_cast %while3A_72 : i32 to index
        %get3A_113 = arith.constant 48 : index
        %get3A_114 = tpu.vector_load %arg10[%get3A_112, %get3A_113] {strides = array<i32>} : memref<128x64xf32, #tpu.memory_space<vmem>>, vector<16xf32>,
        %max3A_115 = arith.maximumf %get3A_111, %get3A_114 : vector<16xf32>
        %swap3A_116 = arith.index_cast %add3A_109 : i32 to index
        %swap3A_117 = tpu.vector_load %arg7[%swap3A_116] {strides = array<i32>} : memref<100352xf32, #tpu.memory_space<vmem>>, vector<16xf32>,
        tpu.vector_store %arg7[%swap3A_116], %max3A_115 {strides = array<i32>} : memref<100352xf32, #tpu.memory_space<vmem>>, vector<16xf32>,
        %while3A_118 = arith.constant 0 : i32
        scf.yield %while3A_118 : i32
      }
      %while3A_71 = arith.constant 0 : i32
      scf.yield %while3A_71 : i32
    }
    %mul3A_40 = arith.constant 1568 : i32
    %mul3A_41 = arith.muli %add3A, %mul3A_40 : i32
    %mul3A_42 = arith.constant 64 : i32
    %mul3A_43 = arith.muli %mul3A_41, %mul3A_42 : i32
    "tpu.region"() ({
      %run_scoped3A = tpu.sem_alloc : memref<!tpu.dma_semaphore, #tpu.memory_space<semaphore_mem>>
      %dma_start3A = tpu.memref_slice %arg6[%mul3A_43] : memref<3211264xf32, #tpu.memory_space<hbm>> -> memref<100352xf32, #tpu.memory_space<hbm>>
      %dma_start3A_44 = tpu.memref_slice %arg6[%mul3A_43] : memref<3211264xf32, #tpu.memory_space<hbm>> -> memref<100352xf32, #tpu.memory_space<hbm>>
      tpu.enqueue_dma source(%arg7 : memref<100352xf32, #tpu.memory_space<vmem>>) target(%dma_start3A_44 : memref<100352xf32, #tpu.memory_space<hbm>>) target_semaphore(%run_scoped3A : memref<!tpu.dma_semaphore, #tpu.memory_space<semaphore_mem>>)
      %dma_wait3A = tpu.memref_slice %arg6[%mul3A_43] : memref<3211264xf32, #tpu.memory_space<hbm>> -> memref<100352xf32, #tpu.memory_space<hbm>>
      %dma_wait3A_45 = tpu.memref_slice %arg6[%mul3A_43] : memref<3211264xf32, #tpu.memory_space<hbm>> -> memref<100352xf32, #tpu.memory_space<hbm>>
      tpu.wait_dma2 semaphore(%run_scoped3A : memref<!tpu.dma_semaphore, #tpu.memory_space<semaphore_mem>>) src(%arg7 : memref<100352xf32, #tpu.memory_space<vmem>>) dst(%dma_wait3A_45 : memref<100352xf32, #tpu.memory_space<hbm>>)
      tpu.yield
    }) : () -> ()
    return
  }
}

#map = affine_map<(d0, d1) -> (0, 0)>
#map1 = affine_map<(d0, d1) -> (0)>
module attributes {stable_mosaic.version = 14 : i64} {
  func.func @_segmax_body(%arg0: i32, %arg1: i32, %arg2: memref<50176x64xf32, #tpu.memory_space<hbm>>, %arg3: memref<25739264xi32, #tpu.memory_space<hbm>>, %arg4: memref<25739264xi32, #tpu.memory_space<hbm>>, %arg5: memref<512xi32, #tpu.memory_space<hbm>>, %arg6: memref<3211264xf32, #tpu.memory_space<hbm>>, %arg7: memref<100352xf32, #tpu.memory_space<vmem>>, %arg8: memref<128xi32, #tpu.memory_space<vmem>>, %arg9: memref<144xi32, #tpu.memory_space<vmem>>, %arg10: memref<128x64xf32, #tpu.memory_space<vmem>>, %arg11: memref<16xi32, #tpu.memory_space<vmem>>, %arg12: memref<!tpu.dma_semaphore, #tpu.memory_space<semaphore_mem>>) attributes {dimension_semantics = [#tpu.dimension_semantics<core_parallel>, #tpu.dimension_semantics<subcore_parallel>], iteration_bounds = array<i64: 2, 16>, scalar_prefetch = 0 : i64, scratch_operands = 6 : i64, tpu.core_type = #tpu.core_type<sc_vector_subcore>, window_params = [{transform_indices = #map}, {transform_indices = #map1}, {transform_indices = #map1}, {transform_indices = #map1}, {transform_indices = #map1}]} {
    %mul3A = arith.constant 2 : i32
    %mul3A_0 = arith.muli %arg1, %mul3A : i32
    %add3A = arith.addi %mul3A_0, %arg0 : i32
    %broadcast_in_dim3A = arith.constant 0xFF800000 : f32
    %broadcast_in_dim3A_1 = vector.broadcast %broadcast_in_dim3A : f32 to vector<16xf32>
    %scan3A = arith.constant 0 : i32
    %scan3A_2 = arith.constant 0 : i32
    %scan3A_3 = arith.constant 6272 : i32
    %scan3A_4 = arith.addi %scan3A_2, %scan3A_3 : i32
    %scan3A_5 = arith.constant 1 : i32
    %scan3A_6 = scf.for %scan3A_44 = %scan3A_2 to %scan3A_4 step %scan3A_5 iter_args(%scan3A_45 = %scan3A) -> (i32)  : i32 {
      %mul3A_46 = arith.constant 16 : i32
      %mul3A_47 = arith.muli %scan3A_44, %mul3A_46 : i32
      %swap3A = arith.index_cast %mul3A_47 : i32 to index
      %swap3A_48 = tpu.vector_load %arg7[%swap3A] {strides = array<i32>} : memref<100352xf32, #tpu.memory_space<vmem>>, vector<16xf32>,
      tpu.vector_store %arg7[%swap3A], %broadcast_in_dim3A_1 {strides = array<i32>} : memref<100352xf32, #tpu.memory_space<vmem>>, vector<16xf32>,
      %scan3A_49 = arith.constant 0 : i32
      scf.yield %scan3A_49 : i32
    }
    %scan3A_7 = arith.constant 6272 : i32
    %mul3A_8 = arith.constant 16 : i32
    %mul3A_9 = arith.muli %add3A, %mul3A_8 : i32
    "tpu.region"() ({
      %run_scoped3A = tpu.sem_alloc : memref<!tpu.dma_semaphore, #tpu.memory_space<semaphore_mem>>
      %dma_start3A = tpu.memref_slice %arg5[%mul3A_9] : memref<512xi32, #tpu.memory_space<hbm>> -> memref<16xi32, #tpu.memory_space<hbm>>
      %dma_start3A_44 = tpu.memref_slice %arg5[%mul3A_9] : memref<512xi32, #tpu.memory_space<hbm>> -> memref<16xi32, #tpu.memory_space<hbm>>
      tpu.enqueue_dma source(%dma_start3A_44 : memref<16xi32, #tpu.memory_space<hbm>>) target(%arg11 : memref<16xi32, #tpu.memory_space<vmem>>) target_semaphore(%run_scoped3A : memref<!tpu.dma_semaphore, #tpu.memory_space<semaphore_mem>>)
      %dma_wait3A = tpu.memref_slice %arg5[%mul3A_9] : memref<512xi32, #tpu.memory_space<hbm>> -> memref<16xi32, #tpu.memory_space<hbm>>
      %dma_wait3A_45 = tpu.memref_slice %arg5[%mul3A_9] : memref<512xi32, #tpu.memory_space<hbm>> -> memref<16xi32, #tpu.memory_space<hbm>>
      tpu.wait_dma2 semaphore(%run_scoped3A : memref<!tpu.dma_semaphore, #tpu.memory_space<semaphore_mem>>) src(%dma_wait3A_45 : memref<16xi32, #tpu.memory_space<hbm>>) dst(%arg11 : memref<16xi32, #tpu.memory_space<vmem>>)
      tpu.yield
    }) : () -> ()
    %get3A = arith.constant 0 : index
    %get3A_10 = tpu.vector_load %arg11[%get3A] {strides = array<i32>} : memref<16xi32, #tpu.memory_space<vmem>>, vector<16xi32>,
    %slice3A = vector.extract_strided_slice %get3A_10 {offsets = [0], sizes = [1], strides = [1]} : vector<16xi32> to vector<1xi32>
    %squeeze3A = vector.extract %slice3A[0] : i32 from vector<1xi32>
    %add3A_11 = arith.constant 127 : i32
    %add3A_12 = arith.addi %squeeze3A, %add3A_11 : i32
    %jit3A = arith.constant 128 : i32
    %div3A = arith.divsi %add3A_12, %jit3A : i32
    %sign3A = arith.constant 0 : i32
    %sign3A_13 = arith.cmpi sgt, %add3A_12, %sign3A : i32
    %sign3A_14 = arith.extui %sign3A_13 : i1 to i32
    %sign3A_15 = arith.constant 0 : i32
    %sign3A_16 = arith.cmpi slt, %add3A_12, %sign3A_15 : i32
    %sign3A_17 = arith.extui %sign3A_16 : i1 to i32
    %sign3A_18 = arith.subi %sign3A_14, %sign3A_17 : i32
    %sign3A_19 = arith.constant 0 : i32
    %sign3A_20 = arith.cmpi sgt, %jit3A, %sign3A_19 : i32
    %sign3A_21 = arith.extui %sign3A_20 : i1 to i32
    %sign3A_22 = arith.constant 0 : i32
    %sign3A_23 = arith.cmpi slt, %jit3A, %sign3A_22 : i32
    %sign3A_24 = arith.extui %sign3A_23 : i1 to i32
    %sign3A_25 = arith.subi %sign3A_21, %sign3A_24 : i32
    %ne3A = arith.cmpi ne, %sign3A_18, %sign3A_25 : i32
    %rem3A = arith.remsi %add3A_12, %jit3A : i32
    %ne3A_26 = arith.constant 0 : i32
    %ne3A_27 = arith.cmpi ne, %rem3A, %ne3A_26 : i32
    %and3A = arith.andi %ne3A, %ne3A_27 : i1
    %sub3A = arith.constant 1 : i32
    %sub3A_28 = arith.subi %div3A, %sub3A : i32
    %select_n3A = arith.select %and3A, %sub3A_28, %div3A : i32
    %while3A = arith.constant 0 : i32
    %while3A_29 = arith.constant 0 : i32
    %while3A_30 = arith.subi %select_n3A, %while3A : i32
    %while3A_31 = arith.addi %while3A, %while3A_30 : i32
    %while3A_32 = arith.constant 1 : i32
    %while3A_33 = arith.divsi %while3A_30, %while3A_32 : i32
    %while3A_34 = arith.muli %while3A_33, %while3A_32 : i32
    %while3A_35 = arith.addi %while3A, %while3A_34 : i32
    %while3A_36 = arith.constant 1 : i32
    %while3A_37 = scf.for %while3A_44 = %while3A to %while3A_35 step %while3A_36 iter_args(%while3A_45 = %while3A_29) -> (i32)  : i32 {
      %mul3A_46 = arith.constant 804352 : i32
      %mul3A_47 = arith.muli %add3A, %mul3A_46 : i32
      %mul3A_48 = arith.constant 128 : i32
      %mul3A_49 = arith.muli %while3A_44, %mul3A_48 : i32
      %add3A_50 = arith.addi %mul3A_47, %mul3A_49 : i32
      "tpu.region"() ({
        %run_scoped3A = tpu.sem_alloc : memref<!tpu.dma_semaphore, #tpu.memory_space<semaphore_mem>>
        %dma_start3A_72 = tpu.memref_slice %arg3[%add3A_50] : memref<25739264xi32, #tpu.memory_space<hbm>> -> memref<128xi32, #tpu.memory_space<hbm>>
        %dma_start3A_73 = tpu.memref_slice %arg3[%add3A_50] : memref<25739264xi32, #tpu.memory_space<hbm>> -> memref<128xi32, #tpu.memory_space<hbm>>
        tpu.enqueue_dma source(%dma_start3A_73 : memref<128xi32, #tpu.memory_space<hbm>>) target(%arg8 : memref<128xi32, #tpu.memory_space<vmem>>) target_semaphore(%run_scoped3A : memref<!tpu.dma_semaphore, #tpu.memory_space<semaphore_mem>>)
        %dma_wait3A_74 = tpu.memref_slice %arg3[%add3A_50] : memref<25739264xi32, #tpu.memory_space<hbm>> -> memref<128xi32, #tpu.memory_space<hbm>>
        %dma_wait3A_75 = tpu.memref_slice %arg3[%add3A_50] : memref<25739264xi32, #tpu.memory_space<hbm>> -> memref<128xi32, #tpu.memory_space<hbm>>
        tpu.wait_dma2 semaphore(%run_scoped3A : memref<!tpu.dma_semaphore, #tpu.memory_space<semaphore_mem>>) src(%dma_wait3A_75 : memref<128xi32, #tpu.memory_space<hbm>>) dst(%arg8 : memref<128xi32, #tpu.memory_space<vmem>>)
        tpu.yield
      }) : () -> ()
      "tpu.region"() ({
        %run_scoped3A = tpu.sem_alloc : memref<!tpu.dma_semaphore, #tpu.memory_space<semaphore_mem>>
        %dma_start3A_72 = arith.constant 0 : i32
        %dma_start3A_73 = tpu.memref_slice %arg9[%dma_start3A_72] : memref<144xi32, #tpu.memory_space<vmem>> -> memref<128xi32, #tpu.memory_space<vmem>>
        %dma_start3A_74 = tpu.memref_slice %arg4[%add3A_50] : memref<25739264xi32, #tpu.memory_space<hbm>> -> memref<128xi32, #tpu.memory_space<hbm>>
        %dma_start3A_75 = arith.constant 0 : i32
        %dma_start3A_76 = tpu.memref_slice %arg9[%dma_start3A_75] : memref<144xi32, #tpu.memory_space<vmem>> -> memref<128xi32, #tpu.memory_space<vmem>>
        %dma_start3A_77 = tpu.memref_slice %arg4[%add3A_50] : memref<25739264xi32, #tpu.memory_space<hbm>> -> memref<128xi32, #tpu.memory_space<hbm>>
        tpu.enqueue_dma source(%dma_start3A_77 : memref<128xi32, #tpu.memory_space<hbm>>) target(%dma_start3A_76 : memref<128xi32, #tpu.memory_space<vmem>>) target_semaphore(%run_scoped3A : memref<!tpu.dma_semaphore, #tpu.memory_space<semaphore_mem>>)
        %dma_wait3A_78 = arith.constant 0 : i32
        %dma_wait3A_79 = tpu.memref_slice %arg9[%dma_wait3A_78] : memref<144xi32, #tpu.memory_space<vmem>> -> memref<128xi32, #tpu.memory_space<vmem>>
        %dma_wait3A_80 = tpu.memref_slice %arg4[%add3A_50] : memref<25739264xi32, #tpu.memory_space<hbm>> -> memref<128xi32, #tpu.memory_space<hbm>>
        %dma_wait3A_81 = arith.constant 0 : i32
        %dma_wait3A_82 = tpu.memref_slice %arg9[%dma_wait3A_81] : memref<144xi32, #tpu.memory_space<vmem>> -> memref<128xi32, #tpu.memory_space<vmem>>
        %dma_wait3A_83 = tpu.memref_slice %arg4[%add3A_50] : memref<25739264xi32, #tpu.memory_space<hbm>> -> memref<128xi32, #tpu.memory_space<hbm>>
        tpu.wait_dma2 semaphore(%run_scoped3A : memref<!tpu.dma_semaphore, #tpu.memory_space<semaphore_mem>>) src(%dma_wait3A_83 : memref<128xi32, #tpu.memory_space<hbm>>) dst(%dma_wait3A_82 : memref<128xi32, #tpu.memory_space<vmem>>)
        tpu.yield
      }) : () -> ()
      %dma_start3A = arith.constant 0 : i32
      %dma_start3A_51 = arith.constant 0 : i32
      %dma_start3A_52 = tpu.memref_slice %arg2[%dma_start3A, %dma_start3A_51] : memref<50176x64xf32, #tpu.memory_space<hbm>> -> memref<50176x64xf32, #tpu.memory_space<hbm>>
      tpu.enqueue_indirect_dma source(%dma_start3A_52 : memref<50176x64xf32, #tpu.memory_space<hbm>>) target(%arg10 : memref<128x64xf32, #tpu.memory_space<vmem>>) offsets(%arg8 : memref<128xi32, #tpu.memory_space<vmem>>) semaphore(%arg12 : memref<!tpu.dma_semaphore, #tpu.memory_space<semaphore_mem>>)
      %dma_wait3A = arith.constant 0 : i32
      %dma_wait3A_53 = arith.constant 0 : i32
      %dma_wait3A_54 = tpu.memref_slice %arg2[%dma_wait3A, %dma_wait3A_53] : memref<50176x64xf32, #tpu.memory_space<hbm>> -> memref<50176x64xf32, #tpu.memory_space<hbm>>
      tpu.wait_indirect_dma semaphore(%arg12 : memref<!tpu.dma_semaphore, #tpu.memory_space<semaphore_mem>>) src(%dma_wait3A_54 : memref<50176x64xf32, #tpu.memory_space<hbm>>) dst(%arg10 : memref<128x64xf32, #tpu.memory_space<vmem>>)
      %mul3A_55 = arith.constant 128 : i32
      %mul3A_56 = arith.muli %while3A_44, %mul3A_55 : i32
      %sub3A_57 = arith.subi %squeeze3A, %mul3A_56 : i32
      %min3A = arith.constant 128 : i32
      %min3A_58 = arith.minsi %sub3A_57, %min3A : i32
      %while3A_59 = arith.constant 0 : i32
      %while3A_60 = arith.constant 0 : i32
      %while3A_61 = arith.subi %min3A_58, %while3A_59 : i32
      %while3A_62 = arith.addi %while3A_59, %while3A_61 : i32
      %while3A_63 = arith.constant 1 : i32
      %while3A_64 = arith.divsi %while3A_61, %while3A_63 : i32
      %while3A_65 = arith.muli %while3A_64, %while3A_63 : i32
      %while3A_66 = arith.addi %while3A_59, %while3A_65 : i32
      %while3A_67 = arith.constant 1 : i32
      %while3A_68 = scf.for %while3A_72 = %while3A_59 to %while3A_66 step %while3A_67 iter_args(%while3A_73 = %while3A_60) -> (i32)  : i32 {
        %get3A_74 = arith.index_cast %while3A_72 : i32 to index
        %get3A_75 = tpu.vector_load %arg9[%get3A_74] {strides = array<i32>} : memref<144xi32, #tpu.memory_space<vmem>>, vector<16xi32>,
        %slice3A_76 = vector.extract_strided_slice %get3A_75 {offsets = [0], sizes = [1], strides = [1]} : vector<16xi32> to vector<1xi32>
        %squeeze3A_77 = vector.extract %slice3A_76[0] : i32 from vector<1xi32>
        %mul3A_78 = arith.constant 64 : i32
        %mul3A_79 = arith.muli %squeeze3A_77, %mul3A_78 : i32
        %add3A_80 = arith.constant 0 : i32
        %add3A_81 = arith.addi %mul3A_79, %add3A_80 : i32
        %get3A_82 = arith.index_cast %add3A_81 : i32 to index
        %get3A_83 = tpu.vector_load %arg7[%get3A_82] {strides = array<i32>} : memref<100352xf32, #tpu.memory_space<vmem>>, vector<16xf32>,
        %get3A_84 = arith.index_cast %while3A_72 : i32 to index
        %get3A_85 = arith.constant 0 : index
        %get3A_86 = tpu.vector_load %arg10[%get3A_84, %get3A_85] {strides = array<i32>} : memref<128x64xf32, #tpu.memory_space<vmem>>, vector<16xf32>,
        %max3A = arith.maximumf %get3A_83, %get3A_86 : vector<16xf32>
        %swap3A = arith.index_cast %add3A_81 : i32 to index
        %swap3A_87 = tpu.vector_load %arg7[%swap3A] {strides = array<i32>} : memref<100352xf32, #tpu.memory_space<vmem>>, vector<16xf32>,
        tpu.vector_store %arg7[%swap3A], %max3A {strides = array<i32>} : memref<100352xf32, #tpu.memory_space<vmem>>, vector<16xf32>,
        %add3A_88 = arith.constant 16 : i32
        %add3A_89 = arith.addi %mul3A_79, %add3A_88 : i32
        %get3A_90 = arith.index_cast %add3A_89 : i32 to index
        %get3A_91 = tpu.vector_load %arg7[%get3A_90] {strides = array<i32>} : memref<100352xf32, #tpu.memory_space<vmem>>, vector<16xf32>,
        %get3A_92 = arith.index_cast %while3A_72 : i32 to index
        %get3A_93 = arith.constant 16 : index
        %get3A_94 = tpu.vector_load %arg10[%get3A_92, %get3A_93] {strides = array<i32>} : memref<128x64xf32, #tpu.memory_space<vmem>>, vector<16xf32>,
        %max3A_95 = arith.maximumf %get3A_91, %get3A_94 : vector<16xf32>
        %swap3A_96 = arith.index_cast %add3A_89 : i32 to index
        %swap3A_97 = tpu.vector_load %arg7[%swap3A_96] {strides = array<i32>} : memref<100352xf32, #tpu.memory_space<vmem>>, vector<16xf32>,
        tpu.vector_store %arg7[%swap3A_96], %max3A_95 {strides = array<i32>} : memref<100352xf32, #tpu.memory_space<vmem>>, vector<16xf32>,
        %add3A_98 = arith.constant 32 : i32
        %add3A_99 = arith.addi %mul3A_79, %add3A_98 : i32
        %get3A_100 = arith.index_cast %add3A_99 : i32 to index
        %get3A_101 = tpu.vector_load %arg7[%get3A_100] {strides = array<i32>} : memref<100352xf32, #tpu.memory_space<vmem>>, vector<16xf32>,
        %get3A_102 = arith.index_cast %while3A_72 : i32 to index
        %get3A_103 = arith.constant 32 : index
        %get3A_104 = tpu.vector_load %arg10[%get3A_102, %get3A_103] {strides = array<i32>} : memref<128x64xf32, #tpu.memory_space<vmem>>, vector<16xf32>,
        %max3A_105 = arith.maximumf %get3A_101, %get3A_104 : vector<16xf32>
        %swap3A_106 = arith.index_cast %add3A_99 : i32 to index
        %swap3A_107 = tpu.vector_load %arg7[%swap3A_106] {strides = array<i32>} : memref<100352xf32, #tpu.memory_space<vmem>>, vector<16xf32>,
        tpu.vector_store %arg7[%swap3A_106], %max3A_105 {strides = array<i32>} : memref<100352xf32, #tpu.memory_space<vmem>>, vector<16xf32>,
        %add3A_108 = arith.constant 48 : i32
        %add3A_109 = arith.addi %mul3A_79, %add3A_108 : i32
        %get3A_110 = arith.index_cast %add3A_109 : i32 to index
        %get3A_111 = tpu.vector_load %arg7[%get3A_110] {strides = array<i32>} : memref<100352xf32, #tpu.memory_space<vmem>>, vector<16xf32>,
        %get3A_112 = arith.index_cast %while3A_72 : i32 to index
        %get3A_113 = arith.constant 48 : index
        %get3A_114 = tpu.vector_load %arg10[%get3A_112, %get3A_113] {strides = array<i32>} : memref<128x64xf32, #tpu.memory_space<vmem>>, vector<16xf32>,
        %max3A_115 = arith.maximumf %get3A_111, %get3A_114 : vector<16xf32>
        %swap3A_116 = arith.index_cast %add3A_109 : i32 to index
        %swap3A_117 = tpu.vector_load %arg7[%swap3A_116] {strides = array<i32>} : memref<100352xf32, #tpu.memory_space<vmem>>, vector<16xf32>,
        tpu.vector_store %arg7[%swap3A_116], %max3A_115 {strides = array<i32>} : memref<100352xf32, #tpu.memory_space<vmem>>, vector<16xf32>,
        %while3A_118 = arith.constant 0 : i32
        scf.yield %while3A_118 : i32
      }
      %while3A_69 = arith.constant 1 : i32
      %while3A_70 = scf.for %while3A_72 = %while3A_66 to %while3A_62 step %while3A_69 iter_args(%while3A_73 = %while3A_68) -> (i32)  : i32 {
        %get3A_74 = arith.index_cast %while3A_72 : i32 to index
        %get3A_75 = tpu.vector_load %arg9[%get3A_74] {strides = array<i32>} : memref<144xi32, #tpu.memory_space<vmem>>, vector<16xi32>,
        %slice3A_76 = vector.extract_strided_slice %get3A_75 {offsets = [0], sizes = [1], strides = [1]} : vector<16xi32> to vector<1xi32>
        %squeeze3A_77 = vector.extract %slice3A_76[0] : i32 from vector<1xi32>
        %mul3A_78 = arith.constant 64 : i32
        %mul3A_79 = arith.muli %squeeze3A_77, %mul3A_78 : i32
        %add3A_80 = arith.constant 0 : i32
        %add3A_81 = arith.addi %mul3A_79, %add3A_80 : i32
        %get3A_82 = arith.index_cast %add3A_81 : i32 to index
        %get3A_83 = tpu.vector_load %arg7[%get3A_82] {strides = array<i32>} : memref<100352xf32, #tpu.memory_space<vmem>>, vector<16xf32>,
        %get3A_84 = arith.index_cast %while3A_72 : i32 to index
        %get3A_85 = arith.constant 0 : index
        %get3A_86 = tpu.vector_load %arg10[%get3A_84, %get3A_85] {strides = array<i32>} : memref<128x64xf32, #tpu.memory_space<vmem>>, vector<16xf32>,
        %max3A = arith.maximumf %get3A_83, %get3A_86 : vector<16xf32>
        %swap3A = arith.index_cast %add3A_81 : i32 to index
        %swap3A_87 = tpu.vector_load %arg7[%swap3A] {strides = array<i32>} : memref<100352xf32, #tpu.memory_space<vmem>>, vector<16xf32>,
        tpu.vector_store %arg7[%swap3A], %max3A {strides = array<i32>} : memref<100352xf32, #tpu.memory_space<vmem>>, vector<16xf32>,
        %add3A_88 = arith.constant 16 : i32
        %add3A_89 = arith.addi %mul3A_79, %add3A_88 : i32
        %get3A_90 = arith.index_cast %add3A_89 : i32 to index
        %get3A_91 = tpu.vector_load %arg7[%get3A_90] {strides = array<i32>} : memref<100352xf32, #tpu.memory_space<vmem>>, vector<16xf32>,
        %get3A_92 = arith.index_cast %while3A_72 : i32 to index
        %get3A_93 = arith.constant 16 : index
        %get3A_94 = tpu.vector_load %arg10[%get3A_92, %get3A_93] {strides = array<i32>} : memref<128x64xf32, #tpu.memory_space<vmem>>, vector<16xf32>,
        %max3A_95 = arith.maximumf %get3A_91, %get3A_94 : vector<16xf32>
        %swap3A_96 = arith.index_cast %add3A_89 : i32 to index
        %swap3A_97 = tpu.vector_load %arg7[%swap3A_96] {strides = array<i32>} : memref<100352xf32, #tpu.memory_space<vmem>>, vector<16xf32>,
        tpu.vector_store %arg7[%swap3A_96], %max3A_95 {strides = array<i32>} : memref<100352xf32, #tpu.memory_space<vmem>>, vector<16xf32>,
        %add3A_98 = arith.constant 32 : i32
        %add3A_99 = arith.addi %mul3A_79, %add3A_98 : i32
        %get3A_100 = arith.index_cast %add3A_99 : i32 to index
        %get3A_101 = tpu.vector_load %arg7[%get3A_100] {strides = array<i32>} : memref<100352xf32, #tpu.memory_space<vmem>>, vector<16xf32>,
        %get3A_102 = arith.index_cast %while3A_72 : i32 to index
        %get3A_103 = arith.constant 32 : index
        %get3A_104 = tpu.vector_load %arg10[%get3A_102, %get3A_103] {strides = array<i32>} : memref<128x64xf32, #tpu.memory_space<vmem>>, vector<16xf32>,
        %max3A_105 = arith.maximumf %get3A_101, %get3A_104 : vector<16xf32>
        %swap3A_106 = arith.index_cast %add3A_99 : i32 to index
        %swap3A_107 = tpu.vector_load %arg7[%swap3A_106] {strides = array<i32>} : memref<100352xf32, #tpu.memory_space<vmem>>, vector<16xf32>,
        tpu.vector_store %arg7[%swap3A_106], %max3A_105 {strides = array<i32>} : memref<100352xf32, #tpu.memory_space<vmem>>, vector<16xf32>,
        %add3A_108 = arith.constant 48 : i32
        %add3A_109 = arith.addi %mul3A_79, %add3A_108 : i32
        %get3A_110 = arith.index_cast %add3A_109 : i32 to index
        %get3A_111 = tpu.vector_load %arg7[%get3A_110] {strides = array<i32>} : memref<100352xf32, #tpu.memory_space<vmem>>, vector<16xf32>,
        %get3A_112 = arith.index_cast %while3A_72 : i32 to index
        %get3A_113 = arith.constant 48 : index
        %get3A_114 = tpu.vector_load %arg10[%get3A_112, %get3A_113] {strides = array<i32>} : memref<128x64xf32, #tpu.memory_space<vmem>>, vector<16xf32>,
        %max3A_115 = arith.maximumf %get3A_111, %get3A_114 : vector<16xf32>
        %swap3A_116 = arith.index_cast %add3A_109 : i32 to index
        %swap3A_117 = tpu.vector_load %arg7[%swap3A_116] {strides = array<i32>} : memref<100352xf32, #tpu.memory_space<vmem>>, vector<16xf32>,
        tpu.vector_store %arg7[%swap3A_116], %max3A_115 {strides = array<i32>} : memref<100352xf32, #tpu.memory_space<vmem>>, vector<16xf32>,
        %while3A_118 = arith.constant 0 : i32
        scf.yield %while3A_118 : i32
      }
      %while3A_71 = arith.constant 0 : i32
      scf.yield %while3A_71 : i32
    }
    %while3A_38 = arith.constant 1 : i32
    %while3A_39 = scf.for %while3A_44 = %while3A_35 to %while3A_31 step %while3A_38 iter_args(%while3A_45 = %while3A_37) -> (i32)  : i32 {
      %mul3A_46 = arith.constant 804352 : i32
      %mul3A_47 = arith.muli %add3A, %mul3A_46 : i32
      %mul3A_48 = arith.constant 128 : i32
      %mul3A_49 = arith.muli %while3A_44, %mul3A_48 : i32
      %add3A_50 = arith.addi %mul3A_47, %mul3A_49 : i32
      "tpu.region"() ({
        %run_scoped3A = tpu.sem_alloc : memref<!tpu.dma_semaphore, #tpu.memory_space<semaphore_mem>>
        %dma_start3A_72 = tpu.memref_slice %arg3[%add3A_50] : memref<25739264xi32, #tpu.memory_space<hbm>> -> memref<128xi32, #tpu.memory_space<hbm>>
        %dma_start3A_73 = tpu.memref_slice %arg3[%add3A_50] : memref<25739264xi32, #tpu.memory_space<hbm>> -> memref<128xi32, #tpu.memory_space<hbm>>
        tpu.enqueue_dma source(%dma_start3A_73 : memref<128xi32, #tpu.memory_space<hbm>>) target(%arg8 : memref<128xi32, #tpu.memory_space<vmem>>) target_semaphore(%run_scoped3A : memref<!tpu.dma_semaphore, #tpu.memory_space<semaphore_mem>>)
        %dma_wait3A_74 = tpu.memref_slice %arg3[%add3A_50] : memref<25739264xi32, #tpu.memory_space<hbm>> -> memref<128xi32, #tpu.memory_space<hbm>>
        %dma_wait3A_75 = tpu.memref_slice %arg3[%add3A_50] : memref<25739264xi32, #tpu.memory_space<hbm>> -> memref<128xi32, #tpu.memory_space<hbm>>
        tpu.wait_dma2 semaphore(%run_scoped3A : memref<!tpu.dma_semaphore, #tpu.memory_space<semaphore_mem>>) src(%dma_wait3A_75 : memref<128xi32, #tpu.memory_space<hbm>>) dst(%arg8 : memref<128xi32, #tpu.memory_space<vmem>>)
        tpu.yield
      }) : () -> ()
      "tpu.region"() ({
        %run_scoped3A = tpu.sem_alloc : memref<!tpu.dma_semaphore, #tpu.memory_space<semaphore_mem>>
        %dma_start3A_72 = arith.constant 0 : i32
        %dma_start3A_73 = tpu.memref_slice %arg9[%dma_start3A_72] : memref<144xi32, #tpu.memory_space<vmem>> -> memref<128xi32, #tpu.memory_space<vmem>>
        %dma_start3A_74 = tpu.memref_slice %arg4[%add3A_50] : memref<25739264xi32, #tpu.memory_space<hbm>> -> memref<128xi32, #tpu.memory_space<hbm>>
        %dma_start3A_75 = arith.constant 0 : i32
        %dma_start3A_76 = tpu.memref_slice %arg9[%dma_start3A_75] : memref<144xi32, #tpu.memory_space<vmem>> -> memref<128xi32, #tpu.memory_space<vmem>>
        %dma_start3A_77 = tpu.memref_slice %arg4[%add3A_50] : memref<25739264xi32, #tpu.memory_space<hbm>> -> memref<128xi32, #tpu.memory_space<hbm>>
        tpu.enqueue_dma source(%dma_start3A_77 : memref<128xi32, #tpu.memory_space<hbm>>) target(%dma_start3A_76 : memref<128xi32, #tpu.memory_space<vmem>>) target_semaphore(%run_scoped3A : memref<!tpu.dma_semaphore, #tpu.memory_space<semaphore_mem>>)
        %dma_wait3A_78 = arith.constant 0 : i32
        %dma_wait3A_79 = tpu.memref_slice %arg9[%dma_wait3A_78] : memref<144xi32, #tpu.memory_space<vmem>> -> memref<128xi32, #tpu.memory_space<vmem>>
        %dma_wait3A_80 = tpu.memref_slice %arg4[%add3A_50] : memref<25739264xi32, #tpu.memory_space<hbm>> -> memref<128xi32, #tpu.memory_space<hbm>>
        %dma_wait3A_81 = arith.constant 0 : i32
        %dma_wait3A_82 = tpu.memref_slice %arg9[%dma_wait3A_81] : memref<144xi32, #tpu.memory_space<vmem>> -> memref<128xi32, #tpu.memory_space<vmem>>
        %dma_wait3A_83 = tpu.memref_slice %arg4[%add3A_50] : memref<25739264xi32, #tpu.memory_space<hbm>> -> memref<128xi32, #tpu.memory_space<hbm>>
        tpu.wait_dma2 semaphore(%run_scoped3A : memref<!tpu.dma_semaphore, #tpu.memory_space<semaphore_mem>>) src(%dma_wait3A_83 : memref<128xi32, #tpu.memory_space<hbm>>) dst(%dma_wait3A_82 : memref<128xi32, #tpu.memory_space<vmem>>)
        tpu.yield
      }) : () -> ()
      %dma_start3A = arith.constant 0 : i32
      %dma_start3A_51 = arith.constant 0 : i32
      %dma_start3A_52 = tpu.memref_slice %arg2[%dma_start3A, %dma_start3A_51] : memref<50176x64xf32, #tpu.memory_space<hbm>> -> memref<50176x64xf32, #tpu.memory_space<hbm>>
      tpu.enqueue_indirect_dma source(%dma_start3A_52 : memref<50176x64xf32, #tpu.memory_space<hbm>>) target(%arg10 : memref<128x64xf32, #tpu.memory_space<vmem>>) offsets(%arg8 : memref<128xi32, #tpu.memory_space<vmem>>) semaphore(%arg12 : memref<!tpu.dma_semaphore, #tpu.memory_space<semaphore_mem>>)
      %dma_wait3A = arith.constant 0 : i32
      %dma_wait3A_53 = arith.constant 0 : i32
      %dma_wait3A_54 = tpu.memref_slice %arg2[%dma_wait3A, %dma_wait3A_53] : memref<50176x64xf32, #tpu.memory_space<hbm>> -> memref<50176x64xf32, #tpu.memory_space<hbm>>
      tpu.wait_indirect_dma semaphore(%arg12 : memref<!tpu.dma_semaphore, #tpu.memory_space<semaphore_mem>>) src(%dma_wait3A_54 : memref<50176x64xf32, #tpu.memory_space<hbm>>) dst(%arg10 : memref<128x64xf32, #tpu.memory_space<vmem>>)
      %mul3A_55 = arith.constant 128 : i32
      %mul3A_56 = arith.muli %while3A_44, %mul3A_55 : i32
      %sub3A_57 = arith.subi %squeeze3A, %mul3A_56 : i32
      %min3A = arith.constant 128 : i32
      %min3A_58 = arith.minsi %sub3A_57, %min3A : i32
      %while3A_59 = arith.constant 0 : i32
      %while3A_60 = arith.constant 0 : i32
      %while3A_61 = arith.subi %min3A_58, %while3A_59 : i32
      %while3A_62 = arith.addi %while3A_59, %while3A_61 : i32
      %while3A_63 = arith.constant 1 : i32
      %while3A_64 = arith.divsi %while3A_61, %while3A_63 : i32
      %while3A_65 = arith.muli %while3A_64, %while3A_63 : i32
      %while3A_66 = arith.addi %while3A_59, %while3A_65 : i32
      %while3A_67 = arith.constant 1 : i32
      %while3A_68 = scf.for %while3A_72 = %while3A_59 to %while3A_66 step %while3A_67 iter_args(%while3A_73 = %while3A_60) -> (i32)  : i32 {
        %get3A_74 = arith.index_cast %while3A_72 : i32 to index
        %get3A_75 = tpu.vector_load %arg9[%get3A_74] {strides = array<i32>} : memref<144xi32, #tpu.memory_space<vmem>>, vector<16xi32>,
        %slice3A_76 = vector.extract_strided_slice %get3A_75 {offsets = [0], sizes = [1], strides = [1]} : vector<16xi32> to vector<1xi32>
        %squeeze3A_77 = vector.extract %slice3A_76[0] : i32 from vector<1xi32>
        %mul3A_78 = arith.constant 64 : i32
        %mul3A_79 = arith.muli %squeeze3A_77, %mul3A_78 : i32
        %add3A_80 = arith.constant 0 : i32
        %add3A_81 = arith.addi %mul3A_79, %add3A_80 : i32
        %get3A_82 = arith.index_cast %add3A_81 : i32 to index
        %get3A_83 = tpu.vector_load %arg7[%get3A_82] {strides = array<i32>} : memref<100352xf32, #tpu.memory_space<vmem>>, vector<16xf32>,
        %get3A_84 = arith.index_cast %while3A_72 : i32 to index
        %get3A_85 = arith.constant 0 : index
        %get3A_86 = tpu.vector_load %arg10[%get3A_84, %get3A_85] {strides = array<i32>} : memref<128x64xf32, #tpu.memory_space<vmem>>, vector<16xf32>,
        %max3A = arith.maximumf %get3A_83, %get3A_86 : vector<16xf32>
        %swap3A = arith.index_cast %add3A_81 : i32 to index
        %swap3A_87 = tpu.vector_load %arg7[%swap3A] {strides = array<i32>} : memref<100352xf32, #tpu.memory_space<vmem>>, vector<16xf32>,
        tpu.vector_store %arg7[%swap3A], %max3A {strides = array<i32>} : memref<100352xf32, #tpu.memory_space<vmem>>, vector<16xf32>,
        %add3A_88 = arith.constant 16 : i32
        %add3A_89 = arith.addi %mul3A_79, %add3A_88 : i32
        %get3A_90 = arith.index_cast %add3A_89 : i32 to index
        %get3A_91 = tpu.vector_load %arg7[%get3A_90] {strides = array<i32>} : memref<100352xf32, #tpu.memory_space<vmem>>, vector<16xf32>,
        %get3A_92 = arith.index_cast %while3A_72 : i32 to index
        %get3A_93 = arith.constant 16 : index
        %get3A_94 = tpu.vector_load %arg10[%get3A_92, %get3A_93] {strides = array<i32>} : memref<128x64xf32, #tpu.memory_space<vmem>>, vector<16xf32>,
        %max3A_95 = arith.maximumf %get3A_91, %get3A_94 : vector<16xf32>
        %swap3A_96 = arith.index_cast %add3A_89 : i32 to index
        %swap3A_97 = tpu.vector_load %arg7[%swap3A_96] {strides = array<i32>} : memref<100352xf32, #tpu.memory_space<vmem>>, vector<16xf32>,
        tpu.vector_store %arg7[%swap3A_96], %max3A_95 {strides = array<i32>} : memref<100352xf32, #tpu.memory_space<vmem>>, vector<16xf32>,
        %add3A_98 = arith.constant 32 : i32
        %add3A_99 = arith.addi %mul3A_79, %add3A_98 : i32
        %get3A_100 = arith.index_cast %add3A_99 : i32 to index
        %get3A_101 = tpu.vector_load %arg7[%get3A_100] {strides = array<i32>} : memref<100352xf32, #tpu.memory_space<vmem>>, vector<16xf32>,
        %get3A_102 = arith.index_cast %while3A_72 : i32 to index
        %get3A_103 = arith.constant 32 : index
        %get3A_104 = tpu.vector_load %arg10[%get3A_102, %get3A_103] {strides = array<i32>} : memref<128x64xf32, #tpu.memory_space<vmem>>, vector<16xf32>,
        %max3A_105 = arith.maximumf %get3A_101, %get3A_104 : vector<16xf32>
        %swap3A_106 = arith.index_cast %add3A_99 : i32 to index
        %swap3A_107 = tpu.vector_load %arg7[%swap3A_106] {strides = array<i32>} : memref<100352xf32, #tpu.memory_space<vmem>>, vector<16xf32>,
        tpu.vector_store %arg7[%swap3A_106], %max3A_105 {strides = array<i32>} : memref<100352xf32, #tpu.memory_space<vmem>>, vector<16xf32>,
        %add3A_108 = arith.constant 48 : i32
        %add3A_109 = arith.addi %mul3A_79, %add3A_108 : i32
        %get3A_110 = arith.index_cast %add3A_109 : i32 to index
        %get3A_111 = tpu.vector_load %arg7[%get3A_110] {strides = array<i32>} : memref<100352xf32, #tpu.memory_space<vmem>>, vector<16xf32>,
        %get3A_112 = arith.index_cast %while3A_72 : i32 to index
        %get3A_113 = arith.constant 48 : index
        %get3A_114 = tpu.vector_load %arg10[%get3A_112, %get3A_113] {strides = array<i32>} : memref<128x64xf32, #tpu.memory_space<vmem>>, vector<16xf32>,
        %max3A_115 = arith.maximumf %get3A_111, %get3A_114 : vector<16xf32>
        %swap3A_116 = arith.index_cast %add3A_109 : i32 to index
        %swap3A_117 = tpu.vector_load %arg7[%swap3A_116] {strides = array<i32>} : memref<100352xf32, #tpu.memory_space<vmem>>, vector<16xf32>,
        tpu.vector_store %arg7[%swap3A_116], %max3A_115 {strides = array<i32>} : memref<100352xf32, #tpu.memory_space<vmem>>, vector<16xf32>,
        %while3A_118 = arith.constant 0 : i32
        scf.yield %while3A_118 : i32
      }
      %while3A_69 = arith.constant 1 : i32
      %while3A_70 = scf.for %while3A_72 = %while3A_66 to %while3A_62 step %while3A_69 iter_args(%while3A_73 = %while3A_68) -> (i32)  : i32 {
        %get3A_74 = arith.index_cast %while3A_72 : i32 to index
        %get3A_75 = tpu.vector_load %arg9[%get3A_74] {strides = array<i32>} : memref<144xi32, #tpu.memory_space<vmem>>, vector<16xi32>,
        %slice3A_76 = vector.extract_strided_slice %get3A_75 {offsets = [0], sizes = [1], strides = [1]} : vector<16xi32> to vector<1xi32>
        %squeeze3A_77 = vector.extract %slice3A_76[0] : i32 from vector<1xi32>
        %mul3A_78 = arith.constant 64 : i32
        %mul3A_79 = arith.muli %squeeze3A_77, %mul3A_78 : i32
        %add3A_80 = arith.constant 0 : i32
        %add3A_81 = arith.addi %mul3A_79, %add3A_80 : i32
        %get3A_82 = arith.index_cast %add3A_81 : i32 to index
        %get3A_83 = tpu.vector_load %arg7[%get3A_82] {strides = array<i32>} : memref<100352xf32, #tpu.memory_space<vmem>>, vector<16xf32>,
        %get3A_84 = arith.index_cast %while3A_72 : i32 to index
        %get3A_85 = arith.constant 0 : index
        %get3A_86 = tpu.vector_load %arg10[%get3A_84, %get3A_85] {strides = array<i32>} : memref<128x64xf32, #tpu.memory_space<vmem>>, vector<16xf32>,
        %max3A = arith.maximumf %get3A_83, %get3A_86 : vector<16xf32>
        %swap3A = arith.index_cast %add3A_81 : i32 to index
        %swap3A_87 = tpu.vector_load %arg7[%swap3A] {strides = array<i32>} : memref<100352xf32, #tpu.memory_space<vmem>>, vector<16xf32>,
        tpu.vector_store %arg7[%swap3A], %max3A {strides = array<i32>} : memref<100352xf32, #tpu.memory_space<vmem>>, vector<16xf32>,
        %add3A_88 = arith.constant 16 : i32
        %add3A_89 = arith.addi %mul3A_79, %add3A_88 : i32
        %get3A_90 = arith.index_cast %add3A_89 : i32 to index
        %get3A_91 = tpu.vector_load %arg7[%get3A_90] {strides = array<i32>} : memref<100352xf32, #tpu.memory_space<vmem>>, vector<16xf32>,
        %get3A_92 = arith.index_cast %while3A_72 : i32 to index
        %get3A_93 = arith.constant 16 : index
        %get3A_94 = tpu.vector_load %arg10[%get3A_92, %get3A_93] {strides = array<i32>} : memref<128x64xf32, #tpu.memory_space<vmem>>, vector<16xf32>,
        %max3A_95 = arith.maximumf %get3A_91, %get3A_94 : vector<16xf32>
        %swap3A_96 = arith.index_cast %add3A_89 : i32 to index
        %swap3A_97 = tpu.vector_load %arg7[%swap3A_96] {strides = array<i32>} : memref<100352xf32, #tpu.memory_space<vmem>>, vector<16xf32>,
        tpu.vector_store %arg7[%swap3A_96], %max3A_95 {strides = array<i32>} : memref<100352xf32, #tpu.memory_space<vmem>>, vector<16xf32>,
        %add3A_98 = arith.constant 32 : i32
        %add3A_99 = arith.addi %mul3A_79, %add3A_98 : i32
        %get3A_100 = arith.index_cast %add3A_99 : i32 to index
        %get3A_101 = tpu.vector_load %arg7[%get3A_100] {strides = array<i32>} : memref<100352xf32, #tpu.memory_space<vmem>>, vector<16xf32>,
        %get3A_102 = arith.index_cast %while3A_72 : i32 to index
        %get3A_103 = arith.constant 32 : index
        %get3A_104 = tpu.vector_load %arg10[%get3A_102, %get3A_103] {strides = array<i32>} : memref<128x64xf32, #tpu.memory_space<vmem>>, vector<16xf32>,
        %max3A_105 = arith.maximumf %get3A_101, %get3A_104 : vector<16xf32>
        %swap3A_106 = arith.index_cast %add3A_99 : i32 to index
        %swap3A_107 = tpu.vector_load %arg7[%swap3A_106] {strides = array<i32>} : memref<100352xf32, #tpu.memory_space<vmem>>, vector<16xf32>,
        tpu.vector_store %arg7[%swap3A_106], %max3A_105 {strides = array<i32>} : memref<100352xf32, #tpu.memory_space<vmem>>, vector<16xf32>,
        %add3A_108 = arith.constant 48 : i32
        %add3A_109 = arith.addi %mul3A_79, %add3A_108 : i32
        %get3A_110 = arith.index_cast %add3A_109 : i32 to index
        %get3A_111 = tpu.vector_load %arg7[%get3A_110] {strides = array<i32>} : memref<100352xf32, #tpu.memory_space<vmem>>, vector<16xf32>,
        %get3A_112 = arith.index_cast %while3A_72 : i32 to index
        %get3A_113 = arith.constant 48 : index
        %get3A_114 = tpu.vector_load %arg10[%get3A_112, %get3A_113] {strides = array<i32>} : memref<128x64xf32, #tpu.memory_space<vmem>>, vector<16xf32>,
        %max3A_115 = arith.maximumf %get3A_111, %get3A_114 : vector<16xf32>
        %swap3A_116 = arith.index_cast %add3A_109 : i32 to index
        %swap3A_117 = tpu.vector_load %arg7[%swap3A_116] {strides = array<i32>} : memref<100352xf32, #tpu.memory_space<vmem>>, vector<16xf32>,
        tpu.vector_store %arg7[%swap3A_116], %max3A_115 {strides = array<i32>} : memref<100352xf32, #tpu.memory_space<vmem>>, vector<16xf32>,
        %while3A_118 = arith.constant 0 : i32
        scf.yield %while3A_118 : i32
      }
      %while3A_71 = arith.constant 0 : i32
      scf.yield %while3A_71 : i32
    }
    %mul3A_40 = arith.constant 1568 : i32
    %mul3A_41 = arith.muli %add3A, %mul3A_40 : i32
    %mul3A_42 = arith.constant 64 : i32
    %mul3A_43 = arith.muli %mul3A_41, %mul3A_42 : i32
    "tpu.region"() ({
      %run_scoped3A = tpu.sem_alloc : memref<!tpu.dma_semaphore, #tpu.memory_space<semaphore_mem>>
      %dma_start3A = tpu.memref_slice %arg6[%mul3A_43] : memref<3211264xf32, #tpu.memory_space<hbm>> -> memref<100352xf32, #tpu.memory_space<hbm>>
      %dma_start3A_44 = tpu.memref_slice %arg6[%mul3A_43] : memref<3211264xf32, #tpu.memory_space<hbm>> -> memref<100352xf32, #tpu.memory_space<hbm>>
      tpu.enqueue_dma source(%arg7 : memref<100352xf32, #tpu.memory_space<vmem>>) target(%dma_start3A_44 : memref<100352xf32, #tpu.memory_space<hbm>>) target_semaphore(%run_scoped3A : memref<!tpu.dma_semaphore, #tpu.memory_space<semaphore_mem>>)
      %dma_wait3A = tpu.memref_slice %arg6[%mul3A_43] : memref<3211264xf32, #tpu.memory_space<hbm>> -> memref<100352xf32, #tpu.memory_space<hbm>>
      %dma_wait3A_45 = tpu.memref_slice %arg6[%mul3A_43] : memref<3211264xf32, #tpu.memory_space<hbm>> -> memref<100352xf32, #tpu.memory_space<hbm>>
      tpu.wait_dma2 semaphore(%run_scoped3A : memref<!tpu.dma_semaphore, #tpu.memory_space<semaphore_mem>>) src(%arg7 : memref<100352xf32, #tpu.memory_space<vmem>>) dst(%dma_wait3A_45 : memref<100352xf32, #tpu.memory_space<hbm>>)
      tpu.yield
    }) : () -> ()
    return
  }
}

#map = affine_map<(d0, d1) -> (0, 0)>
#map1 = affine_map<(d0, d1) -> (0)>
module attributes {stable_mosaic.version = 14 : i64} {
  func.func @_segmax_body(%arg0: i32, %arg1: i32, %arg2: memref<50176x64xf32, #tpu.memory_space<hbm>>, %arg3: memref<25739264xi32, #tpu.memory_space<hbm>>, %arg4: memref<25739264xi32, #tpu.memory_space<hbm>>, %arg5: memref<512xi32, #tpu.memory_space<hbm>>, %arg6: memref<3211264xf32, #tpu.memory_space<hbm>>, %arg7: memref<100352xf32, #tpu.memory_space<vmem>>, %arg8: memref<128xi32, #tpu.memory_space<vmem>>, %arg9: memref<144xi32, #tpu.memory_space<vmem>>, %arg10: memref<128x64xf32, #tpu.memory_space<vmem>>, %arg11: memref<16xi32, #tpu.memory_space<vmem>>, %arg12: memref<!tpu.dma_semaphore, #tpu.memory_space<semaphore_mem>>) attributes {dimension_semantics = [#tpu.dimension_semantics<core_parallel>, #tpu.dimension_semantics<subcore_parallel>], iteration_bounds = array<i64: 2, 16>, scalar_prefetch = 0 : i64, scratch_operands = 6 : i64, tpu.core_type = #tpu.core_type<sc_vector_subcore>, window_params = [{transform_indices = #map}, {transform_indices = #map1}, {transform_indices = #map1}, {transform_indices = #map1}, {transform_indices = #map1}]} {
    %mul3A = arith.constant 2 : i32
    %mul3A_0 = arith.muli %arg1, %mul3A : i32
    %add3A = arith.addi %mul3A_0, %arg0 : i32
    %broadcast_in_dim3A = arith.constant 0xFF800000 : f32
    %broadcast_in_dim3A_1 = vector.broadcast %broadcast_in_dim3A : f32 to vector<16xf32>
    %scan3A = arith.constant 0 : i32
    %scan3A_2 = arith.constant 0 : i32
    %scan3A_3 = arith.constant 6272 : i32
    %scan3A_4 = arith.addi %scan3A_2, %scan3A_3 : i32
    %scan3A_5 = arith.constant 1 : i32
    %scan3A_6 = scf.for %scan3A_44 = %scan3A_2 to %scan3A_4 step %scan3A_5 iter_args(%scan3A_45 = %scan3A) -> (i32)  : i32 {
      %mul3A_46 = arith.constant 16 : i32
      %mul3A_47 = arith.muli %scan3A_44, %mul3A_46 : i32
      %swap3A = arith.index_cast %mul3A_47 : i32 to index
      %swap3A_48 = tpu.vector_load %arg7[%swap3A] {strides = array<i32>} : memref<100352xf32, #tpu.memory_space<vmem>>, vector<16xf32>,
      tpu.vector_store %arg7[%swap3A], %broadcast_in_dim3A_1 {strides = array<i32>} : memref<100352xf32, #tpu.memory_space<vmem>>, vector<16xf32>,
      %scan3A_49 = arith.constant 0 : i32
      scf.yield %scan3A_49 : i32
    }
    %scan3A_7 = arith.constant 6272 : i32
    %mul3A_8 = arith.constant 16 : i32
    %mul3A_9 = arith.muli %add3A, %mul3A_8 : i32
    "tpu.region"() ({
      %run_scoped3A = tpu.sem_alloc : memref<!tpu.dma_semaphore, #tpu.memory_space<semaphore_mem>>
      %dma_start3A = tpu.memref_slice %arg5[%mul3A_9] : memref<512xi32, #tpu.memory_space<hbm>> -> memref<16xi32, #tpu.memory_space<hbm>>
      %dma_start3A_44 = tpu.memref_slice %arg5[%mul3A_9] : memref<512xi32, #tpu.memory_space<hbm>> -> memref<16xi32, #tpu.memory_space<hbm>>
      tpu.enqueue_dma source(%dma_start3A_44 : memref<16xi32, #tpu.memory_space<hbm>>) target(%arg11 : memref<16xi32, #tpu.memory_space<vmem>>) target_semaphore(%run_scoped3A : memref<!tpu.dma_semaphore, #tpu.memory_space<semaphore_mem>>)
      %dma_wait3A = tpu.memref_slice %arg5[%mul3A_9] : memref<512xi32, #tpu.memory_space<hbm>> -> memref<16xi32, #tpu.memory_space<hbm>>
      %dma_wait3A_45 = tpu.memref_slice %arg5[%mul3A_9] : memref<512xi32, #tpu.memory_space<hbm>> -> memref<16xi32, #tpu.memory_space<hbm>>
      tpu.wait_dma2 semaphore(%run_scoped3A : memref<!tpu.dma_semaphore, #tpu.memory_space<semaphore_mem>>) src(%dma_wait3A_45 : memref<16xi32, #tpu.memory_space<hbm>>) dst(%arg11 : memref<16xi32, #tpu.memory_space<vmem>>)
      tpu.yield
    }) : () -> ()
    %get3A = arith.constant 0 : index
    %get3A_10 = tpu.vector_load %arg11[%get3A] {strides = array<i32>} : memref<16xi32, #tpu.memory_space<vmem>>, vector<16xi32>,
    %slice3A = vector.extract_strided_slice %get3A_10 {offsets = [0], sizes = [1], strides = [1]} : vector<16xi32> to vector<1xi32>
    %squeeze3A = vector.extract %slice3A[0] : i32 from vector<1xi32>
    %add3A_11 = arith.constant 127 : i32
    %add3A_12 = arith.addi %squeeze3A, %add3A_11 : i32
    %jit3A = arith.constant 128 : i32
    %div3A = arith.divsi %add3A_12, %jit3A : i32
    %sign3A = arith.constant 0 : i32
    %sign3A_13 = arith.cmpi sgt, %add3A_12, %sign3A : i32
    %sign3A_14 = arith.extui %sign3A_13 : i1 to i32
    %sign3A_15 = arith.constant 0 : i32
    %sign3A_16 = arith.cmpi slt, %add3A_12, %sign3A_15 : i32
    %sign3A_17 = arith.extui %sign3A_16 : i1 to i32
    %sign3A_18 = arith.subi %sign3A_14, %sign3A_17 : i32
    %sign3A_19 = arith.constant 0 : i32
    %sign3A_20 = arith.cmpi sgt, %jit3A, %sign3A_19 : i32
    %sign3A_21 = arith.extui %sign3A_20 : i1 to i32
    %sign3A_22 = arith.constant 0 : i32
    %sign3A_23 = arith.cmpi slt, %jit3A, %sign3A_22 : i32
    %sign3A_24 = arith.extui %sign3A_23 : i1 to i32
    %sign3A_25 = arith.subi %sign3A_21, %sign3A_24 : i32
    %ne3A = arith.cmpi ne, %sign3A_18, %sign3A_25 : i32
    %rem3A = arith.remsi %add3A_12, %jit3A : i32
    %ne3A_26 = arith.constant 0 : i32
    %ne3A_27 = arith.cmpi ne, %rem3A, %ne3A_26 : i32
    %and3A = arith.andi %ne3A, %ne3A_27 : i1
    %sub3A = arith.constant 1 : i32
    %sub3A_28 = arith.subi %div3A, %sub3A : i32
    %select_n3A = arith.select %and3A, %sub3A_28, %div3A : i32
    %while3A = arith.constant 0 : i32
    %while3A_29 = arith.constant 0 : i32
    %while3A_30 = arith.subi %select_n3A, %while3A : i32
    %while3A_31 = arith.addi %while3A, %while3A_30 : i32
    %while3A_32 = arith.constant 1 : i32
    %while3A_33 = arith.divsi %while3A_30, %while3A_32 : i32
    %while3A_34 = arith.muli %while3A_33, %while3A_32 : i32
    %while3A_35 = arith.addi %while3A, %while3A_34 : i32
    %while3A_36 = arith.constant 1 : i32
    %while3A_37 = scf.for %while3A_44 = %while3A to %while3A_35 step %while3A_36 iter_args(%while3A_45 = %while3A_29) -> (i32)  : i32 {
      %mul3A_46 = arith.constant 804352 : i32
      %mul3A_47 = arith.muli %add3A, %mul3A_46 : i32
      %mul3A_48 = arith.constant 128 : i32
      %mul3A_49 = arith.muli %while3A_44, %mul3A_48 : i32
      %add3A_50 = arith.addi %mul3A_47, %mul3A_49 : i32
      "tpu.region"() ({
        %run_scoped3A = tpu.sem_alloc : memref<!tpu.dma_semaphore, #tpu.memory_space<semaphore_mem>>
        %dma_start3A_72 = tpu.memref_slice %arg3[%add3A_50] : memref<25739264xi32, #tpu.memory_space<hbm>> -> memref<128xi32, #tpu.memory_space<hbm>>
        %dma_start3A_73 = tpu.memref_slice %arg3[%add3A_50] : memref<25739264xi32, #tpu.memory_space<hbm>> -> memref<128xi32, #tpu.memory_space<hbm>>
        tpu.enqueue_dma source(%dma_start3A_73 : memref<128xi32, #tpu.memory_space<hbm>>) target(%arg8 : memref<128xi32, #tpu.memory_space<vmem>>) target_semaphore(%run_scoped3A : memref<!tpu.dma_semaphore, #tpu.memory_space<semaphore_mem>>)
        %dma_wait3A_74 = tpu.memref_slice %arg3[%add3A_50] : memref<25739264xi32, #tpu.memory_space<hbm>> -> memref<128xi32, #tpu.memory_space<hbm>>
        %dma_wait3A_75 = tpu.memref_slice %arg3[%add3A_50] : memref<25739264xi32, #tpu.memory_space<hbm>> -> memref<128xi32, #tpu.memory_space<hbm>>
        tpu.wait_dma2 semaphore(%run_scoped3A : memref<!tpu.dma_semaphore, #tpu.memory_space<semaphore_mem>>) src(%dma_wait3A_75 : memref<128xi32, #tpu.memory_space<hbm>>) dst(%arg8 : memref<128xi32, #tpu.memory_space<vmem>>)
        tpu.yield
      }) : () -> ()
      "tpu.region"() ({
        %run_scoped3A = tpu.sem_alloc : memref<!tpu.dma_semaphore, #tpu.memory_space<semaphore_mem>>
        %dma_start3A_72 = arith.constant 0 : i32
        %dma_start3A_73 = tpu.memref_slice %arg9[%dma_start3A_72] : memref<144xi32, #tpu.memory_space<vmem>> -> memref<128xi32, #tpu.memory_space<vmem>>
        %dma_start3A_74 = tpu.memref_slice %arg4[%add3A_50] : memref<25739264xi32, #tpu.memory_space<hbm>> -> memref<128xi32, #tpu.memory_space<hbm>>
        %dma_start3A_75 = arith.constant 0 : i32
        %dma_start3A_76 = tpu.memref_slice %arg9[%dma_start3A_75] : memref<144xi32, #tpu.memory_space<vmem>> -> memref<128xi32, #tpu.memory_space<vmem>>
        %dma_start3A_77 = tpu.memref_slice %arg4[%add3A_50] : memref<25739264xi32, #tpu.memory_space<hbm>> -> memref<128xi32, #tpu.memory_space<hbm>>
        tpu.enqueue_dma source(%dma_start3A_77 : memref<128xi32, #tpu.memory_space<hbm>>) target(%dma_start3A_76 : memref<128xi32, #tpu.memory_space<vmem>>) target_semaphore(%run_scoped3A : memref<!tpu.dma_semaphore, #tpu.memory_space<semaphore_mem>>)
        %dma_wait3A_78 = arith.constant 0 : i32
        %dma_wait3A_79 = tpu.memref_slice %arg9[%dma_wait3A_78] : memref<144xi32, #tpu.memory_space<vmem>> -> memref<128xi32, #tpu.memory_space<vmem>>
        %dma_wait3A_80 = tpu.memref_slice %arg4[%add3A_50] : memref<25739264xi32, #tpu.memory_space<hbm>> -> memref<128xi32, #tpu.memory_space<hbm>>
        %dma_wait3A_81 = arith.constant 0 : i32
        %dma_wait3A_82 = tpu.memref_slice %arg9[%dma_wait3A_81] : memref<144xi32, #tpu.memory_space<vmem>> -> memref<128xi32, #tpu.memory_space<vmem>>
        %dma_wait3A_83 = tpu.memref_slice %arg4[%add3A_50] : memref<25739264xi32, #tpu.memory_space<hbm>> -> memref<128xi32, #tpu.memory_space<hbm>>
        tpu.wait_dma2 semaphore(%run_scoped3A : memref<!tpu.dma_semaphore, #tpu.memory_space<semaphore_mem>>) src(%dma_wait3A_83 : memref<128xi32, #tpu.memory_space<hbm>>) dst(%dma_wait3A_82 : memref<128xi32, #tpu.memory_space<vmem>>)
        tpu.yield
      }) : () -> ()
      %dma_start3A = arith.constant 0 : i32
      %dma_start3A_51 = arith.constant 0 : i32
      %dma_start3A_52 = tpu.memref_slice %arg2[%dma_start3A, %dma_start3A_51] : memref<50176x64xf32, #tpu.memory_space<hbm>> -> memref<50176x64xf32, #tpu.memory_space<hbm>>
      tpu.enqueue_indirect_dma source(%dma_start3A_52 : memref<50176x64xf32, #tpu.memory_space<hbm>>) target(%arg10 : memref<128x64xf32, #tpu.memory_space<vmem>>) offsets(%arg8 : memref<128xi32, #tpu.memory_space<vmem>>) semaphore(%arg12 : memref<!tpu.dma_semaphore, #tpu.memory_space<semaphore_mem>>)
      %dma_wait3A = arith.constant 0 : i32
      %dma_wait3A_53 = arith.constant 0 : i32
      %dma_wait3A_54 = tpu.memref_slice %arg2[%dma_wait3A, %dma_wait3A_53] : memref<50176x64xf32, #tpu.memory_space<hbm>> -> memref<50176x64xf32, #tpu.memory_space<hbm>>
      tpu.wait_indirect_dma semaphore(%arg12 : memref<!tpu.dma_semaphore, #tpu.memory_space<semaphore_mem>>) src(%dma_wait3A_54 : memref<50176x64xf32, #tpu.memory_space<hbm>>) dst(%arg10 : memref<128x64xf32, #tpu.memory_space<vmem>>)
      %mul3A_55 = arith.constant 128 : i32
      %mul3A_56 = arith.muli %while3A_44, %mul3A_55 : i32
      %sub3A_57 = arith.subi %squeeze3A, %mul3A_56 : i32
      %min3A = arith.constant 128 : i32
      %min3A_58 = arith.minsi %sub3A_57, %min3A : i32
      %while3A_59 = arith.constant 0 : i32
      %while3A_60 = arith.constant 0 : i32
      %while3A_61 = arith.subi %min3A_58, %while3A_59 : i32
      %while3A_62 = arith.addi %while3A_59, %while3A_61 : i32
      %while3A_63 = arith.constant 1 : i32
      %while3A_64 = arith.divsi %while3A_61, %while3A_63 : i32
      %while3A_65 = arith.muli %while3A_64, %while3A_63 : i32
      %while3A_66 = arith.addi %while3A_59, %while3A_65 : i32
      %while3A_67 = arith.constant 1 : i32
      %while3A_68 = scf.for %while3A_72 = %while3A_59 to %while3A_66 step %while3A_67 iter_args(%while3A_73 = %while3A_60) -> (i32)  : i32 {
        %get3A_74 = arith.index_cast %while3A_72 : i32 to index
        %get3A_75 = tpu.vector_load %arg9[%get3A_74] {strides = array<i32>} : memref<144xi32, #tpu.memory_space<vmem>>, vector<16xi32>,
        %slice3A_76 = vector.extract_strided_slice %get3A_75 {offsets = [0], sizes = [1], strides = [1]} : vector<16xi32> to vector<1xi32>
        %squeeze3A_77 = vector.extract %slice3A_76[0] : i32 from vector<1xi32>
        %mul3A_78 = arith.constant 64 : i32
        %mul3A_79 = arith.muli %squeeze3A_77, %mul3A_78 : i32
        %add3A_80 = arith.constant 0 : i32
        %add3A_81 = arith.addi %mul3A_79, %add3A_80 : i32
        %get3A_82 = arith.index_cast %add3A_81 : i32 to index
        %get3A_83 = tpu.vector_load %arg7[%get3A_82] {strides = array<i32>} : memref<100352xf32, #tpu.memory_space<vmem>>, vector<16xf32>,
        %get3A_84 = arith.index_cast %while3A_72 : i32 to index
        %get3A_85 = arith.constant 0 : index
        %get3A_86 = tpu.vector_load %arg10[%get3A_84, %get3A_85] {strides = array<i32>} : memref<128x64xf32, #tpu.memory_space<vmem>>, vector<16xf32>,
        %max3A = arith.maximumf %get3A_83, %get3A_86 : vector<16xf32>
        %swap3A = arith.index_cast %add3A_81 : i32 to index
        %swap3A_87 = tpu.vector_load %arg7[%swap3A] {strides = array<i32>} : memref<100352xf32, #tpu.memory_space<vmem>>, vector<16xf32>,
        tpu.vector_store %arg7[%swap3A], %max3A {strides = array<i32>} : memref<100352xf32, #tpu.memory_space<vmem>>, vector<16xf32>,
        %add3A_88 = arith.constant 16 : i32
        %add3A_89 = arith.addi %mul3A_79, %add3A_88 : i32
        %get3A_90 = arith.index_cast %add3A_89 : i32 to index
        %get3A_91 = tpu.vector_load %arg7[%get3A_90] {strides = array<i32>} : memref<100352xf32, #tpu.memory_space<vmem>>, vector<16xf32>,
        %get3A_92 = arith.index_cast %while3A_72 : i32 to index
        %get3A_93 = arith.constant 16 : index
        %get3A_94 = tpu.vector_load %arg10[%get3A_92, %get3A_93] {strides = array<i32>} : memref<128x64xf32, #tpu.memory_space<vmem>>, vector<16xf32>,
        %max3A_95 = arith.maximumf %get3A_91, %get3A_94 : vector<16xf32>
        %swap3A_96 = arith.index_cast %add3A_89 : i32 to index
        %swap3A_97 = tpu.vector_load %arg7[%swap3A_96] {strides = array<i32>} : memref<100352xf32, #tpu.memory_space<vmem>>, vector<16xf32>,
        tpu.vector_store %arg7[%swap3A_96], %max3A_95 {strides = array<i32>} : memref<100352xf32, #tpu.memory_space<vmem>>, vector<16xf32>,
        %add3A_98 = arith.constant 32 : i32
        %add3A_99 = arith.addi %mul3A_79, %add3A_98 : i32
        %get3A_100 = arith.index_cast %add3A_99 : i32 to index
        %get3A_101 = tpu.vector_load %arg7[%get3A_100] {strides = array<i32>} : memref<100352xf32, #tpu.memory_space<vmem>>, vector<16xf32>,
        %get3A_102 = arith.index_cast %while3A_72 : i32 to index
        %get3A_103 = arith.constant 32 : index
        %get3A_104 = tpu.vector_load %arg10[%get3A_102, %get3A_103] {strides = array<i32>} : memref<128x64xf32, #tpu.memory_space<vmem>>, vector<16xf32>,
        %max3A_105 = arith.maximumf %get3A_101, %get3A_104 : vector<16xf32>
        %swap3A_106 = arith.index_cast %add3A_99 : i32 to index
        %swap3A_107 = tpu.vector_load %arg7[%swap3A_106] {strides = array<i32>} : memref<100352xf32, #tpu.memory_space<vmem>>, vector<16xf32>,
        tpu.vector_store %arg7[%swap3A_106], %max3A_105 {strides = array<i32>} : memref<100352xf32, #tpu.memory_space<vmem>>, vector<16xf32>,
        %add3A_108 = arith.constant 48 : i32
        %add3A_109 = arith.addi %mul3A_79, %add3A_108 : i32
        %get3A_110 = arith.index_cast %add3A_109 : i32 to index
        %get3A_111 = tpu.vector_load %arg7[%get3A_110] {strides = array<i32>} : memref<100352xf32, #tpu.memory_space<vmem>>, vector<16xf32>,
        %get3A_112 = arith.index_cast %while3A_72 : i32 to index
        %get3A_113 = arith.constant 48 : index
        %get3A_114 = tpu.vector_load %arg10[%get3A_112, %get3A_113] {strides = array<i32>} : memref<128x64xf32, #tpu.memory_space<vmem>>, vector<16xf32>,
        %max3A_115 = arith.maximumf %get3A_111, %get3A_114 : vector<16xf32>
        %swap3A_116 = arith.index_cast %add3A_109 : i32 to index
        %swap3A_117 = tpu.vector_load %arg7[%swap3A_116] {strides = array<i32>} : memref<100352xf32, #tpu.memory_space<vmem>>, vector<16xf32>,
        tpu.vector_store %arg7[%swap3A_116], %max3A_115 {strides = array<i32>} : memref<100352xf32, #tpu.memory_space<vmem>>, vector<16xf32>,
        %while3A_118 = arith.constant 0 : i32
        scf.yield %while3A_118 : i32
      }
      %while3A_69 = arith.constant 1 : i32
      %while3A_70 = scf.for %while3A_72 = %while3A_66 to %while3A_62 step %while3A_69 iter_args(%while3A_73 = %while3A_68) -> (i32)  : i32 {
        %get3A_74 = arith.index_cast %while3A_72 : i32 to index
        %get3A_75 = tpu.vector_load %arg9[%get3A_74] {strides = array<i32>} : memref<144xi32, #tpu.memory_space<vmem>>, vector<16xi32>,
        %slice3A_76 = vector.extract_strided_slice %get3A_75 {offsets = [0], sizes = [1], strides = [1]} : vector<16xi32> to vector<1xi32>
        %squeeze3A_77 = vector.extract %slice3A_76[0] : i32 from vector<1xi32>
        %mul3A_78 = arith.constant 64 : i32
        %mul3A_79 = arith.muli %squeeze3A_77, %mul3A_78 : i32
        %add3A_80 = arith.constant 0 : i32
        %add3A_81 = arith.addi %mul3A_79, %add3A_80 : i32
        %get3A_82 = arith.index_cast %add3A_81 : i32 to index
        %get3A_83 = tpu.vector_load %arg7[%get3A_82] {strides = array<i32>} : memref<100352xf32, #tpu.memory_space<vmem>>, vector<16xf32>,
        %get3A_84 = arith.index_cast %while3A_72 : i32 to index
        %get3A_85 = arith.constant 0 : index
        %get3A_86 = tpu.vector_load %arg10[%get3A_84, %get3A_85] {strides = array<i32>} : memref<128x64xf32, #tpu.memory_space<vmem>>, vector<16xf32>,
        %max3A = arith.maximumf %get3A_83, %get3A_86 : vector<16xf32>
        %swap3A = arith.index_cast %add3A_81 : i32 to index
        %swap3A_87 = tpu.vector_load %arg7[%swap3A] {strides = array<i32>} : memref<100352xf32, #tpu.memory_space<vmem>>, vector<16xf32>,
        tpu.vector_store %arg7[%swap3A], %max3A {strides = array<i32>} : memref<100352xf32, #tpu.memory_space<vmem>>, vector<16xf32>,
        %add3A_88 = arith.constant 16 : i32
        %add3A_89 = arith.addi %mul3A_79, %add3A_88 : i32
        %get3A_90 = arith.index_cast %add3A_89 : i32 to index
        %get3A_91 = tpu.vector_load %arg7[%get3A_90] {strides = array<i32>} : memref<100352xf32, #tpu.memory_space<vmem>>, vector<16xf32>,
        %get3A_92 = arith.index_cast %while3A_72 : i32 to index
        %get3A_93 = arith.constant 16 : index
        %get3A_94 = tpu.vector_load %arg10[%get3A_92, %get3A_93] {strides = array<i32>} : memref<128x64xf32, #tpu.memory_space<vmem>>, vector<16xf32>,
        %max3A_95 = arith.maximumf %get3A_91, %get3A_94 : vector<16xf32>
        %swap3A_96 = arith.index_cast %add3A_89 : i32 to index
        %swap3A_97 = tpu.vector_load %arg7[%swap3A_96] {strides = array<i32>} : memref<100352xf32, #tpu.memory_space<vmem>>, vector<16xf32>,
        tpu.vector_store %arg7[%swap3A_96], %max3A_95 {strides = array<i32>} : memref<100352xf32, #tpu.memory_space<vmem>>, vector<16xf32>,
        %add3A_98 = arith.constant 32 : i32
        %add3A_99 = arith.addi %mul3A_79, %add3A_98 : i32
        %get3A_100 = arith.index_cast %add3A_99 : i32 to index
        %get3A_101 = tpu.vector_load %arg7[%get3A_100] {strides = array<i32>} : memref<100352xf32, #tpu.memory_space<vmem>>, vector<16xf32>,
        %get3A_102 = arith.index_cast %while3A_72 : i32 to index
        %get3A_103 = arith.constant 32 : index
        %get3A_104 = tpu.vector_load %arg10[%get3A_102, %get3A_103] {strides = array<i32>} : memref<128x64xf32, #tpu.memory_space<vmem>>, vector<16xf32>,
        %max3A_105 = arith.maximumf %get3A_101, %get3A_104 : vector<16xf32>
        %swap3A_106 = arith.index_cast %add3A_99 : i32 to index
        %swap3A_107 = tpu.vector_load %arg7[%swap3A_106] {strides = array<i32>} : memref<100352xf32, #tpu.memory_space<vmem>>, vector<16xf32>,
        tpu.vector_store %arg7[%swap3A_106], %max3A_105 {strides = array<i32>} : memref<100352xf32, #tpu.memory_space<vmem>>, vector<16xf32>,
        %add3A_108 = arith.constant 48 : i32
        %add3A_109 = arith.addi %mul3A_79, %add3A_108 : i32
        %get3A_110 = arith.index_cast %add3A_109 : i32 to index
        %get3A_111 = tpu.vector_load %arg7[%get3A_110] {strides = array<i32>} : memref<100352xf32, #tpu.memory_space<vmem>>, vector<16xf32>,
        %get3A_112 = arith.index_cast %while3A_72 : i32 to index
        %get3A_113 = arith.constant 48 : index
        %get3A_114 = tpu.vector_load %arg10[%get3A_112, %get3A_113] {strides = array<i32>} : memref<128x64xf32, #tpu.memory_space<vmem>>, vector<16xf32>,
        %max3A_115 = arith.maximumf %get3A_111, %get3A_114 : vector<16xf32>
        %swap3A_116 = arith.index_cast %add3A_109 : i32 to index
        %swap3A_117 = tpu.vector_load %arg7[%swap3A_116] {strides = array<i32>} : memref<100352xf32, #tpu.memory_space<vmem>>, vector<16xf32>,
        tpu.vector_store %arg7[%swap3A_116], %max3A_115 {strides = array<i32>} : memref<100352xf32, #tpu.memory_space<vmem>>, vector<16xf32>,
        %while3A_118 = arith.constant 0 : i32
        scf.yield %while3A_118 : i32
      }
      %while3A_71 = arith.constant 0 : i32
      scf.yield %while3A_71 : i32
    }
    %while3A_38 = arith.constant 1 : i32
    %while3A_39 = scf.for %while3A_44 = %while3A_35 to %while3A_31 step %while3A_38 iter_args(%while3A_45 = %while3A_37) -> (i32)  : i32 {
      %mul3A_46 = arith.constant 804352 : i32
      %mul3A_47 = arith.muli %add3A, %mul3A_46 : i32
      %mul3A_48 = arith.constant 128 : i32
      %mul3A_49 = arith.muli %while3A_44, %mul3A_48 : i32
      %add3A_50 = arith.addi %mul3A_47, %mul3A_49 : i32
      "tpu.region"() ({
        %run_scoped3A = tpu.sem_alloc : memref<!tpu.dma_semaphore, #tpu.memory_space<semaphore_mem>>
        %dma_start3A_72 = tpu.memref_slice %arg3[%add3A_50] : memref<25739264xi32, #tpu.memory_space<hbm>> -> memref<128xi32, #tpu.memory_space<hbm>>
        %dma_start3A_73 = tpu.memref_slice %arg3[%add3A_50] : memref<25739264xi32, #tpu.memory_space<hbm>> -> memref<128xi32, #tpu.memory_space<hbm>>
        tpu.enqueue_dma source(%dma_start3A_73 : memref<128xi32, #tpu.memory_space<hbm>>) target(%arg8 : memref<128xi32, #tpu.memory_space<vmem>>) target_semaphore(%run_scoped3A : memref<!tpu.dma_semaphore, #tpu.memory_space<semaphore_mem>>)
        %dma_wait3A_74 = tpu.memref_slice %arg3[%add3A_50] : memref<25739264xi32, #tpu.memory_space<hbm>> -> memref<128xi32, #tpu.memory_space<hbm>>
        %dma_wait3A_75 = tpu.memref_slice %arg3[%add3A_50] : memref<25739264xi32, #tpu.memory_space<hbm>> -> memref<128xi32, #tpu.memory_space<hbm>>
        tpu.wait_dma2 semaphore(%run_scoped3A : memref<!tpu.dma_semaphore, #tpu.memory_space<semaphore_mem>>) src(%dma_wait3A_75 : memref<128xi32, #tpu.memory_space<hbm>>) dst(%arg8 : memref<128xi32, #tpu.memory_space<vmem>>)
        tpu.yield
      }) : () -> ()
      "tpu.region"() ({
        %run_scoped3A = tpu.sem_alloc : memref<!tpu.dma_semaphore, #tpu.memory_space<semaphore_mem>>
        %dma_start3A_72 = arith.constant 0 : i32
        %dma_start3A_73 = tpu.memref_slice %arg9[%dma_start3A_72] : memref<144xi32, #tpu.memory_space<vmem>> -> memref<128xi32, #tpu.memory_space<vmem>>
        %dma_start3A_74 = tpu.memref_slice %arg4[%add3A_50] : memref<25739264xi32, #tpu.memory_space<hbm>> -> memref<128xi32, #tpu.memory_space<hbm>>
        %dma_start3A_75 = arith.constant 0 : i32
        %dma_start3A_76 = tpu.memref_slice %arg9[%dma_start3A_75] : memref<144xi32, #tpu.memory_space<vmem>> -> memref<128xi32, #tpu.memory_space<vmem>>
        %dma_start3A_77 = tpu.memref_slice %arg4[%add3A_50] : memref<25739264xi32, #tpu.memory_space<hbm>> -> memref<128xi32, #tpu.memory_space<hbm>>
        tpu.enqueue_dma source(%dma_start3A_77 : memref<128xi32, #tpu.memory_space<hbm>>) target(%dma_start3A_76 : memref<128xi32, #tpu.memory_space<vmem>>) target_semaphore(%run_scoped3A : memref<!tpu.dma_semaphore, #tpu.memory_space<semaphore_mem>>)
        %dma_wait3A_78 = arith.constant 0 : i32
        %dma_wait3A_79 = tpu.memref_slice %arg9[%dma_wait3A_78] : memref<144xi32, #tpu.memory_space<vmem>> -> memref<128xi32, #tpu.memory_space<vmem>>
        %dma_wait3A_80 = tpu.memref_slice %arg4[%add3A_50] : memref<25739264xi32, #tpu.memory_space<hbm>> -> memref<128xi32, #tpu.memory_space<hbm>>
        %dma_wait3A_81 = arith.constant 0 : i32
        %dma_wait3A_82 = tpu.memref_slice %arg9[%dma_wait3A_81] : memref<144xi32, #tpu.memory_space<vmem>> -> memref<128xi32, #tpu.memory_space<vmem>>
        %dma_wait3A_83 = tpu.memref_slice %arg4[%add3A_50] : memref<25739264xi32, #tpu.memory_space<hbm>> -> memref<128xi32, #tpu.memory_space<hbm>>
        tpu.wait_dma2 semaphore(%run_scoped3A : memref<!tpu.dma_semaphore, #tpu.memory_space<semaphore_mem>>) src(%dma_wait3A_83 : memref<128xi32, #tpu.memory_space<hbm>>) dst(%dma_wait3A_82 : memref<128xi32, #tpu.memory_space<vmem>>)
        tpu.yield
      }) : () -> ()
      %dma_start3A = arith.constant 0 : i32
      %dma_start3A_51 = arith.constant 0 : i32
      %dma_start3A_52 = tpu.memref_slice %arg2[%dma_start3A, %dma_start3A_51] : memref<50176x64xf32, #tpu.memory_space<hbm>> -> memref<50176x64xf32, #tpu.memory_space<hbm>>
      tpu.enqueue_indirect_dma source(%dma_start3A_52 : memref<50176x64xf32, #tpu.memory_space<hbm>>) target(%arg10 : memref<128x64xf32, #tpu.memory_space<vmem>>) offsets(%arg8 : memref<128xi32, #tpu.memory_space<vmem>>) semaphore(%arg12 : memref<!tpu.dma_semaphore, #tpu.memory_space<semaphore_mem>>)
      %dma_wait3A = arith.constant 0 : i32
      %dma_wait3A_53 = arith.constant 0 : i32
      %dma_wait3A_54 = tpu.memref_slice %arg2[%dma_wait3A, %dma_wait3A_53] : memref<50176x64xf32, #tpu.memory_space<hbm>> -> memref<50176x64xf32, #tpu.memory_space<hbm>>
      tpu.wait_indirect_dma semaphore(%arg12 : memref<!tpu.dma_semaphore, #tpu.memory_space<semaphore_mem>>) src(%dma_wait3A_54 : memref<50176x64xf32, #tpu.memory_space<hbm>>) dst(%arg10 : memref<128x64xf32, #tpu.memory_space<vmem>>)
      %mul3A_55 = arith.constant 128 : i32
      %mul3A_56 = arith.muli %while3A_44, %mul3A_55 : i32
      %sub3A_57 = arith.subi %squeeze3A, %mul3A_56 : i32
      %min3A = arith.constant 128 : i32
      %min3A_58 = arith.minsi %sub3A_57, %min3A : i32
      %while3A_59 = arith.constant 0 : i32
      %while3A_60 = arith.constant 0 : i32
      %while3A_61 = arith.subi %min3A_58, %while3A_59 : i32
      %while3A_62 = arith.addi %while3A_59, %while3A_61 : i32
      %while3A_63 = arith.constant 1 : i32
      %while3A_64 = arith.divsi %while3A_61, %while3A_63 : i32
      %while3A_65 = arith.muli %while3A_64, %while3A_63 : i32
      %while3A_66 = arith.addi %while3A_59, %while3A_65 : i32
      %while3A_67 = arith.constant 1 : i32
      %while3A_68 = scf.for %while3A_72 = %while3A_59 to %while3A_66 step %while3A_67 iter_args(%while3A_73 = %while3A_60) -> (i32)  : i32 {
        %get3A_74 = arith.index_cast %while3A_72 : i32 to index
        %get3A_75 = tpu.vector_load %arg9[%get3A_74] {strides = array<i32>} : memref<144xi32, #tpu.memory_space<vmem>>, vector<16xi32>,
        %slice3A_76 = vector.extract_strided_slice %get3A_75 {offsets = [0], sizes = [1], strides = [1]} : vector<16xi32> to vector<1xi32>
        %squeeze3A_77 = vector.extract %slice3A_76[0] : i32 from vector<1xi32>
        %mul3A_78 = arith.constant 64 : i32
        %mul3A_79 = arith.muli %squeeze3A_77, %mul3A_78 : i32
        %add3A_80 = arith.constant 0 : i32
        %add3A_81 = arith.addi %mul3A_79, %add3A_80 : i32
        %get3A_82 = arith.index_cast %add3A_81 : i32 to index
        %get3A_83 = tpu.vector_load %arg7[%get3A_82] {strides = array<i32>} : memref<100352xf32, #tpu.memory_space<vmem>>, vector<16xf32>,
        %get3A_84 = arith.index_cast %while3A_72 : i32 to index
        %get3A_85 = arith.constant 0 : index
        %get3A_86 = tpu.vector_load %arg10[%get3A_84, %get3A_85] {strides = array<i32>} : memref<128x64xf32, #tpu.memory_space<vmem>>, vector<16xf32>,
        %max3A = arith.maximumf %get3A_83, %get3A_86 : vector<16xf32>
        %swap3A = arith.index_cast %add3A_81 : i32 to index
        %swap3A_87 = tpu.vector_load %arg7[%swap3A] {strides = array<i32>} : memref<100352xf32, #tpu.memory_space<vmem>>, vector<16xf32>,
        tpu.vector_store %arg7[%swap3A], %max3A {strides = array<i32>} : memref<100352xf32, #tpu.memory_space<vmem>>, vector<16xf32>,
        %add3A_88 = arith.constant 16 : i32
        %add3A_89 = arith.addi %mul3A_79, %add3A_88 : i32
        %get3A_90 = arith.index_cast %add3A_89 : i32 to index
        %get3A_91 = tpu.vector_load %arg7[%get3A_90] {strides = array<i32>} : memref<100352xf32, #tpu.memory_space<vmem>>, vector<16xf32>,
        %get3A_92 = arith.index_cast %while3A_72 : i32 to index
        %get3A_93 = arith.constant 16 : index
        %get3A_94 = tpu.vector_load %arg10[%get3A_92, %get3A_93] {strides = array<i32>} : memref<128x64xf32, #tpu.memory_space<vmem>>, vector<16xf32>,
        %max3A_95 = arith.maximumf %get3A_91, %get3A_94 : vector<16xf32>
        %swap3A_96 = arith.index_cast %add3A_89 : i32 to index
        %swap3A_97 = tpu.vector_load %arg7[%swap3A_96] {strides = array<i32>} : memref<100352xf32, #tpu.memory_space<vmem>>, vector<16xf32>,
        tpu.vector_store %arg7[%swap3A_96], %max3A_95 {strides = array<i32>} : memref<100352xf32, #tpu.memory_space<vmem>>, vector<16xf32>,
        %add3A_98 = arith.constant 32 : i32
        %add3A_99 = arith.addi %mul3A_79, %add3A_98 : i32
        %get3A_100 = arith.index_cast %add3A_99 : i32 to index
        %get3A_101 = tpu.vector_load %arg7[%get3A_100] {strides = array<i32>} : memref<100352xf32, #tpu.memory_space<vmem>>, vector<16xf32>,
        %get3A_102 = arith.index_cast %while3A_72 : i32 to index
        %get3A_103 = arith.constant 32 : index
        %get3A_104 = tpu.vector_load %arg10[%get3A_102, %get3A_103] {strides = array<i32>} : memref<128x64xf32, #tpu.memory_space<vmem>>, vector<16xf32>,
        %max3A_105 = arith.maximumf %get3A_101, %get3A_104 : vector<16xf32>
        %swap3A_106 = arith.index_cast %add3A_99 : i32 to index
        %swap3A_107 = tpu.vector_load %arg7[%swap3A_106] {strides = array<i32>} : memref<100352xf32, #tpu.memory_space<vmem>>, vector<16xf32>,
        tpu.vector_store %arg7[%swap3A_106], %max3A_105 {strides = array<i32>} : memref<100352xf32, #tpu.memory_space<vmem>>, vector<16xf32>,
        %add3A_108 = arith.constant 48 : i32
        %add3A_109 = arith.addi %mul3A_79, %add3A_108 : i32
        %get3A_110 = arith.index_cast %add3A_109 : i32 to index
        %get3A_111 = tpu.vector_load %arg7[%get3A_110] {strides = array<i32>} : memref<100352xf32, #tpu.memory_space<vmem>>, vector<16xf32>,
        %get3A_112 = arith.index_cast %while3A_72 : i32 to index
        %get3A_113 = arith.constant 48 : index
        %get3A_114 = tpu.vector_load %arg10[%get3A_112, %get3A_113] {strides = array<i32>} : memref<128x64xf32, #tpu.memory_space<vmem>>, vector<16xf32>,
        %max3A_115 = arith.maximumf %get3A_111, %get3A_114 : vector<16xf32>
        %swap3A_116 = arith.index_cast %add3A_109 : i32 to index
        %swap3A_117 = tpu.vector_load %arg7[%swap3A_116] {strides = array<i32>} : memref<100352xf32, #tpu.memory_space<vmem>>, vector<16xf32>,
        tpu.vector_store %arg7[%swap3A_116], %max3A_115 {strides = array<i32>} : memref<100352xf32, #tpu.memory_space<vmem>>, vector<16xf32>,
        %while3A_118 = arith.constant 0 : i32
        scf.yield %while3A_118 : i32
      }
      %while3A_69 = arith.constant 1 : i32
      %while3A_70 = scf.for %while3A_72 = %while3A_66 to %while3A_62 step %while3A_69 iter_args(%while3A_73 = %while3A_68) -> (i32)  : i32 {
        %get3A_74 = arith.index_cast %while3A_72 : i32 to index
        %get3A_75 = tpu.vector_load %arg9[%get3A_74] {strides = array<i32>} : memref<144xi32, #tpu.memory_space<vmem>>, vector<16xi32>,
        %slice3A_76 = vector.extract_strided_slice %get3A_75 {offsets = [0], sizes = [1], strides = [1]} : vector<16xi32> to vector<1xi32>
        %squeeze3A_77 = vector.extract %slice3A_76[0] : i32 from vector<1xi32>
        %mul3A_78 = arith.constant 64 : i32
        %mul3A_79 = arith.muli %squeeze3A_77, %mul3A_78 : i32
        %add3A_80 = arith.constant 0 : i32
        %add3A_81 = arith.addi %mul3A_79, %add3A_80 : i32
        %get3A_82 = arith.index_cast %add3A_81 : i32 to index
        %get3A_83 = tpu.vector_load %arg7[%get3A_82] {strides = array<i32>} : memref<100352xf32, #tpu.memory_space<vmem>>, vector<16xf32>,
        %get3A_84 = arith.index_cast %while3A_72 : i32 to index
        %get3A_85 = arith.constant 0 : index
        %get3A_86 = tpu.vector_load %arg10[%get3A_84, %get3A_85] {strides = array<i32>} : memref<128x64xf32, #tpu.memory_space<vmem>>, vector<16xf32>,
        %max3A = arith.maximumf %get3A_83, %get3A_86 : vector<16xf32>
        %swap3A = arith.index_cast %add3A_81 : i32 to index
        %swap3A_87 = tpu.vector_load %arg7[%swap3A] {strides = array<i32>} : memref<100352xf32, #tpu.memory_space<vmem>>, vector<16xf32>,
        tpu.vector_store %arg7[%swap3A], %max3A {strides = array<i32>} : memref<100352xf32, #tpu.memory_space<vmem>>, vector<16xf32>,
        %add3A_88 = arith.constant 16 : i32
        %add3A_89 = arith.addi %mul3A_79, %add3A_88 : i32
        %get3A_90 = arith.index_cast %add3A_89 : i32 to index
        %get3A_91 = tpu.vector_load %arg7[%get3A_90] {strides = array<i32>} : memref<100352xf32, #tpu.memory_space<vmem>>, vector<16xf32>,
        %get3A_92 = arith.index_cast %while3A_72 : i32 to index
        %get3A_93 = arith.constant 16 : index
        %get3A_94 = tpu.vector_load %arg10[%get3A_92, %get3A_93] {strides = array<i32>} : memref<128x64xf32, #tpu.memory_space<vmem>>, vector<16xf32>,
        %max3A_95 = arith.maximumf %get3A_91, %get3A_94 : vector<16xf32>
        %swap3A_96 = arith.index_cast %add3A_89 : i32 to index
        %swap3A_97 = tpu.vector_load %arg7[%swap3A_96] {strides = array<i32>} : memref<100352xf32, #tpu.memory_space<vmem>>, vector<16xf32>,
        tpu.vector_store %arg7[%swap3A_96], %max3A_95 {strides = array<i32>} : memref<100352xf32, #tpu.memory_space<vmem>>, vector<16xf32>,
        %add3A_98 = arith.constant 32 : i32
        %add3A_99 = arith.addi %mul3A_79, %add3A_98 : i32
        %get3A_100 = arith.index_cast %add3A_99 : i32 to index
        %get3A_101 = tpu.vector_load %arg7[%get3A_100] {strides = array<i32>} : memref<100352xf32, #tpu.memory_space<vmem>>, vector<16xf32>,
        %get3A_102 = arith.index_cast %while3A_72 : i32 to index
        %get3A_103 = arith.constant 32 : index
        %get3A_104 = tpu.vector_load %arg10[%get3A_102, %get3A_103] {strides = array<i32>} : memref<128x64xf32, #tpu.memory_space<vmem>>, vector<16xf32>,
        %max3A_105 = arith.maximumf %get3A_101, %get3A_104 : vector<16xf32>
        %swap3A_106 = arith.index_cast %add3A_99 : i32 to index
        %swap3A_107 = tpu.vector_load %arg7[%swap3A_106] {strides = array<i32>} : memref<100352xf32, #tpu.memory_space<vmem>>, vector<16xf32>,
        tpu.vector_store %arg7[%swap3A_106], %max3A_105 {strides = array<i32>} : memref<100352xf32, #tpu.memory_space<vmem>>, vector<16xf32>,
        %add3A_108 = arith.constant 48 : i32
        %add3A_109 = arith.addi %mul3A_79, %add3A_108 : i32
        %get3A_110 = arith.index_cast %add3A_109 : i32 to index
        %get3A_111 = tpu.vector_load %arg7[%get3A_110] {strides = array<i32>} : memref<100352xf32, #tpu.memory_space<vmem>>, vector<16xf32>,
        %get3A_112 = arith.index_cast %while3A_72 : i32 to index
        %get3A_113 = arith.constant 48 : index
        %get3A_114 = tpu.vector_load %arg10[%get3A_112, %get3A_113] {strides = array<i32>} : memref<128x64xf32, #tpu.memory_space<vmem>>, vector<16xf32>,
        %max3A_115 = arith.maximumf %get3A_111, %get3A_114 : vector<16xf32>
        %swap3A_116 = arith.index_cast %add3A_109 : i32 to index
        %swap3A_117 = tpu.vector_load %arg7[%swap3A_116] {strides = array<i32>} : memref<100352xf32, #tpu.memory_space<vmem>>, vector<16xf32>,
        tpu.vector_store %arg7[%swap3A_116], %max3A_115 {strides = array<i32>} : memref<100352xf32, #tpu.memory_space<vmem>>, vector<16xf32>,
        %while3A_118 = arith.constant 0 : i32
        scf.yield %while3A_118 : i32
      }
      %while3A_71 = arith.constant 0 : i32
      scf.yield %while3A_71 : i32
    }
    %mul3A_40 = arith.constant 1568 : i32
    %mul3A_41 = arith.muli %add3A, %mul3A_40 : i32
    %mul3A_42 = arith.constant 64 : i32
    %mul3A_43 = arith.muli %mul3A_41, %mul3A_42 : i32
    "tpu.region"() ({
      %run_scoped3A = tpu.sem_alloc : memref<!tpu.dma_semaphore, #tpu.memory_space<semaphore_mem>>
      %dma_start3A = tpu.memref_slice %arg6[%mul3A_43] : memref<3211264xf32, #tpu.memory_space<hbm>> -> memref<100352xf32, #tpu.memory_space<hbm>>
      %dma_start3A_44 = tpu.memref_slice %arg6[%mul3A_43] : memref<3211264xf32, #tpu.memory_space<hbm>> -> memref<100352xf32, #tpu.memory_space<hbm>>
      tpu.enqueue_dma source(%arg7 : memref<100352xf32, #tpu.memory_space<vmem>>) target(%dma_start3A_44 : memref<100352xf32, #tpu.memory_space<hbm>>) target_semaphore(%run_scoped3A : memref<!tpu.dma_semaphore, #tpu.memory_space<semaphore_mem>>)
      %dma_wait3A = tpu.memref_slice %arg6[%mul3A_43] : memref<3211264xf32, #tpu.memory_space<hbm>> -> memref<100352xf32, #tpu.memory_space<hbm>>
      %dma_wait3A_45 = tpu.memref_slice %arg6[%mul3A_43] : memref<3211264xf32, #tpu.memory_space<hbm>> -> memref<100352xf32, #tpu.memory_space<hbm>>
      tpu.wait_dma2 semaphore(%run_scoped3A : memref<!tpu.dma_semaphore, #tpu.memory_space<semaphore_mem>>) src(%arg7 : memref<100352xf32, #tpu.memory_space<vmem>>) dst(%dma_wait3A_45 : memref<100352xf32, #tpu.memory_space<hbm>>)
      tpu.yield
    }) : () -> ()
    return
  }
}

#map = affine_map<(d0, d1) -> (0, 0)>
#map1 = affine_map<(d0, d1) -> (0)>
module attributes {stable_mosaic.version = 14 : i64} {
  func.func @_segmax_body(%arg0: i32, %arg1: i32, %arg2: memref<50176x64xf32, #tpu.memory_space<hbm>>, %arg3: memref<25739264xi32, #tpu.memory_space<hbm>>, %arg4: memref<25739264xi32, #tpu.memory_space<hbm>>, %arg5: memref<512xi32, #tpu.memory_space<hbm>>, %arg6: memref<3211264xf32, #tpu.memory_space<hbm>>, %arg7: memref<100352xf32, #tpu.memory_space<vmem>>, %arg8: memref<128xi32, #tpu.memory_space<vmem>>, %arg9: memref<144xi32, #tpu.memory_space<vmem>>, %arg10: memref<128x64xf32, #tpu.memory_space<vmem>>, %arg11: memref<16xi32, #tpu.memory_space<vmem>>, %arg12: memref<!tpu.dma_semaphore, #tpu.memory_space<semaphore_mem>>) attributes {dimension_semantics = [#tpu.dimension_semantics<core_parallel>, #tpu.dimension_semantics<subcore_parallel>], iteration_bounds = array<i64: 2, 16>, scalar_prefetch = 0 : i64, scratch_operands = 6 : i64, tpu.core_type = #tpu.core_type<sc_vector_subcore>, window_params = [{transform_indices = #map}, {transform_indices = #map1}, {transform_indices = #map1}, {transform_indices = #map1}, {transform_indices = #map1}]} {
    %mul3A = arith.constant 2 : i32
    %mul3A_0 = arith.muli %arg1, %mul3A : i32
    %add3A = arith.addi %mul3A_0, %arg0 : i32
    %broadcast_in_dim3A = arith.constant 0xFF800000 : f32
    %broadcast_in_dim3A_1 = vector.broadcast %broadcast_in_dim3A : f32 to vector<16xf32>
    %scan3A = arith.constant 0 : i32
    %scan3A_2 = arith.constant 0 : i32
    %scan3A_3 = arith.constant 6272 : i32
    %scan3A_4 = arith.addi %scan3A_2, %scan3A_3 : i32
    %scan3A_5 = arith.constant 1 : i32
    %scan3A_6 = scf.for %scan3A_44 = %scan3A_2 to %scan3A_4 step %scan3A_5 iter_args(%scan3A_45 = %scan3A) -> (i32)  : i32 {
      %mul3A_46 = arith.constant 16 : i32
      %mul3A_47 = arith.muli %scan3A_44, %mul3A_46 : i32
      %swap3A = arith.index_cast %mul3A_47 : i32 to index
      %swap3A_48 = tpu.vector_load %arg7[%swap3A] {strides = array<i32>} : memref<100352xf32, #tpu.memory_space<vmem>>, vector<16xf32>,
      tpu.vector_store %arg7[%swap3A], %broadcast_in_dim3A_1 {strides = array<i32>} : memref<100352xf32, #tpu.memory_space<vmem>>, vector<16xf32>,
      %scan3A_49 = arith.constant 0 : i32
      scf.yield %scan3A_49 : i32
    }
    %scan3A_7 = arith.constant 6272 : i32
    %mul3A_8 = arith.constant 16 : i32
    %mul3A_9 = arith.muli %add3A, %mul3A_8 : i32
    "tpu.region"() ({
      %run_scoped3A = tpu.sem_alloc : memref<!tpu.dma_semaphore, #tpu.memory_space<semaphore_mem>>
      %dma_start3A = tpu.memref_slice %arg5[%mul3A_9] : memref<512xi32, #tpu.memory_space<hbm>> -> memref<16xi32, #tpu.memory_space<hbm>>
      %dma_start3A_44 = tpu.memref_slice %arg5[%mul3A_9] : memref<512xi32, #tpu.memory_space<hbm>> -> memref<16xi32, #tpu.memory_space<hbm>>
      tpu.enqueue_dma source(%dma_start3A_44 : memref<16xi32, #tpu.memory_space<hbm>>) target(%arg11 : memref<16xi32, #tpu.memory_space<vmem>>) target_semaphore(%run_scoped3A : memref<!tpu.dma_semaphore, #tpu.memory_space<semaphore_mem>>)
      %dma_wait3A = tpu.memref_slice %arg5[%mul3A_9] : memref<512xi32, #tpu.memory_space<hbm>> -> memref<16xi32, #tpu.memory_space<hbm>>
      %dma_wait3A_45 = tpu.memref_slice %arg5[%mul3A_9] : memref<512xi32, #tpu.memory_space<hbm>> -> memref<16xi32, #tpu.memory_space<hbm>>
      tpu.wait_dma2 semaphore(%run_scoped3A : memref<!tpu.dma_semaphore, #tpu.memory_space<semaphore_mem>>) src(%dma_wait3A_45 : memref<16xi32, #tpu.memory_space<hbm>>) dst(%arg11 : memref<16xi32, #tpu.memory_space<vmem>>)
      tpu.yield
    }) : () -> ()
    %get3A = arith.constant 0 : index
    %get3A_10 = tpu.vector_load %arg11[%get3A] {strides = array<i32>} : memref<16xi32, #tpu.memory_space<vmem>>, vector<16xi32>,
    %slice3A = vector.extract_strided_slice %get3A_10 {offsets = [0], sizes = [1], strides = [1]} : vector<16xi32> to vector<1xi32>
    %squeeze3A = vector.extract %slice3A[0] : i32 from vector<1xi32>
    %add3A_11 = arith.constant 127 : i32
    %add3A_12 = arith.addi %squeeze3A, %add3A_11 : i32
    %jit3A = arith.constant 128 : i32
    %div3A = arith.divsi %add3A_12, %jit3A : i32
    %sign3A = arith.constant 0 : i32
    %sign3A_13 = arith.cmpi sgt, %add3A_12, %sign3A : i32
    %sign3A_14 = arith.extui %sign3A_13 : i1 to i32
    %sign3A_15 = arith.constant 0 : i32
    %sign3A_16 = arith.cmpi slt, %add3A_12, %sign3A_15 : i32
    %sign3A_17 = arith.extui %sign3A_16 : i1 to i32
    %sign3A_18 = arith.subi %sign3A_14, %sign3A_17 : i32
    %sign3A_19 = arith.constant 0 : i32
    %sign3A_20 = arith.cmpi sgt, %jit3A, %sign3A_19 : i32
    %sign3A_21 = arith.extui %sign3A_20 : i1 to i32
    %sign3A_22 = arith.constant 0 : i32
    %sign3A_23 = arith.cmpi slt, %jit3A, %sign3A_22 : i32
    %sign3A_24 = arith.extui %sign3A_23 : i1 to i32
    %sign3A_25 = arith.subi %sign3A_21, %sign3A_24 : i32
    %ne3A = arith.cmpi ne, %sign3A_18, %sign3A_25 : i32
    %rem3A = arith.remsi %add3A_12, %jit3A : i32
    %ne3A_26 = arith.constant 0 : i32
    %ne3A_27 = arith.cmpi ne, %rem3A, %ne3A_26 : i32
    %and3A = arith.andi %ne3A, %ne3A_27 : i1
    %sub3A = arith.constant 1 : i32
    %sub3A_28 = arith.subi %div3A, %sub3A : i32
    %select_n3A = arith.select %and3A, %sub3A_28, %div3A : i32
    %while3A = arith.constant 0 : i32
    %while3A_29 = arith.constant 0 : i32
    %while3A_30 = arith.subi %select_n3A, %while3A : i32
    %while3A_31 = arith.addi %while3A, %while3A_30 : i32
    %while3A_32 = arith.constant 1 : i32
    %while3A_33 = arith.divsi %while3A_30, %while3A_32 : i32
    %while3A_34 = arith.muli %while3A_33, %while3A_32 : i32
    %while3A_35 = arith.addi %while3A, %while3A_34 : i32
    %while3A_36 = arith.constant 1 : i32
    %while3A_37 = scf.for %while3A_44 = %while3A to %while3A_35 step %while3A_36 iter_args(%while3A_45 = %while3A_29) -> (i32)  : i32 {
      %mul3A_46 = arith.constant 804352 : i32
      %mul3A_47 = arith.muli %add3A, %mul3A_46 : i32
      %mul3A_48 = arith.constant 128 : i32
      %mul3A_49 = arith.muli %while3A_44, %mul3A_48 : i32
      %add3A_50 = arith.addi %mul3A_47, %mul3A_49 : i32
      "tpu.region"() ({
        %run_scoped3A = tpu.sem_alloc : memref<!tpu.dma_semaphore, #tpu.memory_space<semaphore_mem>>
        %dma_start3A_72 = tpu.memref_slice %arg3[%add3A_50] : memref<25739264xi32, #tpu.memory_space<hbm>> -> memref<128xi32, #tpu.memory_space<hbm>>
        %dma_start3A_73 = tpu.memref_slice %arg3[%add3A_50] : memref<25739264xi32, #tpu.memory_space<hbm>> -> memref<128xi32, #tpu.memory_space<hbm>>
        tpu.enqueue_dma source(%dma_start3A_73 : memref<128xi32, #tpu.memory_space<hbm>>) target(%arg8 : memref<128xi32, #tpu.memory_space<vmem>>) target_semaphore(%run_scoped3A : memref<!tpu.dma_semaphore, #tpu.memory_space<semaphore_mem>>)
        %dma_wait3A_74 = tpu.memref_slice %arg3[%add3A_50] : memref<25739264xi32, #tpu.memory_space<hbm>> -> memref<128xi32, #tpu.memory_space<hbm>>
        %dma_wait3A_75 = tpu.memref_slice %arg3[%add3A_50] : memref<25739264xi32, #tpu.memory_space<hbm>> -> memref<128xi32, #tpu.memory_space<hbm>>
        tpu.wait_dma2 semaphore(%run_scoped3A : memref<!tpu.dma_semaphore, #tpu.memory_space<semaphore_mem>>) src(%dma_wait3A_75 : memref<128xi32, #tpu.memory_space<hbm>>) dst(%arg8 : memref<128xi32, #tpu.memory_space<vmem>>)
        tpu.yield
      }) : () -> ()
      "tpu.region"() ({
        %run_scoped3A = tpu.sem_alloc : memref<!tpu.dma_semaphore, #tpu.memory_space<semaphore_mem>>
        %dma_start3A_72 = arith.constant 0 : i32
        %dma_start3A_73 = tpu.memref_slice %arg9[%dma_start3A_72] : memref<144xi32, #tpu.memory_space<vmem>> -> memref<128xi32, #tpu.memory_space<vmem>>
        %dma_start3A_74 = tpu.memref_slice %arg4[%add3A_50] : memref<25739264xi32, #tpu.memory_space<hbm>> -> memref<128xi32, #tpu.memory_space<hbm>>
        %dma_start3A_75 = arith.constant 0 : i32
        %dma_start3A_76 = tpu.memref_slice %arg9[%dma_start3A_75] : memref<144xi32, #tpu.memory_space<vmem>> -> memref<128xi32, #tpu.memory_space<vmem>>
        %dma_start3A_77 = tpu.memref_slice %arg4[%add3A_50] : memref<25739264xi32, #tpu.memory_space<hbm>> -> memref<128xi32, #tpu.memory_space<hbm>>
        tpu.enqueue_dma source(%dma_start3A_77 : memref<128xi32, #tpu.memory_space<hbm>>) target(%dma_start3A_76 : memref<128xi32, #tpu.memory_space<vmem>>) target_semaphore(%run_scoped3A : memref<!tpu.dma_semaphore, #tpu.memory_space<semaphore_mem>>)
        %dma_wait3A_78 = arith.constant 0 : i32
        %dma_wait3A_79 = tpu.memref_slice %arg9[%dma_wait3A_78] : memref<144xi32, #tpu.memory_space<vmem>> -> memref<128xi32, #tpu.memory_space<vmem>>
        %dma_wait3A_80 = tpu.memref_slice %arg4[%add3A_50] : memref<25739264xi32, #tpu.memory_space<hbm>> -> memref<128xi32, #tpu.memory_space<hbm>>
        %dma_wait3A_81 = arith.constant 0 : i32
        %dma_wait3A_82 = tpu.memref_slice %arg9[%dma_wait3A_81] : memref<144xi32, #tpu.memory_space<vmem>> -> memref<128xi32, #tpu.memory_space<vmem>>
        %dma_wait3A_83 = tpu.memref_slice %arg4[%add3A_50] : memref<25739264xi32, #tpu.memory_space<hbm>> -> memref<128xi32, #tpu.memory_space<hbm>>
        tpu.wait_dma2 semaphore(%run_scoped3A : memref<!tpu.dma_semaphore, #tpu.memory_space<semaphore_mem>>) src(%dma_wait3A_83 : memref<128xi32, #tpu.memory_space<hbm>>) dst(%dma_wait3A_82 : memref<128xi32, #tpu.memory_space<vmem>>)
        tpu.yield
      }) : () -> ()
      %dma_start3A = arith.constant 0 : i32
      %dma_start3A_51 = arith.constant 0 : i32
      %dma_start3A_52 = tpu.memref_slice %arg2[%dma_start3A, %dma_start3A_51] : memref<50176x64xf32, #tpu.memory_space<hbm>> -> memref<50176x64xf32, #tpu.memory_space<hbm>>
      tpu.enqueue_indirect_dma source(%dma_start3A_52 : memref<50176x64xf32, #tpu.memory_space<hbm>>) target(%arg10 : memref<128x64xf32, #tpu.memory_space<vmem>>) offsets(%arg8 : memref<128xi32, #tpu.memory_space<vmem>>) semaphore(%arg12 : memref<!tpu.dma_semaphore, #tpu.memory_space<semaphore_mem>>)
      %dma_wait3A = arith.constant 0 : i32
      %dma_wait3A_53 = arith.constant 0 : i32
      %dma_wait3A_54 = tpu.memref_slice %arg2[%dma_wait3A, %dma_wait3A_53] : memref<50176x64xf32, #tpu.memory_space<hbm>> -> memref<50176x64xf32, #tpu.memory_space<hbm>>
      tpu.wait_indirect_dma semaphore(%arg12 : memref<!tpu.dma_semaphore, #tpu.memory_space<semaphore_mem>>) src(%dma_wait3A_54 : memref<50176x64xf32, #tpu.memory_space<hbm>>) dst(%arg10 : memref<128x64xf32, #tpu.memory_space<vmem>>)
      %mul3A_55 = arith.constant 128 : i32
      %mul3A_56 = arith.muli %while3A_44, %mul3A_55 : i32
      %sub3A_57 = arith.subi %squeeze3A, %mul3A_56 : i32
      %min3A = arith.constant 128 : i32
      %min3A_58 = arith.minsi %sub3A_57, %min3A : i32
      %while3A_59 = arith.constant 0 : i32
      %while3A_60 = arith.constant 0 : i32
      %while3A_61 = arith.subi %min3A_58, %while3A_59 : i32
      %while3A_62 = arith.addi %while3A_59, %while3A_61 : i32
      %while3A_63 = arith.constant 1 : i32
      %while3A_64 = arith.divsi %while3A_61, %while3A_63 : i32
      %while3A_65 = arith.muli %while3A_64, %while3A_63 : i32
      %while3A_66 = arith.addi %while3A_59, %while3A_65 : i32
      %while3A_67 = arith.constant 1 : i32
      %while3A_68 = scf.for %while3A_72 = %while3A_59 to %while3A_66 step %while3A_67 iter_args(%while3A_73 = %while3A_60) -> (i32)  : i32 {
        %get3A_74 = arith.index_cast %while3A_72 : i32 to index
        %get3A_75 = tpu.vector_load %arg9[%get3A_74] {strides = array<i32>} : memref<144xi32, #tpu.memory_space<vmem>>, vector<16xi32>,
        %slice3A_76 = vector.extract_strided_slice %get3A_75 {offsets = [0], sizes = [1], strides = [1]} : vector<16xi32> to vector<1xi32>
        %squeeze3A_77 = vector.extract %slice3A_76[0] : i32 from vector<1xi32>
        %mul3A_78 = arith.constant 64 : i32
        %mul3A_79 = arith.muli %squeeze3A_77, %mul3A_78 : i32
        %add3A_80 = arith.constant 0 : i32
        %add3A_81 = arith.addi %mul3A_79, %add3A_80 : i32
        %get3A_82 = arith.index_cast %add3A_81 : i32 to index
        %get3A_83 = tpu.vector_load %arg7[%get3A_82] {strides = array<i32>} : memref<100352xf32, #tpu.memory_space<vmem>>, vector<16xf32>,
        %get3A_84 = arith.index_cast %while3A_72 : i32 to index
        %get3A_85 = arith.constant 0 : index
        %get3A_86 = tpu.vector_load %arg10[%get3A_84, %get3A_85] {strides = array<i32>} : memref<128x64xf32, #tpu.memory_space<vmem>>, vector<16xf32>,
        %max3A = arith.maximumf %get3A_83, %get3A_86 : vector<16xf32>
        %swap3A = arith.index_cast %add3A_81 : i32 to index
        %swap3A_87 = tpu.vector_load %arg7[%swap3A] {strides = array<i32>} : memref<100352xf32, #tpu.memory_space<vmem>>, vector<16xf32>,
        tpu.vector_store %arg7[%swap3A], %max3A {strides = array<i32>} : memref<100352xf32, #tpu.memory_space<vmem>>, vector<16xf32>,
        %add3A_88 = arith.constant 16 : i32
        %add3A_89 = arith.addi %mul3A_79, %add3A_88 : i32
        %get3A_90 = arith.index_cast %add3A_89 : i32 to index
        %get3A_91 = tpu.vector_load %arg7[%get3A_90] {strides = array<i32>} : memref<100352xf32, #tpu.memory_space<vmem>>, vector<16xf32>,
        %get3A_92 = arith.index_cast %while3A_72 : i32 to index
        %get3A_93 = arith.constant 16 : index
        %get3A_94 = tpu.vector_load %arg10[%get3A_92, %get3A_93] {strides = array<i32>} : memref<128x64xf32, #tpu.memory_space<vmem>>, vector<16xf32>,
        %max3A_95 = arith.maximumf %get3A_91, %get3A_94 : vector<16xf32>
        %swap3A_96 = arith.index_cast %add3A_89 : i32 to index
        %swap3A_97 = tpu.vector_load %arg7[%swap3A_96] {strides = array<i32>} : memref<100352xf32, #tpu.memory_space<vmem>>, vector<16xf32>,
        tpu.vector_store %arg7[%swap3A_96], %max3A_95 {strides = array<i32>} : memref<100352xf32, #tpu.memory_space<vmem>>, vector<16xf32>,
        %add3A_98 = arith.constant 32 : i32
        %add3A_99 = arith.addi %mul3A_79, %add3A_98 : i32
        %get3A_100 = arith.index_cast %add3A_99 : i32 to index
        %get3A_101 = tpu.vector_load %arg7[%get3A_100] {strides = array<i32>} : memref<100352xf32, #tpu.memory_space<vmem>>, vector<16xf32>,
        %get3A_102 = arith.index_cast %while3A_72 : i32 to index
        %get3A_103 = arith.constant 32 : index
        %get3A_104 = tpu.vector_load %arg10[%get3A_102, %get3A_103] {strides = array<i32>} : memref<128x64xf32, #tpu.memory_space<vmem>>, vector<16xf32>,
        %max3A_105 = arith.maximumf %get3A_101, %get3A_104 : vector<16xf32>
        %swap3A_106 = arith.index_cast %add3A_99 : i32 to index
        %swap3A_107 = tpu.vector_load %arg7[%swap3A_106] {strides = array<i32>} : memref<100352xf32, #tpu.memory_space<vmem>>, vector<16xf32>,
        tpu.vector_store %arg7[%swap3A_106], %max3A_105 {strides = array<i32>} : memref<100352xf32, #tpu.memory_space<vmem>>, vector<16xf32>,
        %add3A_108 = arith.constant 48 : i32
        %add3A_109 = arith.addi %mul3A_79, %add3A_108 : i32
        %get3A_110 = arith.index_cast %add3A_109 : i32 to index
        %get3A_111 = tpu.vector_load %arg7[%get3A_110] {strides = array<i32>} : memref<100352xf32, #tpu.memory_space<vmem>>, vector<16xf32>,
        %get3A_112 = arith.index_cast %while3A_72 : i32 to index
        %get3A_113 = arith.constant 48 : index
        %get3A_114 = tpu.vector_load %arg10[%get3A_112, %get3A_113] {strides = array<i32>} : memref<128x64xf32, #tpu.memory_space<vmem>>, vector<16xf32>,
        %max3A_115 = arith.maximumf %get3A_111, %get3A_114 : vector<16xf32>
        %swap3A_116 = arith.index_cast %add3A_109 : i32 to index
        %swap3A_117 = tpu.vector_load %arg7[%swap3A_116] {strides = array<i32>} : memref<100352xf32, #tpu.memory_space<vmem>>, vector<16xf32>,
        tpu.vector_store %arg7[%swap3A_116], %max3A_115 {strides = array<i32>} : memref<100352xf32, #tpu.memory_space<vmem>>, vector<16xf32>,
        %while3A_118 = arith.constant 0 : i32
        scf.yield %while3A_118 : i32
      }
      %while3A_69 = arith.constant 1 : i32
      %while3A_70 = scf.for %while3A_72 = %while3A_66 to %while3A_62 step %while3A_69 iter_args(%while3A_73 = %while3A_68) -> (i32)  : i32 {
        %get3A_74 = arith.index_cast %while3A_72 : i32 to index
        %get3A_75 = tpu.vector_load %arg9[%get3A_74] {strides = array<i32>} : memref<144xi32, #tpu.memory_space<vmem>>, vector<16xi32>,
        %slice3A_76 = vector.extract_strided_slice %get3A_75 {offsets = [0], sizes = [1], strides = [1]} : vector<16xi32> to vector<1xi32>
        %squeeze3A_77 = vector.extract %slice3A_76[0] : i32 from vector<1xi32>
        %mul3A_78 = arith.constant 64 : i32
        %mul3A_79 = arith.muli %squeeze3A_77, %mul3A_78 : i32
        %add3A_80 = arith.constant 0 : i32
        %add3A_81 = arith.addi %mul3A_79, %add3A_80 : i32
        %get3A_82 = arith.index_cast %add3A_81 : i32 to index
        %get3A_83 = tpu.vector_load %arg7[%get3A_82] {strides = array<i32>} : memref<100352xf32, #tpu.memory_space<vmem>>, vector<16xf32>,
        %get3A_84 = arith.index_cast %while3A_72 : i32 to index
        %get3A_85 = arith.constant 0 : index
        %get3A_86 = tpu.vector_load %arg10[%get3A_84, %get3A_85] {strides = array<i32>} : memref<128x64xf32, #tpu.memory_space<vmem>>, vector<16xf32>,
        %max3A = arith.maximumf %get3A_83, %get3A_86 : vector<16xf32>
        %swap3A = arith.index_cast %add3A_81 : i32 to index
        %swap3A_87 = tpu.vector_load %arg7[%swap3A] {strides = array<i32>} : memref<100352xf32, #tpu.memory_space<vmem>>, vector<16xf32>,
        tpu.vector_store %arg7[%swap3A], %max3A {strides = array<i32>} : memref<100352xf32, #tpu.memory_space<vmem>>, vector<16xf32>,
        %add3A_88 = arith.constant 16 : i32
        %add3A_89 = arith.addi %mul3A_79, %add3A_88 : i32
        %get3A_90 = arith.index_cast %add3A_89 : i32 to index
        %get3A_91 = tpu.vector_load %arg7[%get3A_90] {strides = array<i32>} : memref<100352xf32, #tpu.memory_space<vmem>>, vector<16xf32>,
        %get3A_92 = arith.index_cast %while3A_72 : i32 to index
        %get3A_93 = arith.constant 16 : index
        %get3A_94 = tpu.vector_load %arg10[%get3A_92, %get3A_93] {strides = array<i32>} : memref<128x64xf32, #tpu.memory_space<vmem>>, vector<16xf32>,
        %max3A_95 = arith.maximumf %get3A_91, %get3A_94 : vector<16xf32>
        %swap3A_96 = arith.index_cast %add3A_89 : i32 to index
        %swap3A_97 = tpu.vector_load %arg7[%swap3A_96] {strides = array<i32>} : memref<100352xf32, #tpu.memory_space<vmem>>, vector<16xf32>,
        tpu.vector_store %arg7[%swap3A_96], %max3A_95 {strides = array<i32>} : memref<100352xf32, #tpu.memory_space<vmem>>, vector<16xf32>,
        %add3A_98 = arith.constant 32 : i32
        %add3A_99 = arith.addi %mul3A_79, %add3A_98 : i32
        %get3A_100 = arith.index_cast %add3A_99 : i32 to index
        %get3A_101 = tpu.vector_load %arg7[%get3A_100] {strides = array<i32>} : memref<100352xf32, #tpu.memory_space<vmem>>, vector<16xf32>,
        %get3A_102 = arith.index_cast %while3A_72 : i32 to index
        %get3A_103 = arith.constant 32 : index
        %get3A_104 = tpu.vector_load %arg10[%get3A_102, %get3A_103] {strides = array<i32>} : memref<128x64xf32, #tpu.memory_space<vmem>>, vector<16xf32>,
        %max3A_105 = arith.maximumf %get3A_101, %get3A_104 : vector<16xf32>
        %swap3A_106 = arith.index_cast %add3A_99 : i32 to index
        %swap3A_107 = tpu.vector_load %arg7[%swap3A_106] {strides = array<i32>} : memref<100352xf32, #tpu.memory_space<vmem>>, vector<16xf32>,
        tpu.vector_store %arg7[%swap3A_106], %max3A_105 {strides = array<i32>} : memref<100352xf32, #tpu.memory_space<vmem>>, vector<16xf32>,
        %add3A_108 = arith.constant 48 : i32
        %add3A_109 = arith.addi %mul3A_79, %add3A_108 : i32
        %get3A_110 = arith.index_cast %add3A_109 : i32 to index
        %get3A_111 = tpu.vector_load %arg7[%get3A_110] {strides = array<i32>} : memref<100352xf32, #tpu.memory_space<vmem>>, vector<16xf32>,
        %get3A_112 = arith.index_cast %while3A_72 : i32 to index
        %get3A_113 = arith.constant 48 : index
        %get3A_114 = tpu.vector_load %arg10[%get3A_112, %get3A_113] {strides = array<i32>} : memref<128x64xf32, #tpu.memory_space<vmem>>, vector<16xf32>,
        %max3A_115 = arith.maximumf %get3A_111, %get3A_114 : vector<16xf32>
        %swap3A_116 = arith.index_cast %add3A_109 : i32 to index
        %swap3A_117 = tpu.vector_load %arg7[%swap3A_116] {strides = array<i32>} : memref<100352xf32, #tpu.memory_space<vmem>>, vector<16xf32>,
        tpu.vector_store %arg7[%swap3A_116], %max3A_115 {strides = array<i32>} : memref<100352xf32, #tpu.memory_space<vmem>>, vector<16xf32>,
        %while3A_118 = arith.constant 0 : i32
        scf.yield %while3A_118 : i32
      }
      %while3A_71 = arith.constant 0 : i32
      scf.yield %while3A_71 : i32
    }
    %while3A_38 = arith.constant 1 : i32
    %while3A_39 = scf.for %while3A_44 = %while3A_35 to %while3A_31 step %while3A_38 iter_args(%while3A_45 = %while3A_37) -> (i32)  : i32 {
      %mul3A_46 = arith.constant 804352 : i32
      %mul3A_47 = arith.muli %add3A, %mul3A_46 : i32
      %mul3A_48 = arith.constant 128 : i32
      %mul3A_49 = arith.muli %while3A_44, %mul3A_48 : i32
      %add3A_50 = arith.addi %mul3A_47, %mul3A_49 : i32
      "tpu.region"() ({
        %run_scoped3A = tpu.sem_alloc : memref<!tpu.dma_semaphore, #tpu.memory_space<semaphore_mem>>
        %dma_start3A_72 = tpu.memref_slice %arg3[%add3A_50] : memref<25739264xi32, #tpu.memory_space<hbm>> -> memref<128xi32, #tpu.memory_space<hbm>>
        %dma_start3A_73 = tpu.memref_slice %arg3[%add3A_50] : memref<25739264xi32, #tpu.memory_space<hbm>> -> memref<128xi32, #tpu.memory_space<hbm>>
        tpu.enqueue_dma source(%dma_start3A_73 : memref<128xi32, #tpu.memory_space<hbm>>) target(%arg8 : memref<128xi32, #tpu.memory_space<vmem>>) target_semaphore(%run_scoped3A : memref<!tpu.dma_semaphore, #tpu.memory_space<semaphore_mem>>)
        %dma_wait3A_74 = tpu.memref_slice %arg3[%add3A_50] : memref<25739264xi32, #tpu.memory_space<hbm>> -> memref<128xi32, #tpu.memory_space<hbm>>
        %dma_wait3A_75 = tpu.memref_slice %arg3[%add3A_50] : memref<25739264xi32, #tpu.memory_space<hbm>> -> memref<128xi32, #tpu.memory_space<hbm>>
        tpu.wait_dma2 semaphore(%run_scoped3A : memref<!tpu.dma_semaphore, #tpu.memory_space<semaphore_mem>>) src(%dma_wait3A_75 : memref<128xi32, #tpu.memory_space<hbm>>) dst(%arg8 : memref<128xi32, #tpu.memory_space<vmem>>)
        tpu.yield
      }) : () -> ()
      "tpu.region"() ({
        %run_scoped3A = tpu.sem_alloc : memref<!tpu.dma_semaphore, #tpu.memory_space<semaphore_mem>>
        %dma_start3A_72 = arith.constant 0 : i32
        %dma_start3A_73 = tpu.memref_slice %arg9[%dma_start3A_72] : memref<144xi32, #tpu.memory_space<vmem>> -> memref<128xi32, #tpu.memory_space<vmem>>
        %dma_start3A_74 = tpu.memref_slice %arg4[%add3A_50] : memref<25739264xi32, #tpu.memory_space<hbm>> -> memref<128xi32, #tpu.memory_space<hbm>>
        %dma_start3A_75 = arith.constant 0 : i32
        %dma_start3A_76 = tpu.memref_slice %arg9[%dma_start3A_75] : memref<144xi32, #tpu.memory_space<vmem>> -> memref<128xi32, #tpu.memory_space<vmem>>
        %dma_start3A_77 = tpu.memref_slice %arg4[%add3A_50] : memref<25739264xi32, #tpu.memory_space<hbm>> -> memref<128xi32, #tpu.memory_space<hbm>>
        tpu.enqueue_dma source(%dma_start3A_77 : memref<128xi32, #tpu.memory_space<hbm>>) target(%dma_start3A_76 : memref<128xi32, #tpu.memory_space<vmem>>) target_semaphore(%run_scoped3A : memref<!tpu.dma_semaphore, #tpu.memory_space<semaphore_mem>>)
        %dma_wait3A_78 = arith.constant 0 : i32
        %dma_wait3A_79 = tpu.memref_slice %arg9[%dma_wait3A_78] : memref<144xi32, #tpu.memory_space<vmem>> -> memref<128xi32, #tpu.memory_space<vmem>>
        %dma_wait3A_80 = tpu.memref_slice %arg4[%add3A_50] : memref<25739264xi32, #tpu.memory_space<hbm>> -> memref<128xi32, #tpu.memory_space<hbm>>
        %dma_wait3A_81 = arith.constant 0 : i32
        %dma_wait3A_82 = tpu.memref_slice %arg9[%dma_wait3A_81] : memref<144xi32, #tpu.memory_space<vmem>> -> memref<128xi32, #tpu.memory_space<vmem>>
        %dma_wait3A_83 = tpu.memref_slice %arg4[%add3A_50] : memref<25739264xi32, #tpu.memory_space<hbm>> -> memref<128xi32, #tpu.memory_space<hbm>>
        tpu.wait_dma2 semaphore(%run_scoped3A : memref<!tpu.dma_semaphore, #tpu.memory_space<semaphore_mem>>) src(%dma_wait3A_83 : memref<128xi32, #tpu.memory_space<hbm>>) dst(%dma_wait3A_82 : memref<128xi32, #tpu.memory_space<vmem>>)
        tpu.yield
      }) : () -> ()
      %dma_start3A = arith.constant 0 : i32
      %dma_start3A_51 = arith.constant 0 : i32
      %dma_start3A_52 = tpu.memref_slice %arg2[%dma_start3A, %dma_start3A_51] : memref<50176x64xf32, #tpu.memory_space<hbm>> -> memref<50176x64xf32, #tpu.memory_space<hbm>>
      tpu.enqueue_indirect_dma source(%dma_start3A_52 : memref<50176x64xf32, #tpu.memory_space<hbm>>) target(%arg10 : memref<128x64xf32, #tpu.memory_space<vmem>>) offsets(%arg8 : memref<128xi32, #tpu.memory_space<vmem>>) semaphore(%arg12 : memref<!tpu.dma_semaphore, #tpu.memory_space<semaphore_mem>>)
      %dma_wait3A = arith.constant 0 : i32
      %dma_wait3A_53 = arith.constant 0 : i32
      %dma_wait3A_54 = tpu.memref_slice %arg2[%dma_wait3A, %dma_wait3A_53] : memref<50176x64xf32, #tpu.memory_space<hbm>> -> memref<50176x64xf32, #tpu.memory_space<hbm>>
      tpu.wait_indirect_dma semaphore(%arg12 : memref<!tpu.dma_semaphore, #tpu.memory_space<semaphore_mem>>) src(%dma_wait3A_54 : memref<50176x64xf32, #tpu.memory_space<hbm>>) dst(%arg10 : memref<128x64xf32, #tpu.memory_space<vmem>>)
      %mul3A_55 = arith.constant 128 : i32
      %mul3A_56 = arith.muli %while3A_44, %mul3A_55 : i32
      %sub3A_57 = arith.subi %squeeze3A, %mul3A_56 : i32
      %min3A = arith.constant 128 : i32
      %min3A_58 = arith.minsi %sub3A_57, %min3A : i32
      %while3A_59 = arith.constant 0 : i32
      %while3A_60 = arith.constant 0 : i32
      %while3A_61 = arith.subi %min3A_58, %while3A_59 : i32
      %while3A_62 = arith.addi %while3A_59, %while3A_61 : i32
      %while3A_63 = arith.constant 1 : i32
      %while3A_64 = arith.divsi %while3A_61, %while3A_63 : i32
      %while3A_65 = arith.muli %while3A_64, %while3A_63 : i32
      %while3A_66 = arith.addi %while3A_59, %while3A_65 : i32
      %while3A_67 = arith.constant 1 : i32
      %while3A_68 = scf.for %while3A_72 = %while3A_59 to %while3A_66 step %while3A_67 iter_args(%while3A_73 = %while3A_60) -> (i32)  : i32 {
        %get3A_74 = arith.index_cast %while3A_72 : i32 to index
        %get3A_75 = tpu.vector_load %arg9[%get3A_74] {strides = array<i32>} : memref<144xi32, #tpu.memory_space<vmem>>, vector<16xi32>,
        %slice3A_76 = vector.extract_strided_slice %get3A_75 {offsets = [0], sizes = [1], strides = [1]} : vector<16xi32> to vector<1xi32>
        %squeeze3A_77 = vector.extract %slice3A_76[0] : i32 from vector<1xi32>
        %mul3A_78 = arith.constant 64 : i32
        %mul3A_79 = arith.muli %squeeze3A_77, %mul3A_78 : i32
        %add3A_80 = arith.constant 0 : i32
        %add3A_81 = arith.addi %mul3A_79, %add3A_80 : i32
        %get3A_82 = arith.index_cast %add3A_81 : i32 to index
        %get3A_83 = tpu.vector_load %arg7[%get3A_82] {strides = array<i32>} : memref<100352xf32, #tpu.memory_space<vmem>>, vector<16xf32>,
        %get3A_84 = arith.index_cast %while3A_72 : i32 to index
        %get3A_85 = arith.constant 0 : index
        %get3A_86 = tpu.vector_load %arg10[%get3A_84, %get3A_85] {strides = array<i32>} : memref<128x64xf32, #tpu.memory_space<vmem>>, vector<16xf32>,
        %max3A = arith.maximumf %get3A_83, %get3A_86 : vector<16xf32>
        %swap3A = arith.index_cast %add3A_81 : i32 to index
        %swap3A_87 = tpu.vector_load %arg7[%swap3A] {strides = array<i32>} : memref<100352xf32, #tpu.memory_space<vmem>>, vector<16xf32>,
        tpu.vector_store %arg7[%swap3A], %max3A {strides = array<i32>} : memref<100352xf32, #tpu.memory_space<vmem>>, vector<16xf32>,
        %add3A_88 = arith.constant 16 : i32
        %add3A_89 = arith.addi %mul3A_79, %add3A_88 : i32
        %get3A_90 = arith.index_cast %add3A_89 : i32 to index
        %get3A_91 = tpu.vector_load %arg7[%get3A_90] {strides = array<i32>} : memref<100352xf32, #tpu.memory_space<vmem>>, vector<16xf32>,
        %get3A_92 = arith.index_cast %while3A_72 : i32 to index
        %get3A_93 = arith.constant 16 : index
        %get3A_94 = tpu.vector_load %arg10[%get3A_92, %get3A_93] {strides = array<i32>} : memref<128x64xf32, #tpu.memory_space<vmem>>, vector<16xf32>,
        %max3A_95 = arith.maximumf %get3A_91, %get3A_94 : vector<16xf32>
        %swap3A_96 = arith.index_cast %add3A_89 : i32 to index
        %swap3A_97 = tpu.vector_load %arg7[%swap3A_96] {strides = array<i32>} : memref<100352xf32, #tpu.memory_space<vmem>>, vector<16xf32>,
        tpu.vector_store %arg7[%swap3A_96], %max3A_95 {strides = array<i32>} : memref<100352xf32, #tpu.memory_space<vmem>>, vector<16xf32>,
        %add3A_98 = arith.constant 32 : i32
        %add3A_99 = arith.addi %mul3A_79, %add3A_98 : i32
        %get3A_100 = arith.index_cast %add3A_99 : i32 to index
        %get3A_101 = tpu.vector_load %arg7[%get3A_100] {strides = array<i32>} : memref<100352xf32, #tpu.memory_space<vmem>>, vector<16xf32>,
        %get3A_102 = arith.index_cast %while3A_72 : i32 to index
        %get3A_103 = arith.constant 32 : index
        %get3A_104 = tpu.vector_load %arg10[%get3A_102, %get3A_103] {strides = array<i32>} : memref<128x64xf32, #tpu.memory_space<vmem>>, vector<16xf32>,
        %max3A_105 = arith.maximumf %get3A_101, %get3A_104 : vector<16xf32>
        %swap3A_106 = arith.index_cast %add3A_99 : i32 to index
        %swap3A_107 = tpu.vector_load %arg7[%swap3A_106] {strides = array<i32>} : memref<100352xf32, #tpu.memory_space<vmem>>, vector<16xf32>,
        tpu.vector_store %arg7[%swap3A_106], %max3A_105 {strides = array<i32>} : memref<100352xf32, #tpu.memory_space<vmem>>, vector<16xf32>,
        %add3A_108 = arith.constant 48 : i32
        %add3A_109 = arith.addi %mul3A_79, %add3A_108 : i32
        %get3A_110 = arith.index_cast %add3A_109 : i32 to index
        %get3A_111 = tpu.vector_load %arg7[%get3A_110] {strides = array<i32>} : memref<100352xf32, #tpu.memory_space<vmem>>, vector<16xf32>,
        %get3A_112 = arith.index_cast %while3A_72 : i32 to index
        %get3A_113 = arith.constant 48 : index
        %get3A_114 = tpu.vector_load %arg10[%get3A_112, %get3A_113] {strides = array<i32>} : memref<128x64xf32, #tpu.memory_space<vmem>>, vector<16xf32>,
        %max3A_115 = arith.maximumf %get3A_111, %get3A_114 : vector<16xf32>
        %swap3A_116 = arith.index_cast %add3A_109 : i32 to index
        %swap3A_117 = tpu.vector_load %arg7[%swap3A_116] {strides = array<i32>} : memref<100352xf32, #tpu.memory_space<vmem>>, vector<16xf32>,
        tpu.vector_store %arg7[%swap3A_116], %max3A_115 {strides = array<i32>} : memref<100352xf32, #tpu.memory_space<vmem>>, vector<16xf32>,
        %while3A_118 = arith.constant 0 : i32
        scf.yield %while3A_118 : i32
      }
      %while3A_69 = arith.constant 1 : i32
      %while3A_70 = scf.for %while3A_72 = %while3A_66 to %while3A_62 step %while3A_69 iter_args(%while3A_73 = %while3A_68) -> (i32)  : i32 {
        %get3A_74 = arith.index_cast %while3A_72 : i32 to index
        %get3A_75 = tpu.vector_load %arg9[%get3A_74] {strides = array<i32>} : memref<144xi32, #tpu.memory_space<vmem>>, vector<16xi32>,
        %slice3A_76 = vector.extract_strided_slice %get3A_75 {offsets = [0], sizes = [1], strides = [1]} : vector<16xi32> to vector<1xi32>
        %squeeze3A_77 = vector.extract %slice3A_76[0] : i32 from vector<1xi32>
        %mul3A_78 = arith.constant 64 : i32
        %mul3A_79 = arith.muli %squeeze3A_77, %mul3A_78 : i32
        %add3A_80 = arith.constant 0 : i32
        %add3A_81 = arith.addi %mul3A_79, %add3A_80 : i32
        %get3A_82 = arith.index_cast %add3A_81 : i32 to index
        %get3A_83 = tpu.vector_load %arg7[%get3A_82] {strides = array<i32>} : memref<100352xf32, #tpu.memory_space<vmem>>, vector<16xf32>,
        %get3A_84 = arith.index_cast %while3A_72 : i32 to index
        %get3A_85 = arith.constant 0 : index
        %get3A_86 = tpu.vector_load %arg10[%get3A_84, %get3A_85] {strides = array<i32>} : memref<128x64xf32, #tpu.memory_space<vmem>>, vector<16xf32>,
        %max3A = arith.maximumf %get3A_83, %get3A_86 : vector<16xf32>
        %swap3A = arith.index_cast %add3A_81 : i32 to index
        %swap3A_87 = tpu.vector_load %arg7[%swap3A] {strides = array<i32>} : memref<100352xf32, #tpu.memory_space<vmem>>, vector<16xf32>,
        tpu.vector_store %arg7[%swap3A], %max3A {strides = array<i32>} : memref<100352xf32, #tpu.memory_space<vmem>>, vector<16xf32>,
        %add3A_88 = arith.constant 16 : i32
        %add3A_89 = arith.addi %mul3A_79, %add3A_88 : i32
        %get3A_90 = arith.index_cast %add3A_89 : i32 to index
        %get3A_91 = tpu.vector_load %arg7[%get3A_90] {strides = array<i32>} : memref<100352xf32, #tpu.memory_space<vmem>>, vector<16xf32>,
        %get3A_92 = arith.index_cast %while3A_72 : i32 to index
        %get3A_93 = arith.constant 16 : index
        %get3A_94 = tpu.vector_load %arg10[%get3A_92, %get3A_93] {strides = array<i32>} : memref<128x64xf32, #tpu.memory_space<vmem>>, vector<16xf32>,
        %max3A_95 = arith.maximumf %get3A_91, %get3A_94 : vector<16xf32>
        %swap3A_96 = arith.index_cast %add3A_89 : i32 to index
        %swap3A_97 = tpu.vector_load %arg7[%swap3A_96] {strides = array<i32>} : memref<100352xf32, #tpu.memory_space<vmem>>, vector<16xf32>,
        tpu.vector_store %arg7[%swap3A_96], %max3A_95 {strides = array<i32>} : memref<100352xf32, #tpu.memory_space<vmem>>, vector<16xf32>,
        %add3A_98 = arith.constant 32 : i32
        %add3A_99 = arith.addi %mul3A_79, %add3A_98 : i32
        %get3A_100 = arith.index_cast %add3A_99 : i32 to index
        %get3A_101 = tpu.vector_load %arg7[%get3A_100] {strides = array<i32>} : memref<100352xf32, #tpu.memory_space<vmem>>, vector<16xf32>,
        %get3A_102 = arith.index_cast %while3A_72 : i32 to index
        %get3A_103 = arith.constant 32 : index
        %get3A_104 = tpu.vector_load %arg10[%get3A_102, %get3A_103] {strides = array<i32>} : memref<128x64xf32, #tpu.memory_space<vmem>>, vector<16xf32>,
        %max3A_105 = arith.maximumf %get3A_101, %get3A_104 : vector<16xf32>
        %swap3A_106 = arith.index_cast %add3A_99 : i32 to index
        %swap3A_107 = tpu.vector_load %arg7[%swap3A_106] {strides = array<i32>} : memref<100352xf32, #tpu.memory_space<vmem>>, vector<16xf32>,
        tpu.vector_store %arg7[%swap3A_106], %max3A_105 {strides = array<i32>} : memref<100352xf32, #tpu.memory_space<vmem>>, vector<16xf32>,
        %add3A_108 = arith.constant 48 : i32
        %add3A_109 = arith.addi %mul3A_79, %add3A_108 : i32
        %get3A_110 = arith.index_cast %add3A_109 : i32 to index
        %get3A_111 = tpu.vector_load %arg7[%get3A_110] {strides = array<i32>} : memref<100352xf32, #tpu.memory_space<vmem>>, vector<16xf32>,
        %get3A_112 = arith.index_cast %while3A_72 : i32 to index
        %get3A_113 = arith.constant 48 : index
        %get3A_114 = tpu.vector_load %arg10[%get3A_112, %get3A_113] {strides = array<i32>} : memref<128x64xf32, #tpu.memory_space<vmem>>, vector<16xf32>,
        %max3A_115 = arith.maximumf %get3A_111, %get3A_114 : vector<16xf32>
        %swap3A_116 = arith.index_cast %add3A_109 : i32 to index
        %swap3A_117 = tpu.vector_load %arg7[%swap3A_116] {strides = array<i32>} : memref<100352xf32, #tpu.memory_space<vmem>>, vector<16xf32>,
        tpu.vector_store %arg7[%swap3A_116], %max3A_115 {strides = array<i32>} : memref<100352xf32, #tpu.memory_space<vmem>>, vector<16xf32>,
        %while3A_118 = arith.constant 0 : i32
        scf.yield %while3A_118 : i32
      }
      %while3A_71 = arith.constant 0 : i32
      scf.yield %while3A_71 : i32
    }
    %mul3A_40 = arith.constant 1568 : i32
    %mul3A_41 = arith.muli %add3A, %mul3A_40 : i32
    %mul3A_42 = arith.constant 64 : i32
    %mul3A_43 = arith.muli %mul3A_41, %mul3A_42 : i32
    "tpu.region"() ({
      %run_scoped3A = tpu.sem_alloc : memref<!tpu.dma_semaphore, #tpu.memory_space<semaphore_mem>>
      %dma_start3A = tpu.memref_slice %arg6[%mul3A_43] : memref<3211264xf32, #tpu.memory_space<hbm>> -> memref<100352xf32, #tpu.memory_space<hbm>>
      %dma_start3A_44 = tpu.memref_slice %arg6[%mul3A_43] : memref<3211264xf32, #tpu.memory_space<hbm>> -> memref<100352xf32, #tpu.memory_space<hbm>>
      tpu.enqueue_dma source(%arg7 : memref<100352xf32, #tpu.memory_space<vmem>>) target(%dma_start3A_44 : memref<100352xf32, #tpu.memory_space<hbm>>) target_semaphore(%run_scoped3A : memref<!tpu.dma_semaphore, #tpu.memory_space<semaphore_mem>>)
      %dma_wait3A = tpu.memref_slice %arg6[%mul3A_43] : memref<3211264xf32, #tpu.memory_space<hbm>> -> memref<100352xf32, #tpu.memory_space<hbm>>
      %dma_wait3A_45 = tpu.memref_slice %arg6[%mul3A_43] : memref<3211264xf32, #tpu.memory_space<hbm>> -> memref<100352xf32, #tpu.memory_space<hbm>>
      tpu.wait_dma2 semaphore(%run_scoped3A : memref<!tpu.dma_semaphore, #tpu.memory_space<semaphore_mem>>) src(%arg7 : memref<100352xf32, #tpu.memory_space<vmem>>) dst(%dma_wait3A_45 : memref<100352xf32, #tpu.memory_space<hbm>>)
      tpu.yield
    }) : () -> ()
    return
  }
}

module attributes {stable_mosaic.version = 14 : i64} {
  func.func @_tc_first_body(%arg0: i32, %arg1: memref<512x1xf32, #tpu.memory_space<vmem>>, %arg2: memref<512x3xf32, #tpu.memory_space<vmem>>, %arg3: memref<1x64xf32, #tpu.memory_space<vmem>>, %arg4: memref<3x64xf32, #tpu.memory_space<vmem>>, %arg5: memref<512x64xf32, #tpu.memory_space<vmem>>) attributes {dimension_semantics = [#tpu.dimension_semantics<arbitrary>], iteration_bounds = array<i64: 98>, scalar_prefetch = 0 : i64, scratch_operands = 0 : i64, tpu.core_type = #tpu.core_type<tc>, window_params = [{transform_indices = @transform_0, window_bounds = array<i64: 512, 1>}, {transform_indices = @transform_1, window_bounds = array<i64: 512, 3>}, {pipeline_mode = #tpu.pipeline_mode<synchronous>, transform_indices = @transform_2, window_bounds = array<i64: 1, 64>}, {pipeline_mode = #tpu.pipeline_mode<synchronous>, transform_indices = @transform_3, window_bounds = array<i64: 3, 64>}, {transform_indices = @transform_4, window_bounds = array<i64: 512, 64>}]} {
    %get3A = arith.constant 0 : index
    %get3A_0 = arith.constant 0 : index
    %get3A_1 = vector.load %arg1[%get3A, %get3A_0] : memref<512x1xf32, #tpu.memory_space<vmem>>, vector<512x1xf32>
    %get3A_2 = arith.constant 0 : index
    %get3A_3 = arith.constant 0 : index
    %get3A_4 = vector.load %arg3[%get3A_2, %get3A_3] : memref<1x64xf32, #tpu.memory_space<vmem>>, vector<1x64xf32>
    %mul3A = vector.broadcast %get3A_1 : vector<512x1xf32> to vector<512x64xf32>
    %mul3A_5 = vector.broadcast %get3A_4 : vector<1x64xf32> to vector<512x64xf32>
    %mul3A_6 = arith.mulf %mul3A, %mul3A_5 : vector<512x64xf32>
    %get3A_7 = arith.constant 0 : index
    %get3A_8 = arith.constant 0 : index
    %get3A_9 = vector.load %arg2[%get3A_7, %get3A_8] : memref<512x3xf32, #tpu.memory_space<vmem>>, vector<512x3xf32>
    %get3A_10 = arith.constant 0 : index
    %get3A_11 = arith.constant 0 : index
    %get3A_12 = vector.load %arg4[%get3A_10, %get3A_11] : memref<3x64xf32, #tpu.memory_space<vmem>>, vector<3x64xf32>
    %slice3A = vector.extract_strided_slice %get3A_9 {offsets = [0, 0], sizes = [512, 1], strides = [1, 1]} : vector<512x3xf32> to vector<512x1xf32>
    %slice3A_13 = vector.extract_strided_slice %get3A_12 {offsets = [0, 0], sizes = [1, 64], strides = [1, 1]} : vector<3x64xf32> to vector<1x64xf32>
    %mul3A_14 = vector.broadcast %slice3A : vector<512x1xf32> to vector<512x64xf32>
    %mul3A_15 = vector.broadcast %slice3A_13 : vector<1x64xf32> to vector<512x64xf32>
    %mul3A_16 = arith.mulf %mul3A_14, %mul3A_15 : vector<512x64xf32>
    %slice3A_17 = vector.extract_strided_slice %get3A_9 {offsets = [0, 1], sizes = [512, 1], strides = [1, 1]} : vector<512x3xf32> to vector<512x1xf32>
    %slice3A_18 = vector.extract_strided_slice %get3A_12 {offsets = [1, 0], sizes = [1, 64], strides = [1, 1]} : vector<3x64xf32> to vector<1x64xf32>
    %mul3A_19 = vector.broadcast %slice3A_17 : vector<512x1xf32> to vector<512x64xf32>
    %mul3A_20 = vector.broadcast %slice3A_18 : vector<1x64xf32> to vector<512x64xf32>
    %mul3A_21 = arith.mulf %mul3A_19, %mul3A_20 : vector<512x64xf32>
    %add3A = arith.addf %mul3A_16, %mul3A_21 : vector<512x64xf32>
    %slice3A_22 = vector.extract_strided_slice %get3A_9 {offsets = [0, 2], sizes = [512, 1], strides = [1, 1]} : vector<512x3xf32> to vector<512x1xf32>
    %slice3A_23 = vector.extract_strided_slice %get3A_12 {offsets = [2, 0], sizes = [1, 64], strides = [1, 1]} : vector<3x64xf32> to vector<1x64xf32>
    %mul3A_24 = vector.broadcast %slice3A_22 : vector<512x1xf32> to vector<512x64xf32>
    %mul3A_25 = vector.broadcast %slice3A_23 : vector<1x64xf32> to vector<512x64xf32>
    %mul3A_26 = arith.mulf %mul3A_24, %mul3A_25 : vector<512x64xf32>
    %add3A_27 = arith.addf %add3A, %mul3A_26 : vector<512x64xf32>
    %add3A_28 = arith.addf %mul3A_6, %add3A_27 : vector<512x64xf32>
    %swap3A = arith.constant 0 : index
    %swap3A_29 = arith.constant 0 : index
    %swap3A_30 = vector.load %arg5[%swap3A, %swap3A_29] : memref<512x64xf32, #tpu.memory_space<vmem>>, vector<512x64xf32>
    tpu.vector_store %arg5[%swap3A, %swap3A_29], %add3A_28 {strides = array<i32>} : memref<512x64xf32, #tpu.memory_space<vmem>>, vector<512x64xf32>,
    return
  }
  func.func @transform_0(%arg0: i32) -> (i32, i32) {
    %c0_i32 = arith.constant 0 : i32
    %c0_i32_0 = arith.constant 0 : i32
    return %arg0, %c0_i32 : i32, i32
  }
  func.func @transform_1(%arg0: i32) -> (i32, i32) {
    %c0_i32 = arith.constant 0 : i32
    %c0_i32_0 = arith.constant 0 : i32
    return %arg0, %c0_i32 : i32, i32
  }
  func.func @transform_2(%arg0: i32) -> (i32, i32) {
    %c0_i32 = arith.constant 0 : i32
    %c0_i32_0 = arith.constant 0 : i32
    %c0_i32_1 = arith.constant 0 : i32
    return %c0_i32, %c0_i32_0 : i32, i32
  }
  func.func @transform_3(%arg0: i32) -> (i32, i32) {
    %c0_i32 = arith.constant 0 : i32
    %c0_i32_0 = arith.constant 0 : i32
    %c0_i32_1 = arith.constant 0 : i32
    return %c0_i32, %c0_i32_0 : i32, i32
  }
  func.func @transform_4(%arg0: i32) -> (i32, i32) {
    %c0_i32 = arith.constant 0 : i32
    %c0_i32_0 = arith.constant 0 : i32
    return %arg0, %c0_i32 : i32, i32
  }
}

module attributes {stable_mosaic.version = 14 : i64} {
  func.func @_tc_mid_body(%arg0: i32, %arg1: memref<512x64xf32, #tpu.memory_space<vmem>>, %arg2: memref<512x3xf32, #tpu.memory_space<vmem>>, %arg3: memref<3x64xf32, #tpu.memory_space<vmem>>, %arg4: memref<1x64xf32, #tpu.memory_space<vmem>>, %arg5: memref<1x64xf32, #tpu.memory_space<vmem>>, %arg6: memref<64x64xf32, #tpu.memory_space<vmem>>, %arg7: memref<3x64xf32, #tpu.memory_space<vmem>>, %arg8: memref<512x64xf32, #tpu.memory_space<vmem>>, %arg9: memref<512x64xf32, #tpu.memory_space<vmem>>) attributes {dimension_semantics = [#tpu.dimension_semantics<arbitrary>], iteration_bounds = array<i64: 98>, scalar_prefetch = 0 : i64, scratch_operands = 0 : i64, tpu.core_type = #tpu.core_type<tc>, window_params = [{transform_indices = @transform_0, window_bounds = array<i64: 512, 64>}, {transform_indices = @transform_1, window_bounds = array<i64: 512, 3>}, {pipeline_mode = #tpu.pipeline_mode<synchronous>, transform_indices = @transform_2, window_bounds = array<i64: 3, 64>}, {pipeline_mode = #tpu.pipeline_mode<synchronous>, transform_indices = @transform_3, window_bounds = array<i64: 1, 64>}, {pipeline_mode = #tpu.pipeline_mode<synchronous>, transform_indices = @transform_4, window_bounds = array<i64: 1, 64>}, {pipeline_mode = #tpu.pipeline_mode<synchronous>, transform_indices = @transform_5, window_bounds = array<i64: 64, 64>}, {pipeline_mode = #tpu.pipeline_mode<synchronous>, transform_indices = @transform_6, window_bounds = array<i64: 3, 64>}, {transform_indices = @transform_7, window_bounds = array<i64: 512, 64>}, {transform_indices = @transform_8, window_bounds = array<i64: 512, 64>}]} {
    %get3A = arith.constant 0 : index
    %get3A_0 = arith.constant 0 : index
    %get3A_1 = vector.load %arg2[%get3A, %get3A_0] : memref<512x3xf32, #tpu.memory_space<vmem>>, vector<512x3xf32>
    %get3A_2 = arith.constant 0 : index
    %get3A_3 = arith.constant 0 : index
    %get3A_4 = vector.load %arg1[%get3A_2, %get3A_3] : memref<512x64xf32, #tpu.memory_space<vmem>>, vector<512x64xf32>
    %get3A_5 = arith.constant 0 : index
    %get3A_6 = arith.constant 0 : index
    %get3A_7 = vector.load %arg3[%get3A_5, %get3A_6] : memref<3x64xf32, #tpu.memory_space<vmem>>, vector<3x64xf32>
    %slice3A = vector.extract_strided_slice %get3A_1 {offsets = [0, 0], sizes = [512, 1], strides = [1, 1]} : vector<512x3xf32> to vector<512x1xf32>
    %slice3A_8 = vector.extract_strided_slice %get3A_7 {offsets = [0, 0], sizes = [1, 64], strides = [1, 1]} : vector<3x64xf32> to vector<1x64xf32>
    %mul3A = vector.broadcast %slice3A : vector<512x1xf32> to vector<512x64xf32>
    %mul3A_9 = vector.broadcast %slice3A_8 : vector<1x64xf32> to vector<512x64xf32>
    %mul3A_10 = arith.mulf %mul3A, %mul3A_9 : vector<512x64xf32>
    %slice3A_11 = vector.extract_strided_slice %get3A_1 {offsets = [0, 1], sizes = [512, 1], strides = [1, 1]} : vector<512x3xf32> to vector<512x1xf32>
    %slice3A_12 = vector.extract_strided_slice %get3A_7 {offsets = [1, 0], sizes = [1, 64], strides = [1, 1]} : vector<3x64xf32> to vector<1x64xf32>
    %mul3A_13 = vector.broadcast %slice3A_11 : vector<512x1xf32> to vector<512x64xf32>
    %mul3A_14 = vector.broadcast %slice3A_12 : vector<1x64xf32> to vector<512x64xf32>
    %mul3A_15 = arith.mulf %mul3A_13, %mul3A_14 : vector<512x64xf32>
    %add3A = arith.addf %mul3A_10, %mul3A_15 : vector<512x64xf32>
    %slice3A_16 = vector.extract_strided_slice %get3A_1 {offsets = [0, 2], sizes = [512, 1], strides = [1, 1]} : vector<512x3xf32> to vector<512x1xf32>
    %slice3A_17 = vector.extract_strided_slice %get3A_7 {offsets = [2, 0], sizes = [1, 64], strides = [1, 1]} : vector<3x64xf32> to vector<1x64xf32>
    %mul3A_18 = vector.broadcast %slice3A_16 : vector<512x1xf32> to vector<512x64xf32>
    %mul3A_19 = vector.broadcast %slice3A_17 : vector<1x64xf32> to vector<512x64xf32>
    %mul3A_20 = arith.mulf %mul3A_18, %mul3A_19 : vector<512x64xf32>
    %add3A_21 = arith.addf %add3A, %mul3A_20 : vector<512x64xf32>
    %ne3A = arith.constant 0xFF800000 : f32
    %ne3A_22 = vector.broadcast %ne3A : f32 to vector<512x64xf32>
    %ne3A_23 = arith.cmpf one, %get3A_4, %ne3A_22 : vector<512x64xf32>
    %sub3A = arith.subf %get3A_4, %add3A_21 : vector<512x64xf32>
    %jit3A = arith.constant 0.000000e+00 : f32
    %broadcast_in_dim3A = vector.broadcast %jit3A : f32 to vector<512x64xf32>
    %select_n3A = arith.select %ne3A_23, %sub3A, %broadcast_in_dim3A : vector<512x64xi1>, vector<512x64xf32>
    %get3A_24 = arith.constant 0 : index
    %get3A_25 = arith.constant 0 : index
    %get3A_26 = vector.load %arg4[%get3A_24, %get3A_25] : memref<1x64xf32, #tpu.memory_space<vmem>>, vector<1x64xf32>
    %get3A_27 = arith.constant 0 : index
    %get3A_28 = arith.constant 0 : index
    %get3A_29 = vector.load %arg5[%get3A_27, %get3A_28] : memref<1x64xf32, #tpu.memory_space<vmem>>, vector<1x64xf32>
    %reduce_sum3A = arith.constant dense<0.000000e+00> : vector<512xf32>
    %reduce_sum3A_30 = vector.multi_reduction <add>, %select_n3A, %reduce_sum3A [1] : vector<512x64xf32> to vector<512xf32>
    %broadcast_in_dim3A_31 = vector.shape_cast %reduce_sum3A_30 : vector<512xf32> to vector<512x1xf32>
    %div3A = arith.constant 6.400000e+01 : f32
    %div3A_32 = vector.broadcast %div3A : f32 to vector<512x1xf32>
    %div3A_33 = arith.divf %broadcast_in_dim3A_31, %div3A_32 : vector<512x1xf32>
    %sub3A_34 = vector.broadcast %div3A_33 : vector<512x1xf32> to vector<512x64xf32>
    %sub3A_35 = arith.subf %select_n3A, %sub3A_34 : vector<512x64xf32>
    %integer_pow3A = arith.mulf %sub3A_35, %sub3A_35 : vector<512x64xf32>
    %reduce_sum3A_36 = arith.constant dense<0.000000e+00> : vector<512xf32>
    %reduce_sum3A_37 = vector.multi_reduction <add>, %integer_pow3A, %reduce_sum3A_36 [1] : vector<512x64xf32> to vector<512xf32>
    %broadcast_in_dim3A_38 = vector.shape_cast %reduce_sum3A_37 : vector<512xf32> to vector<512x1xf32>
    %div3A_39 = arith.constant 6.400000e+01 : f32
    %div3A_40 = vector.broadcast %div3A_39 : f32 to vector<512x1xf32>
    %div3A_41 = arith.divf %broadcast_in_dim3A_38, %div3A_40 : vector<512x1xf32>
    %sub3A_42 = vector.broadcast %div3A_33 : vector<512x1xf32> to vector<512x64xf32>
    %sub3A_43 = arith.subf %select_n3A, %sub3A_42 : vector<512x64xf32>
    %add3A_44 = arith.constant 9.99999974E-6 : f32
    %add3A_45 = vector.broadcast %add3A_44 : f32 to vector<512x1xf32>
    %add3A_46 = arith.addf %div3A_41, %add3A_45 : vector<512x1xf32>
    %rsqrt3A = math.rsqrt %add3A_46 : vector<512x1xf32>
    %mul3A_47 = vector.broadcast %rsqrt3A : vector<512x1xf32> to vector<512x64xf32>
    %mul3A_48 = arith.mulf %sub3A_43, %mul3A_47 : vector<512x64xf32>
    %mul3A_49 = vector.broadcast %get3A_26 : vector<1x64xf32> to vector<512x64xf32>
    %mul3A_50 = arith.mulf %mul3A_48, %mul3A_49 : vector<512x64xf32>
    %add3A_51 = vector.broadcast %get3A_29 : vector<1x64xf32> to vector<512x64xf32>
    %add3A_52 = arith.addf %mul3A_50, %add3A_51 : vector<512x64xf32>
    %max3A = arith.constant 0.000000e+00 : f32
    %max3A_53 = vector.broadcast %max3A : f32 to vector<512x64xf32>
    %max3A_54 = arith.maximumf %add3A_52, %max3A_53 : vector<512x64xf32>
    %swap3A = arith.constant 0 : index
    %swap3A_55 = arith.constant 0 : index
    %swap3A_56 = vector.load %arg8[%swap3A, %swap3A_55] : memref<512x64xf32, #tpu.memory_space<vmem>>, vector<512x64xf32>
    tpu.vector_store %arg8[%swap3A, %swap3A_55], %max3A_54 {strides = array<i32>} : memref<512x64xf32, #tpu.memory_space<vmem>>, vector<512x64xf32>,
    %get3A_57 = arith.constant 0 : index
    %get3A_58 = arith.constant 0 : index
    %get3A_59 = vector.load %arg6[%get3A_57, %get3A_58] : memref<64x64xf32, #tpu.memory_space<vmem>>, vector<64x64xf32>
    %dot_general3A = arith.constant dense<0.000000e+00> : vector<512x64xf32>
    %dot_general3A_60 = tpu.matmul %max3A_54, %get3A_59, %dot_general3A {dimension_numbers = #tpu.dot_dimension_numbers<[1], [0], [0], [1], [0, 0, 1, 1], [], []>, transpose_lhs_hint = false} : vector<512x64xf32>, vector<64x64xf32>, vector<512x64xf32> -> vector<512x64xf32>
    %get3A_61 = arith.constant 0 : index
    %get3A_62 = arith.constant 0 : index
    %get3A_63 = vector.load %arg7[%get3A_61, %get3A_62] : memref<3x64xf32, #tpu.memory_space<vmem>>, vector<3x64xf32>
    %slice3A_64 = vector.extract_strided_slice %get3A_1 {offsets = [0, 0], sizes = [512, 1], strides = [1, 1]} : vector<512x3xf32> to vector<512x1xf32>
    %slice3A_65 = vector.extract_strided_slice %get3A_63 {offsets = [0, 0], sizes = [1, 64], strides = [1, 1]} : vector<3x64xf32> to vector<1x64xf32>
    %mul3A_66 = vector.broadcast %slice3A_64 : vector<512x1xf32> to vector<512x64xf32>
    %mul3A_67 = vector.broadcast %slice3A_65 : vector<1x64xf32> to vector<512x64xf32>
    %mul3A_68 = arith.mulf %mul3A_66, %mul3A_67 : vector<512x64xf32>
    %slice3A_69 = vector.extract_strided_slice %get3A_1 {offsets = [0, 1], sizes = [512, 1], strides = [1, 1]} : vector<512x3xf32> to vector<512x1xf32>
    %slice3A_70 = vector.extract_strided_slice %get3A_63 {offsets = [1, 0], sizes = [1, 64], strides = [1, 1]} : vector<3x64xf32> to vector<1x64xf32>
    %mul3A_71 = vector.broadcast %slice3A_69 : vector<512x1xf32> to vector<512x64xf32>
    %mul3A_72 = vector.broadcast %slice3A_70 : vector<1x64xf32> to vector<512x64xf32>
    %mul3A_73 = arith.mulf %mul3A_71, %mul3A_72 : vector<512x64xf32>
    %add3A_74 = arith.addf %mul3A_68, %mul3A_73 : vector<512x64xf32>
    %slice3A_75 = vector.extract_strided_slice %get3A_1 {offsets = [0, 2], sizes = [512, 1], strides = [1, 1]} : vector<512x3xf32> to vector<512x1xf32>
    %slice3A_76 = vector.extract_strided_slice %get3A_63 {offsets = [2, 0], sizes = [1, 64], strides = [1, 1]} : vector<3x64xf32> to vector<1x64xf32>
    %mul3A_77 = vector.broadcast %slice3A_75 : vector<512x1xf32> to vector<512x64xf32>
    %mul3A_78 = vector.broadcast %slice3A_76 : vector<1x64xf32> to vector<512x64xf32>
    %mul3A_79 = arith.mulf %mul3A_77, %mul3A_78 : vector<512x64xf32>
    %add3A_80 = arith.addf %add3A_74, %mul3A_79 : vector<512x64xf32>
    %add3A_81 = arith.addf %dot_general3A_60, %add3A_80 : vector<512x64xf32>
    %swap3A_82 = arith.constant 0 : index
    %swap3A_83 = arith.constant 0 : index
    %swap3A_84 = vector.load %arg9[%swap3A_82, %swap3A_83] : memref<512x64xf32, #tpu.memory_space<vmem>>, vector<512x64xf32>
    tpu.vector_store %arg9[%swap3A_82, %swap3A_83], %add3A_81 {strides = array<i32>} : memref<512x64xf32, #tpu.memory_space<vmem>>, vector<512x64xf32>,
    return
  }
  func.func @transform_0(%arg0: i32) -> (i32, i32) {
    %c0_i32 = arith.constant 0 : i32
    %c0_i32_0 = arith.constant 0 : i32
    return %arg0, %c0_i32 : i32, i32
  }
  func.func @transform_1(%arg0: i32) -> (i32, i32) {
    %c0_i32 = arith.constant 0 : i32
    %c0_i32_0 = arith.constant 0 : i32
    return %arg0, %c0_i32 : i32, i32
  }
  func.func @transform_2(%arg0: i32) -> (i32, i32) {
    %c0_i32 = arith.constant 0 : i32
    %c0_i32_0 = arith.constant 0 : i32
    %c0_i32_1 = arith.constant 0 : i32
    return %c0_i32, %c0_i32_0 : i32, i32
  }
  func.func @transform_3(%arg0: i32) -> (i32, i32) {
    %c0_i32 = arith.constant 0 : i32
    %c0_i32_0 = arith.constant 0 : i32
    %c0_i32_1 = arith.constant 0 : i32
    return %c0_i32, %c0_i32_0 : i32, i32
  }
  func.func @transform_4(%arg0: i32) -> (i32, i32) {
    %c0_i32 = arith.constant 0 : i32
    %c0_i32_0 = arith.constant 0 : i32
    %c0_i32_1 = arith.constant 0 : i32
    return %c0_i32, %c0_i32_0 : i32, i32
  }
  func.func @transform_5(%arg0: i32) -> (i32, i32) {
    %c0_i32 = arith.constant 0 : i32
    %c0_i32_0 = arith.constant 0 : i32
    %c0_i32_1 = arith.constant 0 : i32
    return %c0_i32, %c0_i32_0 : i32, i32
  }
  func.func @transform_6(%arg0: i32) -> (i32, i32) {
    %c0_i32 = arith.constant 0 : i32
    %c0_i32_0 = arith.constant 0 : i32
    %c0_i32_1 = arith.constant 0 : i32
    return %c0_i32, %c0_i32_0 : i32, i32
  }
  func.func @transform_7(%arg0: i32) -> (i32, i32) {
    %c0_i32 = arith.constant 0 : i32
    %c0_i32_0 = arith.constant 0 : i32
    return %arg0, %c0_i32 : i32, i32
  }
  func.func @transform_8(%arg0: i32) -> (i32, i32) {
    %c0_i32 = arith.constant 0 : i32
    %c0_i32_0 = arith.constant 0 : i32
    return %arg0, %c0_i32 : i32, i32
  }
}

module attributes {stable_mosaic.version = 14 : i64} {
  func.func @_tc_final_body(%arg0: i32, %arg1: memref<512x64xf32, #tpu.memory_space<vmem>>, %arg2: memref<512x3xf32, #tpu.memory_space<vmem>>, %arg3: memref<3x64xf32, #tpu.memory_space<vmem>>, %arg4: memref<1x64xf32, #tpu.memory_space<vmem>>, %arg5: memref<1x64xf32, #tpu.memory_space<vmem>>, %arg6: memref<512x64xf32, #tpu.memory_space<vmem>>, %arg7: memref<512x64xf32, #tpu.memory_space<vmem>>, %arg8: memref<512x64xf32, #tpu.memory_space<vmem>>, %arg9: memref<512x64xf32, #tpu.memory_space<vmem>>, %arg10: memref<320x128xf32, #tpu.memory_space<vmem>>, %arg11: memref<1x128xf32, #tpu.memory_space<vmem>>, %arg12: memref<128x128xf32, #tpu.memory_space<vmem>>, %arg13: memref<1x128xf32, #tpu.memory_space<vmem>>, %arg14: memref<128x64xf32, #tpu.memory_space<vmem>>, %arg15: memref<1x64xf32, #tpu.memory_space<vmem>>, %arg16: memref<64x2xf32, #tpu.memory_space<vmem>>, %arg17: memref<1x2xf32, #tpu.memory_space<vmem>>, %arg18: memref<1x2xf32, #tpu.memory_space<vmem>>, %arg19: memref<512x2xf32, #tpu.memory_space<vmem>>) attributes {dimension_semantics = [#tpu.dimension_semantics<arbitrary>], iteration_bounds = array<i64: 98>, scalar_prefetch = 0 : i64, scratch_operands = 0 : i64, tpu.core_type = #tpu.core_type<tc>, window_params = [{transform_indices = @transform_0, window_bounds = array<i64: 512, 64>}, {transform_indices = @transform_1, window_bounds = array<i64: 512, 3>}, {pipeline_mode = #tpu.pipeline_mode<synchronous>, transform_indices = @transform_2, window_bounds = array<i64: 3, 64>}, {pipeline_mode = #tpu.pipeline_mode<synchronous>, transform_indices = @transform_3, window_bounds = array<i64: 1, 64>}, {pipeline_mode = #tpu.pipeline_mode<synchronous>, transform_indices = @transform_4, window_bounds = array<i64: 1, 64>}, {transform_indices = @transform_5, window_bounds = array<i64: 512, 64>}, {transform_indices = @transform_6, window_bounds = array<i64: 512, 64>}, {transform_indices = @transform_7, window_bounds = array<i64: 512, 64>}, {transform_indices = @transform_8, window_bounds = array<i64: 512, 64>}, {pipeline_mode = #tpu.pipeline_mode<synchronous>, transform_indices = @transform_9, window_bounds = array<i64: 320, 128>}, {pipeline_mode = #tpu.pipeline_mode<synchronous>, transform_indices = @transform_10, window_bounds = array<i64: 1, 128>}, {pipeline_mode = #tpu.pipeline_mode<synchronous>, transform_indices = @transform_11, window_bounds = array<i64: 128, 128>}, {pipeline_mode = #tpu.pipeline_mode<synchronous>, transform_indices = @transform_12, window_bounds = array<i64: 1, 128>}, {pipeline_mode = #tpu.pipeline_mode<synchronous>, transform_indices = @transform_13, window_bounds = array<i64: 128, 64>}, {pipeline_mode = #tpu.pipeline_mode<synchronous>, transform_indices = @transform_14, window_bounds = array<i64: 1, 64>}, {pipeline_mode = #tpu.pipeline_mode<synchronous>, transform_indices = @transform_15, window_bounds = array<i64: 64, 2>}, {pipeline_mode = #tpu.pipeline_mode<synchronous>, transform_indices = @transform_16, window_bounds = array<i64: 1, 2>}, {pipeline_mode = #tpu.pipeline_mode<synchronous>, transform_indices = @transform_17, window_bounds = array<i64: 1, 2>}, {transform_indices = @transform_18, window_bounds = array<i64: 512, 2>}]} {
    %get3A = arith.constant 0 : index
    %get3A_0 = arith.constant 0 : index
    %get3A_1 = vector.load %arg1[%get3A, %get3A_0] : memref<512x64xf32, #tpu.memory_space<vmem>>, vector<512x64xf32>
    %get3A_2 = arith.constant 0 : index
    %get3A_3 = arith.constant 0 : index
    %get3A_4 = vector.load %arg2[%get3A_2, %get3A_3] : memref<512x3xf32, #tpu.memory_space<vmem>>, vector<512x3xf32>
    %get3A_5 = arith.constant 0 : index
    %get3A_6 = arith.constant 0 : index
    %get3A_7 = vector.load %arg3[%get3A_5, %get3A_6] : memref<3x64xf32, #tpu.memory_space<vmem>>, vector<3x64xf32>
    %slice3A = vector.extract_strided_slice %get3A_4 {offsets = [0, 0], sizes = [512, 1], strides = [1, 1]} : vector<512x3xf32> to vector<512x1xf32>
    %slice3A_8 = vector.extract_strided_slice %get3A_7 {offsets = [0, 0], sizes = [1, 64], strides = [1, 1]} : vector<3x64xf32> to vector<1x64xf32>
    %mul3A = vector.broadcast %slice3A : vector<512x1xf32> to vector<512x64xf32>
    %mul3A_9 = vector.broadcast %slice3A_8 : vector<1x64xf32> to vector<512x64xf32>
    %mul3A_10 = arith.mulf %mul3A, %mul3A_9 : vector<512x64xf32>
    %slice3A_11 = vector.extract_strided_slice %get3A_4 {offsets = [0, 1], sizes = [512, 1], strides = [1, 1]} : vector<512x3xf32> to vector<512x1xf32>
    %slice3A_12 = vector.extract_strided_slice %get3A_7 {offsets = [1, 0], sizes = [1, 64], strides = [1, 1]} : vector<3x64xf32> to vector<1x64xf32>
    %mul3A_13 = vector.broadcast %slice3A_11 : vector<512x1xf32> to vector<512x64xf32>
    %mul3A_14 = vector.broadcast %slice3A_12 : vector<1x64xf32> to vector<512x64xf32>
    %mul3A_15 = arith.mulf %mul3A_13, %mul3A_14 : vector<512x64xf32>
    %add3A = arith.addf %mul3A_10, %mul3A_15 : vector<512x64xf32>
    %slice3A_16 = vector.extract_strided_slice %get3A_4 {offsets = [0, 2], sizes = [512, 1], strides = [1, 1]} : vector<512x3xf32> to vector<512x1xf32>
    %slice3A_17 = vector.extract_strided_slice %get3A_7 {offsets = [2, 0], sizes = [1, 64], strides = [1, 1]} : vector<3x64xf32> to vector<1x64xf32>
    %mul3A_18 = vector.broadcast %slice3A_16 : vector<512x1xf32> to vector<512x64xf32>
    %mul3A_19 = vector.broadcast %slice3A_17 : vector<1x64xf32> to vector<512x64xf32>
    %mul3A_20 = arith.mulf %mul3A_18, %mul3A_19 : vector<512x64xf32>
    %add3A_21 = arith.addf %add3A, %mul3A_20 : vector<512x64xf32>
    %ne3A = arith.constant 0xFF800000 : f32
    %ne3A_22 = vector.broadcast %ne3A : f32 to vector<512x64xf32>
    %ne3A_23 = arith.cmpf one, %get3A_1, %ne3A_22 : vector<512x64xf32>
    %sub3A = arith.subf %get3A_1, %add3A_21 : vector<512x64xf32>
    %jit3A = arith.constant 0.000000e+00 : f32
    %broadcast_in_dim3A = vector.broadcast %jit3A : f32 to vector<512x64xf32>
    %select_n3A = arith.select %ne3A_23, %sub3A, %broadcast_in_dim3A : vector<512x64xi1>, vector<512x64xf32>
    %get3A_24 = arith.constant 0 : index
    %get3A_25 = arith.constant 0 : index
    %get3A_26 = vector.load %arg4[%get3A_24, %get3A_25] : memref<1x64xf32, #tpu.memory_space<vmem>>, vector<1x64xf32>
    %get3A_27 = arith.constant 0 : index
    %get3A_28 = arith.constant 0 : index
    %get3A_29 = vector.load %arg5[%get3A_27, %get3A_28] : memref<1x64xf32, #tpu.memory_space<vmem>>, vector<1x64xf32>
    %reduce_sum3A = arith.constant dense<0.000000e+00> : vector<512xf32>
    %reduce_sum3A_30 = vector.multi_reduction <add>, %select_n3A, %reduce_sum3A [1] : vector<512x64xf32> to vector<512xf32>
    %broadcast_in_dim3A_31 = vector.shape_cast %reduce_sum3A_30 : vector<512xf32> to vector<512x1xf32>
    %div3A = arith.constant 6.400000e+01 : f32
    %div3A_32 = vector.broadcast %div3A : f32 to vector<512x1xf32>
    %div3A_33 = arith.divf %broadcast_in_dim3A_31, %div3A_32 : vector<512x1xf32>
    %sub3A_34 = vector.broadcast %div3A_33 : vector<512x1xf32> to vector<512x64xf32>
    %sub3A_35 = arith.subf %select_n3A, %sub3A_34 : vector<512x64xf32>
    %integer_pow3A = arith.mulf %sub3A_35, %sub3A_35 : vector<512x64xf32>
    %reduce_sum3A_36 = arith.constant dense<0.000000e+00> : vector<512xf32>
    %reduce_sum3A_37 = vector.multi_reduction <add>, %integer_pow3A, %reduce_sum3A_36 [1] : vector<512x64xf32> to vector<512xf32>
    %broadcast_in_dim3A_38 = vector.shape_cast %reduce_sum3A_37 : vector<512xf32> to vector<512x1xf32>
    %div3A_39 = arith.constant 6.400000e+01 : f32
    %div3A_40 = vector.broadcast %div3A_39 : f32 to vector<512x1xf32>
    %div3A_41 = arith.divf %broadcast_in_dim3A_38, %div3A_40 : vector<512x1xf32>
    %sub3A_42 = vector.broadcast %div3A_33 : vector<512x1xf32> to vector<512x64xf32>
    %sub3A_43 = arith.subf %select_n3A, %sub3A_42 : vector<512x64xf32>
    %add3A_44 = arith.constant 9.99999974E-6 : f32
    %add3A_45 = vector.broadcast %add3A_44 : f32 to vector<512x1xf32>
    %add3A_46 = arith.addf %div3A_41, %add3A_45 : vector<512x1xf32>
    %rsqrt3A = math.rsqrt %add3A_46 : vector<512x1xf32>
    %mul3A_47 = vector.broadcast %rsqrt3A : vector<512x1xf32> to vector<512x64xf32>
    %mul3A_48 = arith.mulf %sub3A_43, %mul3A_47 : vector<512x64xf32>
    %mul3A_49 = vector.broadcast %get3A_26 : vector<1x64xf32> to vector<512x64xf32>
    %mul3A_50 = arith.mulf %mul3A_48, %mul3A_49 : vector<512x64xf32>
    %add3A_51 = vector.broadcast %get3A_29 : vector<1x64xf32> to vector<512x64xf32>
    %add3A_52 = arith.addf %mul3A_50, %add3A_51 : vector<512x64xf32>
    %max3A = arith.constant 0.000000e+00 : f32
    %max3A_53 = vector.broadcast %max3A : f32 to vector<512x64xf32>
    %max3A_54 = arith.maximumf %add3A_52, %max3A_53 : vector<512x64xf32>
    %get3A_55 = arith.constant 0 : index
    %get3A_56 = arith.constant 0 : index
    %get3A_57 = vector.load %arg6[%get3A_55, %get3A_56] : memref<512x64xf32, #tpu.memory_space<vmem>>, vector<512x64xf32>
    %get3A_58 = arith.constant 0 : index
    %get3A_59 = arith.constant 0 : index
    %get3A_60 = vector.load %arg7[%get3A_58, %get3A_59] : memref<512x64xf32, #tpu.memory_space<vmem>>, vector<512x64xf32>
    %get3A_61 = arith.constant 0 : index
    %get3A_62 = arith.constant 0 : index
    %get3A_63 = vector.load %arg8[%get3A_61, %get3A_62] : memref<512x64xf32, #tpu.memory_space<vmem>>, vector<512x64xf32>
    %get3A_64 = arith.constant 0 : index
    %get3A_65 = arith.constant 0 : index
    %get3A_66 = vector.load %arg9[%get3A_64, %get3A_65] : memref<512x64xf32, #tpu.memory_space<vmem>>, vector<512x64xf32>
    %concatenate3A = tpu.concatenate %get3A_57, %get3A_60, %get3A_63, %get3A_66, %max3A_54 in 1 : vector<512x64xf32>, vector<512x64xf32>, vector<512x64xf32>, vector<512x64xf32>, vector<512x64xf32> -> vector<512x320xf32>
    %reduce_sum3A_67 = arith.constant dense<0.000000e+00> : vector<512xf32>
    %reduce_sum3A_68 = vector.multi_reduction <add>, %concatenate3A, %reduce_sum3A_67 [1] : vector<512x320xf32> to vector<512xf32>
    %broadcast_in_dim3A_69 = vector.shape_cast %reduce_sum3A_68 : vector<512xf32> to vector<512x1xf32>
    %div3A_70 = arith.constant 3.200000e+02 : f32
    %div3A_71 = vector.broadcast %div3A_70 : f32 to vector<512x1xf32>
    %div3A_72 = arith.divf %broadcast_in_dim3A_69, %div3A_71 : vector<512x1xf32>
    %sub3A_73 = vector.broadcast %div3A_72 : vector<512x1xf32> to vector<512x320xf32>
    %sub3A_74 = arith.subf %concatenate3A, %sub3A_73 : vector<512x320xf32>
    %integer_pow3A_75 = arith.mulf %sub3A_74, %sub3A_74 : vector<512x320xf32>
    %reduce_sum3A_76 = arith.constant dense<0.000000e+00> : vector<512xf32>
    %reduce_sum3A_77 = vector.multi_reduction <add>, %integer_pow3A_75, %reduce_sum3A_76 [1] : vector<512x320xf32> to vector<512xf32>
    %broadcast_in_dim3A_78 = vector.shape_cast %reduce_sum3A_77 : vector<512xf32> to vector<512x1xf32>
    %div3A_79 = arith.constant 3.200000e+02 : f32
    %div3A_80 = vector.broadcast %div3A_79 : f32 to vector<512x1xf32>
    %div3A_81 = arith.divf %broadcast_in_dim3A_78, %div3A_80 : vector<512x1xf32>
    %sub3A_82 = vector.broadcast %div3A_72 : vector<512x1xf32> to vector<512x320xf32>
    %sub3A_83 = arith.subf %concatenate3A, %sub3A_82 : vector<512x320xf32>
    %add3A_84 = arith.constant 9.99999974E-6 : f32
    %add3A_85 = vector.broadcast %add3A_84 : f32 to vector<512x1xf32>
    %add3A_86 = arith.addf %div3A_81, %add3A_85 : vector<512x1xf32>
    %rsqrt3A_87 = math.rsqrt %add3A_86 : vector<512x1xf32>
    %mul3A_88 = vector.broadcast %rsqrt3A_87 : vector<512x1xf32> to vector<512x320xf32>
    %mul3A_89 = arith.mulf %sub3A_83, %mul3A_88 : vector<512x320xf32>
    %get3A_90 = arith.constant 0 : index
    %get3A_91 = arith.constant 0 : index
    %get3A_92 = vector.load %arg10[%get3A_90, %get3A_91] : memref<320x128xf32, #tpu.memory_space<vmem>>, vector<320x128xf32>
    %dot_general3A = arith.constant dense<0.000000e+00> : vector<512x128xf32>
    %dot_general3A_93 = tpu.matmul %mul3A_89, %get3A_92, %dot_general3A {dimension_numbers = #tpu.dot_dimension_numbers<[1], [0], [0], [1], [0, 0, 1, 1], [], []>, transpose_lhs_hint = false} : vector<512x320xf32>, vector<320x128xf32>, vector<512x128xf32> -> vector<512x128xf32>
    %get3A_94 = arith.constant 0 : index
    %get3A_95 = arith.constant 0 : index
    %get3A_96 = vector.load %arg11[%get3A_94, %get3A_95] : memref<1x128xf32, #tpu.memory_space<vmem>>, vector<1x128xf32>
    %add3A_97 = vector.broadcast %get3A_96 : vector<1x128xf32> to vector<512x128xf32>
    %add3A_98 = arith.addf %dot_general3A_93, %add3A_97 : vector<512x128xf32>
    %max3A_99 = arith.constant 0.000000e+00 : f32
    %max3A_100 = vector.broadcast %max3A_99 : f32 to vector<512x128xf32>
    %max3A_101 = arith.maximumf %add3A_98, %max3A_100 : vector<512x128xf32>
    %get3A_102 = arith.constant 0 : index
    %get3A_103 = arith.constant 0 : index
    %get3A_104 = vector.load %arg12[%get3A_102, %get3A_103] : memref<128x128xf32, #tpu.memory_space<vmem>>, vector<128x128xf32>
    %dot_general3A_105 = arith.constant dense<0.000000e+00> : vector<512x128xf32>
    %dot_general3A_106 = tpu.matmul %max3A_101, %get3A_104, %dot_general3A_105 {dimension_numbers = #tpu.dot_dimension_numbers<[1], [0], [0], [1], [0, 0, 1, 1], [], []>, transpose_lhs_hint = false} : vector<512x128xf32>, vector<128x128xf32>, vector<512x128xf32> -> vector<512x128xf32>
    %get3A_107 = arith.constant 0 : index
    %get3A_108 = arith.constant 0 : index
    %get3A_109 = vector.load %arg13[%get3A_107, %get3A_108] : memref<1x128xf32, #tpu.memory_space<vmem>>, vector<1x128xf32>
    %add3A_110 = vector.broadcast %get3A_109 : vector<1x128xf32> to vector<512x128xf32>
    %add3A_111 = arith.addf %dot_general3A_106, %add3A_110 : vector<512x128xf32>
    %max3A_112 = arith.constant 0.000000e+00 : f32
    %max3A_113 = vector.broadcast %max3A_112 : f32 to vector<512x128xf32>
    %max3A_114 = arith.maximumf %add3A_111, %max3A_113 : vector<512x128xf32>
    %get3A_115 = arith.constant 0 : index
    %get3A_116 = arith.constant 0 : index
    %get3A_117 = vector.load %arg14[%get3A_115, %get3A_116] : memref<128x64xf32, #tpu.memory_space<vmem>>, vector<128x64xf32>
    %dot_general3A_118 = arith.constant dense<0.000000e+00> : vector<512x64xf32>
    %dot_general3A_119 = tpu.matmul %max3A_114, %get3A_117, %dot_general3A_118 {dimension_numbers = #tpu.dot_dimension_numbers<[1], [0], [0], [1], [0, 0, 1, 1], [], []>, transpose_lhs_hint = false} : vector<512x128xf32>, vector<128x64xf32>, vector<512x64xf32> -> vector<512x64xf32>
    %get3A_120 = arith.constant 0 : index
    %get3A_121 = arith.constant 0 : index
    %get3A_122 = vector.load %arg15[%get3A_120, %get3A_121] : memref<1x64xf32, #tpu.memory_space<vmem>>, vector<1x64xf32>
    %add3A_123 = vector.broadcast %get3A_122 : vector<1x64xf32> to vector<512x64xf32>
    %add3A_124 = arith.addf %dot_general3A_119, %add3A_123 : vector<512x64xf32>
    %max3A_125 = arith.constant 0.000000e+00 : f32
    %max3A_126 = vector.broadcast %max3A_125 : f32 to vector<512x64xf32>
    %max3A_127 = arith.maximumf %add3A_124, %max3A_126 : vector<512x64xf32>
    %get3A_128 = arith.constant 0 : index
    %get3A_129 = arith.constant 0 : index
    %get3A_130 = vector.load %arg16[%get3A_128, %get3A_129] : memref<64x2xf32, #tpu.memory_space<vmem>>, vector<64x2xf32>
    %dot_general3A_131 = arith.constant dense<0.000000e+00> : vector<512x2xf32>
    %dot_general3A_132 = tpu.matmul %max3A_127, %get3A_130, %dot_general3A_131 {dimension_numbers = #tpu.dot_dimension_numbers<[1], [0], [0], [1], [0, 0, 1, 1], [], []>, transpose_lhs_hint = false} : vector<512x64xf32>, vector<64x2xf32>, vector<512x2xf32> -> vector<512x2xf32>
    %get3A_133 = arith.constant 0 : index
    %get3A_134 = arith.constant 0 : index
    %get3A_135 = vector.load %arg17[%get3A_133, %get3A_134] : memref<1x2xf32, #tpu.memory_space<vmem>>, vector<1x2xf32>
    %add3A_136 = vector.broadcast %get3A_135 : vector<1x2xf32> to vector<512x2xf32>
    %add3A_137 = arith.addf %dot_general3A_132, %add3A_136 : vector<512x2xf32>
    %get3A_138 = arith.constant 0 : index
    %get3A_139 = arith.constant 0 : index
    %get3A_140 = vector.load %arg18[%get3A_138, %get3A_139] : memref<1x2xf32, #tpu.memory_space<vmem>>, vector<1x2xf32>
    %mul3A_141 = vector.broadcast %get3A_140 : vector<1x2xf32> to vector<512x2xf32>
    %mul3A_142 = arith.mulf %add3A_137, %mul3A_141 : vector<512x2xf32>
    %swap3A = arith.constant 0 : index
    %swap3A_143 = arith.constant 0 : index
    %swap3A_144 = vector.load %arg19[%swap3A, %swap3A_143] : memref<512x2xf32, #tpu.memory_space<vmem>>, vector<512x2xf32>
    tpu.vector_store %arg19[%swap3A, %swap3A_143], %mul3A_142 {strides = array<i32>} : memref<512x2xf32, #tpu.memory_space<vmem>>, vector<512x2xf32>,
    return
  }
  func.func @transform_0(%arg0: i32) -> (i32, i32) {
    %c0_i32 = arith.constant 0 : i32
    %c0_i32_0 = arith.constant 0 : i32
    return %arg0, %c0_i32 : i32, i32
  }
  func.func @transform_1(%arg0: i32) -> (i32, i32) {
    %c0_i32 = arith.constant 0 : i32
    %c0_i32_0 = arith.constant 0 : i32
    return %arg0, %c0_i32 : i32, i32
  }
  func.func @transform_2(%arg0: i32) -> (i32, i32) {
    %c0_i32 = arith.constant 0 : i32
    %c0_i32_0 = arith.constant 0 : i32
    %c0_i32_1 = arith.constant 0 : i32
    return %c0_i32, %c0_i32_0 : i32, i32
  }
  func.func @transform_3(%arg0: i32) -> (i32, i32) {
    %c0_i32 = arith.constant 0 : i32
    %c0_i32_0 = arith.constant 0 : i32
    %c0_i32_1 = arith.constant 0 : i32
    return %c0_i32, %c0_i32_0 : i32, i32
  }
  func.func @transform_4(%arg0: i32) -> (i32, i32) {
    %c0_i32 = arith.constant 0 : i32
    %c0_i32_0 = arith.constant 0 : i32
    %c0_i32_1 = arith.constant 0 : i32
    return %c0_i32, %c0_i32_0 : i32, i32
  }
  func.func @transform_5(%arg0: i32) -> (i32, i32) {
    %c0_i32 = arith.constant 0 : i32
    %c0_i32_0 = arith.constant 0 : i32
    return %arg0, %c0_i32 : i32, i32
  }
  func.func @transform_6(%arg0: i32) -> (i32, i32) {
    %c0_i32 = arith.constant 0 : i32
    %c0_i32_0 = arith.constant 0 : i32
    return %arg0, %c0_i32 : i32, i32
  }
  func.func @transform_7(%arg0: i32) -> (i32, i32) {
    %c0_i32 = arith.constant 0 : i32
    %c0_i32_0 = arith.constant 0 : i32
    return %arg0, %c0_i32 : i32, i32
  }
  func.func @transform_8(%arg0: i32) -> (i32, i32) {
    %c0_i32 = arith.constant 0 : i32
    %c0_i32_0 = arith.constant 0 : i32
    return %arg0, %c0_i32 : i32, i32
  }
  func.func @transform_9(%arg0: i32) -> (i32, i32) {
    %c0_i32 = arith.constant 0 : i32
    %c0_i32_0 = arith.constant 0 : i32
    %c0_i32_1 = arith.constant 0 : i32
    return %c0_i32, %c0_i32_0 : i32, i32
  }
  func.func @transform_10(%arg0: i32) -> (i32, i32) {
    %c0_i32 = arith.constant 0 : i32
    %c0_i32_0 = arith.constant 0 : i32
    %c0_i32_1 = arith.constant 0 : i32
    return %c0_i32, %c0_i32_0 : i32, i32
  }
  func.func @transform_11(%arg0: i32) -> (i32, i32) {
    %c0_i32 = arith.constant 0 : i32
    %c0_i32_0 = arith.constant 0 : i32
    %c0_i32_1 = arith.constant 0 : i32
    return %c0_i32, %c0_i32_0 : i32, i32
  }
  func.func @transform_12(%arg0: i32) -> (i32, i32) {
    %c0_i32 = arith.constant 0 : i32
    %c0_i32_0 = arith.constant 0 : i32
    %c0_i32_1 = arith.constant 0 : i32
    return %c0_i32, %c0_i32_0 : i32, i32
  }
  func.func @transform_13(%arg0: i32) -> (i32, i32) {
    %c0_i32 = arith.constant 0 : i32
    %c0_i32_0 = arith.constant 0 : i32
    %c0_i32_1 = arith.constant 0 : i32
    return %c0_i32, %c0_i32_0 : i32, i32
  }
  func.func @transform_14(%arg0: i32) -> (i32, i32) {
    %c0_i32 = arith.constant 0 : i32
    %c0_i32_0 = arith.constant 0 : i32
    %c0_i32_1 = arith.constant 0 : i32
    return %c0_i32, %c0_i32_0 : i32, i32
  }
  func.func @transform_15(%arg0: i32) -> (i32, i32) {
    %c0_i32 = arith.constant 0 : i32
    %c0_i32_0 = arith.constant 0 : i32
    %c0_i32_1 = arith.constant 0 : i32
    return %c0_i32, %c0_i32_0 : i32, i32
  }
  func.func @transform_16(%arg0: i32) -> (i32, i32) {
    %c0_i32 = arith.constant 0 : i32
    %c0_i32_0 = arith.constant 0 : i32
    %c0_i32_1 = arith.constant 0 : i32
    return %c0_i32, %c0_i32_0 : i32, i32
  }
  func.func @transform_17(%arg0: i32) -> (i32, i32) {
    %c0_i32 = arith.constant 0 : i32
    %c0_i32_0 = arith.constant 0 : i32
    %c0_i32_1 = arith.constant 0 : i32
    return %c0_i32, %c0_i32_0 : i32, i32
  }
  func.func @transform_18(%arg0: i32) -> (i32, i32) {
    %c0_i32 = arith.constant 0 : i32
    %c0_i32_0 = arith.constant 0 : i32
    return %arg0, %c0_i32 : i32, i32
  }
}

</mosaic_0001>

<sc_bundles>
// kernel: kernel.14.cloned.1.call-start
scs
__scs_entry_jumppad:
0x0: {  	(pc) =	sbr.rel $0x88, $3  }
0x1: {  	(tag) =	ssettag $0x0;
	lr =	simm.s32 $0x1  }
0x2: {  	[smem:$0x3F86] =	sst lr;
	_ =	strace $0xD0000000  }
0x3: {  	_ = 	snop  }
0x4: {  	_ = 	snop  }
0x5: {  	_ = 	snop  }
0x6: {  	_ = 	snop  }
0x7: {  	_ = 	snop  }
__scs_overlays_trampoline_lowered:
0x8: {  	[smem:$0x3F95] =	sst s0  }
0x9: {  	[smem:$0x3F96] =	sst s1  }
0xa: {  	[smem:$0x3F97] =	sst s2  }
0xb: {  	[smem:$0x3F98] =	sst s3  }
0xc: {  	[smem:$0x3F99] =	sst s4  }
0xd: {  	[smem:$0x3F9A] =	sst s5  }
0xe: {  	[smem:$0x3F9B] =	sst s6  }
0xf: {  	[smem:$0x3F9C] =	sst s7  }
0x10: {  	[smem:$0x3F9D] =	sst s8  }
0x11: {  	[smem:$0x3F9E] =	sst s9;
	s0 =	simm.s32 @!p0 $0x0  }
0x12: {  	s1 =	sld [smem:$0x3F84];
	s0 =	simm.s32 @p0 $0x1  }
0x13: {  	[smem:$0x3F9F] =	sst s0;
	s0 =	simm.s32 @!p1 $0x0  }
0x14: {  	s2 =	sld [smem:$0x3F83];
	s0 =	simm.s32 @p1 $0x1  }
0x15: {  	[smem:$0x3FA0] =	sst s0;
	s0 =	simm.s32 @!p2 $0x0  }
0x16: {  	s3 =	sld [smem:$0x3FDB];
	s0 =	simm.s32 @p2 $0x1  }
0x17: {  	s4 =	simm.s32 $0x1BF5;
	[smem:$0x3FA2] =	sst s0  }
0x18: {  	s0 =	sld [smem:$0x3F85];
	_ =	swait.ge [sflag:s4], $0x0  }
0x19: {  	s7 =	sld [smem:$0x3F86]  }
0x1a: {  	s8 =	sadd.s32 $0xFFFFE003, lr  }
0x1b: {  	s9 =	sadd.s32 $0xFFFFFEF7, lr;
	s5 =	simm.s32 $0xFFFFFFFF;
	p2 =	slt.u32 s8, $0xFFFFF086  }
0x1c: {  	p1 =	slt.u32 s9, $0xF7A;
	s5 =	simm.s32 @!p2 $0x0  }
0x1d: {  	s5 =	simm.s32 @p1 $0x1;
	p0 =	seq.s32 s7, s2  }
0x1e: {  	s7 =	smul.u32 @!p0 $0xF7A, s2;
	p2 =	seq.s32 @!p0 s5, $0x0  }
0x1f: {  	s9 =	smul.u32 $0xF7A, s1;
	s8 =	simm.s32 @!p0 $0x1BF5;
	p2 =	por !p2, p0  }
0x20: {  	[sflag:s8] =	ssyncset.s32 @!p0 $0xFFFFF086;
	s6 =	sadd.s32 @!p0 s3, s7;
	s7 =	simm.s32 @!p0 $0x108  }
0x21: {  	s3 =	sadd.s32 s3, s9;
	s6 =	sadd.s32 @!p0 $0x88, s6;
	s7 =	simm.s32 @p2 $0x1082  }
0x22: {  	[simem:s7], [sflag:s8] =	dma.local @!p0 [hbm:s6], $0xF7A  }
0x23: {  	s9 =	sor.u32 $0xD0000000, s2;
	s6 =	simm.s32 $0x108;
	_ =	swait.ge @!p0 [sflag:s8], $0x0  }
0x24: {  	s3 =	sadd.s32 $0x88, s3;
	s6 =	simm.s32 @!p1 $0x1082;
	[sflag:s4] =	ssyncset.s32 $0xFFFFF086  }
0x25: {  	[simem:s6], [sflag:s4] =	dma.local [hbm:s3], $0xF7A  }
0x26: {  	[smem:$0x3F86] =	sst s1;
	(tag) =	ssettag s2;
	_ =	strace s9  }
0x27: {  	s1 =	sld [smem:$0x3F96]  }
0x28: {  	s2 =	sld [smem:$0x3F97]  }
0x29: {  	s4 =	sld [smem:$0x3F99]  }
0x2a: {  	p0 =	seq.s32 s5, $0x0;
	s5 =	sld [smem:$0x3F9A]  }
0x2b: {  	s6 =	sld [smem:$0x3F9B]  }
0x2c: {  	s7 =	sld [smem:$0x3F9C]  }
0x2d: {  	s3 =	simm.s32 $0x108;
	s8 =	sld [smem:$0x3F9D]  }
0x2e: {  	s3 =	simm.s32 @!p0 $0x1082;
	s9 =	sld [smem:$0x3F9E]  }
0x2f: {  	lr =	sadd.s32 s0, s3;
	s0 =	sld [smem:$0x3F95]  }
0x30: {  	s3 =	sld [smem:$0x3F98]  }
0x31: {  	[smem:$0x3FA1] =	sst s10  }
0x32: {  	s10 =	sld [smem:$0x3F9F];
	_ =	sdelay $0x3  }
0x33: {  	p0 =	seq.s32 s10, $0x1;
	s10 =	sld [smem:$0x3FA1];
	_ =	sdelay $0x3  }
0x34: {  	[smem:$0x3FA1] =	sst s10  }
0x35: {  	s10 =	sld [smem:$0x3FA0];
	_ =	sdelay $0x3  }
0x36: {  	p1 =	seq.s32 s10, $0x1;
	s10 =	sld [smem:$0x3FA1];
	_ =	sdelay $0x3  }
0x37: {  	[smem:$0x3FA1] =	sst s10  }
0x38: {  	s10 =	sld [smem:$0x3FA2]  }
0x39: {  	_ = 	snop;
	(pc) =	sbr.ind lr, $3  }
0x3a: {  	_ = 	snop  }
0x3b: {  	_ = 	snop  }
0x3c: {  	p2 =	seq.s32 s10, $0x1;
	s10 =	sld [smem:$0x3FA1]  }
0x3d: {  	_ =	shalt  }
0x3e: {  	_ =	shalt  }
0x3f: {  	_ =	shalt  }
0x40: {  	_ =	shalt  }
0x41: {  	_ =	shalt  }
0x42: {  	_ =	shalt  }
0x43: {  	_ =	shalt  }
0x44: {  	_ =	shalt  }
0x45: {  	_ =	shalt  }
0x46: {  	_ =	shalt  }
0x47: {  	_ =	shalt  }
0x48: {  	_ =	shalt  }
0x49: {  	_ =	shalt  }
0x4a: {  	_ =	shalt  }
0x4b: {  	_ =	shalt  }
0x4c: {  	_ =	shalt  }
0x4d: {  	_ =	shalt  }
0x4e: {  	_ =	shalt  }
0x4f: {  	_ =	shalt  }
0x50: {  	_ =	shalt  }
0x51: {  	_ =	shalt  }
0x52: {  	_ =	shalt  }
0x53: {  	_ =	shalt  }
0x54: {  	_ =	shalt  }
0x55: {  	_ =	shalt  }
0x56: {  	_ =	shalt  }
0x57: {  	_ =	shalt  }
0x58: {  	_ =	shalt  }
0x59: {  	_ =	shalt  }
0x5a: {  	_ =	shalt  }
0x5b: {  	_ =	shalt  }
0x5c: {  	_ =	shalt  }
0x5d: {  	_ =	shalt  }
0x5e: {  	_ =	shalt  }
0x5f: {  	_ =	shalt  }
0x60: {  	_ =	shalt  }
0x61: {  	_ =	shalt  }
0x62: {  	_ =	shalt  }
0x63: {  	_ =	shalt  }
0x64: {  	_ =	shalt  }
0x65: {  	_ =	shalt  }
0x66: {  	_ =	shalt  }
0x67: {  	_ =	shalt  }
0x68: {  	_ =	shalt  }
0x69: {  	_ =	shalt  }
0x6a: {  	_ =	shalt  }
0x6b: {  	_ =	shalt  }
0x6c: {  	_ =	shalt  }
0x6d: {  	_ =	shalt  }
0x6e: {  	_ =	shalt  }
0x6f: {  	_ =	shalt  }
0x70: {  	_ =	shalt  }
0x71: {  	_ =	shalt  }
0x72: {  	_ =	shalt  }
0x73: {  	_ =	shalt  }
0x74: {  	_ =	shalt  }
0x75: {  	_ =	shalt  }
0x76: {  	_ =	shalt  }
0x77: {  	_ =	shalt  }
0x78: {  	_ =	shalt  }
0x79: {  	_ =	shalt  }
0x7a: {  	_ =	shalt  }
0x7b: {  	_ =	shalt  }
0x7c: {  	_ =	shalt  }
0x7d: {  	_ =	shalt  }
0x7e: {  	_ =	shalt  }
0x7f: {  	_ =	shalt  }
0x80: {  	_ =	shalt  }
0x81: {  	_ =	shalt  }
0x82: {  	_ =	shalt  }
0x83: {  	_ =	shalt  }
0x84: {  	_ =	shalt  }
0x85: {  	_ =	shalt  }
0x86: {  	_ =	shalt  }
0x87: {  	_ =	shalt  }
.Lfunc_end0:
.L_simem_size_0:
called_computation_lowered:
.L_overlay_start_0:
0x88: {  	s2 =	sld [smem:$0x3FD9]  }
0x89: {  	s3 =	sld [smem:$0x3FFE];
	_ =	sdelay $0x1  }
0x8a: {  	s1 =	srdreg.scid  }
0x8b: {  	s0 =	sand.u32 $0x1, s1  }
0x8c: {  	s16 =	sshll.u32 s0, $0xA;
	s2 =	sadd.s32 s3, s2  }
0x8d: {  	s2 =	sadd.s32 s2, s16  }
0x8e: {  	[smem:$0x3FAD] =	sst s2  }
0x8f: {  	_ = 	snop  }
0x90: {  	(tm) =	ssettm $0x1  }
0x91: {  	s17 =	sld [smem:$0x3FFB];
	_ =	sdelay $0x3  }
0x92: {  	_ =	strace s17  }
0x93: {  	s2 =	sld [smem:$0x3FFC];
	_ =	sdelay $0x3  }
0x94: {  	_ =	strace s2  }
0x95: {  	s2 =	sld [smem:$0x3FFD];
	_ =	sdelay $0x3  }
0x96: {  	_ =	strace s2  }
0x97: {  	_ =	strace $0x8FFFFFFF  }
0x98: {  	s18 =	sld [smem:$0x3FDB];
	_ =	sdelay $0x1  }
0x99: {  	s19 =	simm.s32 $_scs_section_size  }
0x9a: {  	s4 =	simm.s32 $_size__tile_overlayer_lowered;
	s5 =	simm.s32 $_tile_overlayer_lowered  }
0x9b: {  	s22 =	simm.s32 $0x1BFF;
	s21 =	sshll.u32 s5, $0x1;
	s2 =	sadd.s32 s19, s18  }
0x9c: {  	s6 =	simm.s32 $0x0;
	s20 =	sshll.u32 s4, $0x1;
	s4 =	sadd.s32 s21, s2  }
0x9d: {  	[timem:s6], [sflag:s22] =	dma.local [hbm:s4], s20  }
0x9e: {  	_ =	swait.ge [sflag:s22], s20  }
0x9f: {  	s3 =	ssub.s32 $0x0, s20;
	[sflag:s22] =	ssyncset.done $0x0  }
0xa0: {  	[sflag:s22] =	ssyncadd.s32 s3;
	_ =	sdelay $0x1  }
0xa1: {  	s23 =	simm.s32 $0x1B8B  }
0xa2: {  	_ =	swait.ge [sflag:s23], $0x1  }
0xa3: {  	[sflag:s23] =	ssyncset.done $0x0  }
0xa4: {  	s25 =	simm.s32 $0x1B8E;
	s24 =	sld [smem:$0x3FFE];
	[sflag:s23] =	ssyncadd.s32 $0xFFFFFFFF  }
0xa5: {  	s26 =	simm.s32 $execute0_lowered;
	[smem:$0x3FD2] =	sst s25  }
0xa6: {  	s4 =	sshll.u32 s26, $0x1;
	_ =	strace $0x80000046;
	[dreg:$0x1] =	wrdreg $0xFFFFFFFF  }
0xa7: {  	s28 =	simm.s32 $_size_execute0_lowered;
	s2 =	sadd.s32 s2, s4;
	[dreg:$0x0] =	wrdreg $0x0  }
0xa8: {  	s4 =	sshll.u32 s28, $0x1;
	[dreg:$0x2] =	wrdreg s2  }
0xa9: {  	[dreg:$0x3] =	wrdreg s4  }
0xaa: {  	[dreg:$0x4] =	wrdreg $0xC0  }
0xab: {  	_ =	task [dreg:s6], $0x5FFFF  }
0xac: {  	[dreg:$0x1] =	wrdreg $0xFFFFFFFF  }
0xad: {  	[dreg:$0x0] =	wrdreg $0x60  }
0xae: {  	[dreg:$0x2] =	wrdreg s24  }
0xaf: {  	[dreg:$0x3] =	wrdreg $0x9  }
0xb0: {  	_ =	task.clear_ibuf [dreg:s6], $0x4FFFF;
	_ =	strace $0x90000046  }
0xb1: {  	s29 =	simm.s32 $0x9;
	_ =	strace $0x80000048  }
0xb2: {  	_ =	swait.ge [sflag:s29], $0x1  }
0xb3: {  	[sflag:s29] =	ssyncadd.s32 $0xFFFFFFFF  }
0xb4: {  	_ =	strace $0x90000048  }
0xb5: {  	_ =	sfence  }
0xb6: {  	s30 =	sld [smem:$0x0];
	_ =	sdelay $0x2  }
0xb7: {  	s31 =	sshll.u32 s1, $0xD;
	s1 =	sshrl.u32 s1, $0x2  }
0xb8: {  	s3 =	sand.u32 $0x4000, s31;
	s1 =	sadd.s32 s1, s30  }
0xb9: {  	s0 =	sor.u32 s3, s0;
	s1 =	sshll.u32 s1, $0x11  }
0xba: {  	s0 =	sor.u32 s1, s0  }
0xbb: {  	s0 =	sadd.s32 $0x8F2B, s0  }
0xbc: {  	[sflag:s0] =	ssyncadd.remote.s32 $0x1  }
0xbd: {  	_ =	sfence.sel $0xFFFF  }
0xbe: {  	[dreg:$0x0] =	wrdreg $0xFFFFFFFF;
	(pc) =	sbr.abs _section_cstart, $3  }
0xbf: {  	[dreg:$0x1] =	wrdreg $0xFFFFFFFF  }
0xc0: {  	_ =	task.clear_ibuf [dreg:s6], $0x2FFFF;
	_ =	strace $0x9FFFFFFF  }
0xc1: {  	(tm) =	ssettm $0x7FFFFFFF  }
tec
execute0_lowered:
.L_overlay_start_1:
0x0: {  	(tag) =	ssettag $0x1  }
0x1: {  	s7 =	rddreg [dreg:$0x0]  }
0x2: {  	s1 =	simm.s32 $0x0;
	s6 =	srdreg.scid;
	s0 =	stileid.u32  }
0x3: {  	s12 =	simm.s32 $0x1;
	s13 =	simm.s32 $0x2;
	s14 =	simm.s32 $0x4120  }
0x4: {  	s15 =	simm.s32 $0x61B0;
	s16 =	simm.s32 $0x3;
	s17 =	simm.s32 $0x4  }
0x5: {  	s19 =	simm.s32 $0x5;
	s21 =	simm.s32 $0xA1C0;
	s22 =	simm.s32 $0x0  }
0x6: {  	[smem:$0x7FF] =	sst s1;
	s3 =	sadd.s32 $0x1F400, s7;
	s4 =	sadd.s32 $0x6800, s7  }
0x7: {  	s5 =	sadd.s32 $0x38000, s7;
	s8 =	sand.u32 $0x1, s6;
	s9 =	sshll.u32 s0, $0x1  }
0x8: {  	s6 =	sadd.s32 $0x349800, s7;
	s9 =	sor.u32 s8, s9;
	s8 =	ssub.s32 $0x2, s8  }
0x9: {  	_ =	strace $0x80000047;
	s10 =	sshll.u32 s9, $0x1;
	s11 =	sshrl.u32 s8, $0x1  }
0xa: {  	s20 =	smul.u32 $0x620, s9;
	s10 =	sadd.s32 s10, s7;
	s11 =	ssub.s32 s8, s11  }
0xb: {  	s7 =	smul.u32 $0xC4600, s9;
	s8 =	sadd.s32 $0x3FEA, s0;
	s9 =	sadd.s32 $0x65B000, s10  }
0xc: {  	v1 =	vimm.s32 $0x0;
	s10 =	smax.u32 s11, $0x1;
	s11 =	simm.s32 $0x2090;
	v0 =	vmov s20;
	s20 =	simm.s32 $0x9200  }
.LBB2_1:
0xd: {  	s23 =	simm.s32 $0x40;
	s24 =	simm.s32 $0x0  }
.LBB2_2:
0xe: {  	p0 =	sne.s32 s23, $0x3EC0;
	[tilespmem:s24+$0x8240] =	vst v1;
	s24 =	smov.u32 s23;
	s23 =	sadd.s32 $0x40, s23  }
.Ltmp0:
0xf: {  	(pc) =	sbr.rel @p0 .LBB2_2-.Ltmp0, $2  }
0x10: {  	_ =	sdelay $0x2  }
0x11: {  	s24 =	sshra.s32 s24, $0x2  }
0x12: {  	[tilespmem:s24+$0x8240] =	vst v1;
	s23 =	simm.s32 $0x0  }
0x13: {  	[tilespmem:s23], [sflag:$0x1] =	stream.linear.gather [hbm4b:s3+s23], $0x2090, $0x38;
	[tilespmem:$0xA1D0] =	vst v63  }
0x14: {  	s28 =	simm.s32 $0x0;
	s25 =	simm.s32 $0x0;
	s24 =	simm.s32 $0x0  }
0x15: {  	[tilespmem:s11], [sflag:$0x2] =	stream.linear.gather [hbm4b:s4+s23], $0x2090, $0x38;
	[tilespmem:$0xA1D0] =	vst v63  }
.LBB2_4:
0x16: {  	_ =	swait.ge [sflag:s12], $0x2090  }
0x17: {  	s26 =	smul.u32 $0x4120, s24;
	[sflag:s12] =	ssyncset.done $0x0  }
0x18: {  	[sflag:s12] =	ssyncadd.s32 $0xFFFFDF70  }
0x19: {  	s26 =	sshrl.u32 s26, $0x3;
	_ =	swait.ge [sflag:s13], $0x2090  }
0x1a: {  	s29 =	sadd.s32 $0x412, s26;
	[sflag:s13] =	ssyncset.done $0x0  }
0x1b: {  	s30 =	sadd.s32 s3, s29;
	[sflag:s13] =	ssyncadd.s32 $0xFFFFDF70  }
0x1c: {  	[tilespmem:s14], [sflag:$0x3] =	stream.linear.gather [hbm4b:s30+s23], $0x2090, $0x38;
	[tilespmem:$0xA1D0] =	vst v63  }
0x1d: {  	s29 =	sadd.s32 s4, s29  }
0x1e: {  	[tilespmem:s15], [sflag:$0x4] =	stream.linear.gather [hbm4b:s29+s23], $0x2090, $0x38;
	[tilespmem:$0xA1D0] =	vst v63  }
0x1f: {  	s29 =	simm.s32 $0x0  }
0x20: {  	v2 =	vld [tilespmem:s29+$0x2090];
	_ =	sdelay $0x4  }
0x21: {  	v2 =	vsub.s32 v2, v0  }
0x22: {  	vm0 =	vlt.u32 v2, $0x620  }
0x23: {  	v3 =	vmpcnt.ones.xlane vm0;
	_ =	sdelay $0x1  }
0x24: {  	(v2sf) =	vpush v3, $0x0;
	_ =	sdelay $0xe  }
0x25: {  	s30 =	spop (v2sf)  }
0x26: {  	s31 =	sadd.s32 s25, s30  }
0x27: {  	p0 =	slt.s32 s31, $0xFA0  }
0x28: {  	s30 =	sand.u32 @!p0 $0x7, s28;
	s0 =	sld @!p0 [smem:$0x7FF]  }
0x29: {  	v3 =	vld [tilespmem:s29+$0x0];
	p1 =	seq.s32 @!p0 s30, $0x0  }
0x2a: {  	p2 =	por p1, p0  }
0x2b: {  	p3 =	sne.s32 @!p2 s0, $0x1  }
0x2c: {  	p3 =	por @!p0 !p3, p1  }
0x2d: {  	p3 =	por p3, p0  }
0x2e: {  	[tilespmem:s25+$0x8240] =	vst.msk vm0, v3;
	s0 =	sor.u32 @!p3 $0x100000, s8  }
0x2f: {  	[tilespmem:s25+$0x9200] =	vst.msk vm0, v2;
	[smem:s0], [sflag:$0x0] =	smem.add.s32 @!p3 $0x5C;
	s0 =	simm.s32 @!p3 $0x0  }
0x30: {  	s29 =	simm.s32 @!p3 $0x1;
	_ =	swait.done @!p3 [sflag:s0]  }
0x31: {  	s25 =	sadd.s32 @!p0 s7, s28;
	s2 =	simm.s32 @!p0 $0x8240;
	[smem:$0x7FF] =	sst @!p3 s29  }
0x32: {  	s25 =	sshrl.u32 @!p0 s25, $0x3;
	s30 =	simm.s32 @!p0 $0x5;
	_ =	sint @!p3 $0x2  }
0x33: {  	s29 =	sadd.s32 @!p0 s5, s25;
	_ =	swait.notdone @!p3 [sflag:s0];
	s0 =	simm.s32 @!p0 $0x0  }
0x34: {  	[hbm4b:s29+s0] =	stream.linear.scatter @!p0 [tilespmem:s2], [sflag:$0x5], $0xFA0, $0x38;
	[tilespmem:$0xA1D0] =	vst v63  }
0x35: {  	_ =	swait.ge @!p0 [sflag:s30], $0xFA0  }
0x36: {  	s2 =	sld @!p0 [smem:$0x7FF];
	_ =	sdelay $0x2  }
0x37: {  	p2 =	sne.s32 @!p2 s2, $0x1  }
0x38: {  	p1 =	por @!p0 !p2, p1  }
0x39: {  	[sflag:s30] =	ssyncset.done @!p0 $0x0;
	p1 =	por p1, p0  }
0x3a: {  	[sflag:s30] =	ssyncadd.s32 @!p0 $0xFFFFF060;
	s2 =	sor.u32 @!p1 $0x100000, s8  }
0x3b: {  	[smem:s2], [sflag:$0x0] =	smem.add.s32 @!p1 $0x62;
	s2 =	simm.s32 @!p1 $0x0  }
0x3c: {  	s29 =	simm.s32 @!p1 $0x1;
	_ =	swait.done @!p1 [sflag:s2]  }
0x3d: {  	[smem:$0x7FF] =	sst @!p1 s29  }
0x3e: {  	_ =	sint @!p1 $0x2  }
0x3f: {  	s25 =	sadd.s32 @!p0 s6, s25;
	_ =	swait.notdone @!p1 [sflag:s2];
	s2 =	simm.s32 @!p0 $0x9200  }
0x40: {  	[hbm4b:s25+s0] =	stream.linear.scatter @!p0 [tilespmem:s2], [sflag:$0x5], $0xFA0, $0x38;
	[tilespmem:$0xA1D0] =	vst v63  }
0x41: {  	_ =	swait.ge @!p0 [sflag:s30], $0xFA0  }
0x42: {  	[sflag:s30] =	ssyncset.done @!p0 $0x0  }
0x43: {  	[sflag:s30] =	ssyncadd.s32 @!p0 $0xFFFFF060  }
0x44: {  	s29 =	sadd.s32 @!p0 $0xFA0, s28;
	s25 =	sadd.s32 @!p0 $0xFFFFF060, s31;
	v3 =	vld @!p0 [tilespmem:$0x91E0]  }
0x45: {  	s29 =	smov.u32 @p0 s28;
	s25 =	smov.u32 @p0 s31;
	s30 =	simm.s32 $0x40;
	v2 =	vld @!p0 [tilespmem:$0xA1A0]  }
.LBB2_5:
0x46: {  	_ =	sdelay $0x1  }
0x47: {  	s28 =	smov.u32 s29  }
0x48: {  	s0 =	smov.u32 s30;
	s30 =	sadd.s32 $0x40, s30;
	[tilespmem:$0x8240] =	vst @!p0 v3  }
0x49: {  	s0 =	sshra.s32 s0, $0x2;
	p1 =	sne.s32 s30, $0x8240;
	[tilespmem:$0x9200] =	vst @!p0 v2  }
0x4a: {  	v2 =	vld [tilespmem:s0+$0x2090];
	_ =	sdelay $0x1  }
0x4b: {  	v3 =	vld [tilespmem:s0+$0x0];
	_ =	sdelay $0x2  }
0x4c: {  	v2 =	vsub.s32 v2, v0  }
0x4d: {  	vm0 =	vlt.u32 v2, $0x620  }
0x4e: {  	[tilespmem:s25+$0x8240] =	vst.msk vm0, v3;
	v3 =	vmpcnt.ones.xlane vm0  }
0x4f: {  	[tilespmem:s25+$0x9200] =	vst.msk vm0, v2  }
0x50: {  	(v2sf) =	vpush v3, $0x0;
	_ =	sdelay $0xe  }
0x51: {  	s0 =	spop (v2sf)  }
0x52: {  	s0 =	sadd.s32 s25, s0  }
0x53: {  	p0 =	slt.s32 s0, $0xFA0  }
0x54: {  	s2 =	sadd.s32 @!p0 s7, s29;
	s25 =	sand.u32 @!p0 $0x7, s29;
	s29 =	sld @!p0 [smem:$0x7FF]  }
0x55: {  	p2 =	seq.s32 @!p0 s25, $0x0;
	s2 =	sshrl.u32 @!p0 s2, $0x3;
	s25 =	sadd.s32 @!p0 $0xFFFFF060, s0  }
0x56: {  	p3 =	por p2, p0;
	s31 =	sadd.s32 @!p0 s5, s2;
	s2 =	sadd.s32 @!p0 s6, s2  }
0x57: {  	s25 =	smov.u32 @p0 s0;
	p4 =	sne.s32 @!p3 s29, $0x1;
	s29 =	sadd.s32 @!p0 $0xFA0, s28  }
0x58: {  	p4 =	por @!p0 !p4, p2;
	s29 =	smov.u32 @p0 s28  }
0x59: {  	p4 =	por p4, p0  }
0x5a: {  	s0 =	sor.u32 @!p4 $0x100000, s8  }
0x5b: {  	[smem:s0], [sflag:$0x0] =	smem.add.s32 @!p4 $0x5C;
	s0 =	simm.s32 @!p4 $0x0  }
0x5c: {  	s28 =	simm.s32 @!p4 $0x1;
	_ =	swait.done @!p4 [sflag:s0]  }
0x5d: {  	[smem:$0x7FF] =	sst @!p4 s28  }
0x5e: {  	s28 =	simm.s32 @!p0 $0x5;
	_ =	sint @!p4 $0x2  }
0x5f: {  	s18 =	simm.s32 @!p0 $0x8240;
	_ =	swait.notdone @!p4 [sflag:s0];
	s0 =	simm.s32 @!p0 $0x0  }
0x60: {  	[hbm4b:s31+s0] =	stream.linear.scatter @!p0 [tilespmem:s18], [sflag:$0x5], $0xFA0, $0x38;
	[tilespmem:$0xA1D0] =	vst v63  }
0x61: {  	_ =	swait.ge @!p0 [sflag:s28], $0xFA0  }
0x62: {  	[sflag:s28] =	ssyncset.done @!p0 $0x0;
	s18 =	sld @!p0 [smem:$0x7FF]  }
0x63: {  	[sflag:s28] =	ssyncadd.s32 @!p0 $0xFFFFF060;
	_ =	sdelay $0x1  }
0x64: {  	p3 =	sne.s32 @!p3 s18, $0x1  }
0x65: {  	p2 =	por @!p0 !p3, p2  }
0x66: {  	p2 =	por p2, p0  }
0x67: {  	s18 =	sor.u32 @!p2 $0x100000, s8  }
0x68: {  	[smem:s18], [sflag:$0x0] =	smem.add.s32 @!p2 $0x62;
	s18 =	simm.s32 @!p2 $0x0  }
0x69: {  	s31 =	simm.s32 @!p2 $0x1;
	_ =	swait.done @!p2 [sflag:s18]  }
0x6a: {  	[smem:$0x7FF] =	sst @!p2 s31  }
0x6b: {  	_ =	sint @!p2 $0x2  }
0x6c: {  	_ =	swait.notdone @!p2 [sflag:s18];
	s18 =	simm.s32 @!p0 $0x9200  }
0x6d: {  	[hbm4b:s2+s0] =	stream.linear.scatter @!p0 [tilespmem:s18], [sflag:$0x5], $0xFA0, $0x38;
	[tilespmem:$0xA1D0] =	vst v63  }
.Ltmp1:
0x6e: {  	_ =	swait.ge @!p0 [sflag:s28], $0xFA0;
	(pc) =	sbr.rel @p1 .LBB2_5-.Ltmp1, $4  }
0x6f: {  	[sflag:s28] =	ssyncset.done @!p0 $0x0  }
0x70: {  	[sflag:s28] =	ssyncadd.s32 @!p0 $0xFFFFF060  }
0x71: {  	v3 =	vld @!p0 [tilespmem:$0x91E0]  }
0x72: {  	v2 =	vld @!p0 [tilespmem:$0xA1A0]  }
0x73: {  	_ =	sdelay $0x2  }
0x74: {  	[tilespmem:$0x8240] =	vst @!p0 v3  }
0x75: {  	[tilespmem:$0x9200] =	vst @!p0 v2  }
0x76: {  	_ =	swait.ge [sflag:s16], $0x2090  }
0x77: {  	[sflag:s16] =	ssyncset.done $0x0  }
0x78: {  	[sflag:s16] =	ssyncadd.s32 $0xFFFFDF70  }
0x79: {  	_ =	swait.ge [sflag:s17], $0x2090  }
0x7a: {  	s0 =	sadd.s32 $0x824, s26;
	[sflag:s17] =	ssyncset.done $0x0  }
0x7b: {  	s18 =	simm.s32 $0x0;
	s2 =	sadd.s32 s3, s0;
	[sflag:s17] =	ssyncadd.s32 $0xFFFFDF70  }
0x7c: {  	[tilespmem:s18], [sflag:$0x1] =	stream.linear.gather [hbm4b:s2+s18], $0x2090, $0x38;
	[tilespmem:$0xA1D0] =	vst v63  }
0x7d: {  	s30 =	simm.s32 $0x0;
	s0 =	sadd.s32 s4, s0  }
0x7e: {  	[tilespmem:s11], [sflag:$0x2] =	stream.linear.gather [hbm4b:s0+s18], $0x2090, $0x38;
	[tilespmem:$0xA1D0] =	vst v63  }
0x7f: {  	v2 =	vld [tilespmem:s30+$0x61B0];
	_ =	sdelay $0x4  }
0x80: {  	v2 =	vsub.s32 v2, v0  }
0x81: {  	vm0 =	vlt.u32 v2, $0x620  }
0x82: {  	v3 =	vmpcnt.ones.xlane vm0;
	_ =	sdelay $0x1  }
0x83: {  	(v2sf) =	vpush v3, $0x0;
	_ =	sdelay $0xe  }
0x84: {  	s31 =	spop (v2sf)  }
0x85: {  	s2 =	sadd.s32 s25, s31  }
0x86: {  	p0 =	slt.s32 s2, $0xFA0  }
0x87: {  	s18 =	sand.u32 @!p0 $0x7, s29;
	s26 =	sld @!p0 [smem:$0x7FF]  }
0x88: {  	v3 =	vld [tilespmem:s30+$0x4120];
	p1 =	seq.s32 @!p0 s18, $0x0  }
0x89: {  	p2 =	por p1, p0  }
0x8a: {  	p3 =	sne.s32 @!p2 s26, $0x1  }
0x8b: {  	p3 =	por @!p0 !p3, p1  }
0x8c: {  	p3 =	por p3, p0  }
0x8d: {  	[tilespmem:s25+$0x8240] =	vst.msk vm0, v3;
	s0 =	sor.u32 @!p3 $0x100000, s8  }
0x8e: {  	[tilespmem:s25+$0x9200] =	vst.msk vm0, v2;
	[smem:s0], [sflag:$0x0] =	smem.add.s32 @!p3 $0x8E;
	s0 =	simm.s32 @!p3 $0x0  }
0x8f: {  	s25 =	simm.s32 @!p3 $0x1;
	_ =	swait.done @!p3 [sflag:s0]  }
0x90: {  	s28 =	simm.s32 @!p0 $0x8240;
	s18 =	sadd.s32 @!p0 s7, s29;
	[smem:$0x7FF] =	sst @!p3 s25  }
0x91: {  	s18 =	sshrl.u32 @!p0 s18, $0x3;
	s26 =	simm.s32 @!p0 $0x5;
	_ =	sint @!p3 $0x2  }
0x92: {  	s25 =	sadd.s32 @!p0 s5, s18;
	_ =	swait.notdone @!p3 [sflag:s0];
	s0 =	simm.s32 @!p0 $0x0  }
0x93: {  	[hbm4b:s25+s0] =	stream.linear.scatter @!p0 [tilespmem:s28], [sflag:$0x5], $0xFA0, $0x38;
	[tilespmem:$0xA1D0] =	vst v63  }
0x94: {  	_ =	swait.ge @!p0 [sflag:s26], $0xFA0  }
0x95: {  	s25 =	sld @!p0 [smem:$0x7FF];
	_ =	sdelay $0x2  }
0x96: {  	p2 =	sne.s32 @!p2 s25, $0x1  }
0x97: {  	p1 =	por @!p0 !p2, p1  }
0x98: {  	[sflag:s26] =	ssyncset.done @!p0 $0x0;
	p1 =	por p1, p0  }
0x99: {  	[sflag:s26] =	ssyncadd.s32 @!p0 $0xFFFFF060;
	s25 =	sor.u32 @!p1 $0x100000, s8  }
0x9a: {  	[smem:s25], [sflag:$0x0] =	smem.add.s32 @!p1 $0x94;
	s25 =	simm.s32 @!p1 $0x0  }
0x9b: {  	s28 =	simm.s32 @!p1 $0x1;
	_ =	swait.done @!p1 [sflag:s25]  }
0x9c: {  	[smem:$0x7FF] =	sst @!p1 s28  }
0x9d: {  	_ =	sint @!p1 $0x2  }
0x9e: {  	s18 =	sadd.s32 @!p0 s6, s18;
	_ =	swait.notdone @!p1 [sflag:s25];
	s25 =	simm.s32 @!p0 $0x9200  }
0x9f: {  	[hbm4b:s18+s0] =	stream.linear.scatter @!p0 [tilespmem:s25], [sflag:$0x5], $0xFA0, $0x38;
	[tilespmem:$0xA1D0] =	vst v63  }
0xa0: {  	_ =	swait.ge @!p0 [sflag:s26], $0xFA0  }
0xa1: {  	[sflag:s26] =	ssyncset.done @!p0 $0x0  }
0xa2: {  	[sflag:s26] =	ssyncadd.s32 @!p0 $0xFFFFF060  }
0xa3: {  	s28 =	sadd.s32 @!p0 $0xFA0, s29;
	s25 =	sadd.s32 @!p0 $0xFFFFF060, s2;
	v3 =	vld @!p0 [tilespmem:$0x91E0]  }
0xa4: {  	s28 =	smov.u32 @p0 s29;
	s25 =	smov.u32 @p0 s2;
	s26 =	simm.s32 $0x40;
	v2 =	vld @!p0 [tilespmem:$0xA1A0]  }
.LBB2_7:
0xa5: {  	_ =	sdelay $0x1  }
0xa6: {  	s29 =	smov.u32 s28  }
0xa7: {  	s0 =	smov.u32 s26;
	s26 =	sadd.s32 $0x40, s26;
	[tilespmem:$0x8240] =	vst @!p0 v3  }
0xa8: {  	s0 =	sshra.s32 s0, $0x2;
	p1 =	sne.s32 s26, $0x8240;
	[tilespmem:$0x9200] =	vst @!p0 v2  }
0xa9: {  	v2 =	vld [tilespmem:s0+$0x61B0];
	_ =	sdelay $0x1  }
0xaa: {  	v3 =	vld [tilespmem:s0+$0x4120];
	_ =	sdelay $0x2  }
0xab: {  	v2 =	vsub.s32 v2, v0  }
0xac: {  	vm0 =	vlt.u32 v2, $0x620  }
0xad: {  	[tilespmem:s25+$0x8240] =	vst.msk vm0, v3;
	v3 =	vmpcnt.ones.xlane vm0  }
0xae: {  	[tilespmem:s25+$0x9200] =	vst.msk vm0, v2  }
0xaf: {  	(v2sf) =	vpush v3, $0x0;
	_ =	sdelay $0xe  }
0xb0: {  	s0 =	spop (v2sf)  }
0xb1: {  	s0 =	sadd.s32 s25, s0  }
0xb2: {  	p0 =	slt.s32 s0, $0xFA0  }
0xb3: {  	s2 =	sadd.s32 @!p0 s7, s28;
	s18 =	sand.u32 @!p0 $0x7, s28;
	s28 =	sld @!p0 [smem:$0x7FF]  }
0xb4: {  	s25 =	sadd.s32 @!p0 $0xFFFFF060, s0;
	p2 =	seq.s32 @!p0 s18, $0x0;
	s2 =	sshrl.u32 @!p0 s2, $0x3  }
0xb5: {  	p3 =	por p2, p0;
	s18 =	sadd.s32 @!p0 s5, s2;
	s2 =	sadd.s32 @!p0 s6, s2  }
0xb6: {  	s25 =	smov.u32 @p0 s0;
	p4 =	sne.s32 @!p3 s28, $0x1;
	s28 =	sadd.s32 @!p0 $0xFA0, s29  }
0xb7: {  	p4 =	por @!p0 !p4, p2;
	s28 =	smov.u32 @p0 s29  }
0xb8: {  	p4 =	por p4, p0  }
0xb9: {  	s0 =	sor.u32 @!p4 $0x100000, s8  }
0xba: {  	[smem:s0], [sflag:$0x0] =	smem.add.s32 @!p4 $0x8E;
	s0 =	simm.s32 @!p4 $0x0  }
0xbb: {  	s29 =	simm.s32 @!p4 $0x1;
	_ =	swait.done @!p4 [sflag:s0]  }
0xbc: {  	[smem:$0x7FF] =	sst @!p4 s29  }
0xbd: {  	s29 =	simm.s32 @!p0 $0x5;
	_ =	sint @!p4 $0x2  }
0xbe: {  	s30 =	simm.s32 @!p0 $0x8240;
	_ =	swait.notdone @!p4 [sflag:s0];
	s0 =	simm.s32 @!p0 $0x0  }
0xbf: {  	[hbm4b:s18+s0] =	stream.linear.scatter @!p0 [tilespmem:s30], [sflag:$0x5], $0xFA0, $0x38;
	[tilespmem:$0xA1D0] =	vst v63  }
0xc0: {  	_ =	swait.ge @!p0 [sflag:s29], $0xFA0  }
0xc1: {  	[sflag:s29] =	ssyncset.done @!p0 $0x0;
	s18 =	sld @!p0 [smem:$0x7FF]  }
0xc2: {  	[sflag:s29] =	ssyncadd.s32 @!p0 $0xFFFFF060;
	_ =	sdelay $0x1  }
0xc3: {  	p3 =	sne.s32 @!p3 s18, $0x1  }
0xc4: {  	p2 =	por @!p0 !p3, p2  }
0xc5: {  	p2 =	por p2, p0  }
0xc6: {  	s18 =	sor.u32 @!p2 $0x100000, s8  }
0xc7: {  	[smem:s18], [sflag:$0x0] =	smem.add.s32 @!p2 $0x94;
	s18 =	simm.s32 @!p2 $0x0  }
0xc8: {  	s30 =	simm.s32 @!p2 $0x1;
	_ =	swait.done @!p2 [sflag:s18]  }
0xc9: {  	[smem:$0x7FF] =	sst @!p2 s30  }
0xca: {  	_ =	sint @!p2 $0x2  }
0xcb: {  	_ =	swait.notdone @!p2 [sflag:s18];
	s18 =	simm.s32 @!p0 $0x9200  }
0xcc: {  	[hbm4b:s2+s0] =	stream.linear.scatter @!p0 [tilespmem:s18], [sflag:$0x5], $0xFA0, $0x38;
	[tilespmem:$0xA1D0] =	vst v63  }
.Ltmp2:
0xcd: {  	_ =	swait.ge @!p0 [sflag:s29], $0xFA0;
	(pc) =	sbr.rel @p1 .LBB2_7-.Ltmp2, $4  }
0xce: {  	[sflag:s29] =	ssyncset.done @!p0 $0x0  }
0xcf: {  	[sflag:s29] =	ssyncadd.s32 @!p0 $0xFFFFF060  }
0xd0: {  	v3 =	vld @!p0 [tilespmem:$0x91E0]  }
0xd1: {  	v2 =	vld @!p0 [tilespmem:$0xA1A0]  }
0xd2: {  	s24 =	sadd.s32 $0x1, s24  }
0xd3: {  	p1 =	sne.s32 s24, $0x30  }
.Ltmp3:
0xd4: {  	_ = 	snop;
	(pc) =	sbr.rel @p1 .LBB2_4-.Ltmp3, $3  }
0xd5: {  	_ =	sdelay $0x1  }
0xd6: {  	[tilespmem:$0x8240] =	vst @!p0 v3  }
0xd7: {  	[tilespmem:$0x9200] =	vst @!p0 v2  }
0xd8: {  	_ =	swait.ge [sflag:s12], $0x2090  }
0xd9: {  	[sflag:s12] =	ssyncset.done $0x0  }
0xda: {  	[sflag:s12] =	ssyncadd.s32 $0xFFFFDF70  }
0xdb: {  	_ =	swait.ge [sflag:s13], $0x2090  }
0xdc: {  	s0 =	sld [smem:$0x7FF]  }
0xdd: {  	s2 =	sand.u32 $0x7, s28  }
0xde: {  	p0 =	seq.s32 s2, $0x0  }
0xdf: {  	p1 =	sne.s32 @!p0 s0, $0x1  }
0xe0: {  	[sflag:s13] =	ssyncset.done $0x0;
	p1 =	por !p1, p0  }
0xe1: {  	[sflag:s13] =	ssyncadd.s32 $0xFFFFDF70;
	s0 =	sor.u32 @!p1 $0x100000, s8  }
0xe2: {  	[smem:s0], [sflag:$0x0] =	smem.add.s32 @!p1 $0xA6;
	s0 =	simm.s32 @!p1 $0x0  }
0xe3: {  	s2 =	simm.s32 @!p1 $0x1;
	_ =	swait.done @!p1 [sflag:s0]  }
0xe4: {  	s18 =	sadd.s32 s7, s28;
	[smem:$0x7FF] =	sst @!p1 s2  }
0xe5: {  	s24 =	sshrl.u32 s18, $0x3;
	_ =	sint @!p1 $0x2  }
0xe6: {  	s29 =	simm.s32 $0x8240;
	s26 =	sadd.s32 s5, s24;
	_ =	swait.notdone @!p1 [sflag:s0]  }
0xe7: {  	[hbm4b:s26+s1] =	stream.linear.scatter [tilespmem:s29], [sflag:$0x5], $0xFC0, $0x38;
	[tilespmem:$0xA1D0] =	vst v63  }
0xe8: {  	_ =	swait.ge [sflag:s19], $0xFC0  }
0xe9: {  	s0 =	sld [smem:$0x7FF];
	_ =	sdelay $0x2  }
0xea: {  	p1 =	sne.s32 @!p0 s0, $0x1  }
0xeb: {  	[sflag:s19] =	ssyncset.done $0x0;
	p0 =	por !p1, p0  }
0xec: {  	[sflag:s19] =	ssyncadd.s32 $0xFFFFF040;
	s0 =	sor.u32 @!p0 $0x100000, s8  }
0xed: {  	[smem:s0], [sflag:$0x0] =	smem.add.s32 @!p0 $0xAC;
	s0 =	simm.s32 @!p0 $0x0  }
0xee: {  	s18 =	simm.s32 @!p0 $0x1;
	_ =	swait.done @!p0 [sflag:s0]  }
0xef: {  	[smem:$0x7FF] =	sst @!p0 s18  }
0xf0: {  	_ =	sint @!p0 $0x2  }
0xf1: {  	s30 =	sadd.s32 s6, s24;
	_ =	swait.notdone @!p0 [sflag:s0]  }
0xf2: {  	[hbm4b:s30+s1] =	stream.linear.scatter [tilespmem:s20], [sflag:$0x5], $0xFC0, $0x38;
	[tilespmem:$0xA1D0] =	vst v63  }
0xf3: {  	_ =	swait.ge [sflag:s19], $0xFC0  }
0xf4: {  	s31 =	sadd.s32 s25, s28;
	s22 =	sadd.s32 $0x1, s22;
	[sflag:s19] =	ssyncset.done $0x0  }
0xf5: {  	v2 =	vmov s31;
	p0 =	sne.s32 s22, s10;
	[sflag:s19] =	ssyncadd.s32 $0xFFFFF040  }
.Ltmp4:
0xf6: {  	[tilespmem:$0xA1C0] =	vst v2;
	(pc) =	sbr.rel @p0 .LBB2_1-.Ltmp4, $4  }
0xf7: {  	[hbm4b:s9+s1] =	stream.linear.scatter [tilespmem:s21], [sflag:$0x5], $0x10, $0x38;
	[tilespmem:$0xA1D0] =	vst v63  }
0xf8: {  	_ =	swait.ge [sflag:s19], $0x10  }
0xf9: {  	[sflag:s19] =	ssyncset.done $0x0  }
0xfa: {  	[sflag:s19] =	ssyncadd.s32 $0xFFFFFFF0  }
0xfb: {  	_ =	sfence.sel $0x180000  }
0xfc: {  	[bflag:$0x0] =	sbarrier.arrive $0xFFFF  }
0xfd: {  	_ =	strace $0x90000047  }
0xfe: {  	s0 =	stileid.u32;
	[bflag:$0x2] =	sbarrier.arrive $0xFFFF  }
0xff: {  	p0 =	sne.s32 s0, $0x0;
	s0 =	rddreg [dreg:$0x1]  }
0x100: {  	s0 =	sadd.s32 @!p0 $0x100000, s0  }
0x101: {  	[sflag:s0] =	ssyncadd.tile.s32 @!p0 $0x1;
	_ =	shalt  }
.Lfunc_end2:
_tile_overlayer_lowered:
.L_overlay_start_2:
0x102: {  	(tag) =	ssettag $0x2  }
0x103: {  	s0 =	rddreg [dreg:$0x0];
	s2 =	stileid.u32  }
0x104: {  	s1 =	rddreg [dreg:$0x1];
	p0 =	sne.s32 s2, $0x0  }
0x105: {  	s3 =	rddreg [dreg:$0x2];
	[bflag:$0x3] =	sbarrier.arrive $0xFFFF;
	s2 =	simm.s32 @!p0 $0x1C05  }
0x106: {  	[timem:s3], [sflag:s2] =	dma.local @!p0 [hbm:s0], s1  }
0x107: {  	s0 =	simm.s32 @!p0 $0x5  }
0x108: {  	_ =	swait.ge @!p0 [sflag:s0], s1  }
0x109: {  	s1 =	ssub.s32 @!p0 $0x0, s1;
	[sflag:s0] =	ssyncset.done @!p0 $0x0  }
0x10a: {  	[sflag:s0] =	ssyncadd.s32 @!p0 s1  }
0x10b: {  	[bflag:$0x3] =	sbarrier.arrive $0xFFFF  }
0x10c: {  	_ =	shalt  }

// kernel: kernel.17.cloned.1.call-start
scs
__scs_entry_jumppad:
0x0: {  	(pc) =	sbr.rel $0x88, $3  }
0x1: {  	(tag) =	ssettag $0x0;
	lr =	simm.s32 $0x1  }
0x2: {  	[smem:$0x3F86] =	sst lr;
	_ =	strace $0xD0000000  }
0x3: {  	_ = 	snop  }
0x4: {  	_ = 	snop  }
0x5: {  	_ = 	snop  }
0x6: {  	_ = 	snop  }
0x7: {  	_ = 	snop  }
__scs_overlays_trampoline_lowered:
0x8: {  	[smem:$0x3F95] =	sst s0  }
0x9: {  	[smem:$0x3F96] =	sst s1  }
0xa: {  	[smem:$0x3F97] =	sst s2  }
0xb: {  	[smem:$0x3F98] =	sst s3  }
0xc: {  	[smem:$0x3F99] =	sst s4  }
0xd: {  	[smem:$0x3F9A] =	sst s5  }
0xe: {  	[smem:$0x3F9B] =	sst s6  }
0xf: {  	[smem:$0x3F9C] =	sst s7  }
0x10: {  	[smem:$0x3F9D] =	sst s8  }
0x11: {  	[smem:$0x3F9E] =	sst s9;
	s0 =	simm.s32 @!p0 $0x0  }
0x12: {  	s1 =	sld [smem:$0x3F84];
	s0 =	simm.s32 @p0 $0x1  }
0x13: {  	[smem:$0x3F9F] =	sst s0;
	s0 =	simm.s32 @!p1 $0x0  }
0x14: {  	s2 =	sld [smem:$0x3F83];
	s0 =	simm.s32 @p1 $0x1  }
0x15: {  	[smem:$0x3FA0] =	sst s0;
	s0 =	simm.s32 @!p2 $0x0  }
0x16: {  	s3 =	sld [smem:$0x3FDB];
	s0 =	simm.s32 @p2 $0x1  }
0x17: {  	s4 =	simm.s32 $0x1BF5;
	[smem:$0x3FA2] =	sst s0  }
0x18: {  	s0 =	sld [smem:$0x3F85];
	_ =	swait.ge [sflag:s4], $0x0  }
0x19: {  	s7 =	sld [smem:$0x3F86]  }
0x1a: {  	s8 =	sadd.s32 $0xFFFFE003, lr  }
0x1b: {  	s9 =	sadd.s32 $0xFFFFFEF7, lr;
	s5 =	simm.s32 $0xFFFFFFFF;
	p2 =	slt.u32 s8, $0xFFFFF086  }
0x1c: {  	p1 =	slt.u32 s9, $0xF7A;
	s5 =	simm.s32 @!p2 $0x0  }
0x1d: {  	s5 =	simm.s32 @p1 $0x1;
	p0 =	seq.s32 s7, s2  }
0x1e: {  	s7 =	smul.u32 @!p0 $0xF7A, s2;
	p2 =	seq.s32 @!p0 s5, $0x0  }
0x1f: {  	s9 =	smul.u32 $0xF7A, s1;
	s8 =	simm.s32 @!p0 $0x1BF5;
	p2 =	por !p2, p0  }
0x20: {  	[sflag:s8] =	ssyncset.s32 @!p0 $0xFFFFF086;
	s6 =	sadd.s32 @!p0 s3, s7;
	s7 =	simm.s32 @!p0 $0x108  }
0x21: {  	s3 =	sadd.s32 s3, s9;
	s6 =	sadd.s32 @!p0 $0x88, s6;
	s7 =	simm.s32 @p2 $0x1082  }
0x22: {  	[simem:s7], [sflag:s8] =	dma.local @!p0 [hbm:s6], $0xF7A  }
0x23: {  	s9 =	sor.u32 $0xD0000000, s2;
	s6 =	simm.s32 $0x108;
	_ =	swait.ge @!p0 [sflag:s8], $0x0  }
0x24: {  	s3 =	sadd.s32 $0x88, s3;
	s6 =	simm.s32 @!p1 $0x1082;
	[sflag:s4] =	ssyncset.s32 $0xFFFFF086  }
0x25: {  	[simem:s6], [sflag:s4] =	dma.local [hbm:s3], $0xF7A  }
0x26: {  	[smem:$0x3F86] =	sst s1;
	(tag) =	ssettag s2;
	_ =	strace s9  }
0x27: {  	s1 =	sld [smem:$0x3F96]  }
0x28: {  	s2 =	sld [smem:$0x3F97]  }
0x29: {  	s4 =	sld [smem:$0x3F99]  }
0x2a: {  	p0 =	seq.s32 s5, $0x0;
	s5 =	sld [smem:$0x3F9A]  }
0x2b: {  	s6 =	sld [smem:$0x3F9B]  }
0x2c: {  	s7 =	sld [smem:$0x3F9C]  }
0x2d: {  	s3 =	simm.s32 $0x108;
	s8 =	sld [smem:$0x3F9D]  }
0x2e: {  	s3 =	simm.s32 @!p0 $0x1082;
	s9 =	sld [smem:$0x3F9E]  }
0x2f: {  	lr =	sadd.s32 s0, s3;
	s0 =	sld [smem:$0x3F95]  }
0x30: {  	s3 =	sld [smem:$0x3F98]  }
0x31: {  	[smem:$0x3FA1] =	sst s10  }
0x32: {  	s10 =	sld [smem:$0x3F9F];
	_ =	sdelay $0x3  }
0x33: {  	p0 =	seq.s32 s10, $0x1;
	s10 =	sld [smem:$0x3FA1];
	_ =	sdelay $0x3  }
0x34: {  	[smem:$0x3FA1] =	sst s10  }
0x35: {  	s10 =	sld [smem:$0x3FA0];
	_ =	sdelay $0x3  }
0x36: {  	p1 =	seq.s32 s10, $0x1;
	s10 =	sld [smem:$0x3FA1];
	_ =	sdelay $0x3  }
0x37: {  	[smem:$0x3FA1] =	sst s10  }
0x38: {  	s10 =	sld [smem:$0x3FA2]  }
0x39: {  	_ = 	snop;
	(pc) =	sbr.ind lr, $3  }
0x3a: {  	_ = 	snop  }
0x3b: {  	_ = 	snop  }
0x3c: {  	p2 =	seq.s32 s10, $0x1;
	s10 =	sld [smem:$0x3FA1]  }
0x3d: {  	_ =	shalt  }
0x3e: {  	_ =	shalt  }
0x3f: {  	_ =	shalt  }
0x40: {  	_ =	shalt  }
0x41: {  	_ =	shalt  }
0x42: {  	_ =	shalt  }
0x43: {  	_ =	shalt  }
0x44: {  	_ =	shalt  }
0x45: {  	_ =	shalt  }
0x46: {  	_ =	shalt  }
0x47: {  	_ =	shalt  }
0x48: {  	_ =	shalt  }
0x49: {  	_ =	shalt  }
0x4a: {  	_ =	shalt  }
0x4b: {  	_ =	shalt  }
0x4c: {  	_ =	shalt  }
0x4d: {  	_ =	shalt  }
0x4e: {  	_ =	shalt  }
0x4f: {  	_ =	shalt  }
0x50: {  	_ =	shalt  }
0x51: {  	_ =	shalt  }
0x52: {  	_ =	shalt  }
0x53: {  	_ =	shalt  }
0x54: {  	_ =	shalt  }
0x55: {  	_ =	shalt  }
0x56: {  	_ =	shalt  }
0x57: {  	_ =	shalt  }
0x58: {  	_ =	shalt  }
0x59: {  	_ =	shalt  }
0x5a: {  	_ =	shalt  }
0x5b: {  	_ =	shalt  }
0x5c: {  	_ =	shalt  }
0x5d: {  	_ =	shalt  }
0x5e: {  	_ =	shalt  }
0x5f: {  	_ =	shalt  }
0x60: {  	_ =	shalt  }
0x61: {  	_ =	shalt  }
0x62: {  	_ =	shalt  }
0x63: {  	_ =	shalt  }
0x64: {  	_ =	shalt  }
0x65: {  	_ =	shalt  }
0x66: {  	_ =	shalt  }
0x67: {  	_ =	shalt  }
0x68: {  	_ =	shalt  }
0x69: {  	_ =	shalt  }
0x6a: {  	_ =	shalt  }
0x6b: {  	_ =	shalt  }
0x6c: {  	_ =	shalt  }
0x6d: {  	_ =	shalt  }
0x6e: {  	_ =	shalt  }
0x6f: {  	_ =	shalt  }
0x70: {  	_ =	shalt  }
0x71: {  	_ =	shalt  }
0x72: {  	_ =	shalt  }
0x73: {  	_ =	shalt  }
0x74: {  	_ =	shalt  }
0x75: {  	_ =	shalt  }
0x76: {  	_ =	shalt  }
0x77: {  	_ =	shalt  }
0x78: {  	_ =	shalt  }
0x79: {  	_ =	shalt  }
0x7a: {  	_ =	shalt  }
0x7b: {  	_ =	shalt  }
0x7c: {  	_ =	shalt  }
0x7d: {  	_ =	shalt  }
0x7e: {  	_ =	shalt  }
0x7f: {  	_ =	shalt  }
0x80: {  	_ =	shalt  }
0x81: {  	_ =	shalt  }
0x82: {  	_ =	shalt  }
0x83: {  	_ =	shalt  }
0x84: {  	_ =	shalt  }
0x85: {  	_ =	shalt  }
0x86: {  	_ =	shalt  }
0x87: {  	_ =	shalt  }
.Lfunc_end0:
.L_simem_size_0:
called_computation.1_lowered:
.L_overlay_start_0:
0x88: {  	s2 =	sld [smem:$0x3FD9]  }
0x89: {  	s3 =	sld [smem:$0x3FFE];
	_ =	sdelay $0x1  }
0x8a: {  	s1 =	srdreg.scid  }
0x8b: {  	s0 =	sand.u32 $0x1, s1  }
0x8c: {  	s16 =	sshll.u32 s0, $0xA;
	s2 =	sadd.s32 s3, s2  }
0x8d: {  	s2 =	sadd.s32 s2, s16  }
0x8e: {  	[smem:$0x3FAD] =	sst s2  }
0x8f: {  	_ = 	snop  }
0x90: {  	(tm) =	ssettm $0x1  }
0x91: {  	s17 =	sld [smem:$0x3FFB];
	_ =	sdelay $0x3  }
0x92: {  	_ =	strace s17  }
0x93: {  	s2 =	sld [smem:$0x3FFC];
	_ =	sdelay $0x3  }
0x94: {  	_ =	strace s2  }
0x95: {  	s2 =	sld [smem:$0x3FFD];
	_ =	sdelay $0x3  }
0x96: {  	_ =	strace s2  }
0x97: {  	_ =	strace $0x8FFFFFFF  }
0x98: {  	s18 =	sld [smem:$0x3FDB];
	_ =	sdelay $0x1  }
0x99: {  	s19 =	simm.s32 $_scs_section_size  }
0x9a: {  	s4 =	simm.s32 $_size__tile_overlayer_lowered;
	s5 =	simm.s32 $_tile_overlayer_lowered  }
0x9b: {  	s22 =	simm.s32 $0x1BFF;
	s21 =	sshll.u32 s5, $0x1;
	s2 =	sadd.s32 s19, s18  }
0x9c: {  	s6 =	simm.s32 $0x0;
	s20 =	sshll.u32 s4, $0x1;
	s4 =	sadd.s32 s21, s2  }
0x9d: {  	[timem:s6], [sflag:s22] =	dma.local [hbm:s4], s20  }
0x9e: {  	_ =	swait.ge [sflag:s22], s20  }
0x9f: {  	s3 =	ssub.s32 $0x0, s20;
	[sflag:s22] =	ssyncset.done $0x0  }
0xa0: {  	[sflag:s22] =	ssyncadd.s32 s3;
	_ =	sdelay $0x1  }
0xa1: {  	s23 =	simm.s32 $0x1B8B  }
0xa2: {  	_ =	swait.ge [sflag:s23], $0x1  }
0xa3: {  	[sflag:s23] =	ssyncset.done $0x0  }
0xa4: {  	s25 =	simm.s32 $0x1B8E;
	s24 =	sld [smem:$0x3FFE];
	[sflag:s23] =	ssyncadd.s32 $0xFFFFFFFF  }
0xa5: {  	s26 =	simm.s32 $execute0_lowered;
	[smem:$0x3FD2] =	sst s25  }
0xa6: {  	s4 =	sshll.u32 s26, $0x1;
	_ =	strace $0x80000049;
	[dreg:$0x1] =	wrdreg $0xFFFFFFFF  }
0xa7: {  	s28 =	simm.s32 $_size_execute0_lowered;
	s2 =	sadd.s32 s2, s4;
	[dreg:$0x0] =	wrdreg $0x0  }
0xa8: {  	s4 =	sshll.u32 s28, $0x1;
	[dreg:$0x2] =	wrdreg s2  }
0xa9: {  	[dreg:$0x3] =	wrdreg s4  }
0xaa: {  	[dreg:$0x4] =	wrdreg $0xC0  }
0xab: {  	_ =	task [dreg:s6], $0x5FFFF  }
0xac: {  	[dreg:$0x1] =	wrdreg $0xFFFFFFFF  }
0xad: {  	[dreg:$0x0] =	wrdreg $0x60  }
0xae: {  	[dreg:$0x2] =	wrdreg s24  }
0xaf: {  	[dreg:$0x3] =	wrdreg $0x9  }
0xb0: {  	_ =	task.clear_ibuf [dreg:s6], $0x4FFFF;
	_ =	strace $0x90000049  }
0xb1: {  	s29 =	simm.s32 $0x9;
	_ =	strace $0x8000004B  }
0xb2: {  	_ =	swait.ge [sflag:s29], $0x1  }
0xb3: {  	[sflag:s29] =	ssyncadd.s32 $0xFFFFFFFF  }
0xb4: {  	_ =	strace $0x9000004B  }
0xb5: {  	_ =	sfence  }
0xb6: {  	s30 =	sld [smem:$0x0];
	_ =	sdelay $0x2  }
0xb7: {  	s31 =	sshll.u32 s1, $0xD;
	s1 =	sshrl.u32 s1, $0x2  }
0xb8: {  	s3 =	sand.u32 $0x4000, s31;
	s1 =	sadd.s32 s1, s30  }
0xb9: {  	s0 =	sor.u32 s3, s0;
	s1 =	sshll.u32 s1, $0x11  }
0xba: {  	s0 =	sor.u32 s1, s0  }
0xbb: {  	s0 =	sadd.s32 $0x8F2B, s0  }
0xbc: {  	[sflag:s0] =	ssyncadd.remote.s32 $0x1  }
0xbd: {  	_ =	sfence.sel $0xFFFF  }
0xbe: {  	[dreg:$0x0] =	wrdreg $0xFFFFFFFF;
	(pc) =	sbr.abs _section_cstart, $3  }
0xbf: {  	[dreg:$0x1] =	wrdreg $0xFFFFFFFF  }
0xc0: {  	_ =	task.clear_ibuf [dreg:s6], $0x2FFFF;
	_ =	strace $0x9FFFFFFF  }
0xc1: {  	(tm) =	ssettm $0x7FFFFFFF  }
tec
execute0_lowered:
.L_overlay_start_1:
0x0: {  	(tag) =	ssettag $0x1  }
0x1: {  	s6 =	rddreg [dreg:$0x0]  }
0x2: {  	s0 =	rddreg [dreg:$0x1]  }
0x3: {  	s2 =	simm.s32 $0x0;
	s3 =	srdreg.scid;
	s1 =	stileid.u32  }
0x4: {  	s12 =	simm.s32 $0x1;
	s13 =	simm.s32 $0x18800;
	s14 =	simm.s32 $0x80  }
0x5: {  	s15 =	simm.s32 $0x18910;
	s16 =	simm.s32 $0x0;
	[smem:$0x7FF] =	sst s2  }
0x6: {  	s7 =	sand.u32 $0x1, s3;
	s3 =	sadd.s32 $0x65B200, s6;
	s4 =	sadd.s32 $0x38000, s6  }
0x7: {  	s30 =	sshll.u32 s1, $0x1;
	s5 =	sadd.s32 $0x349800, s6;
	_ =	strace $0x8000004A  }
.Ltmp0:
0x8: {  	s8 =	sor.u32 s7, s30;
	s7 =	ssub.s32 $0x2, s7;
	(pc) =	sbr.rel .LBB2_1-.Ltmp0, $4  }
0x9: {  	s9 =	smul.u32 $0x3100, s8;
	s10 =	sshll.u32 s8, $0x1;
	s31 =	sshrl.u32 s7, $0x1  }
0xa: {  	s10 =	sadd.s32 s10, s6;
	s11 =	ssub.s32 s7, s31;
	s7 =	smul.u32 $0xC4600, s8  }
0xb: {  	s9 =	sadd.s32 s9, s6;
	s6 =	sadd.s32 $0x65B000, s10;
	s10 =	simm.s32 $0x1A910  }
0xc: {  	v0 =	vimm.f32 $-Inf;
	s8 =	sadd.s32 $0x7E2800, s9;
	s9 =	smax.u32 s11, $0x1;
	s11 =	simm.s32 $0x2  }
.LBB2_9:
0xd: {  	s16 =	sadd.s32 $0x1, s16  }
0xe: {  	p0 =	sne.s32 s16, s9  }
.Ltmp1:
0xf: {  	_ = 	snop;
	(pc) =	sbr.rel @!p0 .LBB2_10-.Ltmp1, $4  }
0x10: {  	[hbm4b:s8+s2] =	stream.linear.scatter [tilespmem:s2], [sflag:$0x2], $0x18800, $0x38;
	[tilespmem:$0x1A920] =	vst v63  }
0x11: {  	_ =	swait.ge [sflag:s11], $0x18800  }
0x12: {  	[sflag:s11] =	ssyncset.done $0x0  }
0x13: {  	[sflag:s11] =	ssyncadd.s32 $0xFFFE7800  }
.LBB2_1:
0x14: {  	s17 =	simm.s32 $0x40;
	s18 =	simm.s32 $0x0  }
.LBB2_2:
0x15: {  	p0 =	sne.s32 s17, $0x61FC0;
	[tilespmem:s18+$0x0] =	vst v0;
	s18 =	smov.u32 s17;
	s17 =	sadd.s32 $0x40, s17  }
.Ltmp2:
0x16: {  	(pc) =	sbr.rel @p0 .LBB2_2-.Ltmp2, $2  }
0x17: {  	_ =	sdelay $0x2  }
0x18: {  	s18 =	sshra.s32 s18, $0x2  }
0x19: {  	[tilespmem:s18+$0x0] =	vst v0;
	s17 =	simm.s32 $0x0  }
0x1a: {  	[tilespmem:s10], [sflag:$0x2] =	stream.linear.gather [hbm4b:s6+s17], $0x10, $0x38;
	[tilespmem:$0x1A920] =	vst v63  }
0x1b: {  	_ =	swait.ge [sflag:s11], $0x10  }
0x1c: {  	[sflag:s11] =	ssyncset.done $0x0  }
0x1d: {  	[sflag:s11] =	ssyncadd.s32 $0xFFFFFFF0  }
0x1e: {  	v1 =	vld [tilespmem:$0x1A910];
	_ =	sdelay $0x4  }
0x1f: {  	(v2sf) =	vpush v1, $0x0;
	_ =	sdelay $0xe  }
0x20: {  	s18 =	spop (v2sf)  }
0x21: {  	s19 =	sadd.s32 $0x7F, s18  }
0x22: {  	s20 =	sand.u32 $0x7F, s19  }
0x23: {  	s31 =	sshra.s32 s19, $0x1F;
	p1 =	slt.s32 s19, $0x1;
	p0 =	sne.s32 s20, $0x0  }
0x24: {  	s20 =	sshrl.u32 s31, $0x19;
	p0 =	por !p1, !p0  }
0x25: {  	s19 =	sadd.s32 s20, s19;
	s20 =	simm.s32 $0x1;
	p0 =	por !p0, !p0  }
0x26: {  	s19 =	sshra.s32 s19, $0x7;
	s20 =	simm.s32 @!p0 $0x0  }
0x27: {  	s19 =	ssub.s32 s19, s20  }
0x28: {  	p0 =	slt.s32 s19, $0x1  }
.Ltmp3:
0x29: {  	_ = 	snop;
	(pc) =	sbr.rel @!p0 .LBB2_4-.Ltmp3, $4  }
.Ltmp4:
0x2a: {  	_ = 	snop;
	(pc) =	sbr.rel @p0 .LBB2_9-.Ltmp4, $4  }
0x2b: {  	_ = 	snop  }
0x2c: {  	_ = 	snop  }
0x2d: {  	s20 =	smov.u32 s18  }
0x2e: {  	_ = 	snop  }
.LBB2_7:
0x2f: {  	[tilespmem:s24+$0x30] =	vst v1  }
.LBB2_8:
0x30: {  	s17 =	sadd.s32 $0x1, s17  }
0x31: {  	p0 =	sne.s32 s17, s19  }
.Ltmp5:
0x32: {  	_ = 	snop;
	(pc) =	sbr.rel @!p0 .LBB2_9-.Ltmp5, $2  }
0x33: {  	_ =	sdelay $0x2  }
0x34: {  	s20 =	sadd.s32 $0xFFFFFF80, s20  }
.LBB2_4:
0x35: {  	s22 =	sshll.u32 s17, $0x7  }
0x36: {  	s21 =	sadd.s32 s7, s22  }
0x37: {  	s21 =	sshrl.u32 s21, $0x3  }
0x38: {  	s23 =	sadd.s32 s4, s21  }
0x39: {  	[tilespmem:s13], [sflag:$0x2] =	stream.linear.gather [hbm4b:s23+s2], $0x80, $0x38;
	[tilespmem:$0x1A920] =	vst v63  }
0x3a: {  	_ =	swait.ge [sflag:s11], $0x80  }
0x3b: {  	[sflag:s11] =	ssyncset.done $0x0  }
0x3c: {  	s31 =	sadd.s32 s5, s21;
	s21 =	simm.s32 $0x18880;
	[sflag:s11] =	ssyncadd.s32 $0xFFFFFF80  }
0x3d: {  	[tilespmem:s21], [sflag:$0x2] =	stream.linear.gather [hbm4b:s31+s2], $0x80, $0x38;
	[tilespmem:$0x1A920] =	vst v63  }
0x3e: {  	s22 =	ssub.s32 s18, s22;
	_ =	swait.ge [sflag:s11], $0x80  }
0x3f: {  	p0 =	slt.s32 s22, $0x1;
	[sflag:s11] =	ssyncset.done $0x0  }
.Ltmp6:
0x40: {  	[sflag:s11] =	ssyncadd.s32 $0xFFFFFF80;
	(pc) =	sbr.rel @p0 .LBB2_8-.Ltmp6, $4  }
0x41: {  	[tilespmem:s15], [sflag:$0x1] =	stream.indirect.gather [hbm4b:s3+s14], $0x40, s13, s14, $0xb8;
	[tilespmem:$0x1A920] =	vst v63  }
0x42: {  	_ =	swait.ge [sflag:s12], $0x2000  }
0x43: {  	[sflag:s12] =	ssyncset.done $0x0  }
0x44: {  	[sflag:s12] =	ssyncadd.s32 $0xFFFFE000  }
0x45: {  	v1 =	vld [tilespmem:s21+$0x0];
	_ =	sdelay $0x4  }
0x46: {  	(v2sf) =	vpush v1, $0x0;
	_ =	sdelay $0xe  }
0x47: {  	s23 =	spop (v2sf)  }
0x48: {  	s22 =	simm.s32 $0x18930;
	s23 =	sshll.u32 s23, $0x8  }
0x49: {  	v1 =	vld [tilespmem:s22+$0xFFFFFFE0];
	s24 =	sshra.s32 s23, $0x2  }
0x4a: {  	v2 =	vld [tilespmem:s24+$0x0];
	_ =	sdelay $0x4  }
0x4b: {  	v1 =	vmax.f32 v2, v1  }
0x4c: {  	[tilespmem:s24+$0x0] =	vst v1;
	v1 =	vld [tilespmem:s24+$0x10]  }
0x4d: {  	v2 =	vld [tilespmem:s22+$0xFFFFFFF0];
	_ =	sdelay $0x4  }
0x4e: {  	v1 =	vmax.f32 v1, v2  }
0x4f: {  	[tilespmem:s24+$0x10] =	vst v1;
	v1 =	vld [tilespmem:s24+$0x20]  }
0x50: {  	v2 =	vld [tilespmem:s22+$0x0];
	_ =	sdelay $0x3  }
0x51: {  	p0 =	sgt.s32 s20, $0x1;
	s23 =	smov.u32 s20  }
0x52: {  	s23 =	simm.s32 @!p0 $0x1;
	v1 =	vmax.f32 v1, v2  }
0x53: {  	s23 =	smin.u32 s23, $0x80;
	[tilespmem:s24+$0x20] =	vst v1;
	v1 =	vld [tilespmem:s24+$0x30]  }
0x54: {  	p0 =	sne.s32 s23, $0x1;
	v2 =	vld [tilespmem:s22+$0x10]  }
.Ltmp7:
0x55: {  	_ = 	snop;
	(pc) =	sbr.rel @!p0 .LBB2_7-.Ltmp7, $2  }
0x56: {  	_ =	sdelay $0x2  }
0x57: {  	s23 =	sadd.s32 $0xFFFFFFFF, s23;
	v1 =	vmax.f32 v1, v2  }
.LBB2_6:
0x58: {  	p0 =	sne.s32 s23, $0x1;
	[tilespmem:s24+$0x30] =	vst v1;
	s21 =	sadd.s32 $0x1, s21;
	s22 =	sadd.s32 $0x40, s22  }
0x59: {  	s23 =	sadd.s32 $0xFFFFFFFF, s23;
	v1 =	vld [tilespmem:s21+$0x0];
	_ =	sdelay $0x4  }
0x5a: {  	(v2sf) =	vpush v1, $0x0;
	_ =	sdelay $0xe  }
0x5b: {  	s24 =	spop (v2sf)  }
0x5c: {  	s24 =	sshll.u32 s24, $0x8  }
0x5d: {  	s24 =	sshra.s32 s24, $0x2;
	v1 =	vld [tilespmem:s22+$0xFFFFFFE0]  }
0x5e: {  	v2 =	vld [tilespmem:s24+$0x0];
	_ =	sdelay $0x4  }
0x5f: {  	v1 =	vmax.f32 v2, v1  }
0x60: {  	[tilespmem:s24+$0x0] =	vst v1;
	v1 =	vld [tilespmem:s24+$0x10]  }
0x61: {  	v2 =	vld [tilespmem:s22+$0xFFFFFFF0];
	_ =	sdelay $0x4  }
0x62: {  	v1 =	vmax.f32 v1, v2  }
0x63: {  	[tilespmem:s24+$0x10] =	vst v1;
	v1 =	vld [tilespmem:s24+$0x20]  }
0x64: {  	v2 =	vld [tilespmem:s22+$0x0];
	_ =	sdelay $0x4  }
0x65: {  	v1 =	vmax.f32 v1, v2  }
0x66: {  	[tilespmem:s24+$0x20] =	vst v1;
	v1 =	vld [tilespmem:s24+$0x30]  }
0x67: {  	v2 =	vld [tilespmem:s22+$0x10]  }
.Ltmp8:
0x68: {  	(pc) =	sbr.rel @p0 .LBB2_6-.Ltmp8, $2  }
0x69: {  	_ =	sdelay $0x2  }
0x6a: {  	v1 =	vmax.f32 v1, v2  }
.Ltmp9:
0x6b: {  	_ = 	snop;
	(pc) =	sbr.rel .LBB2_7-.Ltmp9, $1  }
0x6c: {  	_ =	sdelay $0x3  }
.LBB2_10:
0x6d: {  	_ =	sfence.sel $0x180000  }
0x6e: {  	[bflag:$0x0] =	sbarrier.arrive $0xFFFF  }
0x6f: {  	p0 =	sne.s32 s1, $0x0;
	_ =	strace $0x9000004A  }
0x70: {  	s0 =	sadd.s32 @!p0 $0x100000, s0;
	[bflag:$0x2] =	sbarrier.arrive $0xFFFF  }
0x71: {  	[sflag:s0] =	ssyncadd.tile.s32 @!p0 $0x1;
	_ =	shalt  }
.Lfunc_end2:
_tile_overlayer_lowered:
.L_overlay_start_2:
0x72: {  	(tag) =	ssettag $0x2  }
0x73: {  	s0 =	rddreg [dreg:$0x0];
	s2 =	stileid.u32  }
0x74: {  	s1 =	rddreg [dreg:$0x1];
	p0 =	sne.s32 s2, $0x0  }
0x75: {  	s3 =	rddreg [dreg:$0x2];
	[bflag:$0x3] =	sbarrier.arrive $0xFFFF;
	s2 =	simm.s32 @!p0 $0x1C02  }
0x76: {  	[timem:s3], [sflag:s2] =	dma.local @!p0 [hbm:s0], s1  }
0x77: {  	s0 =	simm.s32 @!p0 $0x2  }
0x78: {  	_ =	swait.ge @!p0 [sflag:s0], s1  }
0x79: {  	s1 =	ssub.s32 @!p0 $0x0, s1;
	[sflag:s0] =	ssyncset.done @!p0 $0x0  }
0x7a: {  	[sflag:s0] =	ssyncadd.s32 @!p0 s1  }
0x7b: {  	[bflag:$0x3] =	sbarrier.arrive $0xFFFF  }
0x7c: {  	_ =	shalt  }

// kernel: kernel.20.cloned.1.call-start
scs
__scs_entry_jumppad:
0x0: {  	(pc) =	sbr.rel $0x88, $3  }
0x1: {  	(tag) =	ssettag $0x0;
	lr =	simm.s32 $0x1  }
0x2: {  	[smem:$0x3F86] =	sst lr;
	_ =	strace $0xD0000000  }
0x3: {  	_ = 	snop  }
0x4: {  	_ = 	snop  }
0x5: {  	_ = 	snop  }
0x6: {  	_ = 	snop  }
0x7: {  	_ = 	snop  }
__scs_overlays_trampoline_lowered:
0x8: {  	[smem:$0x3F95] =	sst s0  }
0x9: {  	[smem:$0x3F96] =	sst s1  }
0xa: {  	[smem:$0x3F97] =	sst s2  }
0xb: {  	[smem:$0x3F98] =	sst s3  }
0xc: {  	[smem:$0x3F99] =	sst s4  }
0xd: {  	[smem:$0x3F9A] =	sst s5  }
0xe: {  	[smem:$0x3F9B] =	sst s6  }
0xf: {  	[smem:$0x3F9C] =	sst s7  }
0x10: {  	[smem:$0x3F9D] =	sst s8  }
0x11: {  	[smem:$0x3F9E] =	sst s9;
	s0 =	simm.s32 @!p0 $0x0  }
0x12: {  	s1 =	sld [smem:$0x3F84];
	s0 =	simm.s32 @p0 $0x1  }
0x13: {  	[smem:$0x3F9F] =	sst s0;
	s0 =	simm.s32 @!p1 $0x0  }
0x14: {  	s2 =	sld [smem:$0x3F83];
	s0 =	simm.s32 @p1 $0x1  }
0x15: {  	[smem:$0x3FA0] =	sst s0;
	s0 =	simm.s32 @!p2 $0x0  }
0x16: {  	s3 =	sld [smem:$0x3FDB];
	s0 =	simm.s32 @p2 $0x1  }
0x17: {  	s4 =	simm.s32 $0x1BF5;
	[smem:$0x3FA2] =	sst s0  }
0x18: {  	s0 =	sld [smem:$0x3F85];
	_ =	swait.ge [sflag:s4], $0x0  }
0x19: {  	s7 =	sld [smem:$0x3F86]  }
0x1a: {  	s8 =	sadd.s32 $0xFFFFE003, lr  }
0x1b: {  	s9 =	sadd.s32 $0xFFFFFEF7, lr;
	s5 =	simm.s32 $0xFFFFFFFF;
	p2 =	slt.u32 s8, $0xFFFFF086  }
0x1c: {  	p1 =	slt.u32 s9, $0xF7A;
	s5 =	simm.s32 @!p2 $0x0  }
0x1d: {  	s5 =	simm.s32 @p1 $0x1;
	p0 =	seq.s32 s7, s2  }
0x1e: {  	s7 =	smul.u32 @!p0 $0xF7A, s2;
	p2 =	seq.s32 @!p0 s5, $0x0  }
0x1f: {  	s9 =	smul.u32 $0xF7A, s1;
	s8 =	simm.s32 @!p0 $0x1BF5;
	p2 =	por !p2, p0  }
0x20: {  	[sflag:s8] =	ssyncset.s32 @!p0 $0xFFFFF086;
	s6 =	sadd.s32 @!p0 s3, s7;
	s7 =	simm.s32 @!p0 $0x108  }
0x21: {  	s3 =	sadd.s32 s3, s9;
	s6 =	sadd.s32 @!p0 $0x88, s6;
	s7 =	simm.s32 @p2 $0x1082  }
0x22: {  	[simem:s7], [sflag:s8] =	dma.local @!p0 [hbm:s6], $0xF7A  }
0x23: {  	s9 =	sor.u32 $0xD0000000, s2;
	s6 =	simm.s32 $0x108;
	_ =	swait.ge @!p0 [sflag:s8], $0x0  }
0x24: {  	s3 =	sadd.s32 $0x88, s3;
	s6 =	simm.s32 @!p1 $0x1082;
	[sflag:s4] =	ssyncset.s32 $0xFFFFF086  }
0x25: {  	[simem:s6], [sflag:s4] =	dma.local [hbm:s3], $0xF7A  }
0x26: {  	[smem:$0x3F86] =	sst s1;
	(tag) =	ssettag s2;
	_ =	strace s9  }
0x27: {  	s1 =	sld [smem:$0x3F96]  }
0x28: {  	s2 =	sld [smem:$0x3F97]  }
0x29: {  	s4 =	sld [smem:$0x3F99]  }
0x2a: {  	p0 =	seq.s32 s5, $0x0;
	s5 =	sld [smem:$0x3F9A]  }
0x2b: {  	s6 =	sld [smem:$0x3F9B]  }
0x2c: {  	s7 =	sld [smem:$0x3F9C]  }
0x2d: {  	s3 =	simm.s32 $0x108;
	s8 =	sld [smem:$0x3F9D]  }
0x2e: {  	s3 =	simm.s32 @!p0 $0x1082;
	s9 =	sld [smem:$0x3F9E]  }
0x2f: {  	lr =	sadd.s32 s0, s3;
	s0 =	sld [smem:$0x3F95]  }
0x30: {  	s3 =	sld [smem:$0x3F98]  }
0x31: {  	[smem:$0x3FA1] =	sst s10  }
0x32: {  	s10 =	sld [smem:$0x3F9F];
	_ =	sdelay $0x3  }
0x33: {  	p0 =	seq.s32 s10, $0x1;
	s10 =	sld [smem:$0x3FA1];
	_ =	sdelay $0x3  }
0x34: {  	[smem:$0x3FA1] =	sst s10  }
0x35: {  	s10 =	sld [smem:$0x3FA0];
	_ =	sdelay $0x3  }
0x36: {  	p1 =	seq.s32 s10, $0x1;
	s10 =	sld [smem:$0x3FA1];
	_ =	sdelay $0x3  }
0x37: {  	[smem:$0x3FA1] =	sst s10  }
0x38: {  	s10 =	sld [smem:$0x3FA2]  }
0x39: {  	_ = 	snop;
	(pc) =	sbr.ind lr, $3  }
0x3a: {  	_ = 	snop  }
0x3b: {  	_ = 	snop  }
0x3c: {  	p2 =	seq.s32 s10, $0x1;
	s10 =	sld [smem:$0x3FA1]  }
0x3d: {  	_ =	shalt  }
0x3e: {  	_ =	shalt  }
0x3f: {  	_ =	shalt  }
0x40: {  	_ =	shalt  }
0x41: {  	_ =	shalt  }
0x42: {  	_ =	shalt  }
0x43: {  	_ =	shalt  }
0x44: {  	_ =	shalt  }
0x45: {  	_ =	shalt  }
0x46: {  	_ =	shalt  }
0x47: {  	_ =	shalt  }
0x48: {  	_ =	shalt  }
0x49: {  	_ =	shalt  }
0x4a: {  	_ =	shalt  }
0x4b: {  	_ =	shalt  }
0x4c: {  	_ =	shalt  }
0x4d: {  	_ =	shalt  }
0x4e: {  	_ =	shalt  }
0x4f: {  	_ =	shalt  }
0x50: {  	_ =	shalt  }
0x51: {  	_ =	shalt  }
0x52: {  	_ =	shalt  }
0x53: {  	_ =	shalt  }
0x54: {  	_ =	shalt  }
0x55: {  	_ =	shalt  }
0x56: {  	_ =	shalt  }
0x57: {  	_ =	shalt  }
0x58: {  	_ =	shalt  }
0x59: {  	_ =	shalt  }
0x5a: {  	_ =	shalt  }
0x5b: {  	_ =	shalt  }
0x5c: {  	_ =	shalt  }
0x5d: {  	_ =	shalt  }
0x5e: {  	_ =	shalt  }
0x5f: {  	_ =	shalt  }
0x60: {  	_ =	shalt  }
0x61: {  	_ =	shalt  }
0x62: {  	_ =	shalt  }
0x63: {  	_ =	shalt  }
0x64: {  	_ =	shalt  }
0x65: {  	_ =	shalt  }
0x66: {  	_ =	shalt  }
0x67: {  	_ =	shalt  }
0x68: {  	_ =	shalt  }
0x69: {  	_ =	shalt  }
0x6a: {  	_ =	shalt  }
0x6b: {  	_ =	shalt  }
0x6c: {  	_ =	shalt  }
0x6d: {  	_ =	shalt  }
0x6e: {  	_ =	shalt  }
0x6f: {  	_ =	shalt  }
0x70: {  	_ =	shalt  }
0x71: {  	_ =	shalt  }
0x72: {  	_ =	shalt  }
0x73: {  	_ =	shalt  }
0x74: {  	_ =	shalt  }
0x75: {  	_ =	shalt  }
0x76: {  	_ =	shalt  }
0x77: {  	_ =	shalt  }
0x78: {  	_ =	shalt  }
0x79: {  	_ =	shalt  }
0x7a: {  	_ =	shalt  }
0x7b: {  	_ =	shalt  }
0x7c: {  	_ =	shalt  }
0x7d: {  	_ =	shalt  }
0x7e: {  	_ =	shalt  }
0x7f: {  	_ =	shalt  }
0x80: {  	_ =	shalt  }
0x81: {  	_ =	shalt  }
0x82: {  	_ =	shalt  }
0x83: {  	_ =	shalt  }
0x84: {  	_ =	shalt  }
0x85: {  	_ =	shalt  }
0x86: {  	_ =	shalt  }
0x87: {  	_ =	shalt  }
.Lfunc_end0:
.L_simem_size_0:
called_computation.2_lowered:
.L_overlay_start_0:
0x88: {  	s2 =	sld [smem:$0x3FD9]  }
0x89: {  	s3 =	sld [smem:$0x3FFE];
	_ =	sdelay $0x1  }
0x8a: {  	s1 =	srdreg.scid  }
0x8b: {  	s0 =	sand.u32 $0x1, s1  }
0x8c: {  	s16 =	sshll.u32 s0, $0xA;
	s2 =	sadd.s32 s3, s2  }
0x8d: {  	s2 =	sadd.s32 s2, s16  }
0x8e: {  	[smem:$0x3FAD] =	sst s2  }
0x8f: {  	_ = 	snop  }
0x90: {  	(tm) =	ssettm $0x1  }
0x91: {  	s17 =	sld [smem:$0x3FFB];
	_ =	sdelay $0x3  }
0x92: {  	_ =	strace s17  }
0x93: {  	s2 =	sld [smem:$0x3FFC];
	_ =	sdelay $0x3  }
0x94: {  	_ =	strace s2  }
0x95: {  	s2 =	sld [smem:$0x3FFD];
	_ =	sdelay $0x3  }
0x96: {  	_ =	strace s2  }
0x97: {  	_ =	strace $0x8FFFFFFF  }
0x98: {  	s18 =	sld [smem:$0x3FDB];
	_ =	sdelay $0x1  }
0x99: {  	s19 =	simm.s32 $_scs_section_size  }
0x9a: {  	s4 =	simm.s32 $_size__tile_overlayer_lowered;
	s5 =	simm.s32 $_tile_overlayer_lowered  }
0x9b: {  	s22 =	simm.s32 $0x1BFF;
	s21 =	sshll.u32 s5, $0x1;
	s2 =	sadd.s32 s19, s18  }
0x9c: {  	s6 =	simm.s32 $0x0;
	s20 =	sshll.u32 s4, $0x1;
	s4 =	sadd.s32 s21, s2  }
0x9d: {  	[timem:s6], [sflag:s22] =	dma.local [hbm:s4], s20  }
0x9e: {  	_ =	swait.ge [sflag:s22], s20  }
0x9f: {  	s3 =	ssub.s32 $0x0, s20;
	[sflag:s22] =	ssyncset.done $0x0  }
0xa0: {  	[sflag:s22] =	ssyncadd.s32 s3;
	_ =	sdelay $0x1  }
0xa1: {  	s23 =	simm.s32 $0x1B8B  }
0xa2: {  	_ =	swait.ge [sflag:s23], $0x1  }
0xa3: {  	[sflag:s23] =	ssyncset.done $0x0  }
0xa4: {  	s25 =	simm.s32 $0x1B8E;
	s24 =	sld [smem:$0x3FFE];
	[sflag:s23] =	ssyncadd.s32 $0xFFFFFFFF  }
0xa5: {  	s26 =	simm.s32 $execute0_lowered;
	[smem:$0x3FD2] =	sst s25  }
0xa6: {  	s4 =	sshll.u32 s26, $0x1;
	_ =	strace $0x8000004C;
	[dreg:$0x1] =	wrdreg $0xFFFFFFFF  }
0xa7: {  	s28 =	simm.s32 $_size_execute0_lowered;
	s2 =	sadd.s32 s2, s4;
	[dreg:$0x0] =	wrdreg $0x0  }
0xa8: {  	s4 =	sshll.u32 s28, $0x1;
	[dreg:$0x2] =	wrdreg s2  }
0xa9: {  	[dreg:$0x3] =	wrdreg s4  }
0xaa: {  	[dreg:$0x4] =	wrdreg $0xC0  }
0xab: {  	_ =	task [dreg:s6], $0x5FFFF  }
0xac: {  	[dreg:$0x1] =	wrdreg $0xFFFFFFFF  }
0xad: {  	[dreg:$0x0] =	wrdreg $0x60  }
0xae: {  	[dreg:$0x2] =	wrdreg s24  }
0xaf: {  	[dreg:$0x3] =	wrdreg $0x9  }
0xb0: {  	_ =	task.clear_ibuf [dreg:s6], $0x4FFFF;
	_ =	strace $0x9000004C  }
0xb1: {  	s29 =	simm.s32 $0x9;
	_ =	strace $0x8000004E  }
0xb2: {  	_ =	swait.ge [sflag:s29], $0x1  }
0xb3: {  	[sflag:s29] =	ssyncadd.s32 $0xFFFFFFFF  }
0xb4: {  	_ =	strace $0x9000004E  }
0xb5: {  	_ =	sfence  }
0xb6: {  	s30 =	sld [smem:$0x0];
	_ =	sdelay $0x2  }
0xb7: {  	s31 =	sshll.u32 s1, $0xD;
	s1 =	sshrl.u32 s1, $0x2  }
0xb8: {  	s3 =	sand.u32 $0x4000, s31;
	s1 =	sadd.s32 s1, s30  }
0xb9: {  	s0 =	sor.u32 s3, s0;
	s1 =	sshll.u32 s1, $0x11  }
0xba: {  	s0 =	sor.u32 s1, s0  }
0xbb: {  	s0 =	sadd.s32 $0x8F2B, s0  }
0xbc: {  	[sflag:s0] =	ssyncadd.remote.s32 $0x1  }
0xbd: {  	_ =	sfence.sel $0xFFFF  }
0xbe: {  	[dreg:$0x0] =	wrdreg $0xFFFFFFFF;
	(pc) =	sbr.abs _section_cstart, $3  }
0xbf: {  	[dreg:$0x1] =	wrdreg $0xFFFFFFFF  }
0xc0: {  	_ =	task.clear_ibuf [dreg:s6], $0x2FFFF;
	_ =	strace $0x9FFFFFFF  }
0xc1: {  	(tm) =	ssettm $0x7FFFFFFF  }
tec
execute0_lowered:
.L_overlay_start_1:
0x0: {  	(tag) =	ssettag $0x1  }
0x1: {  	s6 =	rddreg [dreg:$0x0]  }
0x2: {  	s0 =	rddreg [dreg:$0x1]  }
0x3: {  	s2 =	simm.s32 $0x0;
	s3 =	srdreg.scid;
	s1 =	stileid.u32  }
0x4: {  	s12 =	simm.s32 $0x1;
	s13 =	simm.s32 $0x18800;
	s14 =	simm.s32 $0x80  }
0x5: {  	s15 =	simm.s32 $0x18910;
	s16 =	simm.s32 $0x0;
	[smem:$0x7FF] =	sst s2  }
0x6: {  	s7 =	sand.u32 $0x1, s3;
	s3 =	sadd.s32 $0x65B200, s6;
	s4 =	sadd.s32 $0x38000, s6  }
0x7: {  	s30 =	sshll.u32 s1, $0x1;
	s5 =	sadd.s32 $0x349800, s6;
	_ =	strace $0x8000004D  }
.Ltmp0:
0x8: {  	s8 =	sor.u32 s7, s30;
	s7 =	ssub.s32 $0x2, s7;
	(pc) =	sbr.rel .LBB2_1-.Ltmp0, $4  }
0x9: {  	s9 =	smul.u32 $0x3100, s8;
	s10 =	sshll.u32 s8, $0x1;
	s31 =	sshrl.u32 s7, $0x1  }
0xa: {  	s10 =	sadd.s32 s10, s6;
	s11 =	ssub.s32 s7, s31;
	s7 =	smul.u32 $0xC4600, s8  }
0xb: {  	s9 =	sadd.s32 s9, s6;
	s6 =	sadd.s32 $0x65B000, s10;
	s10 =	simm.s32 $0x1A910  }
0xc: {  	v0 =	vimm.f32 $-Inf;
	s8 =	sadd.s32 $0x7E2800, s9;
	s9 =	smax.u32 s11, $0x1;
	s11 =	simm.s32 $0x2  }
.LBB2_9:
0xd: {  	s16 =	sadd.s32 $0x1, s16  }
0xe: {  	p0 =	sne.s32 s16, s9  }
.Ltmp1:
0xf: {  	_ = 	snop;
	(pc) =	sbr.rel @!p0 .LBB2_10-.Ltmp1, $4  }
0x10: {  	[hbm4b:s8+s2] =	stream.linear.scatter [tilespmem:s2], [sflag:$0x2], $0x18800, $0x38;
	[tilespmem:$0x1A920] =	vst v63  }
0x11: {  	_ =	swait.ge [sflag:s11], $0x18800  }
0x12: {  	[sflag:s11] =	ssyncset.done $0x0  }
0x13: {  	[sflag:s11] =	ssyncadd.s32 $0xFFFE7800  }
.LBB2_1:
0x14: {  	s17 =	simm.s32 $0x40;
	s18 =	simm.s32 $0x0  }
.LBB2_2:
0x15: {  	p0 =	sne.s32 s17, $0x61FC0;
	[tilespmem:s18+$0x0] =	vst v0;
	s18 =	smov.u32 s17;
	s17 =	sadd.s32 $0x40, s17  }
.Ltmp2:
0x16: {  	(pc) =	sbr.rel @p0 .LBB2_2-.Ltmp2, $2  }
0x17: {  	_ =	sdelay $0x2  }
0x18: {  	s18 =	sshra.s32 s18, $0x2  }
0x19: {  	[tilespmem:s18+$0x0] =	vst v0;
	s17 =	simm.s32 $0x0  }
0x1a: {  	[tilespmem:s10], [sflag:$0x2] =	stream.linear.gather [hbm4b:s6+s17], $0x10, $0x38;
	[tilespmem:$0x1A920] =	vst v63  }
0x1b: {  	_ =	swait.ge [sflag:s11], $0x10  }
0x1c: {  	[sflag:s11] =	ssyncset.done $0x0  }
0x1d: {  	[sflag:s11] =	ssyncadd.s32 $0xFFFFFFF0  }
0x1e: {  	v1 =	vld [tilespmem:$0x1A910];
	_ =	sdelay $0x4  }
0x1f: {  	(v2sf) =	vpush v1, $0x0;
	_ =	sdelay $0xe  }
0x20: {  	s18 =	spop (v2sf)  }
0x21: {  	s19 =	sadd.s32 $0x7F, s18  }
0x22: {  	s20 =	sand.u32 $0x7F, s19  }
0x23: {  	s31 =	sshra.s32 s19, $0x1F;
	p1 =	slt.s32 s19, $0x1;
	p0 =	sne.s32 s20, $0x0  }
0x24: {  	s20 =	sshrl.u32 s31, $0x19;
	p0 =	por !p1, !p0  }
0x25: {  	s19 =	sadd.s32 s20, s19;
	s20 =	simm.s32 $0x1;
	p0 =	por !p0, !p0  }
0x26: {  	s19 =	sshra.s32 s19, $0x7;
	s20 =	simm.s32 @!p0 $0x0  }
0x27: {  	s19 =	ssub.s32 s19, s20  }
0x28: {  	p0 =	slt.s32 s19, $0x1  }
.Ltmp3:
0x29: {  	_ = 	snop;
	(pc) =	sbr.rel @!p0 .LBB2_4-.Ltmp3, $4  }
.Ltmp4:
0x2a: {  	_ = 	snop;
	(pc) =	sbr.rel @p0 .LBB2_9-.Ltmp4, $4  }
0x2b: {  	_ = 	snop  }
0x2c: {  	_ = 	snop  }
0x2d: {  	s20 =	smov.u32 s18  }
0x2e: {  	_ = 	snop  }
.LBB2_7:
0x2f: {  	[tilespmem:s24+$0x30] =	vst v1  }
.LBB2_8:
0x30: {  	s17 =	sadd.s32 $0x1, s17  }
0x31: {  	p0 =	sne.s32 s17, s19  }
.Ltmp5:
0x32: {  	_ = 	snop;
	(pc) =	sbr.rel @!p0 .LBB2_9-.Ltmp5, $2  }
0x33: {  	_ =	sdelay $0x2  }
0x34: {  	s20 =	sadd.s32 $0xFFFFFF80, s20  }
.LBB2_4:
0x35: {  	s22 =	sshll.u32 s17, $0x7  }
0x36: {  	s21 =	sadd.s32 s7, s22  }
0x37: {  	s21 =	sshrl.u32 s21, $0x3  }
0x38: {  	s23 =	sadd.s32 s4, s21  }
0x39: {  	[tilespmem:s13], [sflag:$0x2] =	stream.linear.gather [hbm4b:s23+s2], $0x80, $0x38;
	[tilespmem:$0x1A920] =	vst v63  }
0x3a: {  	_ =	swait.ge [sflag:s11], $0x80  }
0x3b: {  	[sflag:s11] =	ssyncset.done $0x0  }
0x3c: {  	s31 =	sadd.s32 s5, s21;
	s21 =	simm.s32 $0x18880;
	[sflag:s11] =	ssyncadd.s32 $0xFFFFFF80  }
0x3d: {  	[tilespmem:s21], [sflag:$0x2] =	stream.linear.gather [hbm4b:s31+s2], $0x80, $0x38;
	[tilespmem:$0x1A920] =	vst v63  }
0x3e: {  	s22 =	ssub.s32 s18, s22;
	_ =	swait.ge [sflag:s11], $0x80  }
0x3f: {  	p0 =	slt.s32 s22, $0x1;
	[sflag:s11] =	ssyncset.done $0x0  }
.Ltmp6:
0x40: {  	[sflag:s11] =	ssyncadd.s32 $0xFFFFFF80;
	(pc) =	sbr.rel @p0 .LBB2_8-.Ltmp6, $4  }
0x41: {  	[tilespmem:s15], [sflag:$0x1] =	stream.indirect.gather [hbm4b:s3+s14], $0x40, s13, s14, $0xb8;
	[tilespmem:$0x1A920] =	vst v63  }
0x42: {  	_ =	swait.ge [sflag:s12], $0x2000  }
0x43: {  	[sflag:s12] =	ssyncset.done $0x0  }
0x44: {  	[sflag:s12] =	ssyncadd.s32 $0xFFFFE000  }
0x45: {  	v1 =	vld [tilespmem:s21+$0x0];
	_ =	sdelay $0x4  }
0x46: {  	(v2sf) =	vpush v1, $0x0;
	_ =	sdelay $0xe  }
0x47: {  	s23 =	spop (v2sf)  }
0x48: {  	s22 =	simm.s32 $0x18930;
	s23 =	sshll.u32 s23, $0x8  }
0x49: {  	v1 =	vld [tilespmem:s22+$0xFFFFFFE0];
	s24 =	sshra.s32 s23, $0x2  }
0x4a: {  	v2 =	vld [tilespmem:s24+$0x0];
	_ =	sdelay $0x4  }
0x4b: {  	v1 =	vmax.f32 v2, v1  }
0x4c: {  	[tilespmem:s24+$0x0] =	vst v1;
	v1 =	vld [tilespmem:s24+$0x10]  }
0x4d: {  	v2 =	vld [tilespmem:s22+$0xFFFFFFF0];
	_ =	sdelay $0x4  }
0x4e: {  	v1 =	vmax.f32 v1, v2  }
0x4f: {  	[tilespmem:s24+$0x10] =	vst v1;
	v1 =	vld [tilespmem:s24+$0x20]  }
0x50: {  	v2 =	vld [tilespmem:s22+$0x0];
	_ =	sdelay $0x3  }
0x51: {  	p0 =	sgt.s32 s20, $0x1;
	s23 =	smov.u32 s20  }
0x52: {  	s23 =	simm.s32 @!p0 $0x1;
	v1 =	vmax.f32 v1, v2  }
0x53: {  	s23 =	smin.u32 s23, $0x80;
	[tilespmem:s24+$0x20] =	vst v1;
	v1 =	vld [tilespmem:s24+$0x30]  }
0x54: {  	p0 =	sne.s32 s23, $0x1;
	v2 =	vld [tilespmem:s22+$0x10]  }
.Ltmp7:
0x55: {  	_ = 	snop;
	(pc) =	sbr.rel @!p0 .LBB2_7-.Ltmp7, $2  }
0x56: {  	_ =	sdelay $0x2  }
0x57: {  	s23 =	sadd.s32 $0xFFFFFFFF, s23;
	v1 =	vmax.f32 v1, v2  }
.LBB2_6:
0x58: {  	p0 =	sne.s32 s23, $0x1;
	[tilespmem:s24+$0x30] =	vst v1;
	s21 =	sadd.s32 $0x1, s21;
	s22 =	sadd.s32 $0x40, s22  }
0x59: {  	s23 =	sadd.s32 $0xFFFFFFFF, s23;
	v1 =	vld [tilespmem:s21+$0x0];
	_ =	sdelay $0x4  }
0x5a: {  	(v2sf) =	vpush v1, $0x0;
	_ =	sdelay $0xe  }
0x5b: {  	s24 =	spop (v2sf)  }
0x5c: {  	s24 =	sshll.u32 s24, $0x8  }
0x5d: {  	s24 =	sshra.s32 s24, $0x2;
	v1 =	vld [tilespmem:s22+$0xFFFFFFE0]  }
0x5e: {  	v2 =	vld [tilespmem:s24+$0x0];
	_ =	sdelay $0x4  }
0x5f: {  	v1 =	vmax.f32 v2, v1  }
0x60: {  	[tilespmem:s24+$0x0] =	vst v1;
	v1 =	vld [tilespmem:s24+$0x10]  }
0x61: {  	v2 =	vld [tilespmem:s22+$0xFFFFFFF0];
	_ =	sdelay $0x4  }
0x62: {  	v1 =	vmax.f32 v1, v2  }
0x63: {  	[tilespmem:s24+$0x10] =	vst v1;
	v1 =	vld [tilespmem:s24+$0x20]  }
0x64: {  	v2 =	vld [tilespmem:s22+$0x0];
	_ =	sdelay $0x4  }
0x65: {  	v1 =	vmax.f32 v1, v2  }
0x66: {  	[tilespmem:s24+$0x20] =	vst v1;
	v1 =	vld [tilespmem:s24+$0x30]  }
0x67: {  	v2 =	vld [tilespmem:s22+$0x10]  }
.Ltmp8:
0x68: {  	(pc) =	sbr.rel @p0 .LBB2_6-.Ltmp8, $2  }
0x69: {  	_ =	sdelay $0x2  }
0x6a: {  	v1 =	vmax.f32 v1, v2  }
.Ltmp9:
0x6b: {  	_ = 	snop;
	(pc) =	sbr.rel .LBB2_7-.Ltmp9, $1  }
0x6c: {  	_ =	sdelay $0x3  }
.LBB2_10:
0x6d: {  	_ =	sfence.sel $0x180000  }
0x6e: {  	[bflag:$0x0] =	sbarrier.arrive $0xFFFF  }
0x6f: {  	p0 =	sne.s32 s1, $0x0;
	_ =	strace $0x9000004D  }
0x70: {  	s0 =	sadd.s32 @!p0 $0x100000, s0;
	[bflag:$0x2] =	sbarrier.arrive $0xFFFF  }
0x71: {  	[sflag:s0] =	ssyncadd.tile.s32 @!p0 $0x1;
	_ =	shalt  }
.Lfunc_end2:
_tile_overlayer_lowered:
.L_overlay_start_2:
0x72: {  	(tag) =	ssettag $0x2  }
0x73: {  	s0 =	rddreg [dreg:$0x0];
	s2 =	stileid.u32  }
0x74: {  	s1 =	rddreg [dreg:$0x1];
	p0 =	sne.s32 s2, $0x0  }
0x75: {  	s3 =	rddreg [dreg:$0x2];
	[bflag:$0x3] =	sbarrier.arrive $0xFFFF;
	s2 =	simm.s32 @!p0 $0x1C02  }
0x76: {  	[timem:s3], [sflag:s2] =	dma.local @!p0 [hbm:s0], s1  }
0x77: {  	s0 =	simm.s32 @!p0 $0x2  }
0x78: {  	_ =	swait.ge @!p0 [sflag:s0], s1  }
0x79: {  	s1 =	ssub.s32 @!p0 $0x0, s1;
	[sflag:s0] =	ssyncset.done @!p0 $0x0  }
0x7a: {  	[sflag:s0] =	ssyncadd.s32 @!p0 s1  }
0x7b: {  	[bflag:$0x3] =	sbarrier.arrive $0xFFFF  }
0x7c: {  	_ =	shalt  }

// kernel: kernel.23.cloned.1.call-start
scs
__scs_entry_jumppad:
0x0: {  	(pc) =	sbr.rel $0x88, $3  }
0x1: {  	(tag) =	ssettag $0x0;
	lr =	simm.s32 $0x1  }
0x2: {  	[smem:$0x3F86] =	sst lr;
	_ =	strace $0xD0000000  }
0x3: {  	_ = 	snop  }
0x4: {  	_ = 	snop  }
0x5: {  	_ = 	snop  }
0x6: {  	_ = 	snop  }
0x7: {  	_ = 	snop  }
__scs_overlays_trampoline_lowered:
0x8: {  	[smem:$0x3F95] =	sst s0  }
0x9: {  	[smem:$0x3F96] =	sst s1  }
0xa: {  	[smem:$0x3F97] =	sst s2  }
0xb: {  	[smem:$0x3F98] =	sst s3  }
0xc: {  	[smem:$0x3F99] =	sst s4  }
0xd: {  	[smem:$0x3F9A] =	sst s5  }
0xe: {  	[smem:$0x3F9B] =	sst s6  }
0xf: {  	[smem:$0x3F9C] =	sst s7  }
0x10: {  	[smem:$0x3F9D] =	sst s8  }
0x11: {  	[smem:$0x3F9E] =	sst s9;
	s0 =	simm.s32 @!p0 $0x0  }
0x12: {  	s1 =	sld [smem:$0x3F84];
	s0 =	simm.s32 @p0 $0x1  }
0x13: {  	[smem:$0x3F9F] =	sst s0;
	s0 =	simm.s32 @!p1 $0x0  }
0x14: {  	s2 =	sld [smem:$0x3F83];
	s0 =	simm.s32 @p1 $0x1  }
0x15: {  	[smem:$0x3FA0] =	sst s0;
	s0 =	simm.s32 @!p2 $0x0  }
0x16: {  	s3 =	sld [smem:$0x3FDB];
	s0 =	simm.s32 @p2 $0x1  }
0x17: {  	s4 =	simm.s32 $0x1BF5;
	[smem:$0x3FA2] =	sst s0  }
0x18: {  	s0 =	sld [smem:$0x3F85];
	_ =	swait.ge [sflag:s4], $0x0  }
0x19: {  	s7 =	sld [smem:$0x3F86]  }
0x1a: {  	s8 =	sadd.s32 $0xFFFFE003, lr  }
0x1b: {  	s9 =	sadd.s32 $0xFFFFFEF7, lr;
	s5 =	simm.s32 $0xFFFFFFFF;
	p2 =	slt.u32 s8, $0xFFFFF086  }
0x1c: {  	p1 =	slt.u32 s9, $0xF7A;
	s5 =	simm.s32 @!p2 $0x0  }
0x1d: {  	s5 =	simm.s32 @p1 $0x1;
	p0 =	seq.s32 s7, s2  }
0x1e: {  	s7 =	smul.u32 @!p0 $0xF7A, s2;
	p2 =	seq.s32 @!p0 s5, $0x0  }
0x1f: {  	s9 =	smul.u32 $0xF7A, s1;
	s8 =	simm.s32 @!p0 $0x1BF5;
	p2 =	por !p2, p0  }
0x20: {  	[sflag:s8] =	ssyncset.s32 @!p0 $0xFFFFF086;
	s6 =	sadd.s32 @!p0 s3, s7;
	s7 =	simm.s32 @!p0 $0x108  }
0x21: {  	s3 =	sadd.s32 s3, s9;
	s6 =	sadd.s32 @!p0 $0x88, s6;
	s7 =	simm.s32 @p2 $0x1082  }
0x22: {  	[simem:s7], [sflag:s8] =	dma.local @!p0 [hbm:s6], $0xF7A  }
0x23: {  	s9 =	sor.u32 $0xD0000000, s2;
	s6 =	simm.s32 $0x108;
	_ =	swait.ge @!p0 [sflag:s8], $0x0  }
0x24: {  	s3 =	sadd.s32 $0x88, s3;
	s6 =	simm.s32 @!p1 $0x1082;
	[sflag:s4] =	ssyncset.s32 $0xFFFFF086  }
0x25: {  	[simem:s6], [sflag:s4] =	dma.local [hbm:s3], $0xF7A  }
0x26: {  	[smem:$0x3F86] =	sst s1;
	(tag) =	ssettag s2;
	_ =	strace s9  }
0x27: {  	s1 =	sld [smem:$0x3F96]  }
0x28: {  	s2 =	sld [smem:$0x3F97]  }
0x29: {  	s4 =	sld [smem:$0x3F99]  }
0x2a: {  	p0 =	seq.s32 s5, $0x0;
	s5 =	sld [smem:$0x3F9A]  }
0x2b: {  	s6 =	sld [smem:$0x3F9B]  }
0x2c: {  	s7 =	sld [smem:$0x3F9C]  }
0x2d: {  	s3 =	simm.s32 $0x108;
	s8 =	sld [smem:$0x3F9D]  }
0x2e: {  	s3 =	simm.s32 @!p0 $0x1082;
	s9 =	sld [smem:$0x3F9E]  }
0x2f: {  	lr =	sadd.s32 s0, s3;
	s0 =	sld [smem:$0x3F95]  }
0x30: {  	s3 =	sld [smem:$0x3F98]  }
0x31: {  	[smem:$0x3FA1] =	sst s10  }
0x32: {  	s10 =	sld [smem:$0x3F9F];
	_ =	sdelay $0x3  }
0x33: {  	p0 =	seq.s32 s10, $0x1;
	s10 =	sld [smem:$0x3FA1];
	_ =	sdelay $0x3  }
0x34: {  	[smem:$0x3FA1] =	sst s10  }
0x35: {  	s10 =	sld [smem:$0x3FA0];
	_ =	sdelay $0x3  }
0x36: {  	p1 =	seq.s32 s10, $0x1;
	s10 =	sld [smem:$0x3FA1];
	_ =	sdelay $0x3  }
0x37: {  	[smem:$0x3FA1] =	sst s10  }
0x38: {  	s10 =	sld [smem:$0x3FA2]  }
0x39: {  	_ = 	snop;
	(pc) =	sbr.ind lr, $3  }
0x3a: {  	_ = 	snop  }
0x3b: {  	_ = 	snop  }
0x3c: {  	p2 =	seq.s32 s10, $0x1;
	s10 =	sld [smem:$0x3FA1]  }
0x3d: {  	_ =	shalt  }
0x3e: {  	_ =	shalt  }
0x3f: {  	_ =	shalt  }
0x40: {  	_ =	shalt  }
0x41: {  	_ =	shalt  }
0x42: {  	_ =	shalt  }
0x43: {  	_ =	shalt  }
0x44: {  	_ =	shalt  }
0x45: {  	_ =	shalt  }
0x46: {  	_ =	shalt  }
0x47: {  	_ =	shalt  }
0x48: {  	_ =	shalt  }
0x49: {  	_ =	shalt  }
0x4a: {  	_ =	shalt  }
0x4b: {  	_ =	shalt  }
0x4c: {  	_ =	shalt  }
0x4d: {  	_ =	shalt  }
0x4e: {  	_ =	shalt  }
0x4f: {  	_ =	shalt  }
0x50: {  	_ =	shalt  }
0x51: {  	_ =	shalt  }
0x52: {  	_ =	shalt  }
0x53: {  	_ =	shalt  }
0x54: {  	_ =	shalt  }
0x55: {  	_ =	shalt  }
0x56: {  	_ =	shalt  }
0x57: {  	_ =	shalt  }
0x58: {  	_ =	shalt  }
0x59: {  	_ =	shalt  }
0x5a: {  	_ =	shalt  }
0x5b: {  	_ =	shalt  }
0x5c: {  	_ =	shalt  }
0x5d: {  	_ =	shalt  }
0x5e: {  	_ =	shalt  }
0x5f: {  	_ =	shalt  }
0x60: {  	_ =	shalt  }
0x61: {  	_ =	shalt  }
0x62: {  	_ =	shalt  }
0x63: {  	_ =	shalt  }
0x64: {  	_ =	shalt  }
0x65: {  	_ =	shalt  }
0x66: {  	_ =	shalt  }
0x67: {  	_ =	shalt  }
0x68: {  	_ =	shalt  }
0x69: {  	_ =	shalt  }
0x6a: {  	_ =	shalt  }
0x6b: {  	_ =	shalt  }
0x6c: {  	_ =	shalt  }
0x6d: {  	_ =	shalt  }
0x6e: {  	_ =	shalt  }
0x6f: {  	_ =	shalt  }
0x70: {  	_ =	shalt  }
0x71: {  	_ =	shalt  }
0x72: {  	_ =	shalt  }
0x73: {  	_ =	shalt  }
0x74: {  	_ =	shalt  }
0x75: {  	_ =	shalt  }
0x76: {  	_ =	shalt  }
0x77: {  	_ =	shalt  }
0x78: {  	_ =	shalt  }
0x79: {  	_ =	shalt  }
0x7a: {  	_ =	shalt  }
0x7b: {  	_ =	shalt  }
0x7c: {  	_ =	shalt  }
0x7d: {  	_ =	shalt  }
0x7e: {  	_ =	shalt  }
0x7f: {  	_ =	shalt  }
0x80: {  	_ =	shalt  }
0x81: {  	_ =	shalt  }
0x82: {  	_ =	shalt  }
0x83: {  	_ =	shalt  }
0x84: {  	_ =	shalt  }
0x85: {  	_ =	shalt  }
0x86: {  	_ =	shalt  }
0x87: {  	_ =	shalt  }
.Lfunc_end0:
.L_simem_size_0:
called_computation.3_lowered:
.L_overlay_start_0:
0x88: {  	s2 =	sld [smem:$0x3FD9]  }
0x89: {  	s3 =	sld [smem:$0x3FFE];
	_ =	sdelay $0x1  }
0x8a: {  	s1 =	srdreg.scid  }
0x8b: {  	s0 =	sand.u32 $0x1, s1  }
0x8c: {  	s16 =	sshll.u32 s0, $0xA;
	s2 =	sadd.s32 s3, s2  }
0x8d: {  	s2 =	sadd.s32 s2, s16  }
0x8e: {  	[smem:$0x3FAD] =	sst s2  }
0x8f: {  	_ = 	snop  }
0x90: {  	(tm) =	ssettm $0x1  }
0x91: {  	s17 =	sld [smem:$0x3FFB];
	_ =	sdelay $0x3  }
0x92: {  	_ =	strace s17  }
0x93: {  	s2 =	sld [smem:$0x3FFC];
	_ =	sdelay $0x3  }
0x94: {  	_ =	strace s2  }
0x95: {  	s2 =	sld [smem:$0x3FFD];
	_ =	sdelay $0x3  }
0x96: {  	_ =	strace s2  }
0x97: {  	_ =	strace $0x8FFFFFFF  }
0x98: {  	s18 =	sld [smem:$0x3FDB];
	_ =	sdelay $0x1  }
0x99: {  	s19 =	simm.s32 $_scs_section_size  }
0x9a: {  	s4 =	simm.s32 $_size__tile_overlayer_lowered;
	s5 =	simm.s32 $_tile_overlayer_lowered  }
0x9b: {  	s22 =	simm.s32 $0x1BFF;
	s21 =	sshll.u32 s5, $0x1;
	s2 =	sadd.s32 s19, s18  }
0x9c: {  	s6 =	simm.s32 $0x0;
	s20 =	sshll.u32 s4, $0x1;
	s4 =	sadd.s32 s21, s2  }
0x9d: {  	[timem:s6], [sflag:s22] =	dma.local [hbm:s4], s20  }
0x9e: {  	_ =	swait.ge [sflag:s22], s20  }
0x9f: {  	s3 =	ssub.s32 $0x0, s20;
	[sflag:s22] =	ssyncset.done $0x0  }
0xa0: {  	[sflag:s22] =	ssyncadd.s32 s3;
	_ =	sdelay $0x1  }
0xa1: {  	s23 =	simm.s32 $0x1B8B  }
0xa2: {  	_ =	swait.ge [sflag:s23], $0x1  }
0xa3: {  	[sflag:s23] =	ssyncset.done $0x0  }
0xa4: {  	s25 =	simm.s32 $0x1B8E;
	s24 =	sld [smem:$0x3FFE];
	[sflag:s23] =	ssyncadd.s32 $0xFFFFFFFF  }
0xa5: {  	s26 =	simm.s32 $execute0_lowered;
	[smem:$0x3FD2] =	sst s25  }
0xa6: {  	s4 =	sshll.u32 s26, $0x1;
	_ =	strace $0x8000004F;
	[dreg:$0x1] =	wrdreg $0xFFFFFFFF  }
0xa7: {  	s28 =	simm.s32 $_size_execute0_lowered;
	s2 =	sadd.s32 s2, s4;
	[dreg:$0x0] =	wrdreg $0x0  }
0xa8: {  	s4 =	sshll.u32 s28, $0x1;
	[dreg:$0x2] =	wrdreg s2  }
0xa9: {  	[dreg:$0x3] =	wrdreg s4  }
0xaa: {  	[dreg:$0x4] =	wrdreg $0xC0  }
0xab: {  	_ =	task [dreg:s6], $0x5FFFF  }
0xac: {  	[dreg:$0x1] =	wrdreg $0xFFFFFFFF  }
0xad: {  	[dreg:$0x0] =	wrdreg $0x60  }
0xae: {  	[dreg:$0x2] =	wrdreg s24  }
0xaf: {  	[dreg:$0x3] =	wrdreg $0x9  }
0xb0: {  	_ =	task.clear_ibuf [dreg:s6], $0x4FFFF;
	_ =	strace $0x9000004F  }
0xb1: {  	s29 =	simm.s32 $0x9;
	_ =	strace $0x80000051  }
0xb2: {  	_ =	swait.ge [sflag:s29], $0x1  }
0xb3: {  	[sflag:s29] =	ssyncadd.s32 $0xFFFFFFFF  }
0xb4: {  	_ =	strace $0x90000051  }
0xb5: {  	_ =	sfence  }
0xb6: {  	s30 =	sld [smem:$0x0];
	_ =	sdelay $0x2  }
0xb7: {  	s31 =	sshll.u32 s1, $0xD;
	s1 =	sshrl.u32 s1, $0x2  }
0xb8: {  	s3 =	sand.u32 $0x4000, s31;
	s1 =	sadd.s32 s1, s30  }
0xb9: {  	s0 =	sor.u32 s3, s0;
	s1 =	sshll.u32 s1, $0x11  }
0xba: {  	s0 =	sor.u32 s1, s0  }
0xbb: {  	s0 =	sadd.s32 $0x8F2B, s0  }
0xbc: {  	[sflag:s0] =	ssyncadd.remote.s32 $0x1  }
0xbd: {  	_ =	sfence.sel $0xFFFF  }
0xbe: {  	[dreg:$0x0] =	wrdreg $0xFFFFFFFF;
	(pc) =	sbr.abs _section_cstart, $3  }
0xbf: {  	[dreg:$0x1] =	wrdreg $0xFFFFFFFF  }
0xc0: {  	_ =	task.clear_ibuf [dreg:s6], $0x2FFFF;
	_ =	strace $0x9FFFFFFF  }
0xc1: {  	(tm) =	ssettm $0x7FFFFFFF  }
tec
execute0_lowered:
.L_overlay_start_1:
0x0: {  	(tag) =	ssettag $0x1  }
0x1: {  	s6 =	rddreg [dreg:$0x0]  }
0x2: {  	s0 =	rddreg [dreg:$0x1]  }
0x3: {  	s2 =	simm.s32 $0x0;
	s3 =	srdreg.scid;
	s1 =	stileid.u32  }
0x4: {  	s12 =	simm.s32 $0x1;
	s13 =	simm.s32 $0x18800;
	s14 =	simm.s32 $0x80  }
0x5: {  	s15 =	simm.s32 $0x18910;
	s16 =	simm.s32 $0x0;
	[smem:$0x7FF] =	sst s2  }
0x6: {  	s7 =	sand.u32 $0x1, s3;
	s3 =	sadd.s32 $0x65B200, s6;
	s4 =	sadd.s32 $0x38000, s6  }
0x7: {  	s30 =	sshll.u32 s1, $0x1;
	s5 =	sadd.s32 $0x349800, s6;
	_ =	strace $0x80000050  }
.Ltmp0:
0x8: {  	s8 =	sor.u32 s7, s30;
	s7 =	ssub.s32 $0x2, s7;
	(pc) =	sbr.rel .LBB2_1-.Ltmp0, $4  }
0x9: {  	s9 =	smul.u32 $0x3100, s8;
	s10 =	sshll.u32 s8, $0x1;
	s31 =	sshrl.u32 s7, $0x1  }
0xa: {  	s10 =	sadd.s32 s10, s6;
	s11 =	ssub.s32 s7, s31;
	s7 =	smul.u32 $0xC4600, s8  }
0xb: {  	s9 =	sadd.s32 s9, s6;
	s6 =	sadd.s32 $0x65B000, s10;
	s10 =	simm.s32 $0x1A910  }
0xc: {  	v0 =	vimm.f32 $-Inf;
	s8 =	sadd.s32 $0x7E2800, s9;
	s9 =	smax.u32 s11, $0x1;
	s11 =	simm.s32 $0x2  }
.LBB2_9:
0xd: {  	s16 =	sadd.s32 $0x1, s16  }
0xe: {  	p0 =	sne.s32 s16, s9  }
.Ltmp1:
0xf: {  	_ = 	snop;
	(pc) =	sbr.rel @!p0 .LBB2_10-.Ltmp1, $4  }
0x10: {  	[hbm4b:s8+s2] =	stream.linear.scatter [tilespmem:s2], [sflag:$0x2], $0x18800, $0x38;
	[tilespmem:$0x1A920] =	vst v63  }
0x11: {  	_ =	swait.ge [sflag:s11], $0x18800  }
0x12: {  	[sflag:s11] =	ssyncset.done $0x0  }
0x13: {  	[sflag:s11] =	ssyncadd.s32 $0xFFFE7800  }
.LBB2_1:
0x14: {  	s17 =	simm.s32 $0x40;
	s18 =	simm.s32 $0x0  }
.LBB2_2:
0x15: {  	p0 =	sne.s32 s17, $0x61FC0;
	[tilespmem:s18+$0x0] =	vst v0;
	s18 =	smov.u32 s17;
	s17 =	sadd.s32 $0x40, s17  }
.Ltmp2:
0x16: {  	(pc) =	sbr.rel @p0 .LBB2_2-.Ltmp2, $2  }
0x17: {  	_ =	sdelay $0x2  }
0x18: {  	s18 =	sshra.s32 s18, $0x2  }
0x19: {  	[tilespmem:s18+$0x0] =	vst v0;
	s17 =	simm.s32 $0x0  }
0x1a: {  	[tilespmem:s10], [sflag:$0x2] =	stream.linear.gather [hbm4b:s6+s17], $0x10, $0x38;
	[tilespmem:$0x1A920] =	vst v63  }
0x1b: {  	_ =	swait.ge [sflag:s11], $0x10  }
0x1c: {  	[sflag:s11] =	ssyncset.done $0x0  }
0x1d: {  	[sflag:s11] =	ssyncadd.s32 $0xFFFFFFF0  }
0x1e: {  	v1 =	vld [tilespmem:$0x1A910];
	_ =	sdelay $0x4  }
0x1f: {  	(v2sf) =	vpush v1, $0x0;
	_ =	sdelay $0xe  }
0x20: {  	s18 =	spop (v2sf)  }
0x21: {  	s19 =	sadd.s32 $0x7F, s18  }
0x22: {  	s20 =	sand.u32 $0x7F, s19  }
0x23: {  	s31 =	sshra.s32 s19, $0x1F;
	p1 =	slt.s32 s19, $0x1;
	p0 =	sne.s32 s20, $0x0  }
0x24: {  	s20 =	sshrl.u32 s31, $0x19;
	p0 =	por !p1, !p0  }
0x25: {  	s19 =	sadd.s32 s20, s19;
	s20 =	simm.s32 $0x1;
	p0 =	por !p0, !p0  }
0x26: {  	s19 =	sshra.s32 s19, $0x7;
	s20 =	simm.s32 @!p0 $0x0  }
0x27: {  	s19 =	ssub.s32 s19, s20  }
0x28: {  	p0 =	slt.s32 s19, $0x1  }
.Ltmp3:
0x29: {  	_ = 	snop;
	(pc) =	sbr.rel @!p0 .LBB2_4-.Ltmp3, $4  }
.Ltmp4:
0x2a: {  	_ = 	snop;
	(pc) =	sbr.rel @p0 .LBB2_9-.Ltmp4, $4  }
0x2b: {  	_ = 	snop  }
0x2c: {  	_ = 	snop  }
0x2d: {  	s20 =	smov.u32 s18  }
0x2e: {  	_ = 	snop  }
.LBB2_7:
0x2f: {  	[tilespmem:s24+$0x30] =	vst v1  }
.LBB2_8:
0x30: {  	s17 =	sadd.s32 $0x1, s17  }
0x31: {  	p0 =	sne.s32 s17, s19  }
.Ltmp5:
0x32: {  	_ = 	snop;
	(pc) =	sbr.rel @!p0 .LBB2_9-.Ltmp5, $2  }
0x33: {  	_ =	sdelay $0x2  }
0x34: {  	s20 =	sadd.s32 $0xFFFFFF80, s20  }
.LBB2_4:
0x35: {  	s22 =	sshll.u32 s17, $0x7  }
0x36: {  	s21 =	sadd.s32 s7, s22  }
0x37: {  	s21 =	sshrl.u32 s21, $0x3  }
0x38: {  	s23 =	sadd.s32 s4, s21  }
0x39: {  	[tilespmem:s13], [sflag:$0x2] =	stream.linear.gather [hbm4b:s23+s2], $0x80, $0x38;
	[tilespmem:$0x1A920] =	vst v63  }
0x3a: {  	_ =	swait.ge [sflag:s11], $0x80  }
0x3b: {  	[sflag:s11] =	ssyncset.done $0x0  }
0x3c: {  	s31 =	sadd.s32 s5, s21;
	s21 =	simm.s32 $0x18880;
	[sflag:s11] =	ssyncadd.s32 $0xFFFFFF80  }
0x3d: {  	[tilespmem:s21], [sflag:$0x2] =	stream.linear.gather [hbm4b:s31+s2], $0x80, $0x38;
	[tilespmem:$0x1A920] =	vst v63  }
0x3e: {  	s22 =	ssub.s32 s18, s22;
	_ =	swait.ge [sflag:s11], $0x80  }
0x3f: {  	p0 =	slt.s32 s22, $0x1;
	[sflag:s11] =	ssyncset.done $0x0  }
.Ltmp6:
0x40: {  	[sflag:s11] =	ssyncadd.s32 $0xFFFFFF80;
	(pc) =	sbr.rel @p0 .LBB2_8-.Ltmp6, $4  }
0x41: {  	[tilespmem:s15], [sflag:$0x1] =	stream.indirect.gather [hbm4b:s3+s14], $0x40, s13, s14, $0xb8;
	[tilespmem:$0x1A920] =	vst v63  }
0x42: {  	_ =	swait.ge [sflag:s12], $0x2000  }
0x43: {  	[sflag:s12] =	ssyncset.done $0x0  }
0x44: {  	[sflag:s12] =	ssyncadd.s32 $0xFFFFE000  }
0x45: {  	v1 =	vld [tilespmem:s21+$0x0];
	_ =	sdelay $0x4  }
0x46: {  	(v2sf) =	vpush v1, $0x0;
	_ =	sdelay $0xe  }
0x47: {  	s23 =	spop (v2sf)  }
0x48: {  	s22 =	simm.s32 $0x18930;
	s23 =	sshll.u32 s23, $0x8  }
0x49: {  	v1 =	vld [tilespmem:s22+$0xFFFFFFE0];
	s24 =	sshra.s32 s23, $0x2  }
0x4a: {  	v2 =	vld [tilespmem:s24+$0x0];
	_ =	sdelay $0x4  }
0x4b: {  	v1 =	vmax.f32 v2, v1  }
0x4c: {  	[tilespmem:s24+$0x0] =	vst v1;
	v1 =	vld [tilespmem:s24+$0x10]  }
0x4d: {  	v2 =	vld [tilespmem:s22+$0xFFFFFFF0];
	_ =	sdelay $0x4  }
0x4e: {  	v1 =	vmax.f32 v1, v2  }
0x4f: {  	[tilespmem:s24+$0x10] =	vst v1;
	v1 =	vld [tilespmem:s24+$0x20]  }
0x50: {  	v2 =	vld [tilespmem:s22+$0x0];
	_ =	sdelay $0x3  }
0x51: {  	p0 =	sgt.s32 s20, $0x1;
	s23 =	smov.u32 s20  }
0x52: {  	s23 =	simm.s32 @!p0 $0x1;
	v1 =	vmax.f32 v1, v2  }
0x53: {  	s23 =	smin.u32 s23, $0x80;
	[tilespmem:s24+$0x20] =	vst v1;
	v1 =	vld [tilespmem:s24+$0x30]  }
0x54: {  	p0 =	sne.s32 s23, $0x1;
	v2 =	vld [tilespmem:s22+$0x10]  }
.Ltmp7:
0x55: {  	_ = 	snop;
	(pc) =	sbr.rel @!p0 .LBB2_7-.Ltmp7, $2  }
0x56: {  	_ =	sdelay $0x2  }
0x57: {  	s23 =	sadd.s32 $0xFFFFFFFF, s23;
	v1 =	vmax.f32 v1, v2  }
.LBB2_6:
0x58: {  	p0 =	sne.s32 s23, $0x1;
	[tilespmem:s24+$0x30] =	vst v1;
	s21 =	sadd.s32 $0x1, s21;
	s22 =	sadd.s32 $0x40, s22  }
0x59: {  	s23 =	sadd.s32 $0xFFFFFFFF, s23;
	v1 =	vld [tilespmem:s21+$0x0];
	_ =	sdelay $0x4  }
0x5a: {  	(v2sf) =	vpush v1, $0x0;
	_ =	sdelay $0xe  }
0x5b: {  	s24 =	spop (v2sf)  }
0x5c: {  	s24 =	sshll.u32 s24, $0x8  }
0x5d: {  	s24 =	sshra.s32 s24, $0x2;
	v1 =	vld [tilespmem:s22+$0xFFFFFFE0]  }
0x5e: {  	v2 =	vld [tilespmem:s24+$0x0];
	_ =	sdelay $0x4  }
0x5f: {  	v1 =	vmax.f32 v2, v1  }
0x60: {  	[tilespmem:s24+$0x0] =	vst v1;
	v1 =	vld [tilespmem:s24+$0x10]  }
0x61: {  	v2 =	vld [tilespmem:s22+$0xFFFFFFF0];
	_ =	sdelay $0x4  }
0x62: {  	v1 =	vmax.f32 v1, v2  }
0x63: {  	[tilespmem:s24+$0x10] =	vst v1;
	v1 =	vld [tilespmem:s24+$0x20]  }
0x64: {  	v2 =	vld [tilespmem:s22+$0x0];
	_ =	sdelay $0x4  }
0x65: {  	v1 =	vmax.f32 v1, v2  }
0x66: {  	[tilespmem:s24+$0x20] =	vst v1;
	v1 =	vld [tilespmem:s24+$0x30]  }
0x67: {  	v2 =	vld [tilespmem:s22+$0x10]  }
.Ltmp8:
0x68: {  	(pc) =	sbr.rel @p0 .LBB2_6-.Ltmp8, $2  }
0x69: {  	_ =	sdelay $0x2  }
0x6a: {  	v1 =	vmax.f32 v1, v2  }
.Ltmp9:
0x6b: {  	_ = 	snop;
	(pc) =	sbr.rel .LBB2_7-.Ltmp9, $1  }
0x6c: {  	_ =	sdelay $0x3  }
.LBB2_10:
0x6d: {  	_ =	sfence.sel $0x180000  }
0x6e: {  	[bflag:$0x0] =	sbarrier.arrive $0xFFFF  }
0x6f: {  	p0 =	sne.s32 s1, $0x0;
	_ =	strace $0x90000050  }
0x70: {  	s0 =	sadd.s32 @!p0 $0x100000, s0;
	[bflag:$0x2] =	sbarrier.arrive $0xFFFF  }
0x71: {  	[sflag:s0] =	ssyncadd.tile.s32 @!p0 $0x1;
	_ =	shalt  }
.Lfunc_end2:
_tile_overlayer_lowered:
.L_overlay_start_2:
0x72: {  	(tag) =	ssettag $0x2  }
0x73: {  	s0 =	rddreg [dreg:$0x0];
	s2 =	stileid.u32  }
0x74: {  	s1 =	rddreg [dreg:$0x1];
	p0 =	sne.s32 s2, $0x0  }
0x75: {  	s3 =	rddreg [dreg:$0x2];
	[bflag:$0x3] =	sbarrier.arrive $0xFFFF;
	s2 =	simm.s32 @!p0 $0x1C02  }
0x76: {  	[timem:s3], [sflag:s2] =	dma.local @!p0 [hbm:s0], s1  }
0x77: {  	s0 =	simm.s32 @!p0 $0x2  }
0x78: {  	_ =	swait.ge @!p0 [sflag:s0], s1  }
0x79: {  	s1 =	ssub.s32 @!p0 $0x0, s1;
	[sflag:s0] =	ssyncset.done @!p0 $0x0  }
0x7a: {  	[sflag:s0] =	ssyncadd.s32 @!p0 s1  }
0x7b: {  	[bflag:$0x3] =	sbarrier.arrive $0xFFFF  }
0x7c: {  	_ =	shalt  }

// kernel: kernel.26.cloned.1.call-start
scs
__scs_entry_jumppad:
0x0: {  	(pc) =	sbr.rel $0x88, $3  }
0x1: {  	(tag) =	ssettag $0x0;
	lr =	simm.s32 $0x1  }
0x2: {  	[smem:$0x3F86] =	sst lr;
	_ =	strace $0xD0000000  }
0x3: {  	_ = 	snop  }
0x4: {  	_ = 	snop  }
0x5: {  	_ = 	snop  }
0x6: {  	_ = 	snop  }
0x7: {  	_ = 	snop  }
__scs_overlays_trampoline_lowered:
0x8: {  	[smem:$0x3F95] =	sst s0  }
0x9: {  	[smem:$0x3F96] =	sst s1  }
0xa: {  	[smem:$0x3F97] =	sst s2  }
0xb: {  	[smem:$0x3F98] =	sst s3  }
0xc: {  	[smem:$0x3F99] =	sst s4  }
0xd: {  	[smem:$0x3F9A] =	sst s5  }
0xe: {  	[smem:$0x3F9B] =	sst s6  }
0xf: {  	[smem:$0x3F9C] =	sst s7  }
0x10: {  	[smem:$0x3F9D] =	sst s8  }
0x11: {  	[smem:$0x3F9E] =	sst s9;
	s0 =	simm.s32 @!p0 $0x0  }
0x12: {  	s1 =	sld [smem:$0x3F84];
	s0 =	simm.s32 @p0 $0x1  }
0x13: {  	[smem:$0x3F9F] =	sst s0;
	s0 =	simm.s32 @!p1 $0x0  }
0x14: {  	s2 =	sld [smem:$0x3F83];
	s0 =	simm.s32 @p1 $0x1  }
0x15: {  	[smem:$0x3FA0] =	sst s0;
	s0 =	simm.s32 @!p2 $0x0  }
0x16: {  	s3 =	sld [smem:$0x3FDB];
	s0 =	simm.s32 @p2 $0x1  }
0x17: {  	s4 =	simm.s32 $0x1BF5;
	[smem:$0x3FA2] =	sst s0  }
0x18: {  	s0 =	sld [smem:$0x3F85];
	_ =	swait.ge [sflag:s4], $0x0  }
0x19: {  	s7 =	sld [smem:$0x3F86]  }
0x1a: {  	s8 =	sadd.s32 $0xFFFFE003, lr  }
0x1b: {  	s9 =	sadd.s32 $0xFFFFFEF7, lr;
	s5 =	simm.s32 $0xFFFFFFFF;
	p2 =	slt.u32 s8, $0xFFFFF086  }
0x1c: {  	p1 =	slt.u32 s9, $0xF7A;
	s5 =	simm.s32 @!p2 $0x0  }
0x1d: {  	s5 =	simm.s32 @p1 $0x1;
	p0 =	seq.s32 s7, s2  }
0x1e: {  	s7 =	smul.u32 @!p0 $0xF7A, s2;
	p2 =	seq.s32 @!p0 s5, $0x0  }
0x1f: {  	s9 =	smul.u32 $0xF7A, s1;
	s8 =	simm.s32 @!p0 $0x1BF5;
	p2 =	por !p2, p0  }
0x20: {  	[sflag:s8] =	ssyncset.s32 @!p0 $0xFFFFF086;
	s6 =	sadd.s32 @!p0 s3, s7;
	s7 =	simm.s32 @!p0 $0x108  }
0x21: {  	s3 =	sadd.s32 s3, s9;
	s6 =	sadd.s32 @!p0 $0x88, s6;
	s7 =	simm.s32 @p2 $0x1082  }
0x22: {  	[simem:s7], [sflag:s8] =	dma.local @!p0 [hbm:s6], $0xF7A  }
0x23: {  	s9 =	sor.u32 $0xD0000000, s2;
	s6 =	simm.s32 $0x108;
	_ =	swait.ge @!p0 [sflag:s8], $0x0  }
0x24: {  	s3 =	sadd.s32 $0x88, s3;
	s6 =	simm.s32 @!p1 $0x1082;
	[sflag:s4] =	ssyncset.s32 $0xFFFFF086  }
0x25: {  	[simem:s6], [sflag:s4] =	dma.local [hbm:s3], $0xF7A  }
0x26: {  	[smem:$0x3F86] =	sst s1;
	(tag) =	ssettag s2;
	_ =	strace s9  }
0x27: {  	s1 =	sld [smem:$0x3F96]  }
0x28: {  	s2 =	sld [smem:$0x3F97]  }
0x29: {  	s4 =	sld [smem:$0x3F99]  }
0x2a: {  	p0 =	seq.s32 s5, $0x0;
	s5 =	sld [smem:$0x3F9A]  }
0x2b: {  	s6 =	sld [smem:$0x3F9B]  }
0x2c: {  	s7 =	sld [smem:$0x3F9C]  }
0x2d: {  	s3 =	simm.s32 $0x108;
	s8 =	sld [smem:$0x3F9D]  }
0x2e: {  	s3 =	simm.s32 @!p0 $0x1082;
	s9 =	sld [smem:$0x3F9E]  }
0x2f: {  	lr =	sadd.s32 s0, s3;
	s0 =	sld [smem:$0x3F95]  }
0x30: {  	s3 =	sld [smem:$0x3F98]  }
0x31: {  	[smem:$0x3FA1] =	sst s10  }
0x32: {  	s10 =	sld [smem:$0x3F9F];
	_ =	sdelay $0x3  }
0x33: {  	p0 =	seq.s32 s10, $0x1;
	s10 =	sld [smem:$0x3FA1];
	_ =	sdelay $0x3  }
0x34: {  	[smem:$0x3FA1] =	sst s10  }
0x35: {  	s10 =	sld [smem:$0x3FA0];
	_ =	sdelay $0x3  }
0x36: {  	p1 =	seq.s32 s10, $0x1;
	s10 =	sld [smem:$0x3FA1];
	_ =	sdelay $0x3  }
0x37: {  	[smem:$0x3FA1] =	sst s10  }
0x38: {  	s10 =	sld [smem:$0x3FA2]  }
0x39: {  	_ = 	snop;
	(pc) =	sbr.ind lr, $3  }
0x3a: {  	_ = 	snop  }
0x3b: {  	_ = 	snop  }
0x3c: {  	p2 =	seq.s32 s10, $0x1;
	s10 =	sld [smem:$0x3FA1]  }
0x3d: {  	_ =	shalt  }
0x3e: {  	_ =	shalt  }
0x3f: {  	_ =	shalt  }
0x40: {  	_ =	shalt  }
0x41: {  	_ =	shalt  }
0x42: {  	_ =	shalt  }
0x43: {  	_ =	shalt  }
0x44: {  	_ =	shalt  }
0x45: {  	_ =	shalt  }
0x46: {  	_ =	shalt  }
0x47: {  	_ =	shalt  }
0x48: {  	_ =	shalt  }
0x49: {  	_ =	shalt  }
0x4a: {  	_ =	shalt  }
0x4b: {  	_ =	shalt  }
0x4c: {  	_ =	shalt  }
0x4d: {  	_ =	shalt  }
0x4e: {  	_ =	shalt  }
0x4f: {  	_ =	shalt  }
0x50: {  	_ =	shalt  }
0x51: {  	_ =	shalt  }
0x52: {  	_ =	shalt  }
0x53: {  	_ =	shalt  }
0x54: {  	_ =	shalt  }
0x55: {  	_ =	shalt  }
0x56: {  	_ =	shalt  }
0x57: {  	_ =	shalt  }
0x58: {  	_ =	shalt  }
0x59: {  	_ =	shalt  }
0x5a: {  	_ =	shalt  }
0x5b: {  	_ =	shalt  }
0x5c: {  	_ =	shalt  }
0x5d: {  	_ =	shalt  }
0x5e: {  	_ =	shalt  }
0x5f: {  	_ =	shalt  }
0x60: {  	_ =	shalt  }
0x61: {  	_ =	shalt  }
0x62: {  	_ =	shalt  }
0x63: {  	_ =	shalt  }
0x64: {  	_ =	shalt  }
0x65: {  	_ =	shalt  }
0x66: {  	_ =	shalt  }
0x67: {  	_ =	shalt  }
0x68: {  	_ =	shalt  }
0x69: {  	_ =	shalt  }
0x6a: {  	_ =	shalt  }
0x6b: {  	_ =	shalt  }
0x6c: {  	_ =	shalt  }
0x6d: {  	_ =	shalt  }
0x6e: {  	_ =	shalt  }
0x6f: {  	_ =	shalt  }
0x70: {  	_ =	shalt  }
0x71: {  	_ =	shalt  }
0x72: {  	_ =	shalt  }
0x73: {  	_ =	shalt  }
0x74: {  	_ =	shalt  }
0x75: {  	_ =	shalt  }
0x76: {  	_ =	shalt  }
0x77: {  	_ =	shalt  }
0x78: {  	_ =	shalt  }
0x79: {  	_ =	shalt  }
0x7a: {  	_ =	shalt  }
0x7b: {  	_ =	shalt  }
0x7c: {  	_ =	shalt  }
0x7d: {  	_ =	shalt  }
0x7e: {  	_ =	shalt  }
0x7f: {  	_ =	shalt  }
0x80: {  	_ =	shalt  }
0x81: {  	_ =	shalt  }
0x82: {  	_ =	shalt  }
0x83: {  	_ =	shalt  }
0x84: {  	_ =	shalt  }
0x85: {  	_ =	shalt  }
0x86: {  	_ =	shalt  }
0x87: {  	_ =	shalt  }
.Lfunc_end0:
.L_simem_size_0:
called_computation.4_lowered:
.L_overlay_start_0:
0x88: {  	s2 =	sld [smem:$0x3FD9]  }
0x89: {  	s3 =	sld [smem:$0x3FFE];
	_ =	sdelay $0x1  }
0x8a: {  	s1 =	srdreg.scid  }
0x8b: {  	s0 =	sand.u32 $0x1, s1  }
0x8c: {  	s16 =	sshll.u32 s0, $0xA;
	s2 =	sadd.s32 s3, s2  }
0x8d: {  	s2 =	sadd.s32 s2, s16  }
0x8e: {  	[smem:$0x3FAD] =	sst s2  }
0x8f: {  	_ = 	snop  }
0x90: {  	(tm) =	ssettm $0x1  }
0x91: {  	s17 =	sld [smem:$0x3FFB];
	_ =	sdelay $0x3  }
0x92: {  	_ =	strace s17  }
0x93: {  	s2 =	sld [smem:$0x3FFC];
	_ =	sdelay $0x3  }
0x94: {  	_ =	strace s2  }
0x95: {  	s2 =	sld [smem:$0x3FFD];
	_ =	sdelay $0x3  }
0x96: {  	_ =	strace s2  }
0x97: {  	_ =	strace $0x8FFFFFFF  }
0x98: {  	s18 =	sld [smem:$0x3FDB];
	_ =	sdelay $0x1  }
0x99: {  	s19 =	simm.s32 $_scs_section_size  }
0x9a: {  	s4 =	simm.s32 $_size__tile_overlayer_lowered;
	s5 =	simm.s32 $_tile_overlayer_lowered  }
0x9b: {  	s22 =	simm.s32 $0x1BFF;
	s21 =	sshll.u32 s5, $0x1;
	s2 =	sadd.s32 s19, s18  }
0x9c: {  	s6 =	simm.s32 $0x0;
	s20 =	sshll.u32 s4, $0x1;
	s4 =	sadd.s32 s21, s2  }
0x9d: {  	[timem:s6], [sflag:s22] =	dma.local [hbm:s4], s20  }
0x9e: {  	_ =	swait.ge [sflag:s22], s20  }
0x9f: {  	s3 =	ssub.s32 $0x0, s20;
	[sflag:s22] =	ssyncset.done $0x0  }
0xa0: {  	[sflag:s22] =	ssyncadd.s32 s3;
	_ =	sdelay $0x1  }
0xa1: {  	s23 =	simm.s32 $0x1B8B  }
0xa2: {  	_ =	swait.ge [sflag:s23], $0x1  }
0xa3: {  	[sflag:s23] =	ssyncset.done $0x0  }
0xa4: {  	s25 =	simm.s32 $0x1B8E;
	s24 =	sld [smem:$0x3FFE];
	[sflag:s23] =	ssyncadd.s32 $0xFFFFFFFF  }
0xa5: {  	s26 =	simm.s32 $execute0_lowered;
	[smem:$0x3FD2] =	sst s25  }
0xa6: {  	s4 =	sshll.u32 s26, $0x1;
	_ =	strace $0x80000052;
	[dreg:$0x1] =	wrdreg $0xFFFFFFFF  }
0xa7: {  	s28 =	simm.s32 $_size_execute0_lowered;
	s2 =	sadd.s32 s2, s4;
	[dreg:$0x0] =	wrdreg $0x0  }
0xa8: {  	s4 =	sshll.u32 s28, $0x1;
	[dreg:$0x2] =	wrdreg s2  }
0xa9: {  	[dreg:$0x3] =	wrdreg s4  }
0xaa: {  	[dreg:$0x4] =	wrdreg $0xC0  }
0xab: {  	_ =	task [dreg:s6], $0x5FFFF  }
0xac: {  	[dreg:$0x1] =	wrdreg $0xFFFFFFFF  }
0xad: {  	[dreg:$0x0] =	wrdreg $0x60  }
0xae: {  	[dreg:$0x2] =	wrdreg s24  }
0xaf: {  	[dreg:$0x3] =	wrdreg $0x9  }
0xb0: {  	_ =	task.clear_ibuf [dreg:s6], $0x4FFFF;
	_ =	strace $0x90000052  }
0xb1: {  	s29 =	simm.s32 $0x9;
	_ =	strace $0x80000054  }
0xb2: {  	_ =	swait.ge [sflag:s29], $0x1  }
0xb3: {  	[sflag:s29] =	ssyncadd.s32 $0xFFFFFFFF  }
0xb4: {  	_ =	strace $0x90000054  }
0xb5: {  	_ =	sfence  }
0xb6: {  	s30 =	sld [smem:$0x0];
	_ =	sdelay $0x2  }
0xb7: {  	s31 =	sshll.u32 s1, $0xD;
	s1 =	sshrl.u32 s1, $0x2  }
0xb8: {  	s3 =	sand.u32 $0x4000, s31;
	s1 =	sadd.s32 s1, s30  }
0xb9: {  	s0 =	sor.u32 s3, s0;
	s1 =	sshll.u32 s1, $0x11  }
0xba: {  	s0 =	sor.u32 s1, s0  }
0xbb: {  	s0 =	sadd.s32 $0x8F2B, s0  }
0xbc: {  	[sflag:s0] =	ssyncadd.remote.s32 $0x1  }
0xbd: {  	_ =	sfence.sel $0xFFFF  }
0xbe: {  	[dreg:$0x0] =	wrdreg $0xFFFFFFFF;
	(pc) =	sbr.abs _section_cstart, $3  }
0xbf: {  	[dreg:$0x1] =	wrdreg $0xFFFFFFFF  }
0xc0: {  	_ =	task.clear_ibuf [dreg:s6], $0x2FFFF;
	_ =	strace $0x9FFFFFFF  }
0xc1: {  	(tm) =	ssettm $0x7FFFFFFF  }
tec
execute0_lowered:
.L_overlay_start_1:
0x0: {  	(tag) =	ssettag $0x1  }
0x1: {  	s6 =	rddreg [dreg:$0x0]  }
0x2: {  	s0 =	rddreg [dreg:$0x1]  }
0x3: {  	s2 =	simm.s32 $0x0;
	s3 =	srdreg.scid;
	s1 =	stileid.u32  }
0x4: {  	s12 =	simm.s32 $0x1;
	s13 =	simm.s32 $0x18800;
	s14 =	simm.s32 $0x80  }
0x5: {  	s15 =	simm.s32 $0x18910;
	s16 =	simm.s32 $0x0;
	[smem:$0x7FF] =	sst s2  }
0x6: {  	s7 =	sand.u32 $0x1, s3;
	s3 =	sadd.s32 $0x65B200, s6;
	s4 =	sadd.s32 $0x38000, s6  }
0x7: {  	s30 =	sshll.u32 s1, $0x1;
	s5 =	sadd.s32 $0x349800, s6;
	_ =	strace $0x80000053  }
.Ltmp0:
0x8: {  	s8 =	sor.u32 s7, s30;
	s7 =	ssub.s32 $0x2, s7;
	(pc) =	sbr.rel .LBB2_1-.Ltmp0, $4  }
0x9: {  	s9 =	smul.u32 $0x3100, s8;
	s10 =	sshll.u32 s8, $0x1;
	s31 =	sshrl.u32 s7, $0x1  }
0xa: {  	s10 =	sadd.s32 s10, s6;
	s11 =	ssub.s32 s7, s31;
	s7 =	smul.u32 $0xC4600, s8  }
0xb: {  	s9 =	sadd.s32 s9, s6;
	s6 =	sadd.s32 $0x65B000, s10;
	s10 =	simm.s32 $0x1A910  }
0xc: {  	v0 =	vimm.f32 $-Inf;
	s8 =	sadd.s32 $0x7E2800, s9;
	s9 =	smax.u32 s11, $0x1;
	s11 =	simm.s32 $0x2  }
.LBB2_9:
0xd: {  	s16 =	sadd.s32 $0x1, s16  }
0xe: {  	p0 =	sne.s32 s16, s9  }
.Ltmp1:
0xf: {  	_ = 	snop;
	(pc) =	sbr.rel @!p0 .LBB2_10-.Ltmp1, $4  }
0x10: {  	[hbm4b:s8+s2] =	stream.linear.scatter [tilespmem:s2], [sflag:$0x2], $0x18800, $0x38;
	[tilespmem:$0x1A920] =	vst v63  }
0x11: {  	_ =	swait.ge [sflag:s11], $0x18800  }
0x12: {  	[sflag:s11] =	ssyncset.done $0x0  }
0x13: {  	[sflag:s11] =	ssyncadd.s32 $0xFFFE7800  }
.LBB2_1:
0x14: {  	s17 =	simm.s32 $0x40;
	s18 =	simm.s32 $0x0  }
.LBB2_2:
0x15: {  	p0 =	sne.s32 s17, $0x61FC0;
	[tilespmem:s18+$0x0] =	vst v0;
	s18 =	smov.u32 s17;
	s17 =	sadd.s32 $0x40, s17  }
.Ltmp2:
0x16: {  	(pc) =	sbr.rel @p0 .LBB2_2-.Ltmp2, $2  }
0x17: {  	_ =	sdelay $0x2  }
0x18: {  	s18 =	sshra.s32 s18, $0x2  }
0x19: {  	[tilespmem:s18+$0x0] =	vst v0;
	s17 =	simm.s32 $0x0  }
0x1a: {  	[tilespmem:s10], [sflag:$0x2] =	stream.linear.gather [hbm4b:s6+s17], $0x10, $0x38;
	[tilespmem:$0x1A920] =	vst v63  }
0x1b: {  	_ =	swait.ge [sflag:s11], $0x10  }
0x1c: {  	[sflag:s11] =	ssyncset.done $0x0  }
0x1d: {  	[sflag:s11] =	ssyncadd.s32 $0xFFFFFFF0  }
0x1e: {  	v1 =	vld [tilespmem:$0x1A910];
	_ =	sdelay $0x4  }
0x1f: {  	(v2sf) =	vpush v1, $0x0;
	_ =	sdelay $0xe  }
0x20: {  	s18 =	spop (v2sf)  }
0x21: {  	s19 =	sadd.s32 $0x7F, s18  }
0x22: {  	s20 =	sand.u32 $0x7F, s19  }
0x23: {  	s31 =	sshra.s32 s19, $0x1F;
	p1 =	slt.s32 s19, $0x1;
	p0 =	sne.s32 s20, $0x0  }
0x24: {  	s20 =	sshrl.u32 s31, $0x19;
	p0 =	por !p1, !p0  }
0x25: {  	s19 =	sadd.s32 s20, s19;
	s20 =	simm.s32 $0x1;
	p0 =	por !p0, !p0  }
0x26: {  	s19 =	sshra.s32 s19, $0x7;
	s20 =	simm.s32 @!p0 $0x0  }
0x27: {  	s19 =	ssub.s32 s19, s20  }
0x28: {  	p0 =	slt.s32 s19, $0x1  }
.Ltmp3:
0x29: {  	_ = 	snop;
	(pc) =	sbr.rel @!p0 .LBB2_4-.Ltmp3, $4  }
.Ltmp4:
0x2a: {  	_ = 	snop;
	(pc) =	sbr.rel @p0 .LBB2_9-.Ltmp4, $4  }
0x2b: {  	_ = 	snop  }
0x2c: {  	_ = 	snop  }
0x2d: {  	s20 =	smov.u32 s18  }
0x2e: {  	_ = 	snop  }
.LBB2_7:
0x2f: {  	[tilespmem:s24+$0x30] =	vst v1  }
.LBB2_8:
0x30: {  	s17 =	sadd.s32 $0x1, s17  }
0x31: {  	p0 =	sne.s32 s17, s19  }
.Ltmp5:
0x32: {  	_ = 	snop;
	(pc) =	sbr.rel @!p0 .LBB2_9-.Ltmp5, $2  }
0x33: {  	_ =	sdelay $0x2  }
0x34: {  	s20 =	sadd.s32 $0xFFFFFF80, s20  }
.LBB2_4:
0x35: {  	s22 =	sshll.u32 s17, $0x7  }
0x36: {  	s21 =	sadd.s32 s7, s22  }
0x37: {  	s21 =	sshrl.u32 s21, $0x3  }
0x38: {  	s23 =	sadd.s32 s4, s21  }
0x39: {  	[tilespmem:s13], [sflag:$0x2] =	stream.linear.gather [hbm4b:s23+s2], $0x80, $0x38;
	[tilespmem:$0x1A920] =	vst v63  }
0x3a: {  	_ =	swait.ge [sflag:s11], $0x80  }
0x3b: {  	[sflag:s11] =	ssyncset.done $0x0  }
0x3c: {  	s31 =	sadd.s32 s5, s21;
	s21 =	simm.s32 $0x18880;
	[sflag:s11] =	ssyncadd.s32 $0xFFFFFF80  }
0x3d: {  	[tilespmem:s21], [sflag:$0x2] =	stream.linear.gather [hbm4b:s31+s2], $0x80, $0x38;
	[tilespmem:$0x1A920] =	vst v63  }
0x3e: {  	s22 =	ssub.s32 s18, s22;
	_ =	swait.ge [sflag:s11], $0x80  }
0x3f: {  	p0 =	slt.s32 s22, $0x1;
	[sflag:s11] =	ssyncset.done $0x0  }
.Ltmp6:
0x40: {  	[sflag:s11] =	ssyncadd.s32 $0xFFFFFF80;
	(pc) =	sbr.rel @p0 .LBB2_8-.Ltmp6, $4  }
0x41: {  	[tilespmem:s15], [sflag:$0x1] =	stream.indirect.gather [hbm4b:s3+s14], $0x40, s13, s14, $0xb8;
	[tilespmem:$0x1A920] =	vst v63  }
0x42: {  	_ =	swait.ge [sflag:s12], $0x2000  }
0x43: {  	[sflag:s12] =	ssyncset.done $0x0  }
0x44: {  	[sflag:s12] =	ssyncadd.s32 $0xFFFFE000  }
0x45: {  	v1 =	vld [tilespmem:s21+$0x0];
	_ =	sdelay $0x4  }
0x46: {  	(v2sf) =	vpush v1, $0x0;
	_ =	sdelay $0xe  }
0x47: {  	s23 =	spop (v2sf)  }
0x48: {  	s22 =	simm.s32 $0x18930;
	s23 =	sshll.u32 s23, $0x8  }
0x49: {  	v1 =	vld [tilespmem:s22+$0xFFFFFFE0];
	s24 =	sshra.s32 s23, $0x2  }
0x4a: {  	v2 =	vld [tilespmem:s24+$0x0];
	_ =	sdelay $0x4  }
0x4b: {  	v1 =	vmax.f32 v2, v1  }
0x4c: {  	[tilespmem:s24+$0x0] =	vst v1;
	v1 =	vld [tilespmem:s24+$0x10]  }
0x4d: {  	v2 =	vld [tilespmem:s22+$0xFFFFFFF0];
	_ =	sdelay $0x4  }
0x4e: {  	v1 =	vmax.f32 v1, v2  }
0x4f: {  	[tilespmem:s24+$0x10] =	vst v1;
	v1 =	vld [tilespmem:s24+$0x20]  }
0x50: {  	v2 =	vld [tilespmem:s22+$0x0];
	_ =	sdelay $0x3  }
0x51: {  	p0 =	sgt.s32 s20, $0x1;
	s23 =	smov.u32 s20  }
0x52: {  	s23 =	simm.s32 @!p0 $0x1;
	v1 =	vmax.f32 v1, v2  }
0x53: {  	s23 =	smin.u32 s23, $0x80;
	[tilespmem:s24+$0x20] =	vst v1;
	v1 =	vld [tilespmem:s24+$0x30]  }
0x54: {  	p0 =	sne.s32 s23, $0x1;
	v2 =	vld [tilespmem:s22+$0x10]  }
.Ltmp7:
0x55: {  	_ = 	snop;
	(pc) =	sbr.rel @!p0 .LBB2_7-.Ltmp7, $2  }
0x56: {  	_ =	sdelay $0x2  }
0x57: {  	s23 =	sadd.s32 $0xFFFFFFFF, s23;
	v1 =	vmax.f32 v1, v2  }
.LBB2_6:
0x58: {  	p0 =	sne.s32 s23, $0x1;
	[tilespmem:s24+$0x30] =	vst v1;
	s21 =	sadd.s32 $0x1, s21;
	s22 =	sadd.s32 $0x40, s22  }
0x59: {  	s23 =	sadd.s32 $0xFFFFFFFF, s23;
	v1 =	vld [tilespmem:s21+$0x0];
	_ =	sdelay $0x4  }
0x5a: {  	(v2sf) =	vpush v1, $0x0;
	_ =	sdelay $0xe  }
0x5b: {  	s24 =	spop (v2sf)  }
0x5c: {  	s24 =	sshll.u32 s24, $0x8  }
0x5d: {  	s24 =	sshra.s32 s24, $0x2;
	v1 =	vld [tilespmem:s22+$0xFFFFFFE0]  }
0x5e: {  	v2 =	vld [tilespmem:s24+$0x0];
	_ =	sdelay $0x4  }
0x5f: {  	v1 =	vmax.f32 v2, v1  }
0x60: {  	[tilespmem:s24+$0x0] =	vst v1;
	v1 =	vld [tilespmem:s24+$0x10]  }
0x61: {  	v2 =	vld [tilespmem:s22+$0xFFFFFFF0];
	_ =	sdelay $0x4  }
0x62: {  	v1 =	vmax.f32 v1, v2  }
0x63: {  	[tilespmem:s24+$0x10] =	vst v1;
	v1 =	vld [tilespmem:s24+$0x20]  }
0x64: {  	v2 =	vld [tilespmem:s22+$0x0];
	_ =	sdelay $0x4  }
0x65: {  	v1 =	vmax.f32 v1, v2  }
0x66: {  	[tilespmem:s24+$0x20] =	vst v1;
	v1 =	vld [tilespmem:s24+$0x30]  }
0x67: {  	v2 =	vld [tilespmem:s22+$0x10]  }
.Ltmp8:
0x68: {  	(pc) =	sbr.rel @p0 .LBB2_6-.Ltmp8, $2  }
0x69: {  	_ =	sdelay $0x2  }
0x6a: {  	v1 =	vmax.f32 v1, v2  }
.Ltmp9:
0x6b: {  	_ = 	snop;
	(pc) =	sbr.rel .LBB2_7-.Ltmp9, $1  }
0x6c: {  	_ =	sdelay $0x3  }
.LBB2_10:
0x6d: {  	_ =	sfence.sel $0x180000  }
0x6e: {  	[bflag:$0x0] =	sbarrier.arrive $0xFFFF  }
0x6f: {  	p0 =	sne.s32 s1, $0x0;
	_ =	strace $0x90000053  }
0x70: {  	s0 =	sadd.s32 @!p0 $0x100000, s0;
	[bflag:$0x2] =	sbarrier.arrive $0xFFFF  }
0x71: {  	[sflag:s0] =	ssyncadd.tile.s32 @!p0 $0x1;
	_ =	shalt  }
.Lfunc_end2:
_tile_overlayer_lowered:
.L_overlay_start_2:
0x72: {  	(tag) =	ssettag $0x2  }
0x73: {  	s0 =	rddreg [dreg:$0x0];
	s2 =	stileid.u32  }
0x74: {  	s1 =	rddreg [dreg:$0x1];
	p0 =	sne.s32 s2, $0x0  }
0x75: {  	s3 =	rddreg [dreg:$0x2];
	[bflag:$0x3] =	sbarrier.arrive $0xFFFF;
	s2 =	simm.s32 @!p0 $0x1C02  }
0x76: {  	[timem:s3], [sflag:s2] =	dma.local @!p0 [hbm:s0], s1  }
0x77: {  	s0 =	simm.s32 @!p0 $0x2  }
0x78: {  	_ =	swait.ge @!p0 [sflag:s0], s1  }
0x79: {  	s1 =	ssub.s32 @!p0 $0x0, s1;
	[sflag:s0] =	ssyncset.done @!p0 $0x0  }
0x7a: {  	[sflag:s0] =	ssyncadd.s32 @!p0 s1  }
0x7b: {  	[bflag:$0x3] =	sbarrier.arrive $0xFFFF  }
0x7c: {  	_ =	shalt  }

// kernel: kernel.29.cloned.1.call-start
scs
__scs_entry_jumppad:
0x0: {  	(pc) =	sbr.rel $0x88, $3  }
0x1: {  	(tag) =	ssettag $0x0;
	lr =	simm.s32 $0x1  }
0x2: {  	[smem:$0x3F86] =	sst lr;
	_ =	strace $0xD0000000  }
0x3: {  	_ = 	snop  }
0x4: {  	_ = 	snop  }
0x5: {  	_ = 	snop  }
0x6: {  	_ = 	snop  }
0x7: {  	_ = 	snop  }
__scs_overlays_trampoline_lowered:
0x8: {  	[smem:$0x3F95] =	sst s0  }
0x9: {  	[smem:$0x3F96] =	sst s1  }
0xa: {  	[smem:$0x3F97] =	sst s2  }
0xb: {  	[smem:$0x3F98] =	sst s3  }
0xc: {  	[smem:$0x3F99] =	sst s4  }
0xd: {  	[smem:$0x3F9A] =	sst s5  }
0xe: {  	[smem:$0x3F9B] =	sst s6  }
0xf: {  	[smem:$0x3F9C] =	sst s7  }
0x10: {  	[smem:$0x3F9D] =	sst s8  }
0x11: {  	[smem:$0x3F9E] =	sst s9;
	s0 =	simm.s32 @!p0 $0x0  }
0x12: {  	s1 =	sld [smem:$0x3F84];
	s0 =	simm.s32 @p0 $0x1  }
0x13: {  	[smem:$0x3F9F] =	sst s0;
	s0 =	simm.s32 @!p1 $0x0  }
0x14: {  	s2 =	sld [smem:$0x3F83];
	s0 =	simm.s32 @p1 $0x1  }
0x15: {  	[smem:$0x3FA0] =	sst s0;
	s0 =	simm.s32 @!p2 $0x0  }
0x16: {  	s3 =	sld [smem:$0x3FDB];
	s0 =	simm.s32 @p2 $0x1  }
0x17: {  	s4 =	simm.s32 $0x1BF5;
	[smem:$0x3FA2] =	sst s0  }
0x18: {  	s0 =	sld [smem:$0x3F85];
	_ =	swait.ge [sflag:s4], $0x0  }
0x19: {  	s7 =	sld [smem:$0x3F86]  }
0x1a: {  	s8 =	sadd.s32 $0xFFFFE003, lr  }
0x1b: {  	s9 =	sadd.s32 $0xFFFFFEF7, lr;
	s5 =	simm.s32 $0xFFFFFFFF;
	p2 =	slt.u32 s8, $0xFFFFF086  }
0x1c: {  	p1 =	slt.u32 s9, $0xF7A;
	s5 =	simm.s32 @!p2 $0x0  }
0x1d: {  	s5 =	simm.s32 @p1 $0x1;
	p0 =	seq.s32 s7, s2  }
0x1e: {  	s7 =	smul.u32 @!p0 $0xF7A, s2;
	p2 =	seq.s32 @!p0 s5, $0x0  }
0x1f: {  	s9 =	smul.u32 $0xF7A, s1;
	s8 =	simm.s32 @!p0 $0x1BF5;
	p2 =	por !p2, p0  }
0x20: {  	[sflag:s8] =	ssyncset.s32 @!p0 $0xFFFFF086;
	s6 =	sadd.s32 @!p0 s3, s7;
	s7 =	simm.s32 @!p0 $0x108  }
0x21: {  	s3 =	sadd.s32 s3, s9;
	s6 =	sadd.s32 @!p0 $0x88, s6;
	s7 =	simm.s32 @p2 $0x1082  }
0x22: {  	[simem:s7], [sflag:s8] =	dma.local @!p0 [hbm:s6], $0xF7A  }
0x23: {  	s9 =	sor.u32 $0xD0000000, s2;
	s6 =	simm.s32 $0x108;
	_ =	swait.ge @!p0 [sflag:s8], $0x0  }
0x24: {  	s3 =	sadd.s32 $0x88, s3;
	s6 =	simm.s32 @!p1 $0x1082;
	[sflag:s4] =	ssyncset.s32 $0xFFFFF086  }
0x25: {  	[simem:s6], [sflag:s4] =	dma.local [hbm:s3], $0xF7A  }
0x26: {  	[smem:$0x3F86] =	sst s1;
	(tag) =	ssettag s2;
	_ =	strace s9  }
0x27: {  	s1 =	sld [smem:$0x3F96]  }
0x28: {  	s2 =	sld [smem:$0x3F97]  }
0x29: {  	s4 =	sld [smem:$0x3F99]  }
0x2a: {  	p0 =	seq.s32 s5, $0x0;
	s5 =	sld [smem:$0x3F9A]  }
0x2b: {  	s6 =	sld [smem:$0x3F9B]  }
0x2c: {  	s7 =	sld [smem:$0x3F9C]  }
0x2d: {  	s3 =	simm.s32 $0x108;
	s8 =	sld [smem:$0x3F9D]  }
0x2e: {  	s3 =	simm.s32 @!p0 $0x1082;
	s9 =	sld [smem:$0x3F9E]  }
0x2f: {  	lr =	sadd.s32 s0, s3;
	s0 =	sld [smem:$0x3F95]  }
0x30: {  	s3 =	sld [smem:$0x3F98]  }
0x31: {  	[smem:$0x3FA1] =	sst s10  }
0x32: {  	s10 =	sld [smem:$0x3F9F];
	_ =	sdelay $0x3  }
0x33: {  	p0 =	seq.s32 s10, $0x1;
	s10 =	sld [smem:$0x3FA1];
	_ =	sdelay $0x3  }
0x34: {  	[smem:$0x3FA1] =	sst s10  }
0x35: {  	s10 =	sld [smem:$0x3FA0];
	_ =	sdelay $0x3  }
0x36: {  	p1 =	seq.s32 s10, $0x1;
	s10 =	sld [smem:$0x3FA1];
	_ =	sdelay $0x3  }
0x37: {  	[smem:$0x3FA1] =	sst s10  }
0x38: {  	s10 =	sld [smem:$0x3FA2]  }
0x39: {  	_ = 	snop;
	(pc) =	sbr.ind lr, $3  }
0x3a: {  	_ = 	snop  }
0x3b: {  	_ = 	snop  }
0x3c: {  	p2 =	seq.s32 s10, $0x1;
	s10 =	sld [smem:$0x3FA1]  }
0x3d: {  	_ =	shalt  }
0x3e: {  	_ =	shalt  }
0x3f: {  	_ =	shalt  }
0x40: {  	_ =	shalt  }
0x41: {  	_ =	shalt  }
0x42: {  	_ =	shalt  }
0x43: {  	_ =	shalt  }
0x44: {  	_ =	shalt  }
0x45: {  	_ =	shalt  }
0x46: {  	_ =	shalt  }
0x47: {  	_ =	shalt  }
0x48: {  	_ =	shalt  }
0x49: {  	_ =	shalt  }
0x4a: {  	_ =	shalt  }
0x4b: {  	_ =	shalt  }
0x4c: {  	_ =	shalt  }
0x4d: {  	_ =	shalt  }
0x4e: {  	_ =	shalt  }
0x4f: {  	_ =	shalt  }
0x50: {  	_ =	shalt  }
0x51: {  	_ =	shalt  }
0x52: {  	_ =	shalt  }
0x53: {  	_ =	shalt  }
0x54: {  	_ =	shalt  }
0x55: {  	_ =	shalt  }
0x56: {  	_ =	shalt  }
0x57: {  	_ =	shalt  }
0x58: {  	_ =	shalt  }
0x59: {  	_ =	shalt  }
0x5a: {  	_ =	shalt  }
0x5b: {  	_ =	shalt  }
0x5c: {  	_ =	shalt  }
0x5d: {  	_ =	shalt  }
0x5e: {  	_ =	shalt  }
0x5f: {  	_ =	shalt  }
0x60: {  	_ =	shalt  }
0x61: {  	_ =	shalt  }
0x62: {  	_ =	shalt  }
0x63: {  	_ =	shalt  }
0x64: {  	_ =	shalt  }
0x65: {  	_ =	shalt  }
0x66: {  	_ =	shalt  }
0x67: {  	_ =	shalt  }
0x68: {  	_ =	shalt  }
0x69: {  	_ =	shalt  }
0x6a: {  	_ =	shalt  }
0x6b: {  	_ =	shalt  }
0x6c: {  	_ =	shalt  }
0x6d: {  	_ =	shalt  }
0x6e: {  	_ =	shalt  }
0x6f: {  	_ =	shalt  }
0x70: {  	_ =	shalt  }
0x71: {  	_ =	shalt  }
0x72: {  	_ =	shalt  }
0x73: {  	_ =	shalt  }
0x74: {  	_ =	shalt  }
0x75: {  	_ =	shalt  }
0x76: {  	_ =	shalt  }
0x77: {  	_ =	shalt  }
0x78: {  	_ =	shalt  }
0x79: {  	_ =	shalt  }
0x7a: {  	_ =	shalt  }
0x7b: {  	_ =	shalt  }
0x7c: {  	_ =	shalt  }
0x7d: {  	_ =	shalt  }
0x7e: {  	_ =	shalt  }
0x7f: {  	_ =	shalt  }
0x80: {  	_ =	shalt  }
0x81: {  	_ =	shalt  }
0x82: {  	_ =	shalt  }
0x83: {  	_ =	shalt  }
0x84: {  	_ =	shalt  }
0x85: {  	_ =	shalt  }
0x86: {  	_ =	shalt  }
0x87: {  	_ =	shalt  }
.Lfunc_end0:
.L_simem_size_0:
called_computation.5_lowered:
.L_overlay_start_0:
0x88: {  	s2 =	sld [smem:$0x3FD9]  }
0x89: {  	s3 =	sld [smem:$0x3FFE];
	_ =	sdelay $0x1  }
0x8a: {  	s1 =	srdreg.scid  }
0x8b: {  	s0 =	sand.u32 $0x1, s1  }
0x8c: {  	s16 =	sshll.u32 s0, $0xA;
	s2 =	sadd.s32 s3, s2  }
0x8d: {  	s2 =	sadd.s32 s2, s16  }
0x8e: {  	[smem:$0x3FAD] =	sst s2  }
0x8f: {  	_ = 	snop  }
0x90: {  	(tm) =	ssettm $0x1  }
0x91: {  	s17 =	sld [smem:$0x3FFB];
	_ =	sdelay $0x3  }
0x92: {  	_ =	strace s17  }
0x93: {  	s2 =	sld [smem:$0x3FFC];
	_ =	sdelay $0x3  }
0x94: {  	_ =	strace s2  }
0x95: {  	s2 =	sld [smem:$0x3FFD];
	_ =	sdelay $0x3  }
0x96: {  	_ =	strace s2  }
0x97: {  	_ =	strace $0x8FFFFFFF  }
0x98: {  	s18 =	sld [smem:$0x3FDB];
	_ =	sdelay $0x1  }
0x99: {  	s19 =	simm.s32 $_scs_section_size  }
0x9a: {  	s4 =	simm.s32 $_size__tile_overlayer_lowered;
	s5 =	simm.s32 $_tile_overlayer_lowered  }
0x9b: {  	s22 =	simm.s32 $0x1BFF;
	s21 =	sshll.u32 s5, $0x1;
	s2 =	sadd.s32 s19, s18  }
0x9c: {  	s6 =	simm.s32 $0x0;
	s20 =	sshll.u32 s4, $0x1;
	s4 =	sadd.s32 s21, s2  }
0x9d: {  	[timem:s6], [sflag:s22] =	dma.local [hbm:s4], s20  }
0x9e: {  	_ =	swait.ge [sflag:s22], s20  }
0x9f: {  	s3 =	ssub.s32 $0x0, s20;
	[sflag:s22] =	ssyncset.done $0x0  }
0xa0: {  	[sflag:s22] =	ssyncadd.s32 s3;
	_ =	sdelay $0x1  }
0xa1: {  	s23 =	simm.s32 $0x1B8B  }
0xa2: {  	_ =	swait.ge [sflag:s23], $0x1  }
0xa3: {  	[sflag:s23] =	ssyncset.done $0x0  }
0xa4: {  	s25 =	simm.s32 $0x1B8E;
	s24 =	sld [smem:$0x3FFE];
	[sflag:s23] =	ssyncadd.s32 $0xFFFFFFFF  }
0xa5: {  	s26 =	simm.s32 $execute0_lowered;
	[smem:$0x3FD2] =	sst s25  }
0xa6: {  	s4 =	sshll.u32 s26, $0x1;
	_ =	strace $0x80000055;
	[dreg:$0x1] =	wrdreg $0xFFFFFFFF  }
0xa7: {  	s28 =	simm.s32 $_size_execute0_lowered;
	s2 =	sadd.s32 s2, s4;
	[dreg:$0x0] =	wrdreg $0x0  }
0xa8: {  	s4 =	sshll.u32 s28, $0x1;
	[dreg:$0x2] =	wrdreg s2  }
0xa9: {  	[dreg:$0x3] =	wrdreg s4  }
0xaa: {  	[dreg:$0x4] =	wrdreg $0xC0  }
0xab: {  	_ =	task [dreg:s6], $0x5FFFF  }
0xac: {  	[dreg:$0x1] =	wrdreg $0xFFFFFFFF  }
0xad: {  	[dreg:$0x0] =	wrdreg $0x60  }
0xae: {  	[dreg:$0x2] =	wrdreg s24  }
0xaf: {  	[dreg:$0x3] =	wrdreg $0x9  }
0xb0: {  	_ =	task.clear_ibuf [dreg:s6], $0x4FFFF;
	_ =	strace $0x90000055  }
0xb1: {  	s29 =	simm.s32 $0x9;
	_ =	strace $0x80000057  }
0xb2: {  	_ =	swait.ge [sflag:s29], $0x1  }
0xb3: {  	[sflag:s29] =	ssyncadd.s32 $0xFFFFFFFF  }
0xb4: {  	_ =	strace $0x90000057  }
0xb5: {  	_ =	sfence  }
0xb6: {  	s30 =	sld [smem:$0x0];
	_ =	sdelay $0x2  }
0xb7: {  	s31 =	sshll.u32 s1, $0xD;
	s1 =	sshrl.u32 s1, $0x2  }
0xb8: {  	s3 =	sand.u32 $0x4000, s31;
	s1 =	sadd.s32 s1, s30  }
0xb9: {  	s0 =	sor.u32 s3, s0;
	s1 =	sshll.u32 s1, $0x11  }
0xba: {  	s0 =	sor.u32 s1, s0  }
0xbb: {  	s0 =	sadd.s32 $0x8F2B, s0  }
0xbc: {  	[sflag:s0] =	ssyncadd.remote.s32 $0x1  }
0xbd: {  	_ =	sfence.sel $0xFFFF  }
0xbe: {  	[dreg:$0x0] =	wrdreg $0xFFFFFFFF;
	(pc) =	sbr.abs _section_cstart, $3  }
0xbf: {  	[dreg:$0x1] =	wrdreg $0xFFFFFFFF  }
0xc0: {  	_ =	task.clear_ibuf [dreg:s6], $0x2FFFF;
	_ =	strace $0x9FFFFFFF  }
0xc1: {  	(tm) =	ssettm $0x7FFFFFFF  }
tec
execute0_lowered:
.L_overlay_start_1:
0x0: {  	(tag) =	ssettag $0x1  }
0x1: {  	s6 =	rddreg [dreg:$0x0]  }
0x2: {  	s0 =	rddreg [dreg:$0x1]  }
0x3: {  	s2 =	simm.s32 $0x0;
	s3 =	srdreg.scid;
	s1 =	stileid.u32  }
0x4: {  	s12 =	simm.s32 $0x1;
	s13 =	simm.s32 $0x18800;
	s14 =	simm.s32 $0x80  }
0x5: {  	s15 =	simm.s32 $0x18910;
	s16 =	simm.s32 $0x0;
	[smem:$0x7FF] =	sst s2  }
0x6: {  	s7 =	sand.u32 $0x1, s3;
	s3 =	sadd.s32 $0x65B200, s6;
	s4 =	sadd.s32 $0x38000, s6  }
0x7: {  	s30 =	sshll.u32 s1, $0x1;
	s5 =	sadd.s32 $0x349800, s6;
	_ =	strace $0x80000056  }
.Ltmp0:
0x8: {  	s8 =	sor.u32 s7, s30;
	s7 =	ssub.s32 $0x2, s7;
	(pc) =	sbr.rel .LBB2_1-.Ltmp0, $4  }
0x9: {  	s9 =	smul.u32 $0x3100, s8;
	s10 =	sshll.u32 s8, $0x1;
	s31 =	sshrl.u32 s7, $0x1  }
0xa: {  	s10 =	sadd.s32 s10, s6;
	s11 =	ssub.s32 s7, s31;
	s7 =	smul.u32 $0xC4600, s8  }
0xb: {  	s9 =	sadd.s32 s9, s6;
	s6 =	sadd.s32 $0x65B000, s10;
	s10 =	simm.s32 $0x1A910  }
0xc: {  	v0 =	vimm.f32 $-Inf;
	s8 =	sadd.s32 $0x7E2800, s9;
	s9 =	smax.u32 s11, $0x1;
	s11 =	simm.s32 $0x2  }
.LBB2_9:
0xd: {  	s16 =	sadd.s32 $0x1, s16  }
0xe: {  	p0 =	sne.s32 s16, s9  }
.Ltmp1:
0xf: {  	_ = 	snop;
	(pc) =	sbr.rel @!p0 .LBB2_10-.Ltmp1, $4  }
0x10: {  	[hbm4b:s8+s2] =	stream.linear.scatter [tilespmem:s2], [sflag:$0x2], $0x18800, $0x38;
	[tilespmem:$0x1A920] =	vst v63  }
0x11: {  	_ =	swait.ge [sflag:s11], $0x18800  }
0x12: {  	[sflag:s11] =	ssyncset.done $0x0  }
0x13: {  	[sflag:s11] =	ssyncadd.s32 $0xFFFE7800  }
.LBB2_1:
0x14: {  	s17 =	simm.s32 $0x40;
	s18 =	simm.s32 $0x0  }
.LBB2_2:
0x15: {  	p0 =	sne.s32 s17, $0x61FC0;
	[tilespmem:s18+$0x0] =	vst v0;
	s18 =	smov.u32 s17;
	s17 =	sadd.s32 $0x40, s17  }
.Ltmp2:
0x16: {  	(pc) =	sbr.rel @p0 .LBB2_2-.Ltmp2, $2  }
0x17: {  	_ =	sdelay $0x2  }
0x18: {  	s18 =	sshra.s32 s18, $0x2  }
0x19: {  	[tilespmem:s18+$0x0] =	vst v0;
	s17 =	simm.s32 $0x0  }
0x1a: {  	[tilespmem:s10], [sflag:$0x2] =	stream.linear.gather [hbm4b:s6+s17], $0x10, $0x38;
	[tilespmem:$0x1A920] =	vst v63  }
0x1b: {  	_ =	swait.ge [sflag:s11], $0x10  }
0x1c: {  	[sflag:s11] =	ssyncset.done $0x0  }
0x1d: {  	[sflag:s11] =	ssyncadd.s32 $0xFFFFFFF0  }
0x1e: {  	v1 =	vld [tilespmem:$0x1A910];
	_ =	sdelay $0x4  }
0x1f: {  	(v2sf) =	vpush v1, $0x0;
	_ =	sdelay $0xe  }
0x20: {  	s18 =	spop (v2sf)  }
0x21: {  	s19 =	sadd.s32 $0x7F, s18  }
0x22: {  	s20 =	sand.u32 $0x7F, s19  }
0x23: {  	s31 =	sshra.s32 s19, $0x1F;
	p1 =	slt.s32 s19, $0x1;
	p0 =	sne.s32 s20, $0x0  }
0x24: {  	s20 =	sshrl.u32 s31, $0x19;
	p0 =	por !p1, !p0  }
0x25: {  	s19 =	sadd.s32 s20, s19;
	s20 =	simm.s32 $0x1;
	p0 =	por !p0, !p0  }
0x26: {  	s19 =	sshra.s32 s19, $0x7;
	s20 =	simm.s32 @!p0 $0x0  }
0x27: {  	s19 =	ssub.s32 s19, s20  }
0x28: {  	p0 =	slt.s32 s19, $0x1  }
.Ltmp3:
0x29: {  	_ = 	snop;
	(pc) =	sbr.rel @!p0 .LBB2_4-.Ltmp3, $4  }
.Ltmp4:
0x2a: {  	_ = 	snop;
	(pc) =	sbr.rel @p0 .LBB2_9-.Ltmp4, $4  }
0x2b: {  	_ = 	snop  }
0x2c: {  	_ = 	snop  }
0x2d: {  	s20 =	smov.u32 s18  }
0x2e: {  	_ = 	snop  }
.LBB2_7:
0x2f: {  	[tilespmem:s24+$0x30] =	vst v1  }
.LBB2_8:
0x30: {  	s17 =	sadd.s32 $0x1, s17  }
0x31: {  	p0 =	sne.s32 s17, s19  }
.Ltmp5:
0x32: {  	_ = 	snop;
	(pc) =	sbr.rel @!p0 .LBB2_9-.Ltmp5, $2  }
0x33: {  	_ =	sdelay $0x2  }
0x34: {  	s20 =	sadd.s32 $0xFFFFFF80, s20  }
.LBB2_4:
0x35: {  	s22 =	sshll.u32 s17, $0x7  }
0x36: {  	s21 =	sadd.s32 s7, s22  }
0x37: {  	s21 =	sshrl.u32 s21, $0x3  }
0x38: {  	s23 =	sadd.s32 s4, s21  }
0x39: {  	[tilespmem:s13], [sflag:$0x2] =	stream.linear.gather [hbm4b:s23+s2], $0x80, $0x38;
	[tilespmem:$0x1A920] =	vst v63  }
0x3a: {  	_ =	swait.ge [sflag:s11], $0x80  }
0x3b: {  	[sflag:s11] =	ssyncset.done $0x0  }
0x3c: {  	s31 =	sadd.s32 s5, s21;
	s21 =	simm.s32 $0x18880;
	[sflag:s11] =	ssyncadd.s32 $0xFFFFFF80  }
0x3d: {  	[tilespmem:s21], [sflag:$0x2] =	stream.linear.gather [hbm4b:s31+s2], $0x80, $0x38;
	[tilespmem:$0x1A920] =	vst v63  }
0x3e: {  	s22 =	ssub.s32 s18, s22;
	_ =	swait.ge [sflag:s11], $0x80  }
0x3f: {  	p0 =	slt.s32 s22, $0x1;
	[sflag:s11] =	ssyncset.done $0x0  }
.Ltmp6:
0x40: {  	[sflag:s11] =	ssyncadd.s32 $0xFFFFFF80;
	(pc) =	sbr.rel @p0 .LBB2_8-.Ltmp6, $4  }
0x41: {  	[tilespmem:s15], [sflag:$0x1] =	stream.indirect.gather [hbm4b:s3+s14], $0x40, s13, s14, $0xb8;
	[tilespmem:$0x1A920] =	vst v63  }
0x42: {  	_ =	swait.ge [sflag:s12], $0x2000  }
0x43: {  	[sflag:s12] =	ssyncset.done $0x0  }
0x44: {  	[sflag:s12] =	ssyncadd.s32 $0xFFFFE000  }
0x45: {  	v1 =	vld [tilespmem:s21+$0x0];
	_ =	sdelay $0x4  }
0x46: {  	(v2sf) =	vpush v1, $0x0;
	_ =	sdelay $0xe  }
0x47: {  	s23 =	spop (v2sf)  }
0x48: {  	s22 =	simm.s32 $0x18930;
	s23 =	sshll.u32 s23, $0x8  }
0x49: {  	v1 =	vld [tilespmem:s22+$0xFFFFFFE0];
	s24 =	sshra.s32 s23, $0x2  }
0x4a: {  	v2 =	vld [tilespmem:s24+$0x0];
	_ =	sdelay $0x4  }
0x4b: {  	v1 =	vmax.f32 v2, v1  }
0x4c: {  	[tilespmem:s24+$0x0] =	vst v1;
	v1 =	vld [tilespmem:s24+$0x10]  }
0x4d: {  	v2 =	vld [tilespmem:s22+$0xFFFFFFF0];
	_ =	sdelay $0x4  }
0x4e: {  	v1 =	vmax.f32 v1, v2  }
0x4f: {  	[tilespmem:s24+$0x10] =	vst v1;
	v1 =	vld [tilespmem:s24+$0x20]  }
0x50: {  	v2 =	vld [tilespmem:s22+$0x0];
	_ =	sdelay $0x3  }
0x51: {  	p0 =	sgt.s32 s20, $0x1;
	s23 =	smov.u32 s20  }
0x52: {  	s23 =	simm.s32 @!p0 $0x1;
	v1 =	vmax.f32 v1, v2  }
0x53: {  	s23 =	smin.u32 s23, $0x80;
	[tilespmem:s24+$0x20] =	vst v1;
	v1 =	vld [tilespmem:s24+$0x30]  }
0x54: {  	p0 =	sne.s32 s23, $0x1;
	v2 =	vld [tilespmem:s22+$0x10]  }
.Ltmp7:
0x55: {  	_ = 	snop;
	(pc) =	sbr.rel @!p0 .LBB2_7-.Ltmp7, $2  }
0x56: {  	_ =	sdelay $0x2  }
0x57: {  	s23 =	sadd.s32 $0xFFFFFFFF, s23;
	v1 =	vmax.f32 v1, v2  }
.LBB2_6:
0x58: {  	p0 =	sne.s32 s23, $0x1;
	[tilespmem:s24+$0x30] =	vst v1;
	s21 =	sadd.s32 $0x1, s21;
	s22 =	sadd.s32 $0x40, s22  }
0x59: {  	s23 =	sadd.s32 $0xFFFFFFFF, s23;
	v1 =	vld [tilespmem:s21+$0x0];
	_ =	sdelay $0x4  }
0x5a: {  	(v2sf) =	vpush v1, $0x0;
	_ =	sdelay $0xe  }
0x5b: {  	s24 =	spop (v2sf)  }
0x5c: {  	s24 =	sshll.u32 s24, $0x8  }
0x5d: {  	s24 =	sshra.s32 s24, $0x2;
	v1 =	vld [tilespmem:s22+$0xFFFFFFE0]  }
0x5e: {  	v2 =	vld [tilespmem:s24+$0x0];
	_ =	sdelay $0x4  }
0x5f: {  	v1 =	vmax.f32 v2, v1  }
0x60: {  	[tilespmem:s24+$0x0] =	vst v1;
	v1 =	vld [tilespmem:s24+$0x10]  }
0x61: {  	v2 =	vld [tilespmem:s22+$0xFFFFFFF0];
	_ =	sdelay $0x4  }
0x62: {  	v1 =	vmax.f32 v1, v2  }
0x63: {  	[tilespmem:s24+$0x10] =	vst v1;
	v1 =	vld [tilespmem:s24+$0x20]  }
0x64: {  	v2 =	vld [tilespmem:s22+$0x0];
	_ =	sdelay $0x4  }
0x65: {  	v1 =	vmax.f32 v1, v2  }
0x66: {  	[tilespmem:s24+$0x20] =	vst v1;
	v1 =	vld [tilespmem:s24+$0x30]  }
0x67: {  	v2 =	vld [tilespmem:s22+$0x10]  }
.Ltmp8:
0x68: {  	(pc) =	sbr.rel @p0 .LBB2_6-.Ltmp8, $2  }
0x69: {  	_ =	sdelay $0x2  }
0x6a: {  	v1 =	vmax.f32 v1, v2  }
.Ltmp9:
0x6b: {  	_ = 	snop;
	(pc) =	sbr.rel .LBB2_7-.Ltmp9, $1  }
0x6c: {  	_ =	sdelay $0x3  }
.LBB2_10:
0x6d: {  	_ =	sfence.sel $0x180000  }
0x6e: {  	[bflag:$0x0] =	sbarrier.arrive $0xFFFF  }
0x6f: {  	p0 =	sne.s32 s1, $0x0;
	_ =	strace $0x90000056  }
0x70: {  	s0 =	sadd.s32 @!p0 $0x100000, s0;
	[bflag:$0x2] =	sbarrier.arrive $0xFFFF  }
0x71: {  	[sflag:s0] =	ssyncadd.tile.s32 @!p0 $0x1;
	_ =	shalt  }
.Lfunc_end2:
_tile_overlayer_lowered:
.L_overlay_start_2:
0x72: {  	(tag) =	ssettag $0x2  }
0x73: {  	s0 =	rddreg [dreg:$0x0];
	s2 =	stileid.u32  }
0x74: {  	s1 =	rddreg [dreg:$0x1];
	p0 =	sne.s32 s2, $0x0  }
0x75: {  	s3 =	rddreg [dreg:$0x2];
	[bflag:$0x3] =	sbarrier.arrive $0xFFFF;
	s2 =	simm.s32 @!p0 $0x1C02  }
0x76: {  	[timem:s3], [sflag:s2] =	dma.local @!p0 [hbm:s0], s1  }
0x77: {  	s0 =	simm.s32 @!p0 $0x2  }
0x78: {  	_ =	swait.ge @!p0 [sflag:s0], s1  }
0x79: {  	s1 =	ssub.s32 @!p0 $0x0, s1;
	[sflag:s0] =	ssyncset.done @!p0 $0x0  }
0x7a: {  	[sflag:s0] =	ssyncadd.s32 @!p0 s1  }
0x7b: {  	[bflag:$0x3] =	sbarrier.arrive $0xFFFF  }
0x7c: {  	_ =	shalt  }

</sc_bundles>
